<compile_context>
chip_gen: v7x
topology: tpu7x:2x2x1
jax: 0.10.2.dev20260603
libtpu: 0.0.44.dev20260713+nightly
codegen_flags: <defaults>
</compile_context>

<pallas_src>
import functools

import jax
import jax.numpy as jnp
from jax import lax
from jax.experimental import pallas as pl
from jax.experimental.pallas import tpu as pltpu
from jax.experimental.pallas import tpu_sc as plsc

B = 4096
F = 26
V = 100000
D = 16

NC, NS = 2, 16
NW = NC * NS
BPW = B // NW
IPW = BPW * F
GCH = 128
NCHUNK = IPW // GCH

_mesh = plsc.VectorSubcoreMesh(core_axis_name="c", subcore_axis_name="s")


@functools.partial(
    pl.kernel,
    out_type=jax.ShapeDtypeStruct((B,), jnp.float32),
    mesh=_mesh,
    scratch_types=[
        pltpu.VMEM((IPW,), jnp.int32),
        pltpu.VMEM((NCHUNK, GCH), jnp.int32),
        pltpu.VMEM((IPW, D), jnp.float32),
        pltpu.VMEM((IPW + D,), jnp.float32),
        pltpu.VMEM((BPW,), jnp.float32),
        pltpu.VMEM((16,), jnp.float32),
        pltpu.SemaphoreType.DMA,
        pltpu.SemaphoreType.DMA,
    ],
    compiler_params=pltpu.CompilerParams(
        needs_layout_passes=False, use_tc_tiling_on_sc=False),
)
def _fm_fwd(idx_hbm, wide_hbm, emb_hbm, bias_hbm, out_hbm,
            idx_v, idx2_v, rows_v, wv_v, acc_v, bias_v, sem_e, sem_w):
    wid = lax.axis_index("s") * NC + lax.axis_index("c")
    base = wid * BPW

    pltpu.sync_copy(idx_hbm.at[pl.ds(base * F, IPW)], idx_v)
    pltpu.sync_copy(bias_hbm, bias_v)

    lanes = lax.iota(jnp.int32, 16)

    def chunk_body(c, carry):
        cbase = c * GCH
        for v in range(GCH // 16):
            off = cbase + v * 16
            pos = lanes + off
            fld = lax.rem(pos, F)
            idx2_v[c, pl.ds(v * 16, 16)] = idx_v[pl.ds(off, 16)] + fld * V
        csl = pl.ds(cbase, GCH)
        pltpu.async_copy(emb_hbm.at[idx2_v.at[c]], rows_v.at[csl, :], sem_e)
        pltpu.async_copy(wide_hbm.at[idx2_v.at[c]], wv_v.at[csl], sem_w)
        return carry

    lax.fori_loop(0, NCHUNK, chunk_body, 0)

    pltpu.make_async_copy(
        emb_hbm.at[pl.ds(0, IPW), :], rows_v, sem_e).wait()
    pltpu.make_async_copy(
        wide_hbm.at[pl.ds(0, IPW)], wv_v.at[pl.ds(0, IPW)], sem_w).wait()

    mask10 = jnp.where(lanes < (F - 16), 1.0, 0.0).astype(jnp.float32)
    bias_vec = bias_v[...]
    zero16 = jnp.zeros((16,), jnp.float32)

    def grp_body(g, carry):
        gb = g * 16
        acc = zero16
        for l in range(16):
            rb = (gb + l) * F
            e0 = rows_v[rb, :]
            s = e0
            q = e0 * e0
            for f in range(1, F):
                e = rows_v[rb + f, :]
                s = s + e
                q = q + e * e
            fmv = s * s - q
            w1 = wv_v[pl.ds(rb, 16)]
            w2 = wv_v[pl.ds(rb + 16, 16)]
            t = 0.5 * fmv + w1 + w2 * mask10
            acc = jnp.where(lanes == l, jnp.sum(t), acc)
        x = acc + bias_vec
        acc_v[pl.ds(gb, 16)] = 1.0 / (1.0 + jnp.exp(-x))
        return carry

    lax.fori_loop(0, BPW // 16, grp_body, 0)

    pltpu.sync_copy(acc_v, out_hbm.at[pl.ds(base, BPW)])


def kernel(indices, wide_table, emb_table, bias):
    flat_ids = indices.reshape(B * F)
    bias16 = jnp.broadcast_to(bias, (16,))
    out = _fm_fwd(flat_ids, wide_table, emb_table, bias16)
    return out.reshape(B, 1)

# --- scband reference (transcript-rebuilt; emitter-appended) ---
"""Pipeline reference for scband-fm-36026185678914 (READ-ONLY COPY).

The authoritative reference and input builder live on the scoring server;
editing this copy changes nothing except your own understanding.
"""

import jax, jax.numpy as jnp
import numpy as np

B = 4096   # batch
F = 26     # n_sparse_fields
V = 100000 # vocab per field
D = 16     # embedding_dim


def setup_inputs(seed: int = 0) -> dict:
    key = jax.random.key(seed)
    k1, k2, k3 = jax.random.split(key, 3)
    # per-field categorical ids, values in [0, V)
    indices = jax.random.randint(k1, (B, F), 0, V, dtype=jnp.int32)
    # first-order (wide) weights: one scalar weight per (field, id) -> flattened [F*V]
    wide_table = jax.random.normal(k2, (F * V,), dtype=jnp.float32) * 0.01
    # second-order embedding table: [F*V, D]
    emb_table = jax.random.normal(k3, (F * V, D), dtype=jnp.float32) * 0.01
    bias = jnp.zeros((1,), dtype=jnp.float32)
    return {"indices": indices, "wide_table": wide_table, "emb_table": emb_table, "bias": bias}


def reference(indices, wide_table, emb_table, bias):
    # InputToWideEmb: per-field lookups with field offsets into flattened tables
    offsets = (jnp.arange(F, dtype=indices.dtype) * V)[None, :]  # [1, F]
    flat_idx = indices + offsets                                  # [B, F]
    wide_input = jnp.take(wide_table, flat_idx, axis=0)           # [B, F]
    afm_input = jnp.take(emb_table, flat_idx, axis=0)             # [B, F, D]
    # wide / first-order part
    wide_output = jnp.sum(wide_input, axis=1, keepdims=True) + bias  # [B, 1]
    # FMLayer: 0.5 * sum_d((sum_f e)^2 - sum_f e^2)
    sum_then_sq = jnp.square(jnp.sum(afm_input, axis=1))          # [B, D]
    sq_then_sum = jnp.sum(jnp.square(afm_input), axis=1)          # [B, D]
    fm_output = 0.5 * jnp.sum(sum_then_sq - sq_then_sum, axis=1, keepdims=True)  # [B, 1]
    output = jax.nn.sigmoid(wide_output + fm_output)              # [B, 1]
    return output

if __name__ == "__main__":
    import jax
    _d = setup_inputs()
    print(jax.jit(kernel)(*tuple(_d.values())))

</pallas_src>

<mosaic_0001>
#map = affine_map<(d0, d1) -> (0)>
#map1 = affine_map<(d0, d1) -> (0, 0)>
module attributes {stable_mosaic.version = 14 : i64} {
  func.func @_fm_fwd(%arg0: i32, %arg1: i32, %arg2: memref<106496xi32, #tpu.memory_space<hbm>>, %arg3: memref<2600000xf32, #tpu.memory_space<hbm>>, %arg4: memref<2600000x16xf32, #tpu.memory_space<hbm>>, %arg5: memref<16xf32, #tpu.memory_space<hbm>>, %arg6: memref<4096xf32, #tpu.memory_space<hbm>>, %arg7: memref<3328xi32, #tpu.memory_space<vmem>>, %arg8: memref<26x128xi32, #tpu.memory_space<vmem>>, %arg9: memref<3328x16xf32, #tpu.memory_space<vmem>>, %arg10: memref<3344xf32, #tpu.memory_space<vmem>>, %arg11: memref<128xf32, #tpu.memory_space<vmem>>, %arg12: memref<16xf32, #tpu.memory_space<vmem>>, %arg13: memref<!tpu.dma_semaphore, #tpu.memory_space<semaphore_mem>>, %arg14: memref<!tpu.dma_semaphore, #tpu.memory_space<semaphore_mem>>) attributes {dimension_semantics = [#tpu.dimension_semantics<core_parallel>, #tpu.dimension_semantics<subcore_parallel>], iteration_bounds = array<i64: 2, 16>, scalar_prefetch = 0 : i64, scratch_operands = 8 : i64, tpu.core_type = #tpu.core_type<sc_vector_subcore>, window_params = [{transform_indices = #map}, {transform_indices = #map}, {transform_indices = #map1}, {transform_indices = #map}, {transform_indices = #map}]} {
    %mul3A = arith.constant 2 : i32
    %mul3A_0 = arith.muli %arg1, %mul3A : i32
    %add3A = arith.addi %mul3A_0, %arg0 : i32
    %mul3A_1 = arith.constant 128 : i32
    %mul3A_2 = arith.muli %add3A, %mul3A_1 : i32
    %mul3A_3 = arith.constant 26 : i32
    %mul3A_4 = arith.muli %mul3A_2, %mul3A_3 : i32
    "tpu.region"() ({
      %run_scoped3A = tpu.sem_alloc : memref<!tpu.dma_semaphore, #tpu.memory_space<semaphore_mem>>
      %dma_start3A = tpu.memref_slice %arg2[%mul3A_4] : memref<106496xi32, #tpu.memory_space<hbm>> -> memref<3328xi32, #tpu.memory_space<hbm>>
      %dma_start3A_36 = tpu.memref_slice %arg2[%mul3A_4] : memref<106496xi32, #tpu.memory_space<hbm>> -> memref<3328xi32, #tpu.memory_space<hbm>>
      tpu.enqueue_dma source(%dma_start3A_36 : memref<3328xi32, #tpu.memory_space<hbm>>) target(%arg7 : memref<3328xi32, #tpu.memory_space<vmem>>) target_semaphore(%run_scoped3A : memref<!tpu.dma_semaphore, #tpu.memory_space<semaphore_mem>>)
      %dma_wait3A_37 = tpu.memref_slice %arg2[%mul3A_4] : memref<106496xi32, #tpu.memory_space<hbm>> -> memref<3328xi32, #tpu.memory_space<hbm>>
      %dma_wait3A_38 = tpu.memref_slice %arg2[%mul3A_4] : memref<106496xi32, #tpu.memory_space<hbm>> -> memref<3328xi32, #tpu.memory_space<hbm>>
      tpu.wait_dma2 semaphore(%run_scoped3A : memref<!tpu.dma_semaphore, #tpu.memory_space<semaphore_mem>>) src(%dma_wait3A_38 : memref<3328xi32, #tpu.memory_space<hbm>>) dst(%arg7 : memref<3328xi32, #tpu.memory_space<vmem>>)
      tpu.yield
    }) : () -> ()
    "tpu.region"() ({
      %run_scoped3A = tpu.sem_alloc : memref<!tpu.dma_semaphore, #tpu.memory_space<semaphore_mem>>
      tpu.enqueue_dma source(%arg5 : memref<16xf32, #tpu.memory_space<hbm>>) target(%arg12 : memref<16xf32, #tpu.memory_space<vmem>>) target_semaphore(%run_scoped3A : memref<!tpu.dma_semaphore, #tpu.memory_space<semaphore_mem>>)
      tpu.wait_dma2 semaphore(%run_scoped3A : memref<!tpu.dma_semaphore, #tpu.memory_space<semaphore_mem>>) src(%arg5 : memref<16xf32, #tpu.memory_space<hbm>>) dst(%arg12 : memref<16xf32, #tpu.memory_space<vmem>>)
      tpu.yield
    }) : () -> ()
    %iota3A = tpu.iota {dimensions = array<i32: 0>} : vector<16xi32>
    %scan3A = arith.constant 0 : i32
    %scan3A_5 = arith.constant 0 : i32
    %scan3A_6 = arith.constant 26 : i32
    %scan3A_7 = arith.addi %scan3A_5, %scan3A_6 : i32
    %scan3A_8 = arith.constant 1 : i32
    scf.for %scan3A_36 = %scan3A_5 to %scan3A_7 step %scan3A_8  : i32 {
      %mul3A_37 = arith.constant 128 : i32
      %mul3A_38 = arith.muli %scan3A_36, %mul3A_37 : i32
      %add3A_39 = arith.constant 0 : i32
      %add3A_40 = arith.addi %mul3A_38, %add3A_39 : i32
      %add3A_41 = vector.broadcast %add3A_40 : i32 to vector<16xi32>
      %add3A_42 = arith.addi %iota3A, %add3A_41 : vector<16xi32>
      %rem3A = arith.constant 26 : i32
      %rem3A_43 = vector.broadcast %rem3A : i32 to vector<16xi32>
      %rem3A_44 = arith.remsi %add3A_42, %rem3A_43 : vector<16xi32>
      %get3A_45 = arith.index_cast %add3A_40 : i32 to index
      %get3A_46 = tpu.vector_load %arg7[%get3A_45] {strides = array<i32>} : memref<3328xi32, #tpu.memory_space<vmem>>, vector<16xi32>,
      %mul3A_47 = arith.constant 100000 : i32
      %mul3A_48 = vector.broadcast %mul3A_47 : i32 to vector<16xi32>
      %mul3A_49 = arith.muli %rem3A_44, %mul3A_48 : vector<16xi32>
      %add3A_50 = arith.addi %get3A_46, %mul3A_49 : vector<16xi32>
      %swap3A = arith.index_cast %scan3A_36 : i32 to index
      %swap3A_51 = arith.constant 0 : index
      %swap3A_52 = tpu.vector_load %arg8[%swap3A, %swap3A_51] {strides = array<i32>} : memref<26x128xi32, #tpu.memory_space<vmem>>, vector<16xi32>,
      tpu.vector_store %arg8[%swap3A, %swap3A_51], %add3A_50 {strides = array<i32>} : memref<26x128xi32, #tpu.memory_space<vmem>>, vector<16xi32>,
      %add3A_53 = arith.constant 16 : i32
      %add3A_54 = arith.addi %mul3A_38, %add3A_53 : i32
      %add3A_55 = vector.broadcast %add3A_54 : i32 to vector<16xi32>
      %add3A_56 = arith.addi %iota3A, %add3A_55 : vector<16xi32>
      %rem3A_57 = arith.constant 26 : i32
      %rem3A_58 = vector.broadcast %rem3A_57 : i32 to vector<16xi32>
      %rem3A_59 = arith.remsi %add3A_56, %rem3A_58 : vector<16xi32>
      %get3A_60 = arith.index_cast %add3A_54 : i32 to index
      %get3A_61 = tpu.vector_load %arg7[%get3A_60] {strides = array<i32>} : memref<3328xi32, #tpu.memory_space<vmem>>, vector<16xi32>,
      %mul3A_62 = arith.constant 100000 : i32
      %mul3A_63 = vector.broadcast %mul3A_62 : i32 to vector<16xi32>
      %mul3A_64 = arith.muli %rem3A_59, %mul3A_63 : vector<16xi32>
      %add3A_65 = arith.addi %get3A_61, %mul3A_64 : vector<16xi32>
      %swap3A_66 = arith.index_cast %scan3A_36 : i32 to index
      %swap3A_67 = arith.constant 16 : index
      %swap3A_68 = tpu.vector_load %arg8[%swap3A_66, %swap3A_67] {strides = array<i32>} : memref<26x128xi32, #tpu.memory_space<vmem>>, vector<16xi32>,
      tpu.vector_store %arg8[%swap3A_66, %swap3A_67], %add3A_65 {strides = array<i32>} : memref<26x128xi32, #tpu.memory_space<vmem>>, vector<16xi32>,
      %add3A_69 = arith.constant 32 : i32
      %add3A_70 = arith.addi %mul3A_38, %add3A_69 : i32
      %add3A_71 = vector.broadcast %add3A_70 : i32 to vector<16xi32>
      %add3A_72 = arith.addi %iota3A, %add3A_71 : vector<16xi32>
      %rem3A_73 = arith.constant 26 : i32
      %rem3A_74 = vector.broadcast %rem3A_73 : i32 to vector<16xi32>
      %rem3A_75 = arith.remsi %add3A_72, %rem3A_74 : vector<16xi32>
      %get3A_76 = arith.index_cast %add3A_70 : i32 to index
      %get3A_77 = tpu.vector_load %arg7[%get3A_76] {strides = array<i32>} : memref<3328xi32, #tpu.memory_space<vmem>>, vector<16xi32>,
      %mul3A_78 = arith.constant 100000 : i32
      %mul3A_79 = vector.broadcast %mul3A_78 : i32 to vector<16xi32>
      %mul3A_80 = arith.muli %rem3A_75, %mul3A_79 : vector<16xi32>
      %add3A_81 = arith.addi %get3A_77, %mul3A_80 : vector<16xi32>
      %swap3A_82 = arith.index_cast %scan3A_36 : i32 to index
      %swap3A_83 = arith.constant 32 : index
      %swap3A_84 = tpu.vector_load %arg8[%swap3A_82, %swap3A_83] {strides = array<i32>} : memref<26x128xi32, #tpu.memory_space<vmem>>, vector<16xi32>,
      tpu.vector_store %arg8[%swap3A_82, %swap3A_83], %add3A_81 {strides = array<i32>} : memref<26x128xi32, #tpu.memory_space<vmem>>, vector<16xi32>,
      %add3A_85 = arith.constant 48 : i32
      %add3A_86 = arith.addi %mul3A_38, %add3A_85 : i32
      %add3A_87 = vector.broadcast %add3A_86 : i32 to vector<16xi32>
      %add3A_88 = arith.addi %iota3A, %add3A_87 : vector<16xi32>
      %rem3A_89 = arith.constant 26 : i32
      %rem3A_90 = vector.broadcast %rem3A_89 : i32 to vector<16xi32>
      %rem3A_91 = arith.remsi %add3A_88, %rem3A_90 : vector<16xi32>
      %get3A_92 = arith.index_cast %add3A_86 : i32 to index
      %get3A_93 = tpu.vector_load %arg7[%get3A_92] {strides = array<i32>} : memref<3328xi32, #tpu.memory_space<vmem>>, vector<16xi32>,
      %mul3A_94 = arith.constant 100000 : i32
      %mul3A_95 = vector.broadcast %mul3A_94 : i32 to vector<16xi32>
      %mul3A_96 = arith.muli %rem3A_91, %mul3A_95 : vector<16xi32>
      %add3A_97 = arith.addi %get3A_93, %mul3A_96 : vector<16xi32>
      %swap3A_98 = arith.index_cast %scan3A_36 : i32 to index
      %swap3A_99 = arith.constant 48 : index
      %swap3A_100 = tpu.vector_load %arg8[%swap3A_98, %swap3A_99] {strides = array<i32>} : memref<26x128xi32, #tpu.memory_space<vmem>>, vector<16xi32>,
      tpu.vector_store %arg8[%swap3A_98, %swap3A_99], %add3A_97 {strides = array<i32>} : memref<26x128xi32, #tpu.memory_space<vmem>>, vector<16xi32>,
      %add3A_101 = arith.constant 64 : i32
      %add3A_102 = arith.addi %mul3A_38, %add3A_101 : i32
      %add3A_103 = vector.broadcast %add3A_102 : i32 to vector<16xi32>
      %add3A_104 = arith.addi %iota3A, %add3A_103 : vector<16xi32>
      %rem3A_105 = arith.constant 26 : i32
      %rem3A_106 = vector.broadcast %rem3A_105 : i32 to vector<16xi32>
      %rem3A_107 = arith.remsi %add3A_104, %rem3A_106 : vector<16xi32>
      %get3A_108 = arith.index_cast %add3A_102 : i32 to index
      %get3A_109 = tpu.vector_load %arg7[%get3A_108] {strides = array<i32>} : memref<3328xi32, #tpu.memory_space<vmem>>, vector<16xi32>,
      %mul3A_110 = arith.constant 100000 : i32
      %mul3A_111 = vector.broadcast %mul3A_110 : i32 to vector<16xi32>
      %mul3A_112 = arith.muli %rem3A_107, %mul3A_111 : vector<16xi32>
      %add3A_113 = arith.addi %get3A_109, %mul3A_112 : vector<16xi32>
      %swap3A_114 = arith.index_cast %scan3A_36 : i32 to index
      %swap3A_115 = arith.constant 64 : index
      %swap3A_116 = tpu.vector_load %arg8[%swap3A_114, %swap3A_115] {strides = array<i32>} : memref<26x128xi32, #tpu.memory_space<vmem>>, vector<16xi32>,
      tpu.vector_store %arg8[%swap3A_114, %swap3A_115], %add3A_113 {strides = array<i32>} : memref<26x128xi32, #tpu.memory_space<vmem>>, vector<16xi32>,
      %add3A_117 = arith.constant 80 : i32
      %add3A_118 = arith.addi %mul3A_38, %add3A_117 : i32
      %add3A_119 = vector.broadcast %add3A_118 : i32 to vector<16xi32>
      %add3A_120 = arith.addi %iota3A, %add3A_119 : vector<16xi32>
      %rem3A_121 = arith.constant 26 : i32
      %rem3A_122 = vector.broadcast %rem3A_121 : i32 to vector<16xi32>
      %rem3A_123 = arith.remsi %add3A_120, %rem3A_122 : vector<16xi32>
      %get3A_124 = arith.index_cast %add3A_118 : i32 to index
      %get3A_125 = tpu.vector_load %arg7[%get3A_124] {strides = array<i32>} : memref<3328xi32, #tpu.memory_space<vmem>>, vector<16xi32>,
      %mul3A_126 = arith.constant 100000 : i32
      %mul3A_127 = vector.broadcast %mul3A_126 : i32 to vector<16xi32>
      %mul3A_128 = arith.muli %rem3A_123, %mul3A_127 : vector<16xi32>
      %add3A_129 = arith.addi %get3A_125, %mul3A_128 : vector<16xi32>
      %swap3A_130 = arith.index_cast %scan3A_36 : i32 to index
      %swap3A_131 = arith.constant 80 : index
      %swap3A_132 = tpu.vector_load %arg8[%swap3A_130, %swap3A_131] {strides = array<i32>} : memref<26x128xi32, #tpu.memory_space<vmem>>, vector<16xi32>,
      tpu.vector_store %arg8[%swap3A_130, %swap3A_131], %add3A_129 {strides = array<i32>} : memref<26x128xi32, #tpu.memory_space<vmem>>, vector<16xi32>,
      %add3A_133 = arith.constant 96 : i32
      %add3A_134 = arith.addi %mul3A_38, %add3A_133 : i32
      %add3A_135 = vector.broadcast %add3A_134 : i32 to vector<16xi32>
      %add3A_136 = arith.addi %iota3A, %add3A_135 : vector<16xi32>
      %rem3A_137 = arith.constant 26 : i32
      %rem3A_138 = vector.broadcast %rem3A_137 : i32 to vector<16xi32>
      %rem3A_139 = arith.remsi %add3A_136, %rem3A_138 : vector<16xi32>
      %get3A_140 = arith.index_cast %add3A_134 : i32 to index
      %get3A_141 = tpu.vector_load %arg7[%get3A_140] {strides = array<i32>} : memref<3328xi32, #tpu.memory_space<vmem>>, vector<16xi32>,
      %mul3A_142 = arith.constant 100000 : i32
      %mul3A_143 = vector.broadcast %mul3A_142 : i32 to vector<16xi32>
      %mul3A_144 = arith.muli %rem3A_139, %mul3A_143 : vector<16xi32>
      %add3A_145 = arith.addi %get3A_141, %mul3A_144 : vector<16xi32>
      %swap3A_146 = arith.index_cast %scan3A_36 : i32 to index
      %swap3A_147 = arith.constant 96 : index
      %swap3A_148 = tpu.vector_load %arg8[%swap3A_146, %swap3A_147] {strides = array<i32>} : memref<26x128xi32, #tpu.memory_space<vmem>>, vector<16xi32>,
      tpu.vector_store %arg8[%swap3A_146, %swap3A_147], %add3A_145 {strides = array<i32>} : memref<26x128xi32, #tpu.memory_space<vmem>>, vector<16xi32>,
      %add3A_149 = arith.constant 112 : i32
      %add3A_150 = arith.addi %mul3A_38, %add3A_149 : i32
      %add3A_151 = vector.broadcast %add3A_150 : i32 to vector<16xi32>
      %add3A_152 = arith.addi %iota3A, %add3A_151 : vector<16xi32>
      %rem3A_153 = arith.constant 26 : i32
      %rem3A_154 = vector.broadcast %rem3A_153 : i32 to vector<16xi32>
      %rem3A_155 = arith.remsi %add3A_152, %rem3A_154 : vector<16xi32>
      %get3A_156 = arith.index_cast %add3A_150 : i32 to index
      %get3A_157 = tpu.vector_load %arg7[%get3A_156] {strides = array<i32>} : memref<3328xi32, #tpu.memory_space<vmem>>, vector<16xi32>,
      %mul3A_158 = arith.constant 100000 : i32
      %mul3A_159 = vector.broadcast %mul3A_158 : i32 to vector<16xi32>
      %mul3A_160 = arith.muli %rem3A_155, %mul3A_159 : vector<16xi32>
      %add3A_161 = arith.addi %get3A_157, %mul3A_160 : vector<16xi32>
      %swap3A_162 = arith.index_cast %scan3A_36 : i32 to index
      %swap3A_163 = arith.constant 112 : index
      %swap3A_164 = tpu.vector_load %arg8[%swap3A_162, %swap3A_163] {strides = array<i32>} : memref<26x128xi32, #tpu.memory_space<vmem>>, vector<16xi32>,
      tpu.vector_store %arg8[%swap3A_162, %swap3A_163], %add3A_161 {strides = array<i32>} : memref<26x128xi32, #tpu.memory_space<vmem>>, vector<16xi32>,
      %dma_start3A = arith.constant 0 : i32
      %dma_start3A_165 = tpu.memref_slice %arg9[%mul3A_38, %dma_start3A] : memref<3328x16xf32, #tpu.memory_space<vmem>> -> memref<128x16xf32, #tpu.memory_space<vmem>>
      %dma_start3A_166 = arith.constant 0 : i32
      %dma_start3A_167 = tpu.memref_slice %arg8[%scan3A_36, %dma_start3A_166] : memref<26x128xi32, #tpu.memory_space<vmem>> -> memref<1x128xi32, #tpu.memory_space<vmem>>
      %dma_start3A_168 = tpu.memref_squeeze %dma_start3A_167 : memref<1x128xi32, #tpu.memory_space<vmem>> -> memref<128xi32, #tpu.memory_space<vmem>>
      %dma_start3A_169 = arith.constant 0 : i32
      %dma_start3A_170 = arith.constant 0 : i32
      %dma_start3A_171 = tpu.memref_slice %arg4[%dma_start3A_169, %dma_start3A_170] : memref<2600000x16xf32, #tpu.memory_space<hbm>> -> memref<2600000x16xf32, #tpu.memory_space<hbm>>
      tpu.enqueue_indirect_dma source(%dma_start3A_171 : memref<2600000x16xf32, #tpu.memory_space<hbm>>) target(%dma_start3A_165 : memref<128x16xf32, #tpu.memory_space<vmem>>) offsets(%dma_start3A_168 : memref<128xi32, #tpu.memory_space<vmem>>) semaphore(%arg13 : memref<!tpu.dma_semaphore, #tpu.memory_space<semaphore_mem>>)
      %dma_start3A_172 = tpu.memref_slice %arg10[%mul3A_38] : memref<3344xf32, #tpu.memory_space<vmem>> -> memref<128xf32, #tpu.memory_space<vmem>>
      %dma_start3A_173 = arith.constant 0 : i32
      %dma_start3A_174 = tpu.memref_slice %arg8[%scan3A_36, %dma_start3A_173] : memref<26x128xi32, #tpu.memory_space<vmem>> -> memref<1x128xi32, #tpu.memory_space<vmem>>
      %dma_start3A_175 = tpu.memref_squeeze %dma_start3A_174 : memref<1x128xi32, #tpu.memory_space<vmem>> -> memref<128xi32, #tpu.memory_space<vmem>>
      %dma_start3A_176 = arith.constant 0 : i32
      %dma_start3A_177 = tpu.memref_slice %arg3[%dma_start3A_176] : memref<2600000xf32, #tpu.memory_space<hbm>> -> memref<2600000xf32, #tpu.memory_space<hbm>>
      tpu.enqueue_indirect_dma source(%dma_start3A_177 : memref<2600000xf32, #tpu.memory_space<hbm>>) target(%dma_start3A_172 : memref<128xf32, #tpu.memory_space<vmem>>) offsets(%dma_start3A_175 : memref<128xi32, #tpu.memory_space<vmem>>) semaphore(%arg14 : memref<!tpu.dma_semaphore, #tpu.memory_space<semaphore_mem>>)
    }
    %scan3A_9 = arith.constant 26 : i32
    %dma_wait3A = arith.constant 0 : i32
    %dma_wait3A_10 = arith.constant 0 : i32
    %dma_wait3A_11 = tpu.memref_slice %arg4[%dma_wait3A, %dma_wait3A_10] : memref<2600000x16xf32, #tpu.memory_space<hbm>> -> memref<3328x16xf32, #tpu.memory_space<hbm>>
    %dma_wait3A_12 = arith.constant 0 : i32
    %dma_wait3A_13 = arith.constant 0 : i32
    %dma_wait3A_14 = tpu.memref_slice %arg4[%dma_wait3A_12, %dma_wait3A_13] : memref<2600000x16xf32, #tpu.memory_space<hbm>> -> memref<3328x16xf32, #tpu.memory_space<hbm>>
    tpu.wait_dma2 semaphore(%arg13 : memref<!tpu.dma_semaphore, #tpu.memory_space<semaphore_mem>>) src(%dma_wait3A_14 : memref<3328x16xf32, #tpu.memory_space<hbm>>) dst(%arg9 : memref<3328x16xf32, #tpu.memory_space<vmem>>)
    %dma_wait3A_15 = arith.constant 0 : i32
    %dma_wait3A_16 = tpu.memref_slice %arg10[%dma_wait3A_15] : memref<3344xf32, #tpu.memory_space<vmem>> -> memref<3328xf32, #tpu.memory_space<vmem>>
    %dma_wait3A_17 = arith.constant 0 : i32
    %dma_wait3A_18 = tpu.memref_slice %arg3[%dma_wait3A_17] : memref<2600000xf32, #tpu.memory_space<hbm>> -> memref<3328xf32, #tpu.memory_space<hbm>>
    %dma_wait3A_19 = arith.constant 0 : i32
    %dma_wait3A_20 = tpu.memref_slice %arg10[%dma_wait3A_19] : memref<3344xf32, #tpu.memory_space<vmem>> -> memref<3328xf32, #tpu.memory_space<vmem>>
    %dma_wait3A_21 = arith.constant 0 : i32
    %dma_wait3A_22 = tpu.memref_slice %arg3[%dma_wait3A_21] : memref<2600000xf32, #tpu.memory_space<hbm>> -> memref<3328xf32, #tpu.memory_space<hbm>>
    tpu.wait_dma2 semaphore(%arg14 : memref<!tpu.dma_semaphore, #tpu.memory_space<semaphore_mem>>) src(%dma_wait3A_22 : memref<3328xf32, #tpu.memory_space<hbm>>) dst(%dma_wait3A_20 : memref<3328xf32, #tpu.memory_space<vmem>>)
    %lt3A = arith.constant 10 : i32
    %lt3A_23 = vector.broadcast %lt3A : i32 to vector<16xi32>
    %lt3A_24 = arith.cmpi slt, %iota3A, %lt3A_23 : vector<16xi32>
    %jit3A = arith.constant 1.000000e+00 : f32
    %jit3A_25 = arith.constant 0.000000e+00 : f32
    %broadcast_in_dim3A = vector.broadcast %jit3A : f32 to vector<16xf32>
    %broadcast_in_dim3A_26 = vector.broadcast %jit3A_25 : f32 to vector<16xf32>
    %select_n3A = arith.select %lt3A_24, %broadcast_in_dim3A, %broadcast_in_dim3A_26 : vector<16xi1>, vector<16xf32>
    %get3A = arith.constant 0 : index
    %get3A_27 = tpu.vector_load %arg12[%get3A] {strides = array<i32>} : memref<16xf32, #tpu.memory_space<vmem>>, vector<16xf32>,
    %broadcast_in_dim3A_28 = arith.constant 0.000000e+00 : f32
    %broadcast_in_dim3A_29 = vector.broadcast %broadcast_in_dim3A_28 : f32 to vector<16xf32>
    %scan3A_30 = arith.constant 0 : i32
    %scan3A_31 = arith.constant 0 : i32
    %scan3A_32 = arith.constant 8 : i32
    %scan3A_33 = arith.addi %scan3A_31, %scan3A_32 : i32
    %scan3A_34 = arith.constant 1 : i32
    scf.for %scan3A_36 = %scan3A_31 to %scan3A_33 step %scan3A_34  : i32 {
      %mul3A_37 = arith.constant 16 : i32
      %mul3A_38 = arith.muli %scan3A_36, %mul3A_37 : i32
      %add3A_39 = arith.constant 0 : i32
      %add3A_40 = arith.addi %mul3A_38, %add3A_39 : i32
      %mul3A_41 = arith.constant 26 : i32
      %mul3A_42 = arith.muli %add3A_40, %mul3A_41 : i32
      %get3A_43 = arith.index_cast %mul3A_42 : i32 to index
      %get3A_44 = arith.constant 0 : index
      %get3A_45 = tpu.vector_load %arg9[%get3A_43, %get3A_44] {strides = array<i32>} : memref<3328x16xf32, #tpu.memory_space<vmem>>, vector<16xf32>,
      %mul3A_46 = arith.mulf %get3A_45, %get3A_45 : vector<16xf32>
      %add3A_47 = arith.constant 1 : i32
      %add3A_48 = arith.addi %mul3A_42, %add3A_47 : i32
      %get3A_49 = arith.index_cast %add3A_48 : i32 to index
      %get3A_50 = arith.constant 0 : index
      %get3A_51 = tpu.vector_load %arg9[%get3A_49, %get3A_50] {strides = array<i32>} : memref<3328x16xf32, #tpu.memory_space<vmem>>, vector<16xf32>,
      %add3A_52 = arith.addf %get3A_45, %get3A_51 : vector<16xf32>
      %mul3A_53 = arith.mulf %get3A_51, %get3A_51 : vector<16xf32>
      %add3A_54 = arith.addf %mul3A_46, %mul3A_53 : vector<16xf32>
      %add3A_55 = arith.constant 2 : i32
      %add3A_56 = arith.addi %mul3A_42, %add3A_55 : i32
      %get3A_57 = arith.index_cast %add3A_56 : i32 to index
      %get3A_58 = arith.constant 0 : index
      %get3A_59 = tpu.vector_load %arg9[%get3A_57, %get3A_58] {strides = array<i32>} : memref<3328x16xf32, #tpu.memory_space<vmem>>, vector<16xf32>,
      %add3A_60 = arith.addf %add3A_52, %get3A_59 : vector<16xf32>
      %mul3A_61 = arith.mulf %get3A_59, %get3A_59 : vector<16xf32>
      %add3A_62 = arith.addf %add3A_54, %mul3A_61 : vector<16xf32>
      %add3A_63 = arith.constant 3 : i32
      %add3A_64 = arith.addi %mul3A_42, %add3A_63 : i32
      %get3A_65 = arith.index_cast %add3A_64 : i32 to index
      %get3A_66 = arith.constant 0 : index
      %get3A_67 = tpu.vector_load %arg9[%get3A_65, %get3A_66] {strides = array<i32>} : memref<3328x16xf32, #tpu.memory_space<vmem>>, vector<16xf32>,
      %add3A_68 = arith.addf %add3A_60, %get3A_67 : vector<16xf32>
      %mul3A_69 = arith.mulf %get3A_67, %get3A_67 : vector<16xf32>
      %add3A_70 = arith.addf %add3A_62, %mul3A_69 : vector<16xf32>
      %add3A_71 = arith.constant 4 : i32
      %add3A_72 = arith.addi %mul3A_42, %add3A_71 : i32
      %get3A_73 = arith.index_cast %add3A_72 : i32 to index
      %get3A_74 = arith.constant 0 : index
      %get3A_75 = tpu.vector_load %arg9[%get3A_73, %get3A_74] {strides = array<i32>} : memref<3328x16xf32, #tpu.memory_space<vmem>>, vector<16xf32>,
      %add3A_76 = arith.addf %add3A_68, %get3A_75 : vector<16xf32>
      %mul3A_77 = arith.mulf %get3A_75, %get3A_75 : vector<16xf32>
      %add3A_78 = arith.addf %add3A_70, %mul3A_77 : vector<16xf32>
      %add3A_79 = arith.constant 5 : i32
      %add3A_80 = arith.addi %mul3A_42, %add3A_79 : i32
      %get3A_81 = arith.index_cast %add3A_80 : i32 to index
      %get3A_82 = arith.constant 0 : index
      %get3A_83 = tpu.vector_load %arg9[%get3A_81, %get3A_82] {strides = array<i32>} : memref<3328x16xf32, #tpu.memory_space<vmem>>, vector<16xf32>,
      %add3A_84 = arith.addf %add3A_76, %get3A_83 : vector<16xf32>
      %mul3A_85 = arith.mulf %get3A_83, %get3A_83 : vector<16xf32>
      %add3A_86 = arith.addf %add3A_78, %mul3A_85 : vector<16xf32>
      %add3A_87 = arith.constant 6 : i32
      %add3A_88 = arith.addi %mul3A_42, %add3A_87 : i32
      %get3A_89 = arith.index_cast %add3A_88 : i32 to index
      %get3A_90 = arith.constant 0 : index
      %get3A_91 = tpu.vector_load %arg9[%get3A_89, %get3A_90] {strides = array<i32>} : memref<3328x16xf32, #tpu.memory_space<vmem>>, vector<16xf32>,
      %add3A_92 = arith.addf %add3A_84, %get3A_91 : vector<16xf32>
      %mul3A_93 = arith.mulf %get3A_91, %get3A_91 : vector<16xf32>
      %add3A_94 = arith.addf %add3A_86, %mul3A_93 : vector<16xf32>
      %add3A_95 = arith.constant 7 : i32
      %add3A_96 = arith.addi %mul3A_42, %add3A_95 : i32
      %get3A_97 = arith.index_cast %add3A_96 : i32 to index
      %get3A_98 = arith.constant 0 : index
      %get3A_99 = tpu.vector_load %arg9[%get3A_97, %get3A_98] {strides = array<i32>} : memref<3328x16xf32, #tpu.memory_space<vmem>>, vector<16xf32>,
      %add3A_100 = arith.addf %add3A_92, %get3A_99 : vector<16xf32>
      %mul3A_101 = arith.mulf %get3A_99, %get3A_99 : vector<16xf32>
      %add3A_102 = arith.addf %add3A_94, %mul3A_101 : vector<16xf32>
      %add3A_103 = arith.constant 8 : i32
      %add3A_104 = arith.addi %mul3A_42, %add3A_103 : i32
      %get3A_105 = arith.index_cast %add3A_104 : i32 to index
      %get3A_106 = arith.constant 0 : index
      %get3A_107 = tpu.vector_load %arg9[%get3A_105, %get3A_106] {strides = array<i32>} : memref<3328x16xf32, #tpu.memory_space<vmem>>, vector<16xf32>,
      %add3A_108 = arith.addf %add3A_100, %get3A_107 : vector<16xf32>
      %mul3A_109 = arith.mulf %get3A_107, %get3A_107 : vector<16xf32>
      %add3A_110 = arith.addf %add3A_102, %mul3A_109 : vector<16xf32>
      %add3A_111 = arith.constant 9 : i32
      %add3A_112 = arith.addi %mul3A_42, %add3A_111 : i32
      %get3A_113 = arith.index_cast %add3A_112 : i32 to index
      %get3A_114 = arith.constant 0 : index
      %get3A_115 = tpu.vector_load %arg9[%get3A_113, %get3A_114] {strides = array<i32>} : memref<3328x16xf32, #tpu.memory_space<vmem>>, vector<16xf32>,
      %add3A_116 = arith.addf %add3A_108, %get3A_115 : vector<16xf32>
      %mul3A_117 = arith.mulf %get3A_115, %get3A_115 : vector<16xf32>
      %add3A_118 = arith.addf %add3A_110, %mul3A_117 : vector<16xf32>
      %add3A_119 = arith.constant 10 : i32
      %add3A_120 = arith.addi %mul3A_42, %add3A_119 : i32
      %get3A_121 = arith.index_cast %add3A_120 : i32 to index
      %get3A_122 = arith.constant 0 : index
      %get3A_123 = tpu.vector_load %arg9[%get3A_121, %get3A_122] {strides = array<i32>} : memref<3328x16xf32, #tpu.memory_space<vmem>>, vector<16xf32>,
      %add3A_124 = arith.addf %add3A_116, %get3A_123 : vector<16xf32>
      %mul3A_125 = arith.mulf %get3A_123, %get3A_123 : vector<16xf32>
      %add3A_126 = arith.addf %add3A_118, %mul3A_125 : vector<16xf32>
      %add3A_127 = arith.constant 11 : i32
      %add3A_128 = arith.addi %mul3A_42, %add3A_127 : i32
      %get3A_129 = arith.index_cast %add3A_128 : i32 to index
      %get3A_130 = arith.constant 0 : index
      %get3A_131 = tpu.vector_load %arg9[%get3A_129, %get3A_130] {strides = array<i32>} : memref<3328x16xf32, #tpu.memory_space<vmem>>, vector<16xf32>,
      %add3A_132 = arith.addf %add3A_124, %get3A_131 : vector<16xf32>
      %mul3A_133 = arith.mulf %get3A_131, %get3A_131 : vector<16xf32>
      %add3A_134 = arith.addf %add3A_126, %mul3A_133 : vector<16xf32>
      %add3A_135 = arith.constant 12 : i32
      %add3A_136 = arith.addi %mul3A_42, %add3A_135 : i32
      %get3A_137 = arith.index_cast %add3A_136 : i32 to index
      %get3A_138 = arith.constant 0 : index
      %get3A_139 = tpu.vector_load %arg9[%get3A_137, %get3A_138] {strides = array<i32>} : memref<3328x16xf32, #tpu.memory_space<vmem>>, vector<16xf32>,
      %add3A_140 = arith.addf %add3A_132, %get3A_139 : vector<16xf32>
      %mul3A_141 = arith.mulf %get3A_139, %get3A_139 : vector<16xf32>
      %add3A_142 = arith.addf %add3A_134, %mul3A_141 : vector<16xf32>
      %add3A_143 = arith.constant 13 : i32
      %add3A_144 = arith.addi %mul3A_42, %add3A_143 : i32
      %get3A_145 = arith.index_cast %add3A_144 : i32 to index
      %get3A_146 = arith.constant 0 : index
      %get3A_147 = tpu.vector_load %arg9[%get3A_145, %get3A_146] {strides = array<i32>} : memref<3328x16xf32, #tpu.memory_space<vmem>>, vector<16xf32>,
      %add3A_148 = arith.addf %add3A_140, %get3A_147 : vector<16xf32>
      %mul3A_149 = arith.mulf %get3A_147, %get3A_147 : vector<16xf32>
      %add3A_150 = arith.addf %add3A_142, %mul3A_149 : vector<16xf32>
      %add3A_151 = arith.constant 14 : i32
      %add3A_152 = arith.addi %mul3A_42, %add3A_151 : i32
      %get3A_153 = arith.index_cast %add3A_152 : i32 to index
      %get3A_154 = arith.constant 0 : index
      %get3A_155 = tpu.vector_load %arg9[%get3A_153, %get3A_154] {strides = array<i32>} : memref<3328x16xf32, #tpu.memory_space<vmem>>, vector<16xf32>,
      %add3A_156 = arith.addf %add3A_148, %get3A_155 : vector<16xf32>
      %mul3A_157 = arith.mulf %get3A_155, %get3A_155 : vector<16xf32>
      %add3A_158 = arith.addf %add3A_150, %mul3A_157 : vector<16xf32>
      %add3A_159 = arith.constant 15 : i32
      %add3A_160 = arith.addi %mul3A_42, %add3A_159 : i32
      %get3A_161 = arith.index_cast %add3A_160 : i32 to index
      %get3A_162 = arith.constant 0 : index
      %get3A_163 = tpu.vector_load %arg9[%get3A_161, %get3A_162] {strides = array<i32>} : memref<3328x16xf32, #tpu.memory_space<vmem>>, vector<16xf32>,
      %add3A_164 = arith.addf %add3A_156, %get3A_163 : vector<16xf32>
      %mul3A_165 = arith.mulf %get3A_163, %get3A_163 : vector<16xf32>
      %add3A_166 = arith.addf %add3A_158, %mul3A_165 : vector<16xf32>
      %add3A_167 = arith.constant 16 : i32
      %add3A_168 = arith.addi %mul3A_42, %add3A_167 : i32
      %get3A_169 = arith.index_cast %add3A_168 : i32 to index
      %get3A_170 = arith.constant 0 : index
      %get3A_171 = tpu.vector_load %arg9[%get3A_169, %get3A_170] {strides = array<i32>} : memref<3328x16xf32, #tpu.memory_space<vmem>>, vector<16xf32>,
      %add3A_172 = arith.addf %add3A_164, %get3A_171 : vector<16xf32>
      %mul3A_173 = arith.mulf %get3A_171, %get3A_171 : vector<16xf32>
      %add3A_174 = arith.addf %add3A_166, %mul3A_173 : vector<16xf32>
      %add3A_175 = arith.constant 17 : i32
      %add3A_176 = arith.addi %mul3A_42, %add3A_175 : i32
      %get3A_177 = arith.index_cast %add3A_176 : i32 to index
      %get3A_178 = arith.constant 0 : index
      %get3A_179 = tpu.vector_load %arg9[%get3A_177, %get3A_178] {strides = array<i32>} : memref<3328x16xf32, #tpu.memory_space<vmem>>, vector<16xf32>,
      %add3A_180 = arith.addf %add3A_172, %get3A_179 : vector<16xf32>
      %mul3A_181 = arith.mulf %get3A_179, %get3A_179 : vector<16xf32>
      %add3A_182 = arith.addf %add3A_174, %mul3A_181 : vector<16xf32>
      %add3A_183 = arith.constant 18 : i32
      %add3A_184 = arith.addi %mul3A_42, %add3A_183 : i32
      %get3A_185 = arith.index_cast %add3A_184 : i32 to index
      %get3A_186 = arith.constant 0 : index
      %get3A_187 = tpu.vector_load %arg9[%get3A_185, %get3A_186] {strides = array<i32>} : memref<3328x16xf32, #tpu.memory_space<vmem>>, vector<16xf32>,
      %add3A_188 = arith.addf %add3A_180, %get3A_187 : vector<16xf32>
      %mul3A_189 = arith.mulf %get3A_187, %get3A_187 : vector<16xf32>
      %add3A_190 = arith.addf %add3A_182, %mul3A_189 : vector<16xf32>
      %add3A_191 = arith.constant 19 : i32
      %add3A_192 = arith.addi %mul3A_42, %add3A_191 : i32
      %get3A_193 = arith.index_cast %add3A_192 : i32 to index
      %get3A_194 = arith.constant 0 : index
      %get3A_195 = tpu.vector_load %arg9[%get3A_193, %get3A_194] {strides = array<i32>} : memref<3328x16xf32, #tpu.memory_space<vmem>>, vector<16xf32>,
      %add3A_196 = arith.addf %add3A_188, %get3A_195 : vector<16xf32>
      %mul3A_197 = arith.mulf %get3A_195, %get3A_195 : vector<16xf32>
      %add3A_198 = arith.addf %add3A_190, %mul3A_197 : vector<16xf32>
      %add3A_199 = arith.constant 20 : i32
      %add3A_200 = arith.addi %mul3A_42, %add3A_199 : i32
      %get3A_201 = arith.index_cast %add3A_200 : i32 to index
      %get3A_202 = arith.constant 0 : index
      %get3A_203 = tpu.vector_load %arg9[%get3A_201, %get3A_202] {strides = array<i32>} : memref<3328x16xf32, #tpu.memory_space<vmem>>, vector<16xf32>,
      %add3A_204 = arith.addf %add3A_196, %get3A_203 : vector<16xf32>
      %mul3A_205 = arith.mulf %get3A_203, %get3A_203 : vector<16xf32>
      %add3A_206 = arith.addf %add3A_198, %mul3A_205 : vector<16xf32>
      %add3A_207 = arith.constant 21 : i32
      %add3A_208 = arith.addi %mul3A_42, %add3A_207 : i32
      %get3A_209 = arith.index_cast %add3A_208 : i32 to index
      %get3A_210 = arith.constant 0 : index
      %get3A_211 = tpu.vector_load %arg9[%get3A_209, %get3A_210] {strides = array<i32>} : memref<3328x16xf32, #tpu.memory_space<vmem>>, vector<16xf32>,
      %add3A_212 = arith.addf %add3A_204, %get3A_211 : vector<16xf32>
      %mul3A_213 = arith.mulf %get3A_211, %get3A_211 : vector<16xf32>
      %add3A_214 = arith.addf %add3A_206, %mul3A_213 : vector<16xf32>
      %add3A_215 = arith.constant 22 : i32
      %add3A_216 = arith.addi %mul3A_42, %add3A_215 : i32
      %get3A_217 = arith.index_cast %add3A_216 : i32 to index
      %get3A_218 = arith.constant 0 : index
      %get3A_219 = tpu.vector_load %arg9[%get3A_217, %get3A_218] {strides = array<i32>} : memref<3328x16xf32, #tpu.memory_space<vmem>>, vector<16xf32>,
      %add3A_220 = arith.addf %add3A_212, %get3A_219 : vector<16xf32>
      %mul3A_221 = arith.mulf %get3A_219, %get3A_219 : vector<16xf32>
      %add3A_222 = arith.addf %add3A_214, %mul3A_221 : vector<16xf32>
      %add3A_223 = arith.constant 23 : i32
      %add3A_224 = arith.addi %mul3A_42, %add3A_223 : i32
      %get3A_225 = arith.index_cast %add3A_224 : i32 to index
      %get3A_226 = arith.constant 0 : index
      %get3A_227 = tpu.vector_load %arg9[%get3A_225, %get3A_226] {strides = array<i32>} : memref<3328x16xf32, #tpu.memory_space<vmem>>, vector<16xf32>,
      %add3A_228 = arith.addf %add3A_220, %get3A_227 : vector<16xf32>
      %mul3A_229 = arith.mulf %get3A_227, %get3A_227 : vector<16xf32>
      %add3A_230 = arith.addf %add3A_222, %mul3A_229 : vector<16xf32>
      %add3A_231 = arith.constant 24 : i32
      %add3A_232 = arith.addi %mul3A_42, %add3A_231 : i32
      %get3A_233 = arith.index_cast %add3A_232 : i32 to index
      %get3A_234 = arith.constant 0 : index
      %get3A_235 = tpu.vector_load %arg9[%get3A_233, %get3A_234] {strides = array<i32>} : memref<3328x16xf32, #tpu.memory_space<vmem>>, vector<16xf32>,
      %add3A_236 = arith.addf %add3A_228, %get3A_235 : vector<16xf32>
      %mul3A_237 = arith.mulf %get3A_235, %get3A_235 : vector<16xf32>
      %add3A_238 = arith.addf %add3A_230, %mul3A_237 : vector<16xf32>
      %add3A_239 = arith.constant 25 : i32
      %add3A_240 = arith.addi %mul3A_42, %add3A_239 : i32
      %get3A_241 = arith.index_cast %add3A_240 : i32 to index
      %get3A_242 = arith.constant 0 : index
      %get3A_243 = tpu.vector_load %arg9[%get3A_241, %get3A_242] {strides = array<i32>} : memref<3328x16xf32, #tpu.memory_space<vmem>>, vector<16xf32>,
      %add3A_244 = arith.addf %add3A_236, %get3A_243 : vector<16xf32>
      %mul3A_245 = arith.mulf %get3A_243, %get3A_243 : vector<16xf32>
      %add3A_246 = arith.addf %add3A_238, %mul3A_245 : vector<16xf32>
      %mul3A_247 = arith.mulf %add3A_244, %add3A_244 : vector<16xf32>
      %sub3A = arith.subf %mul3A_247, %add3A_246 : vector<16xf32>
      %get3A_248 = arith.index_cast %mul3A_42 : i32 to index
      %get3A_249 = tpu.vector_load %arg10[%get3A_248] {strides = array<i32>} : memref<3344xf32, #tpu.memory_space<vmem>>, vector<16xf32>,
      %add3A_250 = arith.constant 16 : i32
      %add3A_251 = arith.addi %mul3A_42, %add3A_250 : i32
      %get3A_252 = arith.index_cast %add3A_251 : i32 to index
      %get3A_253 = tpu.vector_load %arg10[%get3A_252] {strides = array<i32>} : memref<3344xf32, #tpu.memory_space<vmem>>, vector<16xf32>,
      %mul3A_254 = arith.constant 5.000000e-01 : f32
      %mul3A_255 = vector.broadcast %mul3A_254 : f32 to vector<16xf32>
      %mul3A_256 = arith.mulf %mul3A_255, %sub3A : vector<16xf32>
      %add3A_257 = arith.addf %mul3A_256, %get3A_249 : vector<16xf32>
      %mul3A_258 = arith.mulf %get3A_253, %select_n3A : vector<16xf32>
      %add3A_259 = arith.addf %add3A_257, %mul3A_258 : vector<16xf32>
      %eq3A = arith.constant 0 : i32
      %eq3A_260 = vector.broadcast %eq3A : i32 to vector<16xi32>
      %eq3A_261 = arith.cmpi eq, %iota3A, %eq3A_260 : vector<16xi32>
      %reduce_sum3A = arith.constant true
      %reduce_sum3A_262 = vector.broadcast %reduce_sum3A : i1 to vector<16xi1>
      %reduce_sum3A_263 = tpu.scan <sum>, %add3A_259 masked %reduce_sum3A_262 : vector<16xf32>, vector<16xi1> -> vector<16xf32>
      %reduce_sum3A_264 = vector.extract %reduce_sum3A_263[15] : f32 from vector<16xf32>
      %broadcast_in_dim3A_265 = vector.broadcast %reduce_sum3A_264 : f32 to vector<16xf32>
      %select_n3A_266 = arith.select %eq3A_261, %broadcast_in_dim3A_265, %broadcast_in_dim3A_29 : vector<16xi1>, vector<16xf32>
      %add3A_267 = arith.constant 1 : i32
      %add3A_268 = arith.addi %mul3A_38, %add3A_267 : i32
      %mul3A_269 = arith.constant 26 : i32
      %mul3A_270 = arith.muli %add3A_268, %mul3A_269 : i32
      %get3A_271 = arith.index_cast %mul3A_270 : i32 to index
      %get3A_272 = arith.constant 0 : index
      %get3A_273 = tpu.vector_load %arg9[%get3A_271, %get3A_272] {strides = array<i32>} : memref<3328x16xf32, #tpu.memory_space<vmem>>, vector<16xf32>,
      %mul3A_274 = arith.mulf %get3A_273, %get3A_273 : vector<16xf32>
      %add3A_275 = arith.constant 1 : i32
      %add3A_276 = arith.addi %mul3A_270, %add3A_275 : i32
      %get3A_277 = arith.index_cast %add3A_276 : i32 to index
      %get3A_278 = arith.constant 0 : index
      %get3A_279 = tpu.vector_load %arg9[%get3A_277, %get3A_278] {strides = array<i32>} : memref<3328x16xf32, #tpu.memory_space<vmem>>, vector<16xf32>,
      %add3A_280 = arith.addf %get3A_273, %get3A_279 : vector<16xf32>
      %mul3A_281 = arith.mulf %get3A_279, %get3A_279 : vector<16xf32>
      %add3A_282 = arith.addf %mul3A_274, %mul3A_281 : vector<16xf32>
      %add3A_283 = arith.constant 2 : i32
      %add3A_284 = arith.addi %mul3A_270, %add3A_283 : i32
      %get3A_285 = arith.index_cast %add3A_284 : i32 to index
      %get3A_286 = arith.constant 0 : index
      %get3A_287 = tpu.vector_load %arg9[%get3A_285, %get3A_286] {strides = array<i32>} : memref<3328x16xf32, #tpu.memory_space<vmem>>, vector<16xf32>,
      %add3A_288 = arith.addf %add3A_280, %get3A_287 : vector<16xf32>
      %mul3A_289 = arith.mulf %get3A_287, %get3A_287 : vector<16xf32>
      %add3A_290 = arith.addf %add3A_282, %mul3A_289 : vector<16xf32>
      %add3A_291 = arith.constant 3 : i32
      %add3A_292 = arith.addi %mul3A_270, %add3A_291 : i32
      %get3A_293 = arith.index_cast %add3A_292 : i32 to index
      %get3A_294 = arith.constant 0 : index
      %get3A_295 = tpu.vector_load %arg9[%get3A_293, %get3A_294] {strides = array<i32>} : memref<3328x16xf32, #tpu.memory_space<vmem>>, vector<16xf32>,
      %add3A_296 = arith.addf %add3A_288, %get3A_295 : vector<16xf32>
      %mul3A_297 = arith.mulf %get3A_295, %get3A_295 : vector<16xf32>
      %add3A_298 = arith.addf %add3A_290, %mul3A_297 : vector<16xf32>
      %add3A_299 = arith.constant 4 : i32
      %add3A_300 = arith.addi %mul3A_270, %add3A_299 : i32
      %get3A_301 = arith.index_cast %add3A_300 : i32 to index
      %get3A_302 = arith.constant 0 : index
      %get3A_303 = tpu.vector_load %arg9[%get3A_301, %get3A_302] {strides = array<i32>} : memref<3328x16xf32, #tpu.memory_space<vmem>>, vector<16xf32>,
      %add3A_304 = arith.addf %add3A_296, %get3A_303 : vector<16xf32>
      %mul3A_305 = arith.mulf %get3A_303, %get3A_303 : vector<16xf32>
      %add3A_306 = arith.addf %add3A_298, %mul3A_305 : vector<16xf32>
      %add3A_307 = arith.constant 5 : i32
      %add3A_308 = arith.addi %mul3A_270, %add3A_307 : i32
      %get3A_309 = arith.index_cast %add3A_308 : i32 to index
      %get3A_310 = arith.constant 0 : index
      %get3A_311 = tpu.vector_load %arg9[%get3A_309, %get3A_310] {strides = array<i32>} : memref<3328x16xf32, #tpu.memory_space<vmem>>, vector<16xf32>,
      %add3A_312 = arith.addf %add3A_304, %get3A_311 : vector<16xf32>
      %mul3A_313 = arith.mulf %get3A_311, %get3A_311 : vector<16xf32>
      %add3A_314 = arith.addf %add3A_306, %mul3A_313 : vector<16xf32>
      %add3A_315 = arith.constant 6 : i32
      %add3A_316 = arith.addi %mul3A_270, %add3A_315 : i32
      %get3A_317 = arith.index_cast %add3A_316 : i32 to index
      %get3A_318 = arith.constant 0 : index
      %get3A_319 = tpu.vector_load %arg9[%get3A_317, %get3A_318] {strides = array<i32>} : memref<3328x16xf32, #tpu.memory_space<vmem>>, vector<16xf32>,
      %add3A_320 = arith.addf %add3A_312, %get3A_319 : vector<16xf32>
      %mul3A_321 = arith.mulf %get3A_319, %get3A_319 : vector<16xf32>
      %add3A_322 = arith.addf %add3A_314, %mul3A_321 : vector<16xf32>
      %add3A_323 = arith.constant 7 : i32
      %add3A_324 = arith.addi %mul3A_270, %add3A_323 : i32
      %get3A_325 = arith.index_cast %add3A_324 : i32 to index
      %get3A_326 = arith.constant 0 : index
      %get3A_327 = tpu.vector_load %arg9[%get3A_325, %get3A_326] {strides = array<i32>} : memref<3328x16xf32, #tpu.memory_space<vmem>>, vector<16xf32>,
      %add3A_328 = arith.addf %add3A_320, %get3A_327 : vector<16xf32>
      %mul3A_329 = arith.mulf %get3A_327, %get3A_327 : vector<16xf32>
      %add3A_330 = arith.addf %add3A_322, %mul3A_329 : vector<16xf32>
      %add3A_331 = arith.constant 8 : i32
      %add3A_332 = arith.addi %mul3A_270, %add3A_331 : i32
      %get3A_333 = arith.index_cast %add3A_332 : i32 to index
      %get3A_334 = arith.constant 0 : index
      %get3A_335 = tpu.vector_load %arg9[%get3A_333, %get3A_334] {strides = array<i32>} : memref<3328x16xf32, #tpu.memory_space<vmem>>, vector<16xf32>,
      %add3A_336 = arith.addf %add3A_328, %get3A_335 : vector<16xf32>
      %mul3A_337 = arith.mulf %get3A_335, %get3A_335 : vector<16xf32>
      %add3A_338 = arith.addf %add3A_330, %mul3A_337 : vector<16xf32>
      %add3A_339 = arith.constant 9 : i32
      %add3A_340 = arith.addi %mul3A_270, %add3A_339 : i32
      %get3A_341 = arith.index_cast %add3A_340 : i32 to index
      %get3A_342 = arith.constant 0 : index
      %get3A_343 = tpu.vector_load %arg9[%get3A_341, %get3A_342] {strides = array<i32>} : memref<3328x16xf32, #tpu.memory_space<vmem>>, vector<16xf32>,
      %add3A_344 = arith.addf %add3A_336, %get3A_343 : vector<16xf32>
      %mul3A_345 = arith.mulf %get3A_343, %get3A_343 : vector<16xf32>
      %add3A_346 = arith.addf %add3A_338, %mul3A_345 : vector<16xf32>
      %add3A_347 = arith.constant 10 : i32
      %add3A_348 = arith.addi %mul3A_270, %add3A_347 : i32
      %get3A_349 = arith.index_cast %add3A_348 : i32 to index
      %get3A_350 = arith.constant 0 : index
      %get3A_351 = tpu.vector_load %arg9[%get3A_349, %get3A_350] {strides = array<i32>} : memref<3328x16xf32, #tpu.memory_space<vmem>>, vector<16xf32>,
      %add3A_352 = arith.addf %add3A_344, %get3A_351 : vector<16xf32>
      %mul3A_353 = arith.mulf %get3A_351, %get3A_351 : vector<16xf32>
      %add3A_354 = arith.addf %add3A_346, %mul3A_353 : vector<16xf32>
      %add3A_355 = arith.constant 11 : i32
      %add3A_356 = arith.addi %mul3A_270, %add3A_355 : i32
      %get3A_357 = arith.index_cast %add3A_356 : i32 to index
      %get3A_358 = arith.constant 0 : index
      %get3A_359 = tpu.vector_load %arg9[%get3A_357, %get3A_358] {strides = array<i32>} : memref<3328x16xf32, #tpu.memory_space<vmem>>, vector<16xf32>,
      %add3A_360 = arith.addf %add3A_352, %get3A_359 : vector<16xf32>
      %mul3A_361 = arith.mulf %get3A_359, %get3A_359 : vector<16xf32>
      %add3A_362 = arith.addf %add3A_354, %mul3A_361 : vector<16xf32>
      %add3A_363 = arith.constant 12 : i32
      %add3A_364 = arith.addi %mul3A_270, %add3A_363 : i32
      %get3A_365 = arith.index_cast %add3A_364 : i32 to index
      %get3A_366 = arith.constant 0 : index
      %get3A_367 = tpu.vector_load %arg9[%get3A_365, %get3A_366] {strides = array<i32>} : memref<3328x16xf32, #tpu.memory_space<vmem>>, vector<16xf32>,
      %add3A_368 = arith.addf %add3A_360, %get3A_367 : vector<16xf32>
      %mul3A_369 = arith.mulf %get3A_367, %get3A_367 : vector<16xf32>
      %add3A_370 = arith.addf %add3A_362, %mul3A_369 : vector<16xf32>
      %add3A_371 = arith.constant 13 : i32
      %add3A_372 = arith.addi %mul3A_270, %add3A_371 : i32
      %get3A_373 = arith.index_cast %add3A_372 : i32 to index
      %get3A_374 = arith.constant 0 : index
      %get3A_375 = tpu.vector_load %arg9[%get3A_373, %get3A_374] {strides = array<i32>} : memref<3328x16xf32, #tpu.memory_space<vmem>>, vector<16xf32>,
      %add3A_376 = arith.addf %add3A_368, %get3A_375 : vector<16xf32>
      %mul3A_377 = arith.mulf %get3A_375, %get3A_375 : vector<16xf32>
      %add3A_378 = arith.addf %add3A_370, %mul3A_377 : vector<16xf32>
      %add3A_379 = arith.constant 14 : i32
      %add3A_380 = arith.addi %mul3A_270, %add3A_379 : i32
      %get3A_381 = arith.index_cast %add3A_380 : i32 to index
      %get3A_382 = arith.constant 0 : index
      %get3A_383 = tpu.vector_load %arg9[%get3A_381, %get3A_382] {strides = array<i32>} : memref<3328x16xf32, #tpu.memory_space<vmem>>, vector<16xf32>,
      %add3A_384 = arith.addf %add3A_376, %get3A_383 : vector<16xf32>
      %mul3A_385 = arith.mulf %get3A_383, %get3A_383 : vector<16xf32>
      %add3A_386 = arith.addf %add3A_378, %mul3A_385 : vector<16xf32>
      %add3A_387 = arith.constant 15 : i32
      %add3A_388 = arith.addi %mul3A_270, %add3A_387 : i32
      %get3A_389 = arith.index_cast %add3A_388 : i32 to index
      %get3A_390 = arith.constant 0 : index
      %get3A_391 = tpu.vector_load %arg9[%get3A_389, %get3A_390] {strides = array<i32>} : memref<3328x16xf32, #tpu.memory_space<vmem>>, vector<16xf32>,
      %add3A_392 = arith.addf %add3A_384, %get3A_391 : vector<16xf32>
      %mul3A_393 = arith.mulf %get3A_391, %get3A_391 : vector<16xf32>
      %add3A_394 = arith.addf %add3A_386, %mul3A_393 : vector<16xf32>
      %add3A_395 = arith.constant 16 : i32
      %add3A_396 = arith.addi %mul3A_270, %add3A_395 : i32
      %get3A_397 = arith.index_cast %add3A_396 : i32 to index
      %get3A_398 = arith.constant 0 : index
      %get3A_399 = tpu.vector_load %arg9[%get3A_397, %get3A_398] {strides = array<i32>} : memref<3328x16xf32, #tpu.memory_space<vmem>>, vector<16xf32>,
      %add3A_400 = arith.addf %add3A_392, %get3A_399 : vector<16xf32>
      %mul3A_401 = arith.mulf %get3A_399, %get3A_399 : vector<16xf32>
      %add3A_402 = arith.addf %add3A_394, %mul3A_401 : vector<16xf32>
      %add3A_403 = arith.constant 17 : i32
      %add3A_404 = arith.addi %mul3A_270, %add3A_403 : i32
      %get3A_405 = arith.index_cast %add3A_404 : i32 to index
      %get3A_406 = arith.constant 0 : index
      %get3A_407 = tpu.vector_load %arg9[%get3A_405, %get3A_406] {strides = array<i32>} : memref<3328x16xf32, #tpu.memory_space<vmem>>, vector<16xf32>,
      %add3A_408 = arith.addf %add3A_400, %get3A_407 : vector<16xf32>
      %mul3A_409 = arith.mulf %get3A_407, %get3A_407 : vector<16xf32>
      %add3A_410 = arith.addf %add3A_402, %mul3A_409 : vector<16xf32>
      %add3A_411 = arith.constant 18 : i32
      %add3A_412 = arith.addi %mul3A_270, %add3A_411 : i32
      %get3A_413 = arith.index_cast %add3A_412 : i32 to index
      %get3A_414 = arith.constant 0 : index
      %get3A_415 = tpu.vector_load %arg9[%get3A_413, %get3A_414] {strides = array<i32>} : memref<3328x16xf32, #tpu.memory_space<vmem>>, vector<16xf32>,
      %add3A_416 = arith.addf %add3A_408, %get3A_415 : vector<16xf32>
      %mul3A_417 = arith.mulf %get3A_415, %get3A_415 : vector<16xf32>
      %add3A_418 = arith.addf %add3A_410, %mul3A_417 : vector<16xf32>
      %add3A_419 = arith.constant 19 : i32
      %add3A_420 = arith.addi %mul3A_270, %add3A_419 : i32
      %get3A_421 = arith.index_cast %add3A_420 : i32 to index
      %get3A_422 = arith.constant 0 : index
      %get3A_423 = tpu.vector_load %arg9[%get3A_421, %get3A_422] {strides = array<i32>} : memref<3328x16xf32, #tpu.memory_space<vmem>>, vector<16xf32>,
      %add3A_424 = arith.addf %add3A_416, %get3A_423 : vector<16xf32>
      %mul3A_425 = arith.mulf %get3A_423, %get3A_423 : vector<16xf32>
      %add3A_426 = arith.addf %add3A_418, %mul3A_425 : vector<16xf32>
      %add3A_427 = arith.constant 20 : i32
      %add3A_428 = arith.addi %mul3A_270, %add3A_427 : i32
      %get3A_429 = arith.index_cast %add3A_428 : i32 to index
      %get3A_430 = arith.constant 0 : index
      %get3A_431 = tpu.vector_load %arg9[%get3A_429, %get3A_430] {strides = array<i32>} : memref<3328x16xf32, #tpu.memory_space<vmem>>, vector<16xf32>,
      %add3A_432 = arith.addf %add3A_424, %get3A_431 : vector<16xf32>
      %mul3A_433 = arith.mulf %get3A_431, %get3A_431 : vector<16xf32>
      %add3A_434 = arith.addf %add3A_426, %mul3A_433 : vector<16xf32>
      %add3A_435 = arith.constant 21 : i32
      %add3A_436 = arith.addi %mul3A_270, %add3A_435 : i32
      %get3A_437 = arith.index_cast %add3A_436 : i32 to index
      %get3A_438 = arith.constant 0 : index
      %get3A_439 = tpu.vector_load %arg9[%get3A_437, %get3A_438] {strides = array<i32>} : memref<3328x16xf32, #tpu.memory_space<vmem>>, vector<16xf32>,
      %add3A_440 = arith.addf %add3A_432, %get3A_439 : vector<16xf32>
      %mul3A_441 = arith.mulf %get3A_439, %get3A_439 : vector<16xf32>
      %add3A_442 = arith.addf %add3A_434, %mul3A_441 : vector<16xf32>
      %add3A_443 = arith.constant 22 : i32
      %add3A_444 = arith.addi %mul3A_270, %add3A_443 : i32
      %get3A_445 = arith.index_cast %add3A_444 : i32 to index
      %get3A_446 = arith.constant 0 : index
      %get3A_447 = tpu.vector_load %arg9[%get3A_445, %get3A_446] {strides = array<i32>} : memref<3328x16xf32, #tpu.memory_space<vmem>>, vector<16xf32>,
      %add3A_448 = arith.addf %add3A_440, %get3A_447 : vector<16xf32>
      %mul3A_449 = arith.mulf %get3A_447, %get3A_447 : vector<16xf32>
      %add3A_450 = arith.addf %add3A_442, %mul3A_449 : vector<16xf32>
      %add3A_451 = arith.constant 23 : i32
      %add3A_452 = arith.addi %mul3A_270, %add3A_451 : i32
      %get3A_453 = arith.index_cast %add3A_452 : i32 to index
      %get3A_454 = arith.constant 0 : index
      %get3A_455 = tpu.vector_load %arg9[%get3A_453, %get3A_454] {strides = array<i32>} : memref<3328x16xf32, #tpu.memory_space<vmem>>, vector<16xf32>,
      %add3A_456 = arith.addf %add3A_448, %get3A_455 : vector<16xf32>
      %mul3A_457 = arith.mulf %get3A_455, %get3A_455 : vector<16xf32>
      %add3A_458 = arith.addf %add3A_450, %mul3A_457 : vector<16xf32>
      %add3A_459 = arith.constant 24 : i32
      %add3A_460 = arith.addi %mul3A_270, %add3A_459 : i32
      %get3A_461 = arith.index_cast %add3A_460 : i32 to index
      %get3A_462 = arith.constant 0 : index
      %get3A_463 = tpu.vector_load %arg9[%get3A_461, %get3A_462] {strides = array<i32>} : memref<3328x16xf32, #tpu.memory_space<vmem>>, vector<16xf32>,
      %add3A_464 = arith.addf %add3A_456, %get3A_463 : vector<16xf32>
      %mul3A_465 = arith.mulf %get3A_463, %get3A_463 : vector<16xf32>
      %add3A_466 = arith.addf %add3A_458, %mul3A_465 : vector<16xf32>
      %add3A_467 = arith.constant 25 : i32
      %add3A_468 = arith.addi %mul3A_270, %add3A_467 : i32
      %get3A_469 = arith.index_cast %add3A_468 : i32 to index
      %get3A_470 = arith.constant 0 : index
      %get3A_471 = tpu.vector_load %arg9[%get3A_469, %get3A_470] {strides = array<i32>} : memref<3328x16xf32, #tpu.memory_space<vmem>>, vector<16xf32>,
      %add3A_472 = arith.addf %add3A_464, %get3A_471 : vector<16xf32>
      %mul3A_473 = arith.mulf %get3A_471, %get3A_471 : vector<16xf32>
      %add3A_474 = arith.addf %add3A_466, %mul3A_473 : vector<16xf32>
      %mul3A_475 = arith.mulf %add3A_472, %add3A_472 : vector<16xf32>
      %sub3A_476 = arith.subf %mul3A_475, %add3A_474 : vector<16xf32>
      %get3A_477 = arith.index_cast %mul3A_270 : i32 to index
      %get3A_478 = tpu.vector_load %arg10[%get3A_477] {strides = array<i32>} : memref<3344xf32, #tpu.memory_space<vmem>>, vector<16xf32>,
      %add3A_479 = arith.constant 16 : i32
      %add3A_480 = arith.addi %mul3A_270, %add3A_479 : i32
      %get3A_481 = arith.index_cast %add3A_480 : i32 to index
      %get3A_482 = tpu.vector_load %arg10[%get3A_481] {strides = array<i32>} : memref<3344xf32, #tpu.memory_space<vmem>>, vector<16xf32>,
      %mul3A_483 = arith.constant 5.000000e-01 : f32
      %mul3A_484 = vector.broadcast %mul3A_483 : f32 to vector<16xf32>
      %mul3A_485 = arith.mulf %mul3A_484, %sub3A_476 : vector<16xf32>
      %add3A_486 = arith.addf %mul3A_485, %get3A_478 : vector<16xf32>
      %mul3A_487 = arith.mulf %get3A_482, %select_n3A : vector<16xf32>
      %add3A_488 = arith.addf %add3A_486, %mul3A_487 : vector<16xf32>
      %eq3A_489 = arith.constant 1 : i32
      %eq3A_490 = vector.broadcast %eq3A_489 : i32 to vector<16xi32>
      %eq3A_491 = arith.cmpi eq, %iota3A, %eq3A_490 : vector<16xi32>
      %reduce_sum3A_492 = arith.constant true
      %reduce_sum3A_493 = vector.broadcast %reduce_sum3A_492 : i1 to vector<16xi1>
      %reduce_sum3A_494 = tpu.scan <sum>, %add3A_488 masked %reduce_sum3A_493 : vector<16xf32>, vector<16xi1> -> vector<16xf32>
      %reduce_sum3A_495 = vector.extract %reduce_sum3A_494[15] : f32 from vector<16xf32>
      %broadcast_in_dim3A_496 = vector.broadcast %reduce_sum3A_495 : f32 to vector<16xf32>
      %select_n3A_497 = arith.select %eq3A_491, %broadcast_in_dim3A_496, %select_n3A_266 : vector<16xi1>, vector<16xf32>
      %add3A_498 = arith.constant 2 : i32
      %add3A_499 = arith.addi %mul3A_38, %add3A_498 : i32
      %mul3A_500 = arith.constant 26 : i32
      %mul3A_501 = arith.muli %add3A_499, %mul3A_500 : i32
      %get3A_502 = arith.index_cast %mul3A_501 : i32 to index
      %get3A_503 = arith.constant 0 : index
      %get3A_504 = tpu.vector_load %arg9[%get3A_502, %get3A_503] {strides = array<i32>} : memref<3328x16xf32, #tpu.memory_space<vmem>>, vector<16xf32>,
      %mul3A_505 = arith.mulf %get3A_504, %get3A_504 : vector<16xf32>
      %add3A_506 = arith.constant 1 : i32
      %add3A_507 = arith.addi %mul3A_501, %add3A_506 : i32
      %get3A_508 = arith.index_cast %add3A_507 : i32 to index
      %get3A_509 = arith.constant 0 : index
      %get3A_510 = tpu.vector_load %arg9[%get3A_508, %get3A_509] {strides = array<i32>} : memref<3328x16xf32, #tpu.memory_space<vmem>>, vector<16xf32>,
      %add3A_511 = arith.addf %get3A_504, %get3A_510 : vector<16xf32>
      %mul3A_512 = arith.mulf %get3A_510, %get3A_510 : vector<16xf32>
      %add3A_513 = arith.addf %mul3A_505, %mul3A_512 : vector<16xf32>
      %add3A_514 = arith.constant 2 : i32
      %add3A_515 = arith.addi %mul3A_501, %add3A_514 : i32
      %get3A_516 = arith.index_cast %add3A_515 : i32 to index
      %get3A_517 = arith.constant 0 : index
      %get3A_518 = tpu.vector_load %arg9[%get3A_516, %get3A_517] {strides = array<i32>} : memref<3328x16xf32, #tpu.memory_space<vmem>>, vector<16xf32>,
      %add3A_519 = arith.addf %add3A_511, %get3A_518 : vector<16xf32>
      %mul3A_520 = arith.mulf %get3A_518, %get3A_518 : vector<16xf32>
      %add3A_521 = arith.addf %add3A_513, %mul3A_520 : vector<16xf32>
      %add3A_522 = arith.constant 3 : i32
      %add3A_523 = arith.addi %mul3A_501, %add3A_522 : i32
      %get3A_524 = arith.index_cast %add3A_523 : i32 to index
      %get3A_525 = arith.constant 0 : index
      %get3A_526 = tpu.vector_load %arg9[%get3A_524, %get3A_525] {strides = array<i32>} : memref<3328x16xf32, #tpu.memory_space<vmem>>, vector<16xf32>,
      %add3A_527 = arith.addf %add3A_519, %get3A_526 : vector<16xf32>
      %mul3A_528 = arith.mulf %get3A_526, %get3A_526 : vector<16xf32>
      %add3A_529 = arith.addf %add3A_521, %mul3A_528 : vector<16xf32>
      %add3A_530 = arith.constant 4 : i32
      %add3A_531 = arith.addi %mul3A_501, %add3A_530 : i32
      %get3A_532 = arith.index_cast %add3A_531 : i32 to index
      %get3A_533 = arith.constant 0 : index
      %get3A_534 = tpu.vector_load %arg9[%get3A_532, %get3A_533] {strides = array<i32>} : memref<3328x16xf32, #tpu.memory_space<vmem>>, vector<16xf32>,
      %add3A_535 = arith.addf %add3A_527, %get3A_534 : vector<16xf32>
      %mul3A_536 = arith.mulf %get3A_534, %get3A_534 : vector<16xf32>
      %add3A_537 = arith.addf %add3A_529, %mul3A_536 : vector<16xf32>
      %add3A_538 = arith.constant 5 : i32
      %add3A_539 = arith.addi %mul3A_501, %add3A_538 : i32
      %get3A_540 = arith.index_cast %add3A_539 : i32 to index
      %get3A_541 = arith.constant 0 : index
      %get3A_542 = tpu.vector_load %arg9[%get3A_540, %get3A_541] {strides = array<i32>} : memref<3328x16xf32, #tpu.memory_space<vmem>>, vector<16xf32>,
      %add3A_543 = arith.addf %add3A_535, %get3A_542 : vector<16xf32>
      %mul3A_544 = arith.mulf %get3A_542, %get3A_542 : vector<16xf32>
      %add3A_545 = arith.addf %add3A_537, %mul3A_544 : vector<16xf32>
      %add3A_546 = arith.constant 6 : i32
      %add3A_547 = arith.addi %mul3A_501, %add3A_546 : i32
      %get3A_548 = arith.index_cast %add3A_547 : i32 to index
      %get3A_549 = arith.constant 0 : index
      %get3A_550 = tpu.vector_load %arg9[%get3A_548, %get3A_549] {strides = array<i32>} : memref<3328x16xf32, #tpu.memory_space<vmem>>, vector<16xf32>,
      %add3A_551 = arith.addf %add3A_543, %get3A_550 : vector<16xf32>
      %mul3A_552 = arith.mulf %get3A_550, %get3A_550 : vector<16xf32>
      %add3A_553 = arith.addf %add3A_545, %mul3A_552 : vector<16xf32>
      %add3A_554 = arith.constant 7 : i32
      %add3A_555 = arith.addi %mul3A_501, %add3A_554 : i32
      %get3A_556 = arith.index_cast %add3A_555 : i32 to index
      %get3A_557 = arith.constant 0 : index
      %get3A_558 = tpu.vector_load %arg9[%get3A_556, %get3A_557] {strides = array<i32>} : memref<3328x16xf32, #tpu.memory_space<vmem>>, vector<16xf32>,
      %add3A_559 = arith.addf %add3A_551, %get3A_558 : vector<16xf32>
      %mul3A_560 = arith.mulf %get3A_558, %get3A_558 : vector<16xf32>
      %add3A_561 = arith.addf %add3A_553, %mul3A_560 : vector<16xf32>
      %add3A_562 = arith.constant 8 : i32
      %add3A_563 = arith.addi %mul3A_501, %add3A_562 : i32
      %get3A_564 = arith.index_cast %add3A_563 : i32 to index
      %get3A_565 = arith.constant 0 : index
      %get3A_566 = tpu.vector_load %arg9[%get3A_564, %get3A_565] {strides = array<i32>} : memref<3328x16xf32, #tpu.memory_space<vmem>>, vector<16xf32>,
      %add3A_567 = arith.addf %add3A_559, %get3A_566 : vector<16xf32>
      %mul3A_568 = arith.mulf %get3A_566, %get3A_566 : vector<16xf32>
      %add3A_569 = arith.addf %add3A_561, %mul3A_568 : vector<16xf32>
      %add3A_570 = arith.constant 9 : i32
      %add3A_571 = arith.addi %mul3A_501, %add3A_570 : i32
      %get3A_572 = arith.index_cast %add3A_571 : i32 to index
      %get3A_573 = arith.constant 0 : index
      %get3A_574 = tpu.vector_load %arg9[%get3A_572, %get3A_573] {strides = array<i32>} : memref<3328x16xf32, #tpu.memory_space<vmem>>, vector<16xf32>,
      %add3A_575 = arith.addf %add3A_567, %get3A_574 : vector<16xf32>
      %mul3A_576 = arith.mulf %get3A_574, %get3A_574 : vector<16xf32>
      %add3A_577 = arith.addf %add3A_569, %mul3A_576 : vector<16xf32>
      %add3A_578 = arith.constant 10 : i32
      %add3A_579 = arith.addi %mul3A_501, %add3A_578 : i32
      %get3A_580 = arith.index_cast %add3A_579 : i32 to index
      %get3A_581 = arith.constant 0 : index
      %get3A_582 = tpu.vector_load %arg9[%get3A_580, %get3A_581] {strides = array<i32>} : memref<3328x16xf32, #tpu.memory_space<vmem>>, vector<16xf32>,
      %add3A_583 = arith.addf %add3A_575, %get3A_582 : vector<16xf32>
      %mul3A_584 = arith.mulf %get3A_582, %get3A_582 : vector<16xf32>
      %add3A_585 = arith.addf %add3A_577, %mul3A_584 : vector<16xf32>
      %add3A_586 = arith.constant 11 : i32
      %add3A_587 = arith.addi %mul3A_501, %add3A_586 : i32
      %get3A_588 = arith.index_cast %add3A_587 : i32 to index
      %get3A_589 = arith.constant 0 : index
      %get3A_590 = tpu.vector_load %arg9[%get3A_588, %get3A_589] {strides = array<i32>} : memref<3328x16xf32, #tpu.memory_space<vmem>>, vector<16xf32>,
      %add3A_591 = arith.addf %add3A_583, %get3A_590 : vector<16xf32>
      %mul3A_592 = arith.mulf %get3A_590, %get3A_590 : vector<16xf32>
      %add3A_593 = arith.addf %add3A_585, %mul3A_592 : vector<16xf32>
      %add3A_594 = arith.constant 12 : i32
      %add3A_595 = arith.addi %mul3A_501, %add3A_594 : i32
      %get3A_596 = arith.index_cast %add3A_595 : i32 to index
      %get3A_597 = arith.constant 0 : index
      %get3A_598 = tpu.vector_load %arg9[%get3A_596, %get3A_597] {strides = array<i32>} : memref<3328x16xf32, #tpu.memory_space<vmem>>, vector<16xf32>,
      %add3A_599 = arith.addf %add3A_591, %get3A_598 : vector<16xf32>
      %mul3A_600 = arith.mulf %get3A_598, %get3A_598 : vector<16xf32>
      %add3A_601 = arith.addf %add3A_593, %mul3A_600 : vector<16xf32>
      %add3A_602 = arith.constant 13 : i32
      %add3A_603 = arith.addi %mul3A_501, %add3A_602 : i32
      %get3A_604 = arith.index_cast %add3A_603 : i32 to index
      %get3A_605 = arith.constant 0 : index
      %get3A_606 = tpu.vector_load %arg9[%get3A_604, %get3A_605] {strides = array<i32>} : memref<3328x16xf32, #tpu.memory_space<vmem>>, vector<16xf32>,
      %add3A_607 = arith.addf %add3A_599, %get3A_606 : vector<16xf32>
      %mul3A_608 = arith.mulf %get3A_606, %get3A_606 : vector<16xf32>
      %add3A_609 = arith.addf %add3A_601, %mul3A_608 : vector<16xf32>
      %add3A_610 = arith.constant 14 : i32
      %add3A_611 = arith.addi %mul3A_501, %add3A_610 : i32
      %get3A_612 = arith.index_cast %add3A_611 : i32 to index
      %get3A_613 = arith.constant 0 : index
      %get3A_614 = tpu.vector_load %arg9[%get3A_612, %get3A_613] {strides = array<i32>} : memref<3328x16xf32, #tpu.memory_space<vmem>>, vector<16xf32>,
      %add3A_615 = arith.addf %add3A_607, %get3A_614 : vector<16xf32>
      %mul3A_616 = arith.mulf %get3A_614, %get3A_614 : vector<16xf32>
      %add3A_617 = arith.addf %add3A_609, %mul3A_616 : vector<16xf32>
      %add3A_618 = arith.constant 15 : i32
      %add3A_619 = arith.addi %mul3A_501, %add3A_618 : i32
      %get3A_620 = arith.index_cast %add3A_619 : i32 to index
      %get3A_621 = arith.constant 0 : index
      %get3A_622 = tpu.vector_load %arg9[%get3A_620, %get3A_621] {strides = array<i32>} : memref<3328x16xf32, #tpu.memory_space<vmem>>, vector<16xf32>,
      %add3A_623 = arith.addf %add3A_615, %get3A_622 : vector<16xf32>
      %mul3A_624 = arith.mulf %get3A_622, %get3A_622 : vector<16xf32>
      %add3A_625 = arith.addf %add3A_617, %mul3A_624 : vector<16xf32>
      %add3A_626 = arith.constant 16 : i32
      %add3A_627 = arith.addi %mul3A_501, %add3A_626 : i32
      %get3A_628 = arith.index_cast %add3A_627 : i32 to index
      %get3A_629 = arith.constant 0 : index
      %get3A_630 = tpu.vector_load %arg9[%get3A_628, %get3A_629] {strides = array<i32>} : memref<3328x16xf32, #tpu.memory_space<vmem>>, vector<16xf32>,
      %add3A_631 = arith.addf %add3A_623, %get3A_630 : vector<16xf32>
      %mul3A_632 = arith.mulf %get3A_630, %get3A_630 : vector<16xf32>
      %add3A_633 = arith.addf %add3A_625, %mul3A_632 : vector<16xf32>
      %add3A_634 = arith.constant 17 : i32
      %add3A_635 = arith.addi %mul3A_501, %add3A_634 : i32
      %get3A_636 = arith.index_cast %add3A_635 : i32 to index
      %get3A_637 = arith.constant 0 : index
      %get3A_638 = tpu.vector_load %arg9[%get3A_636, %get3A_637] {strides = array<i32>} : memref<3328x16xf32, #tpu.memory_space<vmem>>, vector<16xf32>,
      %add3A_639 = arith.addf %add3A_631, %get3A_638 : vector<16xf32>
      %mul3A_640 = arith.mulf %get3A_638, %get3A_638 : vector<16xf32>
      %add3A_641 = arith.addf %add3A_633, %mul3A_640 : vector<16xf32>
      %add3A_642 = arith.constant 18 : i32
      %add3A_643 = arith.addi %mul3A_501, %add3A_642 : i32
      %get3A_644 = arith.index_cast %add3A_643 : i32 to index
      %get3A_645 = arith.constant 0 : index
      %get3A_646 = tpu.vector_load %arg9[%get3A_644, %get3A_645] {strides = array<i32>} : memref<3328x16xf32, #tpu.memory_space<vmem>>, vector<16xf32>,
      %add3A_647 = arith.addf %add3A_639, %get3A_646 : vector<16xf32>
      %mul3A_648 = arith.mulf %get3A_646, %get3A_646 : vector<16xf32>
      %add3A_649 = arith.addf %add3A_641, %mul3A_648 : vector<16xf32>
      %add3A_650 = arith.constant 19 : i32
      %add3A_651 = arith.addi %mul3A_501, %add3A_650 : i32
      %get3A_652 = arith.index_cast %add3A_651 : i32 to index
      %get3A_653 = arith.constant 0 : index
      %get3A_654 = tpu.vector_load %arg9[%get3A_652, %get3A_653] {strides = array<i32>} : memref<3328x16xf32, #tpu.memory_space<vmem>>, vector<16xf32>,
      %add3A_655 = arith.addf %add3A_647, %get3A_654 : vector<16xf32>
      %mul3A_656 = arith.mulf %get3A_654, %get3A_654 : vector<16xf32>
      %add3A_657 = arith.addf %add3A_649, %mul3A_656 : vector<16xf32>
      %add3A_658 = arith.constant 20 : i32
      %add3A_659 = arith.addi %mul3A_501, %add3A_658 : i32
      %get3A_660 = arith.index_cast %add3A_659 : i32 to index
      %get3A_661 = arith.constant 0 : index
      %get3A_662 = tpu.vector_load %arg9[%get3A_660, %get3A_661] {strides = array<i32>} : memref<3328x16xf32, #tpu.memory_space<vmem>>, vector<16xf32>,
      %add3A_663 = arith.addf %add3A_655, %get3A_662 : vector<16xf32>
      %mul3A_664 = arith.mulf %get3A_662, %get3A_662 : vector<16xf32>
      %add3A_665 = arith.addf %add3A_657, %mul3A_664 : vector<16xf32>
      %add3A_666 = arith.constant 21 : i32
      %add3A_667 = arith.addi %mul3A_501, %add3A_666 : i32
      %get3A_668 = arith.index_cast %add3A_667 : i32 to index
      %get3A_669 = arith.constant 0 : index
      %get3A_670 = tpu.vector_load %arg9[%get3A_668, %get3A_669] {strides = array<i32>} : memref<3328x16xf32, #tpu.memory_space<vmem>>, vector<16xf32>,
      %add3A_671 = arith.addf %add3A_663, %get3A_670 : vector<16xf32>
      %mul3A_672 = arith.mulf %get3A_670, %get3A_670 : vector<16xf32>
      %add3A_673 = arith.addf %add3A_665, %mul3A_672 : vector<16xf32>
      %add3A_674 = arith.constant 22 : i32
      %add3A_675 = arith.addi %mul3A_501, %add3A_674 : i32
      %get3A_676 = arith.index_cast %add3A_675 : i32 to index
      %get3A_677 = arith.constant 0 : index
      %get3A_678 = tpu.vector_load %arg9[%get3A_676, %get3A_677] {strides = array<i32>} : memref<3328x16xf32, #tpu.memory_space<vmem>>, vector<16xf32>,
      %add3A_679 = arith.addf %add3A_671, %get3A_678 : vector<16xf32>
      %mul3A_680 = arith.mulf %get3A_678, %get3A_678 : vector<16xf32>
      %add3A_681 = arith.addf %add3A_673, %mul3A_680 : vector<16xf32>
      %add3A_682 = arith.constant 23 : i32
      %add3A_683 = arith.addi %mul3A_501, %add3A_682 : i32
      %get3A_684 = arith.index_cast %add3A_683 : i32 to index
      %get3A_685 = arith.constant 0 : index
      %get3A_686 = tpu.vector_load %arg9[%get3A_684, %get3A_685] {strides = array<i32>} : memref<3328x16xf32, #tpu.memory_space<vmem>>, vector<16xf32>,
      %add3A_687 = arith.addf %add3A_679, %get3A_686 : vector<16xf32>
      %mul3A_688 = arith.mulf %get3A_686, %get3A_686 : vector<16xf32>
      %add3A_689 = arith.addf %add3A_681, %mul3A_688 : vector<16xf32>
      %add3A_690 = arith.constant 24 : i32
      %add3A_691 = arith.addi %mul3A_501, %add3A_690 : i32
      %get3A_692 = arith.index_cast %add3A_691 : i32 to index
      %get3A_693 = arith.constant 0 : index
      %get3A_694 = tpu.vector_load %arg9[%get3A_692, %get3A_693] {strides = array<i32>} : memref<3328x16xf32, #tpu.memory_space<vmem>>, vector<16xf32>,
      %add3A_695 = arith.addf %add3A_687, %get3A_694 : vector<16xf32>
      %mul3A_696 = arith.mulf %get3A_694, %get3A_694 : vector<16xf32>
      %add3A_697 = arith.addf %add3A_689, %mul3A_696 : vector<16xf32>
      %add3A_698 = arith.constant 25 : i32
      %add3A_699 = arith.addi %mul3A_501, %add3A_698 : i32
      %get3A_700 = arith.index_cast %add3A_699 : i32 to index
      %get3A_701 = arith.constant 0 : index
      %get3A_702 = tpu.vector_load %arg9[%get3A_700, %get3A_701] {strides = array<i32>} : memref<3328x16xf32, #tpu.memory_space<vmem>>, vector<16xf32>,
      %add3A_703 = arith.addf %add3A_695, %get3A_702 : vector<16xf32>
      %mul3A_704 = arith.mulf %get3A_702, %get3A_702 : vector<16xf32>
      %add3A_705 = arith.addf %add3A_697, %mul3A_704 : vector<16xf32>
      %mul3A_706 = arith.mulf %add3A_703, %add3A_703 : vector<16xf32>
      %sub3A_707 = arith.subf %mul3A_706, %add3A_705 : vector<16xf32>
      %get3A_708 = arith.index_cast %mul3A_501 : i32 to index
      %get3A_709 = tpu.vector_load %arg10[%get3A_708] {strides = array<i32>} : memref<3344xf32, #tpu.memory_space<vmem>>, vector<16xf32>,
      %add3A_710 = arith.constant 16 : i32
      %add3A_711 = arith.addi %mul3A_501, %add3A_710 : i32
      %get3A_712 = arith.index_cast %add3A_711 : i32 to index
      %get3A_713 = tpu.vector_load %arg10[%get3A_712] {strides = array<i32>} : memref<3344xf32, #tpu.memory_space<vmem>>, vector<16xf32>,
      %mul3A_714 = arith.constant 5.000000e-01 : f32
      %mul3A_715 = vector.broadcast %mul3A_714 : f32 to vector<16xf32>
      %mul3A_716 = arith.mulf %mul3A_715, %sub3A_707 : vector<16xf32>
      %add3A_717 = arith.addf %mul3A_716, %get3A_709 : vector<16xf32>
      %mul3A_718 = arith.mulf %get3A_713, %select_n3A : vector<16xf32>
      %add3A_719 = arith.addf %add3A_717, %mul3A_718 : vector<16xf32>
      %eq3A_720 = arith.constant 2 : i32
      %eq3A_721 = vector.broadcast %eq3A_720 : i32 to vector<16xi32>
      %eq3A_722 = arith.cmpi eq, %iota3A, %eq3A_721 : vector<16xi32>
      %reduce_sum3A_723 = arith.constant true
      %reduce_sum3A_724 = vector.broadcast %reduce_sum3A_723 : i1 to vector<16xi1>
      %reduce_sum3A_725 = tpu.scan <sum>, %add3A_719 masked %reduce_sum3A_724 : vector<16xf32>, vector<16xi1> -> vector<16xf32>
      %reduce_sum3A_726 = vector.extract %reduce_sum3A_725[15] : f32 from vector<16xf32>
      %broadcast_in_dim3A_727 = vector.broadcast %reduce_sum3A_726 : f32 to vector<16xf32>
      %select_n3A_728 = arith.select %eq3A_722, %broadcast_in_dim3A_727, %select_n3A_497 : vector<16xi1>, vector<16xf32>
      %add3A_729 = arith.constant 3 : i32
      %add3A_730 = arith.addi %mul3A_38, %add3A_729 : i32
      %mul3A_731 = arith.constant 26 : i32
      %mul3A_732 = arith.muli %add3A_730, %mul3A_731 : i32
      %get3A_733 = arith.index_cast %mul3A_732 : i32 to index
      %get3A_734 = arith.constant 0 : index
      %get3A_735 = tpu.vector_load %arg9[%get3A_733, %get3A_734] {strides = array<i32>} : memref<3328x16xf32, #tpu.memory_space<vmem>>, vector<16xf32>,
      %mul3A_736 = arith.mulf %get3A_735, %get3A_735 : vector<16xf32>
      %add3A_737 = arith.constant 1 : i32
      %add3A_738 = arith.addi %mul3A_732, %add3A_737 : i32
      %get3A_739 = arith.index_cast %add3A_738 : i32 to index
      %get3A_740 = arith.constant 0 : index
      %get3A_741 = tpu.vector_load %arg9[%get3A_739, %get3A_740] {strides = array<i32>} : memref<3328x16xf32, #tpu.memory_space<vmem>>, vector<16xf32>,
      %add3A_742 = arith.addf %get3A_735, %get3A_741 : vector<16xf32>
      %mul3A_743 = arith.mulf %get3A_741, %get3A_741 : vector<16xf32>
      %add3A_744 = arith.addf %mul3A_736, %mul3A_743 : vector<16xf32>
      %add3A_745 = arith.constant 2 : i32
      %add3A_746 = arith.addi %mul3A_732, %add3A_745 : i32
      %get3A_747 = arith.index_cast %add3A_746 : i32 to index
      %get3A_748 = arith.constant 0 : index
      %get3A_749 = tpu.vector_load %arg9[%get3A_747, %get3A_748] {strides = array<i32>} : memref<3328x16xf32, #tpu.memory_space<vmem>>, vector<16xf32>,
      %add3A_750 = arith.addf %add3A_742, %get3A_749 : vector<16xf32>
      %mul3A_751 = arith.mulf %get3A_749, %get3A_749 : vector<16xf32>
      %add3A_752 = arith.addf %add3A_744, %mul3A_751 : vector<16xf32>
      %add3A_753 = arith.constant 3 : i32
      %add3A_754 = arith.addi %mul3A_732, %add3A_753 : i32
      %get3A_755 = arith.index_cast %add3A_754 : i32 to index
      %get3A_756 = arith.constant 0 : index
      %get3A_757 = tpu.vector_load %arg9[%get3A_755, %get3A_756] {strides = array<i32>} : memref<3328x16xf32, #tpu.memory_space<vmem>>, vector<16xf32>,
      %add3A_758 = arith.addf %add3A_750, %get3A_757 : vector<16xf32>
      %mul3A_759 = arith.mulf %get3A_757, %get3A_757 : vector<16xf32>
      %add3A_760 = arith.addf %add3A_752, %mul3A_759 : vector<16xf32>
      %add3A_761 = arith.constant 4 : i32
      %add3A_762 = arith.addi %mul3A_732, %add3A_761 : i32
      %get3A_763 = arith.index_cast %add3A_762 : i32 to index
      %get3A_764 = arith.constant 0 : index
      %get3A_765 = tpu.vector_load %arg9[%get3A_763, %get3A_764] {strides = array<i32>} : memref<3328x16xf32, #tpu.memory_space<vmem>>, vector<16xf32>,
      %add3A_766 = arith.addf %add3A_758, %get3A_765 : vector<16xf32>
      %mul3A_767 = arith.mulf %get3A_765, %get3A_765 : vector<16xf32>
      %add3A_768 = arith.addf %add3A_760, %mul3A_767 : vector<16xf32>
      %add3A_769 = arith.constant 5 : i32
      %add3A_770 = arith.addi %mul3A_732, %add3A_769 : i32
      %get3A_771 = arith.index_cast %add3A_770 : i32 to index
      %get3A_772 = arith.constant 0 : index
      %get3A_773 = tpu.vector_load %arg9[%get3A_771, %get3A_772] {strides = array<i32>} : memref<3328x16xf32, #tpu.memory_space<vmem>>, vector<16xf32>,
      %add3A_774 = arith.addf %add3A_766, %get3A_773 : vector<16xf32>
      %mul3A_775 = arith.mulf %get3A_773, %get3A_773 : vector<16xf32>
      %add3A_776 = arith.addf %add3A_768, %mul3A_775 : vector<16xf32>
      %add3A_777 = arith.constant 6 : i32
      %add3A_778 = arith.addi %mul3A_732, %add3A_777 : i32
      %get3A_779 = arith.index_cast %add3A_778 : i32 to index
      %get3A_780 = arith.constant 0 : index
      %get3A_781 = tpu.vector_load %arg9[%get3A_779, %get3A_780] {strides = array<i32>} : memref<3328x16xf32, #tpu.memory_space<vmem>>, vector<16xf32>,
      %add3A_782 = arith.addf %add3A_774, %get3A_781 : vector<16xf32>
      %mul3A_783 = arith.mulf %get3A_781, %get3A_781 : vector<16xf32>
      %add3A_784 = arith.addf %add3A_776, %mul3A_783 : vector<16xf32>
      %add3A_785 = arith.constant 7 : i32
      %add3A_786 = arith.addi %mul3A_732, %add3A_785 : i32
      %get3A_787 = arith.index_cast %add3A_786 : i32 to index
      %get3A_788 = arith.constant 0 : index
      %get3A_789 = tpu.vector_load %arg9[%get3A_787, %get3A_788] {strides = array<i32>} : memref<3328x16xf32, #tpu.memory_space<vmem>>, vector<16xf32>,
      %add3A_790 = arith.addf %add3A_782, %get3A_789 : vector<16xf32>
      %mul3A_791 = arith.mulf %get3A_789, %get3A_789 : vector<16xf32>
      %add3A_792 = arith.addf %add3A_784, %mul3A_791 : vector<16xf32>
      %add3A_793 = arith.constant 8 : i32
      %add3A_794 = arith.addi %mul3A_732, %add3A_793 : i32
      %get3A_795 = arith.index_cast %add3A_794 : i32 to index
      %get3A_796 = arith.constant 0 : index
      %get3A_797 = tpu.vector_load %arg9[%get3A_795, %get3A_796] {strides = array<i32>} : memref<3328x16xf32, #tpu.memory_space<vmem>>, vector<16xf32>,
      %add3A_798 = arith.addf %add3A_790, %get3A_797 : vector<16xf32>
      %mul3A_799 = arith.mulf %get3A_797, %get3A_797 : vector<16xf32>
      %add3A_800 = arith.addf %add3A_792, %mul3A_799 : vector<16xf32>
      %add3A_801 = arith.constant 9 : i32
      %add3A_802 = arith.addi %mul3A_732, %add3A_801 : i32
      %get3A_803 = arith.index_cast %add3A_802 : i32 to index
      %get3A_804 = arith.constant 0 : index
      %get3A_805 = tpu.vector_load %arg9[%get3A_803, %get3A_804] {strides = array<i32>} : memref<3328x16xf32, #tpu.memory_space<vmem>>, vector<16xf32>,
      %add3A_806 = arith.addf %add3A_798, %get3A_805 : vector<16xf32>
      %mul3A_807 = arith.mulf %get3A_805, %get3A_805 : vector<16xf32>
      %add3A_808 = arith.addf %add3A_800, %mul3A_807 : vector<16xf32>
      %add3A_809 = arith.constant 10 : i32
      %add3A_810 = arith.addi %mul3A_732, %add3A_809 : i32
      %get3A_811 = arith.index_cast %add3A_810 : i32 to index
      %get3A_812 = arith.constant 0 : index
      %get3A_813 = tpu.vector_load %arg9[%get3A_811, %get3A_812] {strides = array<i32>} : memref<3328x16xf32, #tpu.memory_space<vmem>>, vector<16xf32>,
      %add3A_814 = arith.addf %add3A_806, %get3A_813 : vector<16xf32>
      %mul3A_815 = arith.mulf %get3A_813, %get3A_813 : vector<16xf32>
      %add3A_816 = arith.addf %add3A_808, %mul3A_815 : vector<16xf32>
      %add3A_817 = arith.constant 11 : i32
      %add3A_818 = arith.addi %mul3A_732, %add3A_817 : i32
      %get3A_819 = arith.index_cast %add3A_818 : i32 to index
      %get3A_820 = arith.constant 0 : index
      %get3A_821 = tpu.vector_load %arg9[%get3A_819, %get3A_820] {strides = array<i32>} : memref<3328x16xf32, #tpu.memory_space<vmem>>, vector<16xf32>,
      %add3A_822 = arith.addf %add3A_814, %get3A_821 : vector<16xf32>
      %mul3A_823 = arith.mulf %get3A_821, %get3A_821 : vector<16xf32>
      %add3A_824 = arith.addf %add3A_816, %mul3A_823 : vector<16xf32>
      %add3A_825 = arith.constant 12 : i32
      %add3A_826 = arith.addi %mul3A_732, %add3A_825 : i32
      %get3A_827 = arith.index_cast %add3A_826 : i32 to index
      %get3A_828 = arith.constant 0 : index
      %get3A_829 = tpu.vector_load %arg9[%get3A_827, %get3A_828] {strides = array<i32>} : memref<3328x16xf32, #tpu.memory_space<vmem>>, vector<16xf32>,
      %add3A_830 = arith.addf %add3A_822, %get3A_829 : vector<16xf32>
      %mul3A_831 = arith.mulf %get3A_829, %get3A_829 : vector<16xf32>
      %add3A_832 = arith.addf %add3A_824, %mul3A_831 : vector<16xf32>
      %add3A_833 = arith.constant 13 : i32
      %add3A_834 = arith.addi %mul3A_732, %add3A_833 : i32
      %get3A_835 = arith.index_cast %add3A_834 : i32 to index
      %get3A_836 = arith.constant 0 : index
      %get3A_837 = tpu.vector_load %arg9[%get3A_835, %get3A_836] {strides = array<i32>} : memref<3328x16xf32, #tpu.memory_space<vmem>>, vector<16xf32>,
      %add3A_838 = arith.addf %add3A_830, %get3A_837 : vector<16xf32>
      %mul3A_839 = arith.mulf %get3A_837, %get3A_837 : vector<16xf32>
      %add3A_840 = arith.addf %add3A_832, %mul3A_839 : vector<16xf32>
      %add3A_841 = arith.constant 14 : i32
      %add3A_842 = arith.addi %mul3A_732, %add3A_841 : i32
      %get3A_843 = arith.index_cast %add3A_842 : i32 to index
      %get3A_844 = arith.constant 0 : index
      %get3A_845 = tpu.vector_load %arg9[%get3A_843, %get3A_844] {strides = array<i32>} : memref<3328x16xf32, #tpu.memory_space<vmem>>, vector<16xf32>,
      %add3A_846 = arith.addf %add3A_838, %get3A_845 : vector<16xf32>
      %mul3A_847 = arith.mulf %get3A_845, %get3A_845 : vector<16xf32>
      %add3A_848 = arith.addf %add3A_840, %mul3A_847 : vector<16xf32>
      %add3A_849 = arith.constant 15 : i32
      %add3A_850 = arith.addi %mul3A_732, %add3A_849 : i32
      %get3A_851 = arith.index_cast %add3A_850 : i32 to index
      %get3A_852 = arith.constant 0 : index
      %get3A_853 = tpu.vector_load %arg9[%get3A_851, %get3A_852] {strides = array<i32>} : memref<3328x16xf32, #tpu.memory_space<vmem>>, vector<16xf32>,
      %add3A_854 = arith.addf %add3A_846, %get3A_853 : vector<16xf32>
      %mul3A_855 = arith.mulf %get3A_853, %get3A_853 : vector<16xf32>
      %add3A_856 = arith.addf %add3A_848, %mul3A_855 : vector<16xf32>
      %add3A_857 = arith.constant 16 : i32
      %add3A_858 = arith.addi %mul3A_732, %add3A_857 : i32
      %get3A_859 = arith.index_cast %add3A_858 : i32 to index
      %get3A_860 = arith.constant 0 : index
      %get3A_861 = tpu.vector_load %arg9[%get3A_859, %get3A_860] {strides = array<i32>} : memref<3328x16xf32, #tpu.memory_space<vmem>>, vector<16xf32>,
      %add3A_862 = arith.addf %add3A_854, %get3A_861 : vector<16xf32>
      %mul3A_863 = arith.mulf %get3A_861, %get3A_861 : vector<16xf32>
      %add3A_864 = arith.addf %add3A_856, %mul3A_863 : vector<16xf32>
      %add3A_865 = arith.constant 17 : i32
      %add3A_866 = arith.addi %mul3A_732, %add3A_865 : i32
      %get3A_867 = arith.index_cast %add3A_866 : i32 to index
      %get3A_868 = arith.constant 0 : index
      %get3A_869 = tpu.vector_load %arg9[%get3A_867, %get3A_868] {strides = array<i32>} : memref<3328x16xf32, #tpu.memory_space<vmem>>, vector<16xf32>,
      %add3A_870 = arith.addf %add3A_862, %get3A_869 : vector<16xf32>
      %mul3A_871 = arith.mulf %get3A_869, %get3A_869 : vector<16xf32>
      %add3A_872 = arith.addf %add3A_864, %mul3A_871 : vector<16xf32>
      %add3A_873 = arith.constant 18 : i32
      %add3A_874 = arith.addi %mul3A_732, %add3A_873 : i32
      %get3A_875 = arith.index_cast %add3A_874 : i32 to index
      %get3A_876 = arith.constant 0 : index
      %get3A_877 = tpu.vector_load %arg9[%get3A_875, %get3A_876] {strides = array<i32>} : memref<3328x16xf32, #tpu.memory_space<vmem>>, vector<16xf32>,
      %add3A_878 = arith.addf %add3A_870, %get3A_877 : vector<16xf32>
      %mul3A_879 = arith.mulf %get3A_877, %get3A_877 : vector<16xf32>
      %add3A_880 = arith.addf %add3A_872, %mul3A_879 : vector<16xf32>
      %add3A_881 = arith.constant 19 : i32
      %add3A_882 = arith.addi %mul3A_732, %add3A_881 : i32
      %get3A_883 = arith.index_cast %add3A_882 : i32 to index
      %get3A_884 = arith.constant 0 : index
      %get3A_885 = tpu.vector_load %arg9[%get3A_883, %get3A_884] {strides = array<i32>} : memref<3328x16xf32, #tpu.memory_space<vmem>>, vector<16xf32>,
      %add3A_886 = arith.addf %add3A_878, %get3A_885 : vector<16xf32>
      %mul3A_887 = arith.mulf %get3A_885, %get3A_885 : vector<16xf32>
      %add3A_888 = arith.addf %add3A_880, %mul3A_887 : vector<16xf32>
      %add3A_889 = arith.constant 20 : i32
      %add3A_890 = arith.addi %mul3A_732, %add3A_889 : i32
      %get3A_891 = arith.index_cast %add3A_890 : i32 to index
      %get3A_892 = arith.constant 0 : index
      %get3A_893 = tpu.vector_load %arg9[%get3A_891, %get3A_892] {strides = array<i32>} : memref<3328x16xf32, #tpu.memory_space<vmem>>, vector<16xf32>,
      %add3A_894 = arith.addf %add3A_886, %get3A_893 : vector<16xf32>
      %mul3A_895 = arith.mulf %get3A_893, %get3A_893 : vector<16xf32>
      %add3A_896 = arith.addf %add3A_888, %mul3A_895 : vector<16xf32>
      %add3A_897 = arith.constant 21 : i32
      %add3A_898 = arith.addi %mul3A_732, %add3A_897 : i32
      %get3A_899 = arith.index_cast %add3A_898 : i32 to index
      %get3A_900 = arith.constant 0 : index
      %get3A_901 = tpu.vector_load %arg9[%get3A_899, %get3A_900] {strides = array<i32>} : memref<3328x16xf32, #tpu.memory_space<vmem>>, vector<16xf32>,
      %add3A_902 = arith.addf %add3A_894, %get3A_901 : vector<16xf32>
      %mul3A_903 = arith.mulf %get3A_901, %get3A_901 : vector<16xf32>
      %add3A_904 = arith.addf %add3A_896, %mul3A_903 : vector<16xf32>
      %add3A_905 = arith.constant 22 : i32
      %add3A_906 = arith.addi %mul3A_732, %add3A_905 : i32
      %get3A_907 = arith.index_cast %add3A_906 : i32 to index
      %get3A_908 = arith.constant 0 : index
      %get3A_909 = tpu.vector_load %arg9[%get3A_907, %get3A_908] {strides = array<i32>} : memref<3328x16xf32, #tpu.memory_space<vmem>>, vector<16xf32>,
      %add3A_910 = arith.addf %add3A_902, %get3A_909 : vector<16xf32>
      %mul3A_911 = arith.mulf %get3A_909, %get3A_909 : vector<16xf32>
      %add3A_912 = arith.addf %add3A_904, %mul3A_911 : vector<16xf32>
      %add3A_913 = arith.constant 23 : i32
      %add3A_914 = arith.addi %mul3A_732, %add3A_913 : i32
      %get3A_915 = arith.index_cast %add3A_914 : i32 to index
      %get3A_916 = arith.constant 0 : index
      %get3A_917 = tpu.vector_load %arg9[%get3A_915, %get3A_916] {strides = array<i32>} : memref<3328x16xf32, #tpu.memory_space<vmem>>, vector<16xf32>,
      %add3A_918 = arith.addf %add3A_910, %get3A_917 : vector<16xf32>
      %mul3A_919 = arith.mulf %get3A_917, %get3A_917 : vector<16xf32>
      %add3A_920 = arith.addf %add3A_912, %mul3A_919 : vector<16xf32>
      %add3A_921 = arith.constant 24 : i32
      %add3A_922 = arith.addi %mul3A_732, %add3A_921 : i32
      %get3A_923 = arith.index_cast %add3A_922 : i32 to index
      %get3A_924 = arith.constant 0 : index
      %get3A_925 = tpu.vector_load %arg9[%get3A_923, %get3A_924] {strides = array<i32>} : memref<3328x16xf32, #tpu.memory_space<vmem>>, vector<16xf32>,
      %add3A_926 = arith.addf %add3A_918, %get3A_925 : vector<16xf32>
      %mul3A_927 = arith.mulf %get3A_925, %get3A_925 : vector<16xf32>
      %add3A_928 = arith.addf %add3A_920, %mul3A_927 : vector<16xf32>
      %add3A_929 = arith.constant 25 : i32
      %add3A_930 = arith.addi %mul3A_732, %add3A_929 : i32
      %get3A_931 = arith.index_cast %add3A_930 : i32 to index
      %get3A_932 = arith.constant 0 : index
      %get3A_933 = tpu.vector_load %arg9[%get3A_931, %get3A_932] {strides = array<i32>} : memref<3328x16xf32, #tpu.memory_space<vmem>>, vector<16xf32>,
      %add3A_934 = arith.addf %add3A_926, %get3A_933 : vector<16xf32>
      %mul3A_935 = arith.mulf %get3A_933, %get3A_933 : vector<16xf32>
      %add3A_936 = arith.addf %add3A_928, %mul3A_935 : vector<16xf32>
      %mul3A_937 = arith.mulf %add3A_934, %add3A_934 : vector<16xf32>
      %sub3A_938 = arith.subf %mul3A_937, %add3A_936 : vector<16xf32>
      %get3A_939 = arith.index_cast %mul3A_732 : i32 to index
      %get3A_940 = tpu.vector_load %arg10[%get3A_939] {strides = array<i32>} : memref<3344xf32, #tpu.memory_space<vmem>>, vector<16xf32>,
      %add3A_941 = arith.constant 16 : i32
      %add3A_942 = arith.addi %mul3A_732, %add3A_941 : i32
      %get3A_943 = arith.index_cast %add3A_942 : i32 to index
      %get3A_944 = tpu.vector_load %arg10[%get3A_943] {strides = array<i32>} : memref<3344xf32, #tpu.memory_space<vmem>>, vector<16xf32>,
      %mul3A_945 = arith.constant 5.000000e-01 : f32
      %mul3A_946 = vector.broadcast %mul3A_945 : f32 to vector<16xf32>
      %mul3A_947 = arith.mulf %mul3A_946, %sub3A_938 : vector<16xf32>
      %add3A_948 = arith.addf %mul3A_947, %get3A_940 : vector<16xf32>
      %mul3A_949 = arith.mulf %get3A_944, %select_n3A : vector<16xf32>
      %add3A_950 = arith.addf %add3A_948, %mul3A_949 : vector<16xf32>
      %eq3A_951 = arith.constant 3 : i32
      %eq3A_952 = vector.broadcast %eq3A_951 : i32 to vector<16xi32>
      %eq3A_953 = arith.cmpi eq, %iota3A, %eq3A_952 : vector<16xi32>
      %reduce_sum3A_954 = arith.constant true
      %reduce_sum3A_955 = vector.broadcast %reduce_sum3A_954 : i1 to vector<16xi1>
      %reduce_sum3A_956 = tpu.scan <sum>, %add3A_950 masked %reduce_sum3A_955 : vector<16xf32>, vector<16xi1> -> vector<16xf32>
      %reduce_sum3A_957 = vector.extract %reduce_sum3A_956[15] : f32 from vector<16xf32>
      %broadcast_in_dim3A_958 = vector.broadcast %reduce_sum3A_957 : f32 to vector<16xf32>
      %select_n3A_959 = arith.select %eq3A_953, %broadcast_in_dim3A_958, %select_n3A_728 : vector<16xi1>, vector<16xf32>
      %add3A_960 = arith.constant 4 : i32
      %add3A_961 = arith.addi %mul3A_38, %add3A_960 : i32
      %mul3A_962 = arith.constant 26 : i32
      %mul3A_963 = arith.muli %add3A_961, %mul3A_962 : i32
      %get3A_964 = arith.index_cast %mul3A_963 : i32 to index
      %get3A_965 = arith.constant 0 : index
      %get3A_966 = tpu.vector_load %arg9[%get3A_964, %get3A_965] {strides = array<i32>} : memref<3328x16xf32, #tpu.memory_space<vmem>>, vector<16xf32>,
      %mul3A_967 = arith.mulf %get3A_966, %get3A_966 : vector<16xf32>
      %add3A_968 = arith.constant 1 : i32
      %add3A_969 = arith.addi %mul3A_963, %add3A_968 : i32
      %get3A_970 = arith.index_cast %add3A_969 : i32 to index
      %get3A_971 = arith.constant 0 : index
      %get3A_972 = tpu.vector_load %arg9[%get3A_970, %get3A_971] {strides = array<i32>} : memref<3328x16xf32, #tpu.memory_space<vmem>>, vector<16xf32>,
      %add3A_973 = arith.addf %get3A_966, %get3A_972 : vector<16xf32>
      %mul3A_974 = arith.mulf %get3A_972, %get3A_972 : vector<16xf32>
      %add3A_975 = arith.addf %mul3A_967, %mul3A_974 : vector<16xf32>
      %add3A_976 = arith.constant 2 : i32
      %add3A_977 = arith.addi %mul3A_963, %add3A_976 : i32
      %get3A_978 = arith.index_cast %add3A_977 : i32 to index
      %get3A_979 = arith.constant 0 : index
      %get3A_980 = tpu.vector_load %arg9[%get3A_978, %get3A_979] {strides = array<i32>} : memref<3328x16xf32, #tpu.memory_space<vmem>>, vector<16xf32>,
      %add3A_981 = arith.addf %add3A_973, %get3A_980 : vector<16xf32>
      %mul3A_982 = arith.mulf %get3A_980, %get3A_980 : vector<16xf32>
      %add3A_983 = arith.addf %add3A_975, %mul3A_982 : vector<16xf32>
      %add3A_984 = arith.constant 3 : i32
      %add3A_985 = arith.addi %mul3A_963, %add3A_984 : i32
      %get3A_986 = arith.index_cast %add3A_985 : i32 to index
      %get3A_987 = arith.constant 0 : index
      %get3A_988 = tpu.vector_load %arg9[%get3A_986, %get3A_987] {strides = array<i32>} : memref<3328x16xf32, #tpu.memory_space<vmem>>, vector<16xf32>,
      %add3A_989 = arith.addf %add3A_981, %get3A_988 : vector<16xf32>
      %mul3A_990 = arith.mulf %get3A_988, %get3A_988 : vector<16xf32>
      %add3A_991 = arith.addf %add3A_983, %mul3A_990 : vector<16xf32>
      %add3A_992 = arith.constant 4 : i32
      %add3A_993 = arith.addi %mul3A_963, %add3A_992 : i32
      %get3A_994 = arith.index_cast %add3A_993 : i32 to index
      %get3A_995 = arith.constant 0 : index
      %get3A_996 = tpu.vector_load %arg9[%get3A_994, %get3A_995] {strides = array<i32>} : memref<3328x16xf32, #tpu.memory_space<vmem>>, vector<16xf32>,
      %add3A_997 = arith.addf %add3A_989, %get3A_996 : vector<16xf32>
      %mul3A_998 = arith.mulf %get3A_996, %get3A_996 : vector<16xf32>
      %add3A_999 = arith.addf %add3A_991, %mul3A_998 : vector<16xf32>
      %add3A_1000 = arith.constant 5 : i32
      %add3A_1001 = arith.addi %mul3A_963, %add3A_1000 : i32
      %get3A_1002 = arith.index_cast %add3A_1001 : i32 to index
      %get3A_1003 = arith.constant 0 : index
      %get3A_1004 = tpu.vector_load %arg9[%get3A_1002, %get3A_1003] {strides = array<i32>} : memref<3328x16xf32, #tpu.memory_space<vmem>>, vector<16xf32>,
      %add3A_1005 = arith.addf %add3A_997, %get3A_1004 : vector<16xf32>
      %mul3A_1006 = arith.mulf %get3A_1004, %get3A_1004 : vector<16xf32>
      %add3A_1007 = arith.addf %add3A_999, %mul3A_1006 : vector<16xf32>
      %add3A_1008 = arith.constant 6 : i32
      %add3A_1009 = arith.addi %mul3A_963, %add3A_1008 : i32
      %get3A_1010 = arith.index_cast %add3A_1009 : i32 to index
      %get3A_1011 = arith.constant 0 : index
      %get3A_1012 = tpu.vector_load %arg9[%get3A_1010, %get3A_1011] {strides = array<i32>} : memref<3328x16xf32, #tpu.memory_space<vmem>>, vector<16xf32>,
      %add3A_1013 = arith.addf %add3A_1005, %get3A_1012 : vector<16xf32>
      %mul3A_1014 = arith.mulf %get3A_1012, %get3A_1012 : vector<16xf32>
      %add3A_1015 = arith.addf %add3A_1007, %mul3A_1014 : vector<16xf32>
      %add3A_1016 = arith.constant 7 : i32
      %add3A_1017 = arith.addi %mul3A_963, %add3A_1016 : i32
      %get3A_1018 = arith.index_cast %add3A_1017 : i32 to index
      %get3A_1019 = arith.constant 0 : index
      %get3A_1020 = tpu.vector_load %arg9[%get3A_1018, %get3A_1019] {strides = array<i32>} : memref<3328x16xf32, #tpu.memory_space<vmem>>, vector<16xf32>,
      %add3A_1021 = arith.addf %add3A_1013, %get3A_1020 : vector<16xf32>
      %mul3A_1022 = arith.mulf %get3A_1020, %get3A_1020 : vector<16xf32>
      %add3A_1023 = arith.addf %add3A_1015, %mul3A_1022 : vector<16xf32>
      %add3A_1024 = arith.constant 8 : i32
      %add3A_1025 = arith.addi %mul3A_963, %add3A_1024 : i32
      %get3A_1026 = arith.index_cast %add3A_1025 : i32 to index
      %get3A_1027 = arith.constant 0 : index
      %get3A_1028 = tpu.vector_load %arg9[%get3A_1026, %get3A_1027] {strides = array<i32>} : memref<3328x16xf32, #tpu.memory_space<vmem>>, vector<16xf32>,
      %add3A_1029 = arith.addf %add3A_1021, %get3A_1028 : vector<16xf32>
      %mul3A_1030 = arith.mulf %get3A_1028, %get3A_1028 : vector<16xf32>
      %add3A_1031 = arith.addf %add3A_1023, %mul3A_1030 : vector<16xf32>
      %add3A_1032 = arith.constant 9 : i32
      %add3A_1033 = arith.addi %mul3A_963, %add3A_1032 : i32
      %get3A_1034 = arith.index_cast %add3A_1033 : i32 to index
      %get3A_1035 = arith.constant 0 : index
      %get3A_1036 = tpu.vector_load %arg9[%get3A_1034, %get3A_1035] {strides = array<i32>} : memref<3328x16xf32, #tpu.memory_space<vmem>>, vector<16xf32>,
      %add3A_1037 = arith.addf %add3A_1029, %get3A_1036 : vector<16xf32>
      %mul3A_1038 = arith.mulf %get3A_1036, %get3A_1036 : vector<16xf32>
      %add3A_1039 = arith.addf %add3A_1031, %mul3A_1038 : vector<16xf32>
      %add3A_1040 = arith.constant 10 : i32
      %add3A_1041 = arith.addi %mul3A_963, %add3A_1040 : i32
      %get3A_1042 = arith.index_cast %add3A_1041 : i32 to index
      %get3A_1043 = arith.constant 0 : index
      %get3A_1044 = tpu.vector_load %arg9[%get3A_1042, %get3A_1043] {strides = array<i32>} : memref<3328x16xf32, #tpu.memory_space<vmem>>, vector<16xf32>,
      %add3A_1045 = arith.addf %add3A_1037, %get3A_1044 : vector<16xf32>
      %mul3A_1046 = arith.mulf %get3A_1044, %get3A_1044 : vector<16xf32>
      %add3A_1047 = arith.addf %add3A_1039, %mul3A_1046 : vector<16xf32>
      %add3A_1048 = arith.constant 11 : i32
      %add3A_1049 = arith.addi %mul3A_963, %add3A_1048 : i32
      %get3A_1050 = arith.index_cast %add3A_1049 : i32 to index
      %get3A_1051 = arith.constant 0 : index
      %get3A_1052 = tpu.vector_load %arg9[%get3A_1050, %get3A_1051] {strides = array<i32>} : memref<3328x16xf32, #tpu.memory_space<vmem>>, vector<16xf32>,
      %add3A_1053 = arith.addf %add3A_1045, %get3A_1052 : vector<16xf32>
      %mul3A_1054 = arith.mulf %get3A_1052, %get3A_1052 : vector<16xf32>
      %add3A_1055 = arith.addf %add3A_1047, %mul3A_1054 : vector<16xf32>
      %add3A_1056 = arith.constant 12 : i32
      %add3A_1057 = arith.addi %mul3A_963, %add3A_1056 : i32
      %get3A_1058 = arith.index_cast %add3A_1057 : i32 to index
      %get3A_1059 = arith.constant 0 : index
      %get3A_1060 = tpu.vector_load %arg9[%get3A_1058, %get3A_1059] {strides = array<i32>} : memref<3328x16xf32, #tpu.memory_space<vmem>>, vector<16xf32>,
      %add3A_1061 = arith.addf %add3A_1053, %get3A_1060 : vector<16xf32>
      %mul3A_1062 = arith.mulf %get3A_1060, %get3A_1060 : vector<16xf32>
      %add3A_1063 = arith.addf %add3A_1055, %mul3A_1062 : vector<16xf32>
      %add3A_1064 = arith.constant 13 : i32
      %add3A_1065 = arith.addi %mul3A_963, %add3A_1064 : i32
      %get3A_1066 = arith.index_cast %add3A_1065 : i32 to index
      %get3A_1067 = arith.constant 0 : index
      %get3A_1068 = tpu.vector_load %arg9[%get3A_1066, %get3A_1067] {strides = array<i32>} : memref<3328x16xf32, #tpu.memory_space<vmem>>, vector<16xf32>,
      %add3A_1069 = arith.addf %add3A_1061, %get3A_1068 : vector<16xf32>
      %mul3A_1070 = arith.mulf %get3A_1068, %get3A_1068 : vector<16xf32>
      %add3A_1071 = arith.addf %add3A_1063, %mul3A_1070 : vector<16xf32>
      %add3A_1072 = arith.constant 14 : i32
      %add3A_1073 = arith.addi %mul3A_963, %add3A_1072 : i32
      %get3A_1074 = arith.index_cast %add3A_1073 : i32 to index
      %get3A_1075 = arith.constant 0 : index
      %get3A_1076 = tpu.vector_load %arg9[%get3A_1074, %get3A_1075] {strides = array<i32>} : memref<3328x16xf32, #tpu.memory_space<vmem>>, vector<16xf32>,
      %add3A_1077 = arith.addf %add3A_1069, %get3A_1076 : vector<16xf32>
      %mul3A_1078 = arith.mulf %get3A_1076, %get3A_1076 : vector<16xf32>
      %add3A_1079 = arith.addf %add3A_1071, %mul3A_1078 : vector<16xf32>
      %add3A_1080 = arith.constant 15 : i32
      %add3A_1081 = arith.addi %mul3A_963, %add3A_1080 : i32
      %get3A_1082 = arith.index_cast %add3A_1081 : i32 to index
      %get3A_1083 = arith.constant 0 : index
      %get3A_1084 = tpu.vector_load %arg9[%get3A_1082, %get3A_1083] {strides = array<i32>} : memref<3328x16xf32, #tpu.memory_space<vmem>>, vector<16xf32>,
      %add3A_1085 = arith.addf %add3A_1077, %get3A_1084 : vector<16xf32>
      %mul3A_1086 = arith.mulf %get3A_1084, %get3A_1084 : vector<16xf32>
      %add3A_1087 = arith.addf %add3A_1079, %mul3A_1086 : vector<16xf32>
      %add3A_1088 = arith.constant 16 : i32
      %add3A_1089 = arith.addi %mul3A_963, %add3A_1088 : i32
      %get3A_1090 = arith.index_cast %add3A_1089 : i32 to index
      %get3A_1091 = arith.constant 0 : index
      %get3A_1092 = tpu.vector_load %arg9[%get3A_1090, %get3A_1091] {strides = array<i32>} : memref<3328x16xf32, #tpu.memory_space<vmem>>, vector<16xf32>,
      %add3A_1093 = arith.addf %add3A_1085, %get3A_1092 : vector<16xf32>
      %mul3A_1094 = arith.mulf %get3A_1092, %get3A_1092 : vector<16xf32>
      %add3A_1095 = arith.addf %add3A_1087, %mul3A_1094 : vector<16xf32>
      %add3A_1096 = arith.constant 17 : i32
      %add3A_1097 = arith.addi %mul3A_963, %add3A_1096 : i32
      %get3A_1098 = arith.index_cast %add3A_1097 : i32 to index
      %get3A_1099 = arith.constant 0 : index
      %get3A_1100 = tpu.vector_load %arg9[%get3A_1098, %get3A_1099] {strides = array<i32>} : memref<3328x16xf32, #tpu.memory_space<vmem>>, vector<16xf32>,
      %add3A_1101 = arith.addf %add3A_1093, %get3A_1100 : vector<16xf32>
      %mul3A_1102 = arith.mulf %get3A_1100, %get3A_1100 : vector<16xf32>
      %add3A_1103 = arith.addf %add3A_1095, %mul3A_1102 : vector<16xf32>
      %add3A_1104 = arith.constant 18 : i32
      %add3A_1105 = arith.addi %mul3A_963, %add3A_1104 : i32
      %get3A_1106 = arith.index_cast %add3A_1105 : i32 to index
      %get3A_1107 = arith.constant 0 : index
      %get3A_1108 = tpu.vector_load %arg9[%get3A_1106, %get3A_1107] {strides = array<i32>} : memref<3328x16xf32, #tpu.memory_space<vmem>>, vector<16xf32>,
      %add3A_1109 = arith.addf %add3A_1101, %get3A_1108 : vector<16xf32>
      %mul3A_1110 = arith.mulf %get3A_1108, %get3A_1108 : vector<16xf32>
      %add3A_1111 = arith.addf %add3A_1103, %mul3A_1110 : vector<16xf32>
      %add3A_1112 = arith.constant 19 : i32
      %add3A_1113 = arith.addi %mul3A_963, %add3A_1112 : i32
      %get3A_1114 = arith.index_cast %add3A_1113 : i32 to index
      %get3A_1115 = arith.constant 0 : index
      %get3A_1116 = tpu.vector_load %arg9[%get3A_1114, %get3A_1115] {strides = array<i32>} : memref<3328x16xf32, #tpu.memory_space<vmem>>, vector<16xf32>,
      %add3A_1117 = arith.addf %add3A_1109, %get3A_1116 : vector<16xf32>
      %mul3A_1118 = arith.mulf %get3A_1116, %get3A_1116 : vector<16xf32>
      %add3A_1119 = arith.addf %add3A_1111, %mul3A_1118 : vector<16xf32>
      %add3A_1120 = arith.constant 20 : i32
      %add3A_1121 = arith.addi %mul3A_963, %add3A_1120 : i32
      %get3A_1122 = arith.index_cast %add3A_1121 : i32 to index
      %get3A_1123 = arith.constant 0 : index
      %get3A_1124 = tpu.vector_load %arg9[%get3A_1122, %get3A_1123] {strides = array<i32>} : memref<3328x16xf32, #tpu.memory_space<vmem>>, vector<16xf32>,
      %add3A_1125 = arith.addf %add3A_1117, %get3A_1124 : vector<16xf32>
      %mul3A_1126 = arith.mulf %get3A_1124, %get3A_1124 : vector<16xf32>
      %add3A_1127 = arith.addf %add3A_1119, %mul3A_1126 : vector<16xf32>
      %add3A_1128 = arith.constant 21 : i32
      %add3A_1129 = arith.addi %mul3A_963, %add3A_1128 : i32
      %get3A_1130 = arith.index_cast %add3A_1129 : i32 to index
      %get3A_1131 = arith.constant 0 : index
      %get3A_1132 = tpu.vector_load %arg9[%get3A_1130, %get3A_1131] {strides = array<i32>} : memref<3328x16xf32, #tpu.memory_space<vmem>>, vector<16xf32>,
      %add3A_1133 = arith.addf %add3A_1125, %get3A_1132 : vector<16xf32>
      %mul3A_1134 = arith.mulf %get3A_1132, %get3A_1132 : vector<16xf32>
      %add3A_1135 = arith.addf %add3A_1127, %mul3A_1134 : vector<16xf32>
      %add3A_1136 = arith.constant 22 : i32
      %add3A_1137 = arith.addi %mul3A_963, %add3A_1136 : i32
      %get3A_1138 = arith.index_cast %add3A_1137 : i32 to index
      %get3A_1139 = arith.constant 0 : index
      %get3A_1140 = tpu.vector_load %arg9[%get3A_1138, %get3A_1139] {strides = array<i32>} : memref<3328x16xf32, #tpu.memory_space<vmem>>, vector<16xf32>,
      %add3A_1141 = arith.addf %add3A_1133, %get3A_1140 : vector<16xf32>
      %mul3A_1142 = arith.mulf %get3A_1140, %get3A_1140 : vector<16xf32>
      %add3A_1143 = arith.addf %add3A_1135, %mul3A_1142 : vector<16xf32>
      %add3A_1144 = arith.constant 23 : i32
      %add3A_1145 = arith.addi %mul3A_963, %add3A_1144 : i32
      %get3A_1146 = arith.index_cast %add3A_1145 : i32 to index
      %get3A_1147 = arith.constant 0 : index
      %get3A_1148 = tpu.vector_load %arg9[%get3A_1146, %get3A_1147] {strides = array<i32>} : memref<3328x16xf32, #tpu.memory_space<vmem>>, vector<16xf32>,
      %add3A_1149 = arith.addf %add3A_1141, %get3A_1148 : vector<16xf32>
      %mul3A_1150 = arith.mulf %get3A_1148, %get3A_1148 : vector<16xf32>
      %add3A_1151 = arith.addf %add3A_1143, %mul3A_1150 : vector<16xf32>
      %add3A_1152 = arith.constant 24 : i32
      %add3A_1153 = arith.addi %mul3A_963, %add3A_1152 : i32
      %get3A_1154 = arith.index_cast %add3A_1153 : i32 to index
      %get3A_1155 = arith.constant 0 : index
      %get3A_1156 = tpu.vector_load %arg9[%get3A_1154, %get3A_1155] {strides = array<i32>} : memref<3328x16xf32, #tpu.memory_space<vmem>>, vector<16xf32>,
      %add3A_1157 = arith.addf %add3A_1149, %get3A_1156 : vector<16xf32>
      %mul3A_1158 = arith.mulf %get3A_1156, %get3A_1156 : vector<16xf32>
      %add3A_1159 = arith.addf %add3A_1151, %mul3A_1158 : vector<16xf32>
      %add3A_1160 = arith.constant 25 : i32
      %add3A_1161 = arith.addi %mul3A_963, %add3A_1160 : i32
      %get3A_1162 = arith.index_cast %add3A_1161 : i32 to index
      %get3A_1163 = arith.constant 0 : index
      %get3A_1164 = tpu.vector_load %arg9[%get3A_1162, %get3A_1163] {strides = array<i32>} : memref<3328x16xf32, #tpu.memory_space<vmem>>, vector<16xf32>,
      %add3A_1165 = arith.addf %add3A_1157, %get3A_1164 : vector<16xf32>
      %mul3A_1166 = arith.mulf %get3A_1164, %get3A_1164 : vector<16xf32>
      %add3A_1167 = arith.addf %add3A_1159, %mul3A_1166 : vector<16xf32>
      %mul3A_1168 = arith.mulf %add3A_1165, %add3A_1165 : vector<16xf32>
      %sub3A_1169 = arith.subf %mul3A_1168, %add3A_1167 : vector<16xf32>
      %get3A_1170 = arith.index_cast %mul3A_963 : i32 to index
      %get3A_1171 = tpu.vector_load %arg10[%get3A_1170] {strides = array<i32>} : memref<3344xf32, #tpu.memory_space<vmem>>, vector<16xf32>,
      %add3A_1172 = arith.constant 16 : i32
      %add3A_1173 = arith.addi %mul3A_963, %add3A_1172 : i32
      %get3A_1174 = arith.index_cast %add3A_1173 : i32 to index
      %get3A_1175 = tpu.vector_load %arg10[%get3A_1174] {strides = array<i32>} : memref<3344xf32, #tpu.memory_space<vmem>>, vector<16xf32>,
      %mul3A_1176 = arith.constant 5.000000e-01 : f32
      %mul3A_1177 = vector.broadcast %mul3A_1176 : f32 to vector<16xf32>
      %mul3A_1178 = arith.mulf %mul3A_1177, %sub3A_1169 : vector<16xf32>
      %add3A_1179 = arith.addf %mul3A_1178, %get3A_1171 : vector<16xf32>
      %mul3A_1180 = arith.mulf %get3A_1175, %select_n3A : vector<16xf32>
      %add3A_1181 = arith.addf %add3A_1179, %mul3A_1180 : vector<16xf32>
      %eq3A_1182 = arith.constant 4 : i32
      %eq3A_1183 = vector.broadcast %eq3A_1182 : i32 to vector<16xi32>
      %eq3A_1184 = arith.cmpi eq, %iota3A, %eq3A_1183 : vector<16xi32>
      %reduce_sum3A_1185 = arith.constant true
      %reduce_sum3A_1186 = vector.broadcast %reduce_sum3A_1185 : i1 to vector<16xi1>
      %reduce_sum3A_1187 = tpu.scan <sum>, %add3A_1181 masked %reduce_sum3A_1186 : vector<16xf32>, vector<16xi1> -> vector<16xf32>
      %reduce_sum3A_1188 = vector.extract %reduce_sum3A_1187[15] : f32 from vector<16xf32>
      %broadcast_in_dim3A_1189 = vector.broadcast %reduce_sum3A_1188 : f32 to vector<16xf32>
      %select_n3A_1190 = arith.select %eq3A_1184, %broadcast_in_dim3A_1189, %select_n3A_959 : vector<16xi1>, vector<16xf32>
      %add3A_1191 = arith.constant 5 : i32
      %add3A_1192 = arith.addi %mul3A_38, %add3A_1191 : i32
      %mul3A_1193 = arith.constant 26 : i32
      %mul3A_1194 = arith.muli %add3A_1192, %mul3A_1193 : i32
      %get3A_1195 = arith.index_cast %mul3A_1194 : i32 to index
      %get3A_1196 = arith.constant 0 : index
      %get3A_1197 = tpu.vector_load %arg9[%get3A_1195, %get3A_1196] {strides = array<i32>} : memref<3328x16xf32, #tpu.memory_space<vmem>>, vector<16xf32>,
      %mul3A_1198 = arith.mulf %get3A_1197, %get3A_1197 : vector<16xf32>
      %add3A_1199 = arith.constant 1 : i32
      %add3A_1200 = arith.addi %mul3A_1194, %add3A_1199 : i32
      %get3A_1201 = arith.index_cast %add3A_1200 : i32 to index
      %get3A_1202 = arith.constant 0 : index
      %get3A_1203 = tpu.vector_load %arg9[%get3A_1201, %get3A_1202] {strides = array<i32>} : memref<3328x16xf32, #tpu.memory_space<vmem>>, vector<16xf32>,
      %add3A_1204 = arith.addf %get3A_1197, %get3A_1203 : vector<16xf32>
      %mul3A_1205 = arith.mulf %get3A_1203, %get3A_1203 : vector<16xf32>
      %add3A_1206 = arith.addf %mul3A_1198, %mul3A_1205 : vector<16xf32>
      %add3A_1207 = arith.constant 2 : i32
      %add3A_1208 = arith.addi %mul3A_1194, %add3A_1207 : i32
      %get3A_1209 = arith.index_cast %add3A_1208 : i32 to index
      %get3A_1210 = arith.constant 0 : index
      %get3A_1211 = tpu.vector_load %arg9[%get3A_1209, %get3A_1210] {strides = array<i32>} : memref<3328x16xf32, #tpu.memory_space<vmem>>, vector<16xf32>,
      %add3A_1212 = arith.addf %add3A_1204, %get3A_1211 : vector<16xf32>
      %mul3A_1213 = arith.mulf %get3A_1211, %get3A_1211 : vector<16xf32>
      %add3A_1214 = arith.addf %add3A_1206, %mul3A_1213 : vector<16xf32>
      %add3A_1215 = arith.constant 3 : i32
      %add3A_1216 = arith.addi %mul3A_1194, %add3A_1215 : i32
      %get3A_1217 = arith.index_cast %add3A_1216 : i32 to index
      %get3A_1218 = arith.constant 0 : index
      %get3A_1219 = tpu.vector_load %arg9[%get3A_1217, %get3A_1218] {strides = array<i32>} : memref<3328x16xf32, #tpu.memory_space<vmem>>, vector<16xf32>,
      %add3A_1220 = arith.addf %add3A_1212, %get3A_1219 : vector<16xf32>
      %mul3A_1221 = arith.mulf %get3A_1219, %get3A_1219 : vector<16xf32>
      %add3A_1222 = arith.addf %add3A_1214, %mul3A_1221 : vector<16xf32>
      %add3A_1223 = arith.constant 4 : i32
      %add3A_1224 = arith.addi %mul3A_1194, %add3A_1223 : i32
      %get3A_1225 = arith.index_cast %add3A_1224 : i32 to index
      %get3A_1226 = arith.constant 0 : index
      %get3A_1227 = tpu.vector_load %arg9[%get3A_1225, %get3A_1226] {strides = array<i32>} : memref<3328x16xf32, #tpu.memory_space<vmem>>, vector<16xf32>,
      %add3A_1228 = arith.addf %add3A_1220, %get3A_1227 : vector<16xf32>
      %mul3A_1229 = arith.mulf %get3A_1227, %get3A_1227 : vector<16xf32>
      %add3A_1230 = arith.addf %add3A_1222, %mul3A_1229 : vector<16xf32>
      %add3A_1231 = arith.constant 5 : i32
      %add3A_1232 = arith.addi %mul3A_1194, %add3A_1231 : i32
      %get3A_1233 = arith.index_cast %add3A_1232 : i32 to index
      %get3A_1234 = arith.constant 0 : index
      %get3A_1235 = tpu.vector_load %arg9[%get3A_1233, %get3A_1234] {strides = array<i32>} : memref<3328x16xf32, #tpu.memory_space<vmem>>, vector<16xf32>,
      %add3A_1236 = arith.addf %add3A_1228, %get3A_1235 : vector<16xf32>
      %mul3A_1237 = arith.mulf %get3A_1235, %get3A_1235 : vector<16xf32>
      %add3A_1238 = arith.addf %add3A_1230, %mul3A_1237 : vector<16xf32>
      %add3A_1239 = arith.constant 6 : i32
      %add3A_1240 = arith.addi %mul3A_1194, %add3A_1239 : i32
      %get3A_1241 = arith.index_cast %add3A_1240 : i32 to index
      %get3A_1242 = arith.constant 0 : index
      %get3A_1243 = tpu.vector_load %arg9[%get3A_1241, %get3A_1242] {strides = array<i32>} : memref<3328x16xf32, #tpu.memory_space<vmem>>, vector<16xf32>,
      %add3A_1244 = arith.addf %add3A_1236, %get3A_1243 : vector<16xf32>
      %mul3A_1245 = arith.mulf %get3A_1243, %get3A_1243 : vector<16xf32>
      %add3A_1246 = arith.addf %add3A_1238, %mul3A_1245 : vector<16xf32>
      %add3A_1247 = arith.constant 7 : i32
      %add3A_1248 = arith.addi %mul3A_1194, %add3A_1247 : i32
      %get3A_1249 = arith.index_cast %add3A_1248 : i32 to index
      %get3A_1250 = arith.constant 0 : index
      %get3A_1251 = tpu.vector_load %arg9[%get3A_1249, %get3A_1250] {strides = array<i32>} : memref<3328x16xf32, #tpu.memory_space<vmem>>, vector<16xf32>,
      %add3A_1252 = arith.addf %add3A_1244, %get3A_1251 : vector<16xf32>
      %mul3A_1253 = arith.mulf %get3A_1251, %get3A_1251 : vector<16xf32>
      %add3A_1254 = arith.addf %add3A_1246, %mul3A_1253 : vector<16xf32>
      %add3A_1255 = arith.constant 8 : i32
      %add3A_1256 = arith.addi %mul3A_1194, %add3A_1255 : i32
      %get3A_1257 = arith.index_cast %add3A_1256 : i32 to index
      %get3A_1258 = arith.constant 0 : index
      %get3A_1259 = tpu.vector_load %arg9[%get3A_1257, %get3A_1258] {strides = array<i32>} : memref<3328x16xf32, #tpu.memory_space<vmem>>, vector<16xf32>,
      %add3A_1260 = arith.addf %add3A_1252, %get3A_1259 : vector<16xf32>
      %mul3A_1261 = arith.mulf %get3A_1259, %get3A_1259 : vector<16xf32>
      %add3A_1262 = arith.addf %add3A_1254, %mul3A_1261 : vector<16xf32>
      %add3A_1263 = arith.constant 9 : i32
      %add3A_1264 = arith.addi %mul3A_1194, %add3A_1263 : i32
      %get3A_1265 = arith.index_cast %add3A_1264 : i32 to index
      %get3A_1266 = arith.constant 0 : index
      %get3A_1267 = tpu.vector_load %arg9[%get3A_1265, %get3A_1266] {strides = array<i32>} : memref<3328x16xf32, #tpu.memory_space<vmem>>, vector<16xf32>,
      %add3A_1268 = arith.addf %add3A_1260, %get3A_1267 : vector<16xf32>
      %mul3A_1269 = arith.mulf %get3A_1267, %get3A_1267 : vector<16xf32>
      %add3A_1270 = arith.addf %add3A_1262, %mul3A_1269 : vector<16xf32>
      %add3A_1271 = arith.constant 10 : i32
      %add3A_1272 = arith.addi %mul3A_1194, %add3A_1271 : i32
      %get3A_1273 = arith.index_cast %add3A_1272 : i32 to index
      %get3A_1274 = arith.constant 0 : index
      %get3A_1275 = tpu.vector_load %arg9[%get3A_1273, %get3A_1274] {strides = array<i32>} : memref<3328x16xf32, #tpu.memory_space<vmem>>, vector<16xf32>,
      %add3A_1276 = arith.addf %add3A_1268, %get3A_1275 : vector<16xf32>
      %mul3A_1277 = arith.mulf %get3A_1275, %get3A_1275 : vector<16xf32>
      %add3A_1278 = arith.addf %add3A_1270, %mul3A_1277 : vector<16xf32>
      %add3A_1279 = arith.constant 11 : i32
      %add3A_1280 = arith.addi %mul3A_1194, %add3A_1279 : i32
      %get3A_1281 = arith.index_cast %add3A_1280 : i32 to index
      %get3A_1282 = arith.constant 0 : index
      %get3A_1283 = tpu.vector_load %arg9[%get3A_1281, %get3A_1282] {strides = array<i32>} : memref<3328x16xf32, #tpu.memory_space<vmem>>, vector<16xf32>,
      %add3A_1284 = arith.addf %add3A_1276, %get3A_1283 : vector<16xf32>
      %mul3A_1285 = arith.mulf %get3A_1283, %get3A_1283 : vector<16xf32>
      %add3A_1286 = arith.addf %add3A_1278, %mul3A_1285 : vector<16xf32>
      %add3A_1287 = arith.constant 12 : i32
      %add3A_1288 = arith.addi %mul3A_1194, %add3A_1287 : i32
      %get3A_1289 = arith.index_cast %add3A_1288 : i32 to index
      %get3A_1290 = arith.constant 0 : index
      %get3A_1291 = tpu.vector_load %arg9[%get3A_1289, %get3A_1290] {strides = array<i32>} : memref<3328x16xf32, #tpu.memory_space<vmem>>, vector<16xf32>,
      %add3A_1292 = arith.addf %add3A_1284, %get3A_1291 : vector<16xf32>
      %mul3A_1293 = arith.mulf %get3A_1291, %get3A_1291 : vector<16xf32>
      %add3A_1294 = arith.addf %add3A_1286, %mul3A_1293 : vector<16xf32>
      %add3A_1295 = arith.constant 13 : i32
      %add3A_1296 = arith.addi %mul3A_1194, %add3A_1295 : i32
      %get3A_1297 = arith.index_cast %add3A_1296 : i32 to index
      %get3A_1298 = arith.constant 0 : index
      %get3A_1299 = tpu.vector_load %arg9[%get3A_1297, %get3A_1298] {strides = array<i32>} : memref<3328x16xf32, #tpu.memory_space<vmem>>, vector<16xf32>,
      %add3A_1300 = arith.addf %add3A_1292, %get3A_1299 : vector<16xf32>
      %mul3A_1301 = arith.mulf %get3A_1299, %get3A_1299 : vector<16xf32>
      %add3A_1302 = arith.addf %add3A_1294, %mul3A_1301 : vector<16xf32>
      %add3A_1303 = arith.constant 14 : i32
      %add3A_1304 = arith.addi %mul3A_1194, %add3A_1303 : i32
      %get3A_1305 = arith.index_cast %add3A_1304 : i32 to index
      %get3A_1306 = arith.constant 0 : index
      %get3A_1307 = tpu.vector_load %arg9[%get3A_1305, %get3A_1306] {strides = array<i32>} : memref<3328x16xf32, #tpu.memory_space<vmem>>, vector<16xf32>,
      %add3A_1308 = arith.addf %add3A_1300, %get3A_1307 : vector<16xf32>
      %mul3A_1309 = arith.mulf %get3A_1307, %get3A_1307 : vector<16xf32>
      %add3A_1310 = arith.addf %add3A_1302, %mul3A_1309 : vector<16xf32>
      %add3A_1311 = arith.constant 15 : i32
      %add3A_1312 = arith.addi %mul3A_1194, %add3A_1311 : i32
      %get3A_1313 = arith.index_cast %add3A_1312 : i32 to index
      %get3A_1314 = arith.constant 0 : index
      %get3A_1315 = tpu.vector_load %arg9[%get3A_1313, %get3A_1314] {strides = array<i32>} : memref<3328x16xf32, #tpu.memory_space<vmem>>, vector<16xf32>,
      %add3A_1316 = arith.addf %add3A_1308, %get3A_1315 : vector<16xf32>
      %mul3A_1317 = arith.mulf %get3A_1315, %get3A_1315 : vector<16xf32>
      %add3A_1318 = arith.addf %add3A_1310, %mul3A_1317 : vector<16xf32>
      %add3A_1319 = arith.constant 16 : i32
      %add3A_1320 = arith.addi %mul3A_1194, %add3A_1319 : i32
      %get3A_1321 = arith.index_cast %add3A_1320 : i32 to index
      %get3A_1322 = arith.constant 0 : index
      %get3A_1323 = tpu.vector_load %arg9[%get3A_1321, %get3A_1322] {strides = array<i32>} : memref<3328x16xf32, #tpu.memory_space<vmem>>, vector<16xf32>,
      %add3A_1324 = arith.addf %add3A_1316, %get3A_1323 : vector<16xf32>
      %mul3A_1325 = arith.mulf %get3A_1323, %get3A_1323 : vector<16xf32>
      %add3A_1326 = arith.addf %add3A_1318, %mul3A_1325 : vector<16xf32>
      %add3A_1327 = arith.constant 17 : i32
      %add3A_1328 = arith.addi %mul3A_1194, %add3A_1327 : i32
      %get3A_1329 = arith.index_cast %add3A_1328 : i32 to index
      %get3A_1330 = arith.constant 0 : index
      %get3A_1331 = tpu.vector_load %arg9[%get3A_1329, %get3A_1330] {strides = array<i32>} : memref<3328x16xf32, #tpu.memory_space<vmem>>, vector<16xf32>,
      %add3A_1332 = arith.addf %add3A_1324, %get3A_1331 : vector<16xf32>
      %mul3A_1333 = arith.mulf %get3A_1331, %get3A_1331 : vector<16xf32>
      %add3A_1334 = arith.addf %add3A_1326, %mul3A_1333 : vector<16xf32>
      %add3A_1335 = arith.constant 18 : i32
      %add3A_1336 = arith.addi %mul3A_1194, %add3A_1335 : i32
      %get3A_1337 = arith.index_cast %add3A_1336 : i32 to index
      %get3A_1338 = arith.constant 0 : index
      %get3A_1339 = tpu.vector_load %arg9[%get3A_1337, %get3A_1338] {strides = array<i32>} : memref<3328x16xf32, #tpu.memory_space<vmem>>, vector<16xf32>,
      %add3A_1340 = arith.addf %add3A_1332, %get3A_1339 : vector<16xf32>
      %mul3A_1341 = arith.mulf %get3A_1339, %get3A_1339 : vector<16xf32>
      %add3A_1342 = arith.addf %add3A_1334, %mul3A_1341 : vector<16xf32>
      %add3A_1343 = arith.constant 19 : i32
      %add3A_1344 = arith.addi %mul3A_1194, %add3A_1343 : i32
      %get3A_1345 = arith.index_cast %add3A_1344 : i32 to index
      %get3A_1346 = arith.constant 0 : index
      %get3A_1347 = tpu.vector_load %arg9[%get3A_1345, %get3A_1346] {strides = array<i32>} : memref<3328x16xf32, #tpu.memory_space<vmem>>, vector<16xf32>,
      %add3A_1348 = arith.addf %add3A_1340, %get3A_1347 : vector<16xf32>
      %mul3A_1349 = arith.mulf %get3A_1347, %get3A_1347 : vector<16xf32>
      %add3A_1350 = arith.addf %add3A_1342, %mul3A_1349 : vector<16xf32>
      %add3A_1351 = arith.constant 20 : i32
      %add3A_1352 = arith.addi %mul3A_1194, %add3A_1351 : i32
      %get3A_1353 = arith.index_cast %add3A_1352 : i32 to index
      %get3A_1354 = arith.constant 0 : index
      %get3A_1355 = tpu.vector_load %arg9[%get3A_1353, %get3A_1354] {strides = array<i32>} : memref<3328x16xf32, #tpu.memory_space<vmem>>, vector<16xf32>,
      %add3A_1356 = arith.addf %add3A_1348, %get3A_1355 : vector<16xf32>
      %mul3A_1357 = arith.mulf %get3A_1355, %get3A_1355 : vector<16xf32>
      %add3A_1358 = arith.addf %add3A_1350, %mul3A_1357 : vector<16xf32>
      %add3A_1359 = arith.constant 21 : i32
      %add3A_1360 = arith.addi %mul3A_1194, %add3A_1359 : i32
      %get3A_1361 = arith.index_cast %add3A_1360 : i32 to index
      %get3A_1362 = arith.constant 0 : index
      %get3A_1363 = tpu.vector_load %arg9[%get3A_1361, %get3A_1362] {strides = array<i32>} : memref<3328x16xf32, #tpu.memory_space<vmem>>, vector<16xf32>,
      %add3A_1364 = arith.addf %add3A_1356, %get3A_1363 : vector<16xf32>
      %mul3A_1365 = arith.mulf %get3A_1363, %get3A_1363 : vector<16xf32>
      %add3A_1366 = arith.addf %add3A_1358, %mul3A_1365 : vector<16xf32>
      %add3A_1367 = arith.constant 22 : i32
      %add3A_1368 = arith.addi %mul3A_1194, %add3A_1367 : i32
      %get3A_1369 = arith.index_cast %add3A_1368 : i32 to index
      %get3A_1370 = arith.constant 0 : index
      %get3A_1371 = tpu.vector_load %arg9[%get3A_1369, %get3A_1370] {strides = array<i32>} : memref<3328x16xf32, #tpu.memory_space<vmem>>, vector<16xf32>,
      %add3A_1372 = arith.addf %add3A_1364, %get3A_1371 : vector<16xf32>
      %mul3A_1373 = arith.mulf %get3A_1371, %get3A_1371 : vector<16xf32>
      %add3A_1374 = arith.addf %add3A_1366, %mul3A_1373 : vector<16xf32>
      %add3A_1375 = arith.constant 23 : i32
      %add3A_1376 = arith.addi %mul3A_1194, %add3A_1375 : i32
      %get3A_1377 = arith.index_cast %add3A_1376 : i32 to index
      %get3A_1378 = arith.constant 0 : index
      %get3A_1379 = tpu.vector_load %arg9[%get3A_1377, %get3A_1378] {strides = array<i32>} : memref<3328x16xf32, #tpu.memory_space<vmem>>, vector<16xf32>,
      %add3A_1380 = arith.addf %add3A_1372, %get3A_1379 : vector<16xf32>
      %mul3A_1381 = arith.mulf %get3A_1379, %get3A_1379 : vector<16xf32>
      %add3A_1382 = arith.addf %add3A_1374, %mul3A_1381 : vector<16xf32>
      %add3A_1383 = arith.constant 24 : i32
      %add3A_1384 = arith.addi %mul3A_1194, %add3A_1383 : i32
      %get3A_1385 = arith.index_cast %add3A_1384 : i32 to index
      %get3A_1386 = arith.constant 0 : index
      %get3A_1387 = tpu.vector_load %arg9[%get3A_1385, %get3A_1386] {strides = array<i32>} : memref<3328x16xf32, #tpu.memory_space<vmem>>, vector<16xf32>,
      %add3A_1388 = arith.addf %add3A_1380, %get3A_1387 : vector<16xf32>
      %mul3A_1389 = arith.mulf %get3A_1387, %get3A_1387 : vector<16xf32>
      %add3A_1390 = arith.addf %add3A_1382, %mul3A_1389 : vector<16xf32>
      %add3A_1391 = arith.constant 25 : i32
      %add3A_1392 = arith.addi %mul3A_1194, %add3A_1391 : i32
      %get3A_1393 = arith.index_cast %add3A_1392 : i32 to index
      %get3A_1394 = arith.constant 0 : index
      %get3A_1395 = tpu.vector_load %arg9[%get3A_1393, %get3A_1394] {strides = array<i32>} : memref<3328x16xf32, #tpu.memory_space<vmem>>, vector<16xf32>,
      %add3A_1396 = arith.addf %add3A_1388, %get3A_1395 : vector<16xf32>
      %mul3A_1397 = arith.mulf %get3A_1395, %get3A_1395 : vector<16xf32>
      %add3A_1398 = arith.addf %add3A_1390, %mul3A_1397 : vector<16xf32>
      %mul3A_1399 = arith.mulf %add3A_1396, %add3A_1396 : vector<16xf32>
      %sub3A_1400 = arith.subf %mul3A_1399, %add3A_1398 : vector<16xf32>
      %get3A_1401 = arith.index_cast %mul3A_1194 : i32 to index
      %get3A_1402 = tpu.vector_load %arg10[%get3A_1401] {strides = array<i32>} : memref<3344xf32, #tpu.memory_space<vmem>>, vector<16xf32>,
      %add3A_1403 = arith.constant 16 : i32
      %add3A_1404 = arith.addi %mul3A_1194, %add3A_1403 : i32
      %get3A_1405 = arith.index_cast %add3A_1404 : i32 to index
      %get3A_1406 = tpu.vector_load %arg10[%get3A_1405] {strides = array<i32>} : memref<3344xf32, #tpu.memory_space<vmem>>, vector<16xf32>,
      %mul3A_1407 = arith.constant 5.000000e-01 : f32
      %mul3A_1408 = vector.broadcast %mul3A_1407 : f32 to vector<16xf32>
      %mul3A_1409 = arith.mulf %mul3A_1408, %sub3A_1400 : vector<16xf32>
      %add3A_1410 = arith.addf %mul3A_1409, %get3A_1402 : vector<16xf32>
      %mul3A_1411 = arith.mulf %get3A_1406, %select_n3A : vector<16xf32>
      %add3A_1412 = arith.addf %add3A_1410, %mul3A_1411 : vector<16xf32>
      %eq3A_1413 = arith.constant 5 : i32
      %eq3A_1414 = vector.broadcast %eq3A_1413 : i32 to vector<16xi32>
      %eq3A_1415 = arith.cmpi eq, %iota3A, %eq3A_1414 : vector<16xi32>
      %reduce_sum3A_1416 = arith.constant true
      %reduce_sum3A_1417 = vector.broadcast %reduce_sum3A_1416 : i1 to vector<16xi1>
      %reduce_sum3A_1418 = tpu.scan <sum>, %add3A_1412 masked %reduce_sum3A_1417 : vector<16xf32>, vector<16xi1> -> vector<16xf32>
      %reduce_sum3A_1419 = vector.extract %reduce_sum3A_1418[15] : f32 from vector<16xf32>
      %broadcast_in_dim3A_1420 = vector.broadcast %reduce_sum3A_1419 : f32 to vector<16xf32>
      %select_n3A_1421 = arith.select %eq3A_1415, %broadcast_in_dim3A_1420, %select_n3A_1190 : vector<16xi1>, vector<16xf32>
      %add3A_1422 = arith.constant 6 : i32
      %add3A_1423 = arith.addi %mul3A_38, %add3A_1422 : i32
      %mul3A_1424 = arith.constant 26 : i32
      %mul3A_1425 = arith.muli %add3A_1423, %mul3A_1424 : i32
      %get3A_1426 = arith.index_cast %mul3A_1425 : i32 to index
      %get3A_1427 = arith.constant 0 : index
      %get3A_1428 = tpu.vector_load %arg9[%get3A_1426, %get3A_1427] {strides = array<i32>} : memref<3328x16xf32, #tpu.memory_space<vmem>>, vector<16xf32>,
      %mul3A_1429 = arith.mulf %get3A_1428, %get3A_1428 : vector<16xf32>
      %add3A_1430 = arith.constant 1 : i32
      %add3A_1431 = arith.addi %mul3A_1425, %add3A_1430 : i32
      %get3A_1432 = arith.index_cast %add3A_1431 : i32 to index
      %get3A_1433 = arith.constant 0 : index
      %get3A_1434 = tpu.vector_load %arg9[%get3A_1432, %get3A_1433] {strides = array<i32>} : memref<3328x16xf32, #tpu.memory_space<vmem>>, vector<16xf32>,
      %add3A_1435 = arith.addf %get3A_1428, %get3A_1434 : vector<16xf32>
      %mul3A_1436 = arith.mulf %get3A_1434, %get3A_1434 : vector<16xf32>
      %add3A_1437 = arith.addf %mul3A_1429, %mul3A_1436 : vector<16xf32>
      %add3A_1438 = arith.constant 2 : i32
      %add3A_1439 = arith.addi %mul3A_1425, %add3A_1438 : i32
      %get3A_1440 = arith.index_cast %add3A_1439 : i32 to index
      %get3A_1441 = arith.constant 0 : index
      %get3A_1442 = tpu.vector_load %arg9[%get3A_1440, %get3A_1441] {strides = array<i32>} : memref<3328x16xf32, #tpu.memory_space<vmem>>, vector<16xf32>,
      %add3A_1443 = arith.addf %add3A_1435, %get3A_1442 : vector<16xf32>
      %mul3A_1444 = arith.mulf %get3A_1442, %get3A_1442 : vector<16xf32>
      %add3A_1445 = arith.addf %add3A_1437, %mul3A_1444 : vector<16xf32>
      %add3A_1446 = arith.constant 3 : i32
      %add3A_1447 = arith.addi %mul3A_1425, %add3A_1446 : i32
      %get3A_1448 = arith.index_cast %add3A_1447 : i32 to index
      %get3A_1449 = arith.constant 0 : index
      %get3A_1450 = tpu.vector_load %arg9[%get3A_1448, %get3A_1449] {strides = array<i32>} : memref<3328x16xf32, #tpu.memory_space<vmem>>, vector<16xf32>,
      %add3A_1451 = arith.addf %add3A_1443, %get3A_1450 : vector<16xf32>
      %mul3A_1452 = arith.mulf %get3A_1450, %get3A_1450 : vector<16xf32>
      %add3A_1453 = arith.addf %add3A_1445, %mul3A_1452 : vector<16xf32>
      %add3A_1454 = arith.constant 4 : i32
      %add3A_1455 = arith.addi %mul3A_1425, %add3A_1454 : i32
      %get3A_1456 = arith.index_cast %add3A_1455 : i32 to index
      %get3A_1457 = arith.constant 0 : index
      %get3A_1458 = tpu.vector_load %arg9[%get3A_1456, %get3A_1457] {strides = array<i32>} : memref<3328x16xf32, #tpu.memory_space<vmem>>, vector<16xf32>,
      %add3A_1459 = arith.addf %add3A_1451, %get3A_1458 : vector<16xf32>
      %mul3A_1460 = arith.mulf %get3A_1458, %get3A_1458 : vector<16xf32>
      %add3A_1461 = arith.addf %add3A_1453, %mul3A_1460 : vector<16xf32>
      %add3A_1462 = arith.constant 5 : i32
      %add3A_1463 = arith.addi %mul3A_1425, %add3A_1462 : i32
      %get3A_1464 = arith.index_cast %add3A_1463 : i32 to index
      %get3A_1465 = arith.constant 0 : index
      %get3A_1466 = tpu.vector_load %arg9[%get3A_1464, %get3A_1465] {strides = array<i32>} : memref<3328x16xf32, #tpu.memory_space<vmem>>, vector<16xf32>,
      %add3A_1467 = arith.addf %add3A_1459, %get3A_1466 : vector<16xf32>
      %mul3A_1468 = arith.mulf %get3A_1466, %get3A_1466 : vector<16xf32>
      %add3A_1469 = arith.addf %add3A_1461, %mul3A_1468 : vector<16xf32>
      %add3A_1470 = arith.constant 6 : i32
      %add3A_1471 = arith.addi %mul3A_1425, %add3A_1470 : i32
      %get3A_1472 = arith.index_cast %add3A_1471 : i32 to index
      %get3A_1473 = arith.constant 0 : index
      %get3A_1474 = tpu.vector_load %arg9[%get3A_1472, %get3A_1473] {strides = array<i32>} : memref<3328x16xf32, #tpu.memory_space<vmem>>, vector<16xf32>,
      %add3A_1475 = arith.addf %add3A_1467, %get3A_1474 : vector<16xf32>
      %mul3A_1476 = arith.mulf %get3A_1474, %get3A_1474 : vector<16xf32>
      %add3A_1477 = arith.addf %add3A_1469, %mul3A_1476 : vector<16xf32>
      %add3A_1478 = arith.constant 7 : i32
      %add3A_1479 = arith.addi %mul3A_1425, %add3A_1478 : i32
      %get3A_1480 = arith.index_cast %add3A_1479 : i32 to index
      %get3A_1481 = arith.constant 0 : index
      %get3A_1482 = tpu.vector_load %arg9[%get3A_1480, %get3A_1481] {strides = array<i32>} : memref<3328x16xf32, #tpu.memory_space<vmem>>, vector<16xf32>,
      %add3A_1483 = arith.addf %add3A_1475, %get3A_1482 : vector<16xf32>
      %mul3A_1484 = arith.mulf %get3A_1482, %get3A_1482 : vector<16xf32>
      %add3A_1485 = arith.addf %add3A_1477, %mul3A_1484 : vector<16xf32>
      %add3A_1486 = arith.constant 8 : i32
      %add3A_1487 = arith.addi %mul3A_1425, %add3A_1486 : i32
      %get3A_1488 = arith.index_cast %add3A_1487 : i32 to index
      %get3A_1489 = arith.constant 0 : index
      %get3A_1490 = tpu.vector_load %arg9[%get3A_1488, %get3A_1489] {strides = array<i32>} : memref<3328x16xf32, #tpu.memory_space<vmem>>, vector<16xf32>,
      %add3A_1491 = arith.addf %add3A_1483, %get3A_1490 : vector<16xf32>
      %mul3A_1492 = arith.mulf %get3A_1490, %get3A_1490 : vector<16xf32>
      %add3A_1493 = arith.addf %add3A_1485, %mul3A_1492 : vector<16xf32>
      %add3A_1494 = arith.constant 9 : i32
      %add3A_1495 = arith.addi %mul3A_1425, %add3A_1494 : i32
      %get3A_1496 = arith.index_cast %add3A_1495 : i32 to index
      %get3A_1497 = arith.constant 0 : index
      %get3A_1498 = tpu.vector_load %arg9[%get3A_1496, %get3A_1497] {strides = array<i32>} : memref<3328x16xf32, #tpu.memory_space<vmem>>, vector<16xf32>,
      %add3A_1499 = arith.addf %add3A_1491, %get3A_1498 : vector<16xf32>
      %mul3A_1500 = arith.mulf %get3A_1498, %get3A_1498 : vector<16xf32>
      %add3A_1501 = arith.addf %add3A_1493, %mul3A_1500 : vector<16xf32>
      %add3A_1502 = arith.constant 10 : i32
      %add3A_1503 = arith.addi %mul3A_1425, %add3A_1502 : i32
      %get3A_1504 = arith.index_cast %add3A_1503 : i32 to index
      %get3A_1505 = arith.constant 0 : index
      %get3A_1506 = tpu.vector_load %arg9[%get3A_1504, %get3A_1505] {strides = array<i32>} : memref<3328x16xf32, #tpu.memory_space<vmem>>, vector<16xf32>,
      %add3A_1507 = arith.addf %add3A_1499, %get3A_1506 : vector<16xf32>
      %mul3A_1508 = arith.mulf %get3A_1506, %get3A_1506 : vector<16xf32>
      %add3A_1509 = arith.addf %add3A_1501, %mul3A_1508 : vector<16xf32>
      %add3A_1510 = arith.constant 11 : i32
      %add3A_1511 = arith.addi %mul3A_1425, %add3A_1510 : i32
      %get3A_1512 = arith.index_cast %add3A_1511 : i32 to index
      %get3A_1513 = arith.constant 0 : index
      %get3A_1514 = tpu.vector_load %arg9[%get3A_1512, %get3A_1513] {strides = array<i32>} : memref<3328x16xf32, #tpu.memory_space<vmem>>, vector<16xf32>,
      %add3A_1515 = arith.addf %add3A_1507, %get3A_1514 : vector<16xf32>
      %mul3A_1516 = arith.mulf %get3A_1514, %get3A_1514 : vector<16xf32>
      %add3A_1517 = arith.addf %add3A_1509, %mul3A_1516 : vector<16xf32>
      %add3A_1518 = arith.constant 12 : i32
      %add3A_1519 = arith.addi %mul3A_1425, %add3A_1518 : i32
      %get3A_1520 = arith.index_cast %add3A_1519 : i32 to index
      %get3A_1521 = arith.constant 0 : index
      %get3A_1522 = tpu.vector_load %arg9[%get3A_1520, %get3A_1521] {strides = array<i32>} : memref<3328x16xf32, #tpu.memory_space<vmem>>, vector<16xf32>,
      %add3A_1523 = arith.addf %add3A_1515, %get3A_1522 : vector<16xf32>
      %mul3A_1524 = arith.mulf %get3A_1522, %get3A_1522 : vector<16xf32>
      %add3A_1525 = arith.addf %add3A_1517, %mul3A_1524 : vector<16xf32>
      %add3A_1526 = arith.constant 13 : i32
      %add3A_1527 = arith.addi %mul3A_1425, %add3A_1526 : i32
      %get3A_1528 = arith.index_cast %add3A_1527 : i32 to index
      %get3A_1529 = arith.constant 0 : index
      %get3A_1530 = tpu.vector_load %arg9[%get3A_1528, %get3A_1529] {strides = array<i32>} : memref<3328x16xf32, #tpu.memory_space<vmem>>, vector<16xf32>,
      %add3A_1531 = arith.addf %add3A_1523, %get3A_1530 : vector<16xf32>
      %mul3A_1532 = arith.mulf %get3A_1530, %get3A_1530 : vector<16xf32>
      %add3A_1533 = arith.addf %add3A_1525, %mul3A_1532 : vector<16xf32>
      %add3A_1534 = arith.constant 14 : i32
      %add3A_1535 = arith.addi %mul3A_1425, %add3A_1534 : i32
      %get3A_1536 = arith.index_cast %add3A_1535 : i32 to index
      %get3A_1537 = arith.constant 0 : index
      %get3A_1538 = tpu.vector_load %arg9[%get3A_1536, %get3A_1537] {strides = array<i32>} : memref<3328x16xf32, #tpu.memory_space<vmem>>, vector<16xf32>,
      %add3A_1539 = arith.addf %add3A_1531, %get3A_1538 : vector<16xf32>
      %mul3A_1540 = arith.mulf %get3A_1538, %get3A_1538 : vector<16xf32>
      %add3A_1541 = arith.addf %add3A_1533, %mul3A_1540 : vector<16xf32>
      %add3A_1542 = arith.constant 15 : i32
      %add3A_1543 = arith.addi %mul3A_1425, %add3A_1542 : i32
      %get3A_1544 = arith.index_cast %add3A_1543 : i32 to index
      %get3A_1545 = arith.constant 0 : index
      %get3A_1546 = tpu.vector_load %arg9[%get3A_1544, %get3A_1545] {strides = array<i32>} : memref<3328x16xf32, #tpu.memory_space<vmem>>, vector<16xf32>,
      %add3A_1547 = arith.addf %add3A_1539, %get3A_1546 : vector<16xf32>
      %mul3A_1548 = arith.mulf %get3A_1546, %get3A_1546 : vector<16xf32>
      %add3A_1549 = arith.addf %add3A_1541, %mul3A_1548 : vector<16xf32>
      %add3A_1550 = arith.constant 16 : i32
      %add3A_1551 = arith.addi %mul3A_1425, %add3A_1550 : i32
      %get3A_1552 = arith.index_cast %add3A_1551 : i32 to index
      %get3A_1553 = arith.constant 0 : index
      %get3A_1554 = tpu.vector_load %arg9[%get3A_1552, %get3A_1553] {strides = array<i32>} : memref<3328x16xf32, #tpu.memory_space<vmem>>, vector<16xf32>,
      %add3A_1555 = arith.addf %add3A_1547, %get3A_1554 : vector<16xf32>
      %mul3A_1556 = arith.mulf %get3A_1554, %get3A_1554 : vector<16xf32>
      %add3A_1557 = arith.addf %add3A_1549, %mul3A_1556 : vector<16xf32>
      %add3A_1558 = arith.constant 17 : i32
      %add3A_1559 = arith.addi %mul3A_1425, %add3A_1558 : i32
      %get3A_1560 = arith.index_cast %add3A_1559 : i32 to index
      %get3A_1561 = arith.constant 0 : index
      %get3A_1562 = tpu.vector_load %arg9[%get3A_1560, %get3A_1561] {strides = array<i32>} : memref<3328x16xf32, #tpu.memory_space<vmem>>, vector<16xf32>,
      %add3A_1563 = arith.addf %add3A_1555, %get3A_1562 : vector<16xf32>
      %mul3A_1564 = arith.mulf %get3A_1562, %get3A_1562 : vector<16xf32>
      %add3A_1565 = arith.addf %add3A_1557, %mul3A_1564 : vector<16xf32>
      %add3A_1566 = arith.constant 18 : i32
      %add3A_1567 = arith.addi %mul3A_1425, %add3A_1566 : i32
      %get3A_1568 = arith.index_cast %add3A_1567 : i32 to index
      %get3A_1569 = arith.constant 0 : index
      %get3A_1570 = tpu.vector_load %arg9[%get3A_1568, %get3A_1569] {strides = array<i32>} : memref<3328x16xf32, #tpu.memory_space<vmem>>, vector<16xf32>,
      %add3A_1571 = arith.addf %add3A_1563, %get3A_1570 : vector<16xf32>
      %mul3A_1572 = arith.mulf %get3A_1570, %get3A_1570 : vector<16xf32>
      %add3A_1573 = arith.addf %add3A_1565, %mul3A_1572 : vector<16xf32>
      %add3A_1574 = arith.constant 19 : i32
      %add3A_1575 = arith.addi %mul3A_1425, %add3A_1574 : i32
      %get3A_1576 = arith.index_cast %add3A_1575 : i32 to index
      %get3A_1577 = arith.constant 0 : index
      %get3A_1578 = tpu.vector_load %arg9[%get3A_1576, %get3A_1577] {strides = array<i32>} : memref<3328x16xf32, #tpu.memory_space<vmem>>, vector<16xf32>,
      %add3A_1579 = arith.addf %add3A_1571, %get3A_1578 : vector<16xf32>
      %mul3A_1580 = arith.mulf %get3A_1578, %get3A_1578 : vector<16xf32>
      %add3A_1581 = arith.addf %add3A_1573, %mul3A_1580 : vector<16xf32>
      %add3A_1582 = arith.constant 20 : i32
      %add3A_1583 = arith.addi %mul3A_1425, %add3A_1582 : i32
      %get3A_1584 = arith.index_cast %add3A_1583 : i32 to index
      %get3A_1585 = arith.constant 0 : index
      %get3A_1586 = tpu.vector_load %arg9[%get3A_1584, %get3A_1585] {strides = array<i32>} : memref<3328x16xf32, #tpu.memory_space<vmem>>, vector<16xf32>,
      %add3A_1587 = arith.addf %add3A_1579, %get3A_1586 : vector<16xf32>
      %mul3A_1588 = arith.mulf %get3A_1586, %get3A_1586 : vector<16xf32>
      %add3A_1589 = arith.addf %add3A_1581, %mul3A_1588 : vector<16xf32>
      %add3A_1590 = arith.constant 21 : i32
      %add3A_1591 = arith.addi %mul3A_1425, %add3A_1590 : i32
      %get3A_1592 = arith.index_cast %add3A_1591 : i32 to index
      %get3A_1593 = arith.constant 0 : index
      %get3A_1594 = tpu.vector_load %arg9[%get3A_1592, %get3A_1593] {strides = array<i32>} : memref<3328x16xf32, #tpu.memory_space<vmem>>, vector<16xf32>,
      %add3A_1595 = arith.addf %add3A_1587, %get3A_1594 : vector<16xf32>
      %mul3A_1596 = arith.mulf %get3A_1594, %get3A_1594 : vector<16xf32>
      %add3A_1597 = arith.addf %add3A_1589, %mul3A_1596 : vector<16xf32>
      %add3A_1598 = arith.constant 22 : i32
      %add3A_1599 = arith.addi %mul3A_1425, %add3A_1598 : i32
      %get3A_1600 = arith.index_cast %add3A_1599 : i32 to index
      %get3A_1601 = arith.constant 0 : index
      %get3A_1602 = tpu.vector_load %arg9[%get3A_1600, %get3A_1601] {strides = array<i32>} : memref<3328x16xf32, #tpu.memory_space<vmem>>, vector<16xf32>,
      %add3A_1603 = arith.addf %add3A_1595, %get3A_1602 : vector<16xf32>
      %mul3A_1604 = arith.mulf %get3A_1602, %get3A_1602 : vector<16xf32>
      %add3A_1605 = arith.addf %add3A_1597, %mul3A_1604 : vector<16xf32>
      %add3A_1606 = arith.constant 23 : i32
      %add3A_1607 = arith.addi %mul3A_1425, %add3A_1606 : i32
      %get3A_1608 = arith.index_cast %add3A_1607 : i32 to index
      %get3A_1609 = arith.constant 0 : index
      %get3A_1610 = tpu.vector_load %arg9[%get3A_1608, %get3A_1609] {strides = array<i32>} : memref<3328x16xf32, #tpu.memory_space<vmem>>, vector<16xf32>,
      %add3A_1611 = arith.addf %add3A_1603, %get3A_1610 : vector<16xf32>
      %mul3A_1612 = arith.mulf %get3A_1610, %get3A_1610 : vector<16xf32>
      %add3A_1613 = arith.addf %add3A_1605, %mul3A_1612 : vector<16xf32>
      %add3A_1614 = arith.constant 24 : i32
      %add3A_1615 = arith.addi %mul3A_1425, %add3A_1614 : i32
      %get3A_1616 = arith.index_cast %add3A_1615 : i32 to index
      %get3A_1617 = arith.constant 0 : index
      %get3A_1618 = tpu.vector_load %arg9[%get3A_1616, %get3A_1617] {strides = array<i32>} : memref<3328x16xf32, #tpu.memory_space<vmem>>, vector<16xf32>,
      %add3A_1619 = arith.addf %add3A_1611, %get3A_1618 : vector<16xf32>
      %mul3A_1620 = arith.mulf %get3A_1618, %get3A_1618 : vector<16xf32>
      %add3A_1621 = arith.addf %add3A_1613, %mul3A_1620 : vector<16xf32>
      %add3A_1622 = arith.constant 25 : i32
      %add3A_1623 = arith.addi %mul3A_1425, %add3A_1622 : i32
      %get3A_1624 = arith.index_cast %add3A_1623 : i32 to index
      %get3A_1625 = arith.constant 0 : index
      %get3A_1626 = tpu.vector_load %arg9[%get3A_1624, %get3A_1625] {strides = array<i32>} : memref<3328x16xf32, #tpu.memory_space<vmem>>, vector<16xf32>,
      %add3A_1627 = arith.addf %add3A_1619, %get3A_1626 : vector<16xf32>
      %mul3A_1628 = arith.mulf %get3A_1626, %get3A_1626 : vector<16xf32>
      %add3A_1629 = arith.addf %add3A_1621, %mul3A_1628 : vector<16xf32>
      %mul3A_1630 = arith.mulf %add3A_1627, %add3A_1627 : vector<16xf32>
      %sub3A_1631 = arith.subf %mul3A_1630, %add3A_1629 : vector<16xf32>
      %get3A_1632 = arith.index_cast %mul3A_1425 : i32 to index
      %get3A_1633 = tpu.vector_load %arg10[%get3A_1632] {strides = array<i32>} : memref<3344xf32, #tpu.memory_space<vmem>>, vector<16xf32>,
      %add3A_1634 = arith.constant 16 : i32
      %add3A_1635 = arith.addi %mul3A_1425, %add3A_1634 : i32
      %get3A_1636 = arith.index_cast %add3A_1635 : i32 to index
      %get3A_1637 = tpu.vector_load %arg10[%get3A_1636] {strides = array<i32>} : memref<3344xf32, #tpu.memory_space<vmem>>, vector<16xf32>,
      %mul3A_1638 = arith.constant 5.000000e-01 : f32
      %mul3A_1639 = vector.broadcast %mul3A_1638 : f32 to vector<16xf32>
      %mul3A_1640 = arith.mulf %mul3A_1639, %sub3A_1631 : vector<16xf32>
      %add3A_1641 = arith.addf %mul3A_1640, %get3A_1633 : vector<16xf32>
      %mul3A_1642 = arith.mulf %get3A_1637, %select_n3A : vector<16xf32>
      %add3A_1643 = arith.addf %add3A_1641, %mul3A_1642 : vector<16xf32>
      %eq3A_1644 = arith.constant 6 : i32
      %eq3A_1645 = vector.broadcast %eq3A_1644 : i32 to vector<16xi32>
      %eq3A_1646 = arith.cmpi eq, %iota3A, %eq3A_1645 : vector<16xi32>
      %reduce_sum3A_1647 = arith.constant true
      %reduce_sum3A_1648 = vector.broadcast %reduce_sum3A_1647 : i1 to vector<16xi1>
      %reduce_sum3A_1649 = tpu.scan <sum>, %add3A_1643 masked %reduce_sum3A_1648 : vector<16xf32>, vector<16xi1> -> vector<16xf32>
      %reduce_sum3A_1650 = vector.extract %reduce_sum3A_1649[15] : f32 from vector<16xf32>
      %broadcast_in_dim3A_1651 = vector.broadcast %reduce_sum3A_1650 : f32 to vector<16xf32>
      %select_n3A_1652 = arith.select %eq3A_1646, %broadcast_in_dim3A_1651, %select_n3A_1421 : vector<16xi1>, vector<16xf32>
      %add3A_1653 = arith.constant 7 : i32
      %add3A_1654 = arith.addi %mul3A_38, %add3A_1653 : i32
      %mul3A_1655 = arith.constant 26 : i32
      %mul3A_1656 = arith.muli %add3A_1654, %mul3A_1655 : i32
      %get3A_1657 = arith.index_cast %mul3A_1656 : i32 to index
      %get3A_1658 = arith.constant 0 : index
      %get3A_1659 = tpu.vector_load %arg9[%get3A_1657, %get3A_1658] {strides = array<i32>} : memref<3328x16xf32, #tpu.memory_space<vmem>>, vector<16xf32>,
      %mul3A_1660 = arith.mulf %get3A_1659, %get3A_1659 : vector<16xf32>
      %add3A_1661 = arith.constant 1 : i32
      %add3A_1662 = arith.addi %mul3A_1656, %add3A_1661 : i32
      %get3A_1663 = arith.index_cast %add3A_1662 : i32 to index
      %get3A_1664 = arith.constant 0 : index
      %get3A_1665 = tpu.vector_load %arg9[%get3A_1663, %get3A_1664] {strides = array<i32>} : memref<3328x16xf32, #tpu.memory_space<vmem>>, vector<16xf32>,
      %add3A_1666 = arith.addf %get3A_1659, %get3A_1665 : vector<16xf32>
      %mul3A_1667 = arith.mulf %get3A_1665, %get3A_1665 : vector<16xf32>
      %add3A_1668 = arith.addf %mul3A_1660, %mul3A_1667 : vector<16xf32>
      %add3A_1669 = arith.constant 2 : i32
      %add3A_1670 = arith.addi %mul3A_1656, %add3A_1669 : i32
      %get3A_1671 = arith.index_cast %add3A_1670 : i32 to index
      %get3A_1672 = arith.constant 0 : index
      %get3A_1673 = tpu.vector_load %arg9[%get3A_1671, %get3A_1672] {strides = array<i32>} : memref<3328x16xf32, #tpu.memory_space<vmem>>, vector<16xf32>,
      %add3A_1674 = arith.addf %add3A_1666, %get3A_1673 : vector<16xf32>
      %mul3A_1675 = arith.mulf %get3A_1673, %get3A_1673 : vector<16xf32>
      %add3A_1676 = arith.addf %add3A_1668, %mul3A_1675 : vector<16xf32>
      %add3A_1677 = arith.constant 3 : i32
      %add3A_1678 = arith.addi %mul3A_1656, %add3A_1677 : i32
      %get3A_1679 = arith.index_cast %add3A_1678 : i32 to index
      %get3A_1680 = arith.constant 0 : index
      %get3A_1681 = tpu.vector_load %arg9[%get3A_1679, %get3A_1680] {strides = array<i32>} : memref<3328x16xf32, #tpu.memory_space<vmem>>, vector<16xf32>,
      %add3A_1682 = arith.addf %add3A_1674, %get3A_1681 : vector<16xf32>
      %mul3A_1683 = arith.mulf %get3A_1681, %get3A_1681 : vector<16xf32>
      %add3A_1684 = arith.addf %add3A_1676, %mul3A_1683 : vector<16xf32>
      %add3A_1685 = arith.constant 4 : i32
      %add3A_1686 = arith.addi %mul3A_1656, %add3A_1685 : i32
      %get3A_1687 = arith.index_cast %add3A_1686 : i32 to index
      %get3A_1688 = arith.constant 0 : index
      %get3A_1689 = tpu.vector_load %arg9[%get3A_1687, %get3A_1688] {strides = array<i32>} : memref<3328x16xf32, #tpu.memory_space<vmem>>, vector<16xf32>,
      %add3A_1690 = arith.addf %add3A_1682, %get3A_1689 : vector<16xf32>
      %mul3A_1691 = arith.mulf %get3A_1689, %get3A_1689 : vector<16xf32>
      %add3A_1692 = arith.addf %add3A_1684, %mul3A_1691 : vector<16xf32>
      %add3A_1693 = arith.constant 5 : i32
      %add3A_1694 = arith.addi %mul3A_1656, %add3A_1693 : i32
      %get3A_1695 = arith.index_cast %add3A_1694 : i32 to index
      %get3A_1696 = arith.constant 0 : index
      %get3A_1697 = tpu.vector_load %arg9[%get3A_1695, %get3A_1696] {strides = array<i32>} : memref<3328x16xf32, #tpu.memory_space<vmem>>, vector<16xf32>,
      %add3A_1698 = arith.addf %add3A_1690, %get3A_1697 : vector<16xf32>
      %mul3A_1699 = arith.mulf %get3A_1697, %get3A_1697 : vector<16xf32>
      %add3A_1700 = arith.addf %add3A_1692, %mul3A_1699 : vector<16xf32>
      %add3A_1701 = arith.constant 6 : i32
      %add3A_1702 = arith.addi %mul3A_1656, %add3A_1701 : i32
      %get3A_1703 = arith.index_cast %add3A_1702 : i32 to index
      %get3A_1704 = arith.constant 0 : index
      %get3A_1705 = tpu.vector_load %arg9[%get3A_1703, %get3A_1704] {strides = array<i32>} : memref<3328x16xf32, #tpu.memory_space<vmem>>, vector<16xf32>,
      %add3A_1706 = arith.addf %add3A_1698, %get3A_1705 : vector<16xf32>
      %mul3A_1707 = arith.mulf %get3A_1705, %get3A_1705 : vector<16xf32>
      %add3A_1708 = arith.addf %add3A_1700, %mul3A_1707 : vector<16xf32>
      %add3A_1709 = arith.constant 7 : i32
      %add3A_1710 = arith.addi %mul3A_1656, %add3A_1709 : i32
      %get3A_1711 = arith.index_cast %add3A_1710 : i32 to index
      %get3A_1712 = arith.constant 0 : index
      %get3A_1713 = tpu.vector_load %arg9[%get3A_1711, %get3A_1712] {strides = array<i32>} : memref<3328x16xf32, #tpu.memory_space<vmem>>, vector<16xf32>,
      %add3A_1714 = arith.addf %add3A_1706, %get3A_1713 : vector<16xf32>
      %mul3A_1715 = arith.mulf %get3A_1713, %get3A_1713 : vector<16xf32>
      %add3A_1716 = arith.addf %add3A_1708, %mul3A_1715 : vector<16xf32>
      %add3A_1717 = arith.constant 8 : i32
      %add3A_1718 = arith.addi %mul3A_1656, %add3A_1717 : i32
      %get3A_1719 = arith.index_cast %add3A_1718 : i32 to index
      %get3A_1720 = arith.constant 0 : index
      %get3A_1721 = tpu.vector_load %arg9[%get3A_1719, %get3A_1720] {strides = array<i32>} : memref<3328x16xf32, #tpu.memory_space<vmem>>, vector<16xf32>,
      %add3A_1722 = arith.addf %add3A_1714, %get3A_1721 : vector<16xf32>
      %mul3A_1723 = arith.mulf %get3A_1721, %get3A_1721 : vector<16xf32>
      %add3A_1724 = arith.addf %add3A_1716, %mul3A_1723 : vector<16xf32>
      %add3A_1725 = arith.constant 9 : i32
      %add3A_1726 = arith.addi %mul3A_1656, %add3A_1725 : i32
      %get3A_1727 = arith.index_cast %add3A_1726 : i32 to index
      %get3A_1728 = arith.constant 0 : index
      %get3A_1729 = tpu.vector_load %arg9[%get3A_1727, %get3A_1728] {strides = array<i32>} : memref<3328x16xf32, #tpu.memory_space<vmem>>, vector<16xf32>,
      %add3A_1730 = arith.addf %add3A_1722, %get3A_1729 : vector<16xf32>
      %mul3A_1731 = arith.mulf %get3A_1729, %get3A_1729 : vector<16xf32>
      %add3A_1732 = arith.addf %add3A_1724, %mul3A_1731 : vector<16xf32>
      %add3A_1733 = arith.constant 10 : i32
      %add3A_1734 = arith.addi %mul3A_1656, %add3A_1733 : i32
      %get3A_1735 = arith.index_cast %add3A_1734 : i32 to index
      %get3A_1736 = arith.constant 0 : index
      %get3A_1737 = tpu.vector_load %arg9[%get3A_1735, %get3A_1736] {strides = array<i32>} : memref<3328x16xf32, #tpu.memory_space<vmem>>, vector<16xf32>,
      %add3A_1738 = arith.addf %add3A_1730, %get3A_1737 : vector<16xf32>
      %mul3A_1739 = arith.mulf %get3A_1737, %get3A_1737 : vector<16xf32>
      %add3A_1740 = arith.addf %add3A_1732, %mul3A_1739 : vector<16xf32>
      %add3A_1741 = arith.constant 11 : i32
      %add3A_1742 = arith.addi %mul3A_1656, %add3A_1741 : i32
      %get3A_1743 = arith.index_cast %add3A_1742 : i32 to index
      %get3A_1744 = arith.constant 0 : index
      %get3A_1745 = tpu.vector_load %arg9[%get3A_1743, %get3A_1744] {strides = array<i32>} : memref<3328x16xf32, #tpu.memory_space<vmem>>, vector<16xf32>,
      %add3A_1746 = arith.addf %add3A_1738, %get3A_1745 : vector<16xf32>
      %mul3A_1747 = arith.mulf %get3A_1745, %get3A_1745 : vector<16xf32>
      %add3A_1748 = arith.addf %add3A_1740, %mul3A_1747 : vector<16xf32>
      %add3A_1749 = arith.constant 12 : i32
      %add3A_1750 = arith.addi %mul3A_1656, %add3A_1749 : i32
      %get3A_1751 = arith.index_cast %add3A_1750 : i32 to index
      %get3A_1752 = arith.constant 0 : index
      %get3A_1753 = tpu.vector_load %arg9[%get3A_1751, %get3A_1752] {strides = array<i32>} : memref<3328x16xf32, #tpu.memory_space<vmem>>, vector<16xf32>,
      %add3A_1754 = arith.addf %add3A_1746, %get3A_1753 : vector<16xf32>
      %mul3A_1755 = arith.mulf %get3A_1753, %get3A_1753 : vector<16xf32>
      %add3A_1756 = arith.addf %add3A_1748, %mul3A_1755 : vector<16xf32>
      %add3A_1757 = arith.constant 13 : i32
      %add3A_1758 = arith.addi %mul3A_1656, %add3A_1757 : i32
      %get3A_1759 = arith.index_cast %add3A_1758 : i32 to index
      %get3A_1760 = arith.constant 0 : index
      %get3A_1761 = tpu.vector_load %arg9[%get3A_1759, %get3A_1760] {strides = array<i32>} : memref<3328x16xf32, #tpu.memory_space<vmem>>, vector<16xf32>,
      %add3A_1762 = arith.addf %add3A_1754, %get3A_1761 : vector<16xf32>
      %mul3A_1763 = arith.mulf %get3A_1761, %get3A_1761 : vector<16xf32>
      %add3A_1764 = arith.addf %add3A_1756, %mul3A_1763 : vector<16xf32>
      %add3A_1765 = arith.constant 14 : i32
      %add3A_1766 = arith.addi %mul3A_1656, %add3A_1765 : i32
      %get3A_1767 = arith.index_cast %add3A_1766 : i32 to index
      %get3A_1768 = arith.constant 0 : index
      %get3A_1769 = tpu.vector_load %arg9[%get3A_1767, %get3A_1768] {strides = array<i32>} : memref<3328x16xf32, #tpu.memory_space<vmem>>, vector<16xf32>,
      %add3A_1770 = arith.addf %add3A_1762, %get3A_1769 : vector<16xf32>
      %mul3A_1771 = arith.mulf %get3A_1769, %get3A_1769 : vector<16xf32>
      %add3A_1772 = arith.addf %add3A_1764, %mul3A_1771 : vector<16xf32>
      %add3A_1773 = arith.constant 15 : i32
      %add3A_1774 = arith.addi %mul3A_1656, %add3A_1773 : i32
      %get3A_1775 = arith.index_cast %add3A_1774 : i32 to index
      %get3A_1776 = arith.constant 0 : index
      %get3A_1777 = tpu.vector_load %arg9[%get3A_1775, %get3A_1776] {strides = array<i32>} : memref<3328x16xf32, #tpu.memory_space<vmem>>, vector<16xf32>,
      %add3A_1778 = arith.addf %add3A_1770, %get3A_1777 : vector<16xf32>
      %mul3A_1779 = arith.mulf %get3A_1777, %get3A_1777 : vector<16xf32>
      %add3A_1780 = arith.addf %add3A_1772, %mul3A_1779 : vector<16xf32>
      %add3A_1781 = arith.constant 16 : i32
      %add3A_1782 = arith.addi %mul3A_1656, %add3A_1781 : i32
      %get3A_1783 = arith.index_cast %add3A_1782 : i32 to index
      %get3A_1784 = arith.constant 0 : index
      %get3A_1785 = tpu.vector_load %arg9[%get3A_1783, %get3A_1784] {strides = array<i32>} : memref<3328x16xf32, #tpu.memory_space<vmem>>, vector<16xf32>,
      %add3A_1786 = arith.addf %add3A_1778, %get3A_1785 : vector<16xf32>
      %mul3A_1787 = arith.mulf %get3A_1785, %get3A_1785 : vector<16xf32>
      %add3A_1788 = arith.addf %add3A_1780, %mul3A_1787 : vector<16xf32>
      %add3A_1789 = arith.constant 17 : i32
      %add3A_1790 = arith.addi %mul3A_1656, %add3A_1789 : i32
      %get3A_1791 = arith.index_cast %add3A_1790 : i32 to index
      %get3A_1792 = arith.constant 0 : index
      %get3A_1793 = tpu.vector_load %arg9[%get3A_1791, %get3A_1792] {strides = array<i32>} : memref<3328x16xf32, #tpu.memory_space<vmem>>, vector<16xf32>,
      %add3A_1794 = arith.addf %add3A_1786, %get3A_1793 : vector<16xf32>
      %mul3A_1795 = arith.mulf %get3A_1793, %get3A_1793 : vector<16xf32>
      %add3A_1796 = arith.addf %add3A_1788, %mul3A_1795 : vector<16xf32>
      %add3A_1797 = arith.constant 18 : i32
      %add3A_1798 = arith.addi %mul3A_1656, %add3A_1797 : i32
      %get3A_1799 = arith.index_cast %add3A_1798 : i32 to index
      %get3A_1800 = arith.constant 0 : index
      %get3A_1801 = tpu.vector_load %arg9[%get3A_1799, %get3A_1800] {strides = array<i32>} : memref<3328x16xf32, #tpu.memory_space<vmem>>, vector<16xf32>,
      %add3A_1802 = arith.addf %add3A_1794, %get3A_1801 : vector<16xf32>
      %mul3A_1803 = arith.mulf %get3A_1801, %get3A_1801 : vector<16xf32>
      %add3A_1804 = arith.addf %add3A_1796, %mul3A_1803 : vector<16xf32>
      %add3A_1805 = arith.constant 19 : i32
      %add3A_1806 = arith.addi %mul3A_1656, %add3A_1805 : i32
      %get3A_1807 = arith.index_cast %add3A_1806 : i32 to index
      %get3A_1808 = arith.constant 0 : index
      %get3A_1809 = tpu.vector_load %arg9[%get3A_1807, %get3A_1808] {strides = array<i32>} : memref<3328x16xf32, #tpu.memory_space<vmem>>, vector<16xf32>,
      %add3A_1810 = arith.addf %add3A_1802, %get3A_1809 : vector<16xf32>
      %mul3A_1811 = arith.mulf %get3A_1809, %get3A_1809 : vector<16xf32>
      %add3A_1812 = arith.addf %add3A_1804, %mul3A_1811 : vector<16xf32>
      %add3A_1813 = arith.constant 20 : i32
      %add3A_1814 = arith.addi %mul3A_1656, %add3A_1813 : i32
      %get3A_1815 = arith.index_cast %add3A_1814 : i32 to index
      %get3A_1816 = arith.constant 0 : index
      %get3A_1817 = tpu.vector_load %arg9[%get3A_1815, %get3A_1816] {strides = array<i32>} : memref<3328x16xf32, #tpu.memory_space<vmem>>, vector<16xf32>,
      %add3A_1818 = arith.addf %add3A_1810, %get3A_1817 : vector<16xf32>
      %mul3A_1819 = arith.mulf %get3A_1817, %get3A_1817 : vector<16xf32>
      %add3A_1820 = arith.addf %add3A_1812, %mul3A_1819 : vector<16xf32>
      %add3A_1821 = arith.constant 21 : i32
      %add3A_1822 = arith.addi %mul3A_1656, %add3A_1821 : i32
      %get3A_1823 = arith.index_cast %add3A_1822 : i32 to index
      %get3A_1824 = arith.constant 0 : index
      %get3A_1825 = tpu.vector_load %arg9[%get3A_1823, %get3A_1824] {strides = array<i32>} : memref<3328x16xf32, #tpu.memory_space<vmem>>, vector<16xf32>,
      %add3A_1826 = arith.addf %add3A_1818, %get3A_1825 : vector<16xf32>
      %mul3A_1827 = arith.mulf %get3A_1825, %get3A_1825 : vector<16xf32>
      %add3A_1828 = arith.addf %add3A_1820, %mul3A_1827 : vector<16xf32>
      %add3A_1829 = arith.constant 22 : i32
      %add3A_1830 = arith.addi %mul3A_1656, %add3A_1829 : i32
      %get3A_1831 = arith.index_cast %add3A_1830 : i32 to index
      %get3A_1832 = arith.constant 0 : index
      %get3A_1833 = tpu.vector_load %arg9[%get3A_1831, %get3A_1832] {strides = array<i32>} : memref<3328x16xf32, #tpu.memory_space<vmem>>, vector<16xf32>,
      %add3A_1834 = arith.addf %add3A_1826, %get3A_1833 : vector<16xf32>
      %mul3A_1835 = arith.mulf %get3A_1833, %get3A_1833 : vector<16xf32>
      %add3A_1836 = arith.addf %add3A_1828, %mul3A_1835 : vector<16xf32>
      %add3A_1837 = arith.constant 23 : i32
      %add3A_1838 = arith.addi %mul3A_1656, %add3A_1837 : i32
      %get3A_1839 = arith.index_cast %add3A_1838 : i32 to index
      %get3A_1840 = arith.constant 0 : index
      %get3A_1841 = tpu.vector_load %arg9[%get3A_1839, %get3A_1840] {strides = array<i32>} : memref<3328x16xf32, #tpu.memory_space<vmem>>, vector<16xf32>,
      %add3A_1842 = arith.addf %add3A_1834, %get3A_1841 : vector<16xf32>
      %mul3A_1843 = arith.mulf %get3A_1841, %get3A_1841 : vector<16xf32>
      %add3A_1844 = arith.addf %add3A_1836, %mul3A_1843 : vector<16xf32>
      %add3A_1845 = arith.constant 24 : i32
      %add3A_1846 = arith.addi %mul3A_1656, %add3A_1845 : i32
      %get3A_1847 = arith.index_cast %add3A_1846 : i32 to index
      %get3A_1848 = arith.constant 0 : index
      %get3A_1849 = tpu.vector_load %arg9[%get3A_1847, %get3A_1848] {strides = array<i32>} : memref<3328x16xf32, #tpu.memory_space<vmem>>, vector<16xf32>,
      %add3A_1850 = arith.addf %add3A_1842, %get3A_1849 : vector<16xf32>
      %mul3A_1851 = arith.mulf %get3A_1849, %get3A_1849 : vector<16xf32>
      %add3A_1852 = arith.addf %add3A_1844, %mul3A_1851 : vector<16xf32>
      %add3A_1853 = arith.constant 25 : i32
      %add3A_1854 = arith.addi %mul3A_1656, %add3A_1853 : i32
      %get3A_1855 = arith.index_cast %add3A_1854 : i32 to index
      %get3A_1856 = arith.constant 0 : index
      %get3A_1857 = tpu.vector_load %arg9[%get3A_1855, %get3A_1856] {strides = array<i32>} : memref<3328x16xf32, #tpu.memory_space<vmem>>, vector<16xf32>,
      %add3A_1858 = arith.addf %add3A_1850, %get3A_1857 : vector<16xf32>
      %mul3A_1859 = arith.mulf %get3A_1857, %get3A_1857 : vector<16xf32>
      %add3A_1860 = arith.addf %add3A_1852, %mul3A_1859 : vector<16xf32>
      %mul3A_1861 = arith.mulf %add3A_1858, %add3A_1858 : vector<16xf32>
      %sub3A_1862 = arith.subf %mul3A_1861, %add3A_1860 : vector<16xf32>
      %get3A_1863 = arith.index_cast %mul3A_1656 : i32 to index
      %get3A_1864 = tpu.vector_load %arg10[%get3A_1863] {strides = array<i32>} : memref<3344xf32, #tpu.memory_space<vmem>>, vector<16xf32>,
      %add3A_1865 = arith.constant 16 : i32
      %add3A_1866 = arith.addi %mul3A_1656, %add3A_1865 : i32
      %get3A_1867 = arith.index_cast %add3A_1866 : i32 to index
      %get3A_1868 = tpu.vector_load %arg10[%get3A_1867] {strides = array<i32>} : memref<3344xf32, #tpu.memory_space<vmem>>, vector<16xf32>,
      %mul3A_1869 = arith.constant 5.000000e-01 : f32
      %mul3A_1870 = vector.broadcast %mul3A_1869 : f32 to vector<16xf32>
      %mul3A_1871 = arith.mulf %mul3A_1870, %sub3A_1862 : vector<16xf32>
      %add3A_1872 = arith.addf %mul3A_1871, %get3A_1864 : vector<16xf32>
      %mul3A_1873 = arith.mulf %get3A_1868, %select_n3A : vector<16xf32>
      %add3A_1874 = arith.addf %add3A_1872, %mul3A_1873 : vector<16xf32>
      %eq3A_1875 = arith.constant 7 : i32
      %eq3A_1876 = vector.broadcast %eq3A_1875 : i32 to vector<16xi32>
      %eq3A_1877 = arith.cmpi eq, %iota3A, %eq3A_1876 : vector<16xi32>
      %reduce_sum3A_1878 = arith.constant true
      %reduce_sum3A_1879 = vector.broadcast %reduce_sum3A_1878 : i1 to vector<16xi1>
      %reduce_sum3A_1880 = tpu.scan <sum>, %add3A_1874 masked %reduce_sum3A_1879 : vector<16xf32>, vector<16xi1> -> vector<16xf32>
      %reduce_sum3A_1881 = vector.extract %reduce_sum3A_1880[15] : f32 from vector<16xf32>
      %broadcast_in_dim3A_1882 = vector.broadcast %reduce_sum3A_1881 : f32 to vector<16xf32>
      %select_n3A_1883 = arith.select %eq3A_1877, %broadcast_in_dim3A_1882, %select_n3A_1652 : vector<16xi1>, vector<16xf32>
      %add3A_1884 = arith.constant 8 : i32
      %add3A_1885 = arith.addi %mul3A_38, %add3A_1884 : i32
      %mul3A_1886 = arith.constant 26 : i32
      %mul3A_1887 = arith.muli %add3A_1885, %mul3A_1886 : i32
      %get3A_1888 = arith.index_cast %mul3A_1887 : i32 to index
      %get3A_1889 = arith.constant 0 : index
      %get3A_1890 = tpu.vector_load %arg9[%get3A_1888, %get3A_1889] {strides = array<i32>} : memref<3328x16xf32, #tpu.memory_space<vmem>>, vector<16xf32>,
      %mul3A_1891 = arith.mulf %get3A_1890, %get3A_1890 : vector<16xf32>
      %add3A_1892 = arith.constant 1 : i32
      %add3A_1893 = arith.addi %mul3A_1887, %add3A_1892 : i32
      %get3A_1894 = arith.index_cast %add3A_1893 : i32 to index
      %get3A_1895 = arith.constant 0 : index
      %get3A_1896 = tpu.vector_load %arg9[%get3A_1894, %get3A_1895] {strides = array<i32>} : memref<3328x16xf32, #tpu.memory_space<vmem>>, vector<16xf32>,
      %add3A_1897 = arith.addf %get3A_1890, %get3A_1896 : vector<16xf32>
      %mul3A_1898 = arith.mulf %get3A_1896, %get3A_1896 : vector<16xf32>
      %add3A_1899 = arith.addf %mul3A_1891, %mul3A_1898 : vector<16xf32>
      %add3A_1900 = arith.constant 2 : i32
      %add3A_1901 = arith.addi %mul3A_1887, %add3A_1900 : i32
      %get3A_1902 = arith.index_cast %add3A_1901 : i32 to index
      %get3A_1903 = arith.constant 0 : index
      %get3A_1904 = tpu.vector_load %arg9[%get3A_1902, %get3A_1903] {strides = array<i32>} : memref<3328x16xf32, #tpu.memory_space<vmem>>, vector<16xf32>,
      %add3A_1905 = arith.addf %add3A_1897, %get3A_1904 : vector<16xf32>
      %mul3A_1906 = arith.mulf %get3A_1904, %get3A_1904 : vector<16xf32>
      %add3A_1907 = arith.addf %add3A_1899, %mul3A_1906 : vector<16xf32>
      %add3A_1908 = arith.constant 3 : i32
      %add3A_1909 = arith.addi %mul3A_1887, %add3A_1908 : i32
      %get3A_1910 = arith.index_cast %add3A_1909 : i32 to index
      %get3A_1911 = arith.constant 0 : index
      %get3A_1912 = tpu.vector_load %arg9[%get3A_1910, %get3A_1911] {strides = array<i32>} : memref<3328x16xf32, #tpu.memory_space<vmem>>, vector<16xf32>,
      %add3A_1913 = arith.addf %add3A_1905, %get3A_1912 : vector<16xf32>
      %mul3A_1914 = arith.mulf %get3A_1912, %get3A_1912 : vector<16xf32>
      %add3A_1915 = arith.addf %add3A_1907, %mul3A_1914 : vector<16xf32>
      %add3A_1916 = arith.constant 4 : i32
      %add3A_1917 = arith.addi %mul3A_1887, %add3A_1916 : i32
      %get3A_1918 = arith.index_cast %add3A_1917 : i32 to index
      %get3A_1919 = arith.constant 0 : index
      %get3A_1920 = tpu.vector_load %arg9[%get3A_1918, %get3A_1919] {strides = array<i32>} : memref<3328x16xf32, #tpu.memory_space<vmem>>, vector<16xf32>,
      %add3A_1921 = arith.addf %add3A_1913, %get3A_1920 : vector<16xf32>
      %mul3A_1922 = arith.mulf %get3A_1920, %get3A_1920 : vector<16xf32>
      %add3A_1923 = arith.addf %add3A_1915, %mul3A_1922 : vector<16xf32>
      %add3A_1924 = arith.constant 5 : i32
      %add3A_1925 = arith.addi %mul3A_1887, %add3A_1924 : i32
      %get3A_1926 = arith.index_cast %add3A_1925 : i32 to index
      %get3A_1927 = arith.constant 0 : index
      %get3A_1928 = tpu.vector_load %arg9[%get3A_1926, %get3A_1927] {strides = array<i32>} : memref<3328x16xf32, #tpu.memory_space<vmem>>, vector<16xf32>,
      %add3A_1929 = arith.addf %add3A_1921, %get3A_1928 : vector<16xf32>
      %mul3A_1930 = arith.mulf %get3A_1928, %get3A_1928 : vector<16xf32>
      %add3A_1931 = arith.addf %add3A_1923, %mul3A_1930 : vector<16xf32>
      %add3A_1932 = arith.constant 6 : i32
      %add3A_1933 = arith.addi %mul3A_1887, %add3A_1932 : i32
      %get3A_1934 = arith.index_cast %add3A_1933 : i32 to index
      %get3A_1935 = arith.constant 0 : index
      %get3A_1936 = tpu.vector_load %arg9[%get3A_1934, %get3A_1935] {strides = array<i32>} : memref<3328x16xf32, #tpu.memory_space<vmem>>, vector<16xf32>,
      %add3A_1937 = arith.addf %add3A_1929, %get3A_1936 : vector<16xf32>
      %mul3A_1938 = arith.mulf %get3A_1936, %get3A_1936 : vector<16xf32>
      %add3A_1939 = arith.addf %add3A_1931, %mul3A_1938 : vector<16xf32>
      %add3A_1940 = arith.constant 7 : i32
      %add3A_1941 = arith.addi %mul3A_1887, %add3A_1940 : i32
      %get3A_1942 = arith.index_cast %add3A_1941 : i32 to index
      %get3A_1943 = arith.constant 0 : index
      %get3A_1944 = tpu.vector_load %arg9[%get3A_1942, %get3A_1943] {strides = array<i32>} : memref<3328x16xf32, #tpu.memory_space<vmem>>, vector<16xf32>,
      %add3A_1945 = arith.addf %add3A_1937, %get3A_1944 : vector<16xf32>
      %mul3A_1946 = arith.mulf %get3A_1944, %get3A_1944 : vector<16xf32>
      %add3A_1947 = arith.addf %add3A_1939, %mul3A_1946 : vector<16xf32>
      %add3A_1948 = arith.constant 8 : i32
      %add3A_1949 = arith.addi %mul3A_1887, %add3A_1948 : i32
      %get3A_1950 = arith.index_cast %add3A_1949 : i32 to index
      %get3A_1951 = arith.constant 0 : index
      %get3A_1952 = tpu.vector_load %arg9[%get3A_1950, %get3A_1951] {strides = array<i32>} : memref<3328x16xf32, #tpu.memory_space<vmem>>, vector<16xf32>,
      %add3A_1953 = arith.addf %add3A_1945, %get3A_1952 : vector<16xf32>
      %mul3A_1954 = arith.mulf %get3A_1952, %get3A_1952 : vector<16xf32>
      %add3A_1955 = arith.addf %add3A_1947, %mul3A_1954 : vector<16xf32>
      %add3A_1956 = arith.constant 9 : i32
      %add3A_1957 = arith.addi %mul3A_1887, %add3A_1956 : i32
      %get3A_1958 = arith.index_cast %add3A_1957 : i32 to index
      %get3A_1959 = arith.constant 0 : index
      %get3A_1960 = tpu.vector_load %arg9[%get3A_1958, %get3A_1959] {strides = array<i32>} : memref<3328x16xf32, #tpu.memory_space<vmem>>, vector<16xf32>,
      %add3A_1961 = arith.addf %add3A_1953, %get3A_1960 : vector<16xf32>
      %mul3A_1962 = arith.mulf %get3A_1960, %get3A_1960 : vector<16xf32>
      %add3A_1963 = arith.addf %add3A_1955, %mul3A_1962 : vector<16xf32>
      %add3A_1964 = arith.constant 10 : i32
      %add3A_1965 = arith.addi %mul3A_1887, %add3A_1964 : i32
      %get3A_1966 = arith.index_cast %add3A_1965 : i32 to index
      %get3A_1967 = arith.constant 0 : index
      %get3A_1968 = tpu.vector_load %arg9[%get3A_1966, %get3A_1967] {strides = array<i32>} : memref<3328x16xf32, #tpu.memory_space<vmem>>, vector<16xf32>,
      %add3A_1969 = arith.addf %add3A_1961, %get3A_1968 : vector<16xf32>
      %mul3A_1970 = arith.mulf %get3A_1968, %get3A_1968 : vector<16xf32>
      %add3A_1971 = arith.addf %add3A_1963, %mul3A_1970 : vector<16xf32>
      %add3A_1972 = arith.constant 11 : i32
      %add3A_1973 = arith.addi %mul3A_1887, %add3A_1972 : i32
      %get3A_1974 = arith.index_cast %add3A_1973 : i32 to index
      %get3A_1975 = arith.constant 0 : index
      %get3A_1976 = tpu.vector_load %arg9[%get3A_1974, %get3A_1975] {strides = array<i32>} : memref<3328x16xf32, #tpu.memory_space<vmem>>, vector<16xf32>,
      %add3A_1977 = arith.addf %add3A_1969, %get3A_1976 : vector<16xf32>
      %mul3A_1978 = arith.mulf %get3A_1976, %get3A_1976 : vector<16xf32>
      %add3A_1979 = arith.addf %add3A_1971, %mul3A_1978 : vector<16xf32>
      %add3A_1980 = arith.constant 12 : i32
      %add3A_1981 = arith.addi %mul3A_1887, %add3A_1980 : i32
      %get3A_1982 = arith.index_cast %add3A_1981 : i32 to index
      %get3A_1983 = arith.constant 0 : index
      %get3A_1984 = tpu.vector_load %arg9[%get3A_1982, %get3A_1983] {strides = array<i32>} : memref<3328x16xf32, #tpu.memory_space<vmem>>, vector<16xf32>,
      %add3A_1985 = arith.addf %add3A_1977, %get3A_1984 : vector<16xf32>
      %mul3A_1986 = arith.mulf %get3A_1984, %get3A_1984 : vector<16xf32>
      %add3A_1987 = arith.addf %add3A_1979, %mul3A_1986 : vector<16xf32>
      %add3A_1988 = arith.constant 13 : i32
      %add3A_1989 = arith.addi %mul3A_1887, %add3A_1988 : i32
      %get3A_1990 = arith.index_cast %add3A_1989 : i32 to index
      %get3A_1991 = arith.constant 0 : index
      %get3A_1992 = tpu.vector_load %arg9[%get3A_1990, %get3A_1991] {strides = array<i32>} : memref<3328x16xf32, #tpu.memory_space<vmem>>, vector<16xf32>,
      %add3A_1993 = arith.addf %add3A_1985, %get3A_1992 : vector<16xf32>
      %mul3A_1994 = arith.mulf %get3A_1992, %get3A_1992 : vector<16xf32>
      %add3A_1995 = arith.addf %add3A_1987, %mul3A_1994 : vector<16xf32>
      %add3A_1996 = arith.constant 14 : i32
      %add3A_1997 = arith.addi %mul3A_1887, %add3A_1996 : i32
      %get3A_1998 = arith.index_cast %add3A_1997 : i32 to index
      %get3A_1999 = arith.constant 0 : index
      %get3A_2000 = tpu.vector_load %arg9[%get3A_1998, %get3A_1999] {strides = array<i32>} : memref<3328x16xf32, #tpu.memory_space<vmem>>, vector<16xf32>,
      %add3A_2001 = arith.addf %add3A_1993, %get3A_2000 : vector<16xf32>
      %mul3A_2002 = arith.mulf %get3A_2000, %get3A_2000 : vector<16xf32>
      %add3A_2003 = arith.addf %add3A_1995, %mul3A_2002 : vector<16xf32>
      %add3A_2004 = arith.constant 15 : i32
      %add3A_2005 = arith.addi %mul3A_1887, %add3A_2004 : i32
      %get3A_2006 = arith.index_cast %add3A_2005 : i32 to index
      %get3A_2007 = arith.constant 0 : index
      %get3A_2008 = tpu.vector_load %arg9[%get3A_2006, %get3A_2007] {strides = array<i32>} : memref<3328x16xf32, #tpu.memory_space<vmem>>, vector<16xf32>,
      %add3A_2009 = arith.addf %add3A_2001, %get3A_2008 : vector<16xf32>
      %mul3A_2010 = arith.mulf %get3A_2008, %get3A_2008 : vector<16xf32>
      %add3A_2011 = arith.addf %add3A_2003, %mul3A_2010 : vector<16xf32>
      %add3A_2012 = arith.constant 16 : i32
      %add3A_2013 = arith.addi %mul3A_1887, %add3A_2012 : i32
      %get3A_2014 = arith.index_cast %add3A_2013 : i32 to index
      %get3A_2015 = arith.constant 0 : index
      %get3A_2016 = tpu.vector_load %arg9[%get3A_2014, %get3A_2015] {strides = array<i32>} : memref<3328x16xf32, #tpu.memory_space<vmem>>, vector<16xf32>,
      %add3A_2017 = arith.addf %add3A_2009, %get3A_2016 : vector<16xf32>
      %mul3A_2018 = arith.mulf %get3A_2016, %get3A_2016 : vector<16xf32>
      %add3A_2019 = arith.addf %add3A_2011, %mul3A_2018 : vector<16xf32>
      %add3A_2020 = arith.constant 17 : i32
      %add3A_2021 = arith.addi %mul3A_1887, %add3A_2020 : i32
      %get3A_2022 = arith.index_cast %add3A_2021 : i32 to index
      %get3A_2023 = arith.constant 0 : index
      %get3A_2024 = tpu.vector_load %arg9[%get3A_2022, %get3A_2023] {strides = array<i32>} : memref<3328x16xf32, #tpu.memory_space<vmem>>, vector<16xf32>,
      %add3A_2025 = arith.addf %add3A_2017, %get3A_2024 : vector<16xf32>
      %mul3A_2026 = arith.mulf %get3A_2024, %get3A_2024 : vector<16xf32>
      %add3A_2027 = arith.addf %add3A_2019, %mul3A_2026 : vector<16xf32>
      %add3A_2028 = arith.constant 18 : i32
      %add3A_2029 = arith.addi %mul3A_1887, %add3A_2028 : i32
      %get3A_2030 = arith.index_cast %add3A_2029 : i32 to index
      %get3A_2031 = arith.constant 0 : index
      %get3A_2032 = tpu.vector_load %arg9[%get3A_2030, %get3A_2031] {strides = array<i32>} : memref<3328x16xf32, #tpu.memory_space<vmem>>, vector<16xf32>,
      %add3A_2033 = arith.addf %add3A_2025, %get3A_2032 : vector<16xf32>
      %mul3A_2034 = arith.mulf %get3A_2032, %get3A_2032 : vector<16xf32>
      %add3A_2035 = arith.addf %add3A_2027, %mul3A_2034 : vector<16xf32>
      %add3A_2036 = arith.constant 19 : i32
      %add3A_2037 = arith.addi %mul3A_1887, %add3A_2036 : i32
      %get3A_2038 = arith.index_cast %add3A_2037 : i32 to index
      %get3A_2039 = arith.constant 0 : index
      %get3A_2040 = tpu.vector_load %arg9[%get3A_2038, %get3A_2039] {strides = array<i32>} : memref<3328x16xf32, #tpu.memory_space<vmem>>, vector<16xf32>,
      %add3A_2041 = arith.addf %add3A_2033, %get3A_2040 : vector<16xf32>
      %mul3A_2042 = arith.mulf %get3A_2040, %get3A_2040 : vector<16xf32>
      %add3A_2043 = arith.addf %add3A_2035, %mul3A_2042 : vector<16xf32>
      %add3A_2044 = arith.constant 20 : i32
      %add3A_2045 = arith.addi %mul3A_1887, %add3A_2044 : i32
      %get3A_2046 = arith.index_cast %add3A_2045 : i32 to index
      %get3A_2047 = arith.constant 0 : index
      %get3A_2048 = tpu.vector_load %arg9[%get3A_2046, %get3A_2047] {strides = array<i32>} : memref<3328x16xf32, #tpu.memory_space<vmem>>, vector<16xf32>,
      %add3A_2049 = arith.addf %add3A_2041, %get3A_2048 : vector<16xf32>
      %mul3A_2050 = arith.mulf %get3A_2048, %get3A_2048 : vector<16xf32>
      %add3A_2051 = arith.addf %add3A_2043, %mul3A_2050 : vector<16xf32>
      %add3A_2052 = arith.constant 21 : i32
      %add3A_2053 = arith.addi %mul3A_1887, %add3A_2052 : i32
      %get3A_2054 = arith.index_cast %add3A_2053 : i32 to index
      %get3A_2055 = arith.constant 0 : index
      %get3A_2056 = tpu.vector_load %arg9[%get3A_2054, %get3A_2055] {strides = array<i32>} : memref<3328x16xf32, #tpu.memory_space<vmem>>, vector<16xf32>,
      %add3A_2057 = arith.addf %add3A_2049, %get3A_2056 : vector<16xf32>
      %mul3A_2058 = arith.mulf %get3A_2056, %get3A_2056 : vector<16xf32>
      %add3A_2059 = arith.addf %add3A_2051, %mul3A_2058 : vector<16xf32>
      %add3A_2060 = arith.constant 22 : i32
      %add3A_2061 = arith.addi %mul3A_1887, %add3A_2060 : i32
      %get3A_2062 = arith.index_cast %add3A_2061 : i32 to index
      %get3A_2063 = arith.constant 0 : index
      %get3A_2064 = tpu.vector_load %arg9[%get3A_2062, %get3A_2063] {strides = array<i32>} : memref<3328x16xf32, #tpu.memory_space<vmem>>, vector<16xf32>,
      %add3A_2065 = arith.addf %add3A_2057, %get3A_2064 : vector<16xf32>
      %mul3A_2066 = arith.mulf %get3A_2064, %get3A_2064 : vector<16xf32>
      %add3A_2067 = arith.addf %add3A_2059, %mul3A_2066 : vector<16xf32>
      %add3A_2068 = arith.constant 23 : i32
      %add3A_2069 = arith.addi %mul3A_1887, %add3A_2068 : i32
      %get3A_2070 = arith.index_cast %add3A_2069 : i32 to index
      %get3A_2071 = arith.constant 0 : index
      %get3A_2072 = tpu.vector_load %arg9[%get3A_2070, %get3A_2071] {strides = array<i32>} : memref<3328x16xf32, #tpu.memory_space<vmem>>, vector<16xf32>,
      %add3A_2073 = arith.addf %add3A_2065, %get3A_2072 : vector<16xf32>
      %mul3A_2074 = arith.mulf %get3A_2072, %get3A_2072 : vector<16xf32>
      %add3A_2075 = arith.addf %add3A_2067, %mul3A_2074 : vector<16xf32>
      %add3A_2076 = arith.constant 24 : i32
      %add3A_2077 = arith.addi %mul3A_1887, %add3A_2076 : i32
      %get3A_2078 = arith.index_cast %add3A_2077 : i32 to index
      %get3A_2079 = arith.constant 0 : index
      %get3A_2080 = tpu.vector_load %arg9[%get3A_2078, %get3A_2079] {strides = array<i32>} : memref<3328x16xf32, #tpu.memory_space<vmem>>, vector<16xf32>,
      %add3A_2081 = arith.addf %add3A_2073, %get3A_2080 : vector<16xf32>
      %mul3A_2082 = arith.mulf %get3A_2080, %get3A_2080 : vector<16xf32>
      %add3A_2083 = arith.addf %add3A_2075, %mul3A_2082 : vector<16xf32>
      %add3A_2084 = arith.constant 25 : i32
      %add3A_2085 = arith.addi %mul3A_1887, %add3A_2084 : i32
      %get3A_2086 = arith.index_cast %add3A_2085 : i32 to index
      %get3A_2087 = arith.constant 0 : index
      %get3A_2088 = tpu.vector_load %arg9[%get3A_2086, %get3A_2087] {strides = array<i32>} : memref<3328x16xf32, #tpu.memory_space<vmem>>, vector<16xf32>,
      %add3A_2089 = arith.addf %add3A_2081, %get3A_2088 : vector<16xf32>
      %mul3A_2090 = arith.mulf %get3A_2088, %get3A_2088 : vector<16xf32>
      %add3A_2091 = arith.addf %add3A_2083, %mul3A_2090 : vector<16xf32>
      %mul3A_2092 = arith.mulf %add3A_2089, %add3A_2089 : vector<16xf32>
      %sub3A_2093 = arith.subf %mul3A_2092, %add3A_2091 : vector<16xf32>
      %get3A_2094 = arith.index_cast %mul3A_1887 : i32 to index
      %get3A_2095 = tpu.vector_load %arg10[%get3A_2094] {strides = array<i32>} : memref<3344xf32, #tpu.memory_space<vmem>>, vector<16xf32>,
      %add3A_2096 = arith.constant 16 : i32
      %add3A_2097 = arith.addi %mul3A_1887, %add3A_2096 : i32
      %get3A_2098 = arith.index_cast %add3A_2097 : i32 to index
      %get3A_2099 = tpu.vector_load %arg10[%get3A_2098] {strides = array<i32>} : memref<3344xf32, #tpu.memory_space<vmem>>, vector<16xf32>,
      %mul3A_2100 = arith.constant 5.000000e-01 : f32
      %mul3A_2101 = vector.broadcast %mul3A_2100 : f32 to vector<16xf32>
      %mul3A_2102 = arith.mulf %mul3A_2101, %sub3A_2093 : vector<16xf32>
      %add3A_2103 = arith.addf %mul3A_2102, %get3A_2095 : vector<16xf32>
      %mul3A_2104 = arith.mulf %get3A_2099, %select_n3A : vector<16xf32>
      %add3A_2105 = arith.addf %add3A_2103, %mul3A_2104 : vector<16xf32>
      %eq3A_2106 = arith.constant 8 : i32
      %eq3A_2107 = vector.broadcast %eq3A_2106 : i32 to vector<16xi32>
      %eq3A_2108 = arith.cmpi eq, %iota3A, %eq3A_2107 : vector<16xi32>
      %reduce_sum3A_2109 = arith.constant true
      %reduce_sum3A_2110 = vector.broadcast %reduce_sum3A_2109 : i1 to vector<16xi1>
      %reduce_sum3A_2111 = tpu.scan <sum>, %add3A_2105 masked %reduce_sum3A_2110 : vector<16xf32>, vector<16xi1> -> vector<16xf32>
      %reduce_sum3A_2112 = vector.extract %reduce_sum3A_2111[15] : f32 from vector<16xf32>
      %broadcast_in_dim3A_2113 = vector.broadcast %reduce_sum3A_2112 : f32 to vector<16xf32>
      %select_n3A_2114 = arith.select %eq3A_2108, %broadcast_in_dim3A_2113, %select_n3A_1883 : vector<16xi1>, vector<16xf32>
      %add3A_2115 = arith.constant 9 : i32
      %add3A_2116 = arith.addi %mul3A_38, %add3A_2115 : i32
      %mul3A_2117 = arith.constant 26 : i32
      %mul3A_2118 = arith.muli %add3A_2116, %mul3A_2117 : i32
      %get3A_2119 = arith.index_cast %mul3A_2118 : i32 to index
      %get3A_2120 = arith.constant 0 : index
      %get3A_2121 = tpu.vector_load %arg9[%get3A_2119, %get3A_2120] {strides = array<i32>} : memref<3328x16xf32, #tpu.memory_space<vmem>>, vector<16xf32>,
      %mul3A_2122 = arith.mulf %get3A_2121, %get3A_2121 : vector<16xf32>
      %add3A_2123 = arith.constant 1 : i32
      %add3A_2124 = arith.addi %mul3A_2118, %add3A_2123 : i32
      %get3A_2125 = arith.index_cast %add3A_2124 : i32 to index
      %get3A_2126 = arith.constant 0 : index
      %get3A_2127 = tpu.vector_load %arg9[%get3A_2125, %get3A_2126] {strides = array<i32>} : memref<3328x16xf32, #tpu.memory_space<vmem>>, vector<16xf32>,
      %add3A_2128 = arith.addf %get3A_2121, %get3A_2127 : vector<16xf32>
      %mul3A_2129 = arith.mulf %get3A_2127, %get3A_2127 : vector<16xf32>
      %add3A_2130 = arith.addf %mul3A_2122, %mul3A_2129 : vector<16xf32>
      %add3A_2131 = arith.constant 2 : i32
      %add3A_2132 = arith.addi %mul3A_2118, %add3A_2131 : i32
      %get3A_2133 = arith.index_cast %add3A_2132 : i32 to index
      %get3A_2134 = arith.constant 0 : index
      %get3A_2135 = tpu.vector_load %arg9[%get3A_2133, %get3A_2134] {strides = array<i32>} : memref<3328x16xf32, #tpu.memory_space<vmem>>, vector<16xf32>,
      %add3A_2136 = arith.addf %add3A_2128, %get3A_2135 : vector<16xf32>
      %mul3A_2137 = arith.mulf %get3A_2135, %get3A_2135 : vector<16xf32>
      %add3A_2138 = arith.addf %add3A_2130, %mul3A_2137 : vector<16xf32>
      %add3A_2139 = arith.constant 3 : i32
      %add3A_2140 = arith.addi %mul3A_2118, %add3A_2139 : i32
      %get3A_2141 = arith.index_cast %add3A_2140 : i32 to index
      %get3A_2142 = arith.constant 0 : index
      %get3A_2143 = tpu.vector_load %arg9[%get3A_2141, %get3A_2142] {strides = array<i32>} : memref<3328x16xf32, #tpu.memory_space<vmem>>, vector<16xf32>,
      %add3A_2144 = arith.addf %add3A_2136, %get3A_2143 : vector<16xf32>
      %mul3A_2145 = arith.mulf %get3A_2143, %get3A_2143 : vector<16xf32>
      %add3A_2146 = arith.addf %add3A_2138, %mul3A_2145 : vector<16xf32>
      %add3A_2147 = arith.constant 4 : i32
      %add3A_2148 = arith.addi %mul3A_2118, %add3A_2147 : i32
      %get3A_2149 = arith.index_cast %add3A_2148 : i32 to index
      %get3A_2150 = arith.constant 0 : index
      %get3A_2151 = tpu.vector_load %arg9[%get3A_2149, %get3A_2150] {strides = array<i32>} : memref<3328x16xf32, #tpu.memory_space<vmem>>, vector<16xf32>,
      %add3A_2152 = arith.addf %add3A_2144, %get3A_2151 : vector<16xf32>
      %mul3A_2153 = arith.mulf %get3A_2151, %get3A_2151 : vector<16xf32>
      %add3A_2154 = arith.addf %add3A_2146, %mul3A_2153 : vector<16xf32>
      %add3A_2155 = arith.constant 5 : i32
      %add3A_2156 = arith.addi %mul3A_2118, %add3A_2155 : i32
      %get3A_2157 = arith.index_cast %add3A_2156 : i32 to index
      %get3A_2158 = arith.constant 0 : index
      %get3A_2159 = tpu.vector_load %arg9[%get3A_2157, %get3A_2158] {strides = array<i32>} : memref<3328x16xf32, #tpu.memory_space<vmem>>, vector<16xf32>,
      %add3A_2160 = arith.addf %add3A_2152, %get3A_2159 : vector<16xf32>
      %mul3A_2161 = arith.mulf %get3A_2159, %get3A_2159 : vector<16xf32>
      %add3A_2162 = arith.addf %add3A_2154, %mul3A_2161 : vector<16xf32>
      %add3A_2163 = arith.constant 6 : i32
      %add3A_2164 = arith.addi %mul3A_2118, %add3A_2163 : i32
      %get3A_2165 = arith.index_cast %add3A_2164 : i32 to index
      %get3A_2166 = arith.constant 0 : index
      %get3A_2167 = tpu.vector_load %arg9[%get3A_2165, %get3A_2166] {strides = array<i32>} : memref<3328x16xf32, #tpu.memory_space<vmem>>, vector<16xf32>,
      %add3A_2168 = arith.addf %add3A_2160, %get3A_2167 : vector<16xf32>
      %mul3A_2169 = arith.mulf %get3A_2167, %get3A_2167 : vector<16xf32>
      %add3A_2170 = arith.addf %add3A_2162, %mul3A_2169 : vector<16xf32>
      %add3A_2171 = arith.constant 7 : i32
      %add3A_2172 = arith.addi %mul3A_2118, %add3A_2171 : i32
      %get3A_2173 = arith.index_cast %add3A_2172 : i32 to index
      %get3A_2174 = arith.constant 0 : index
      %get3A_2175 = tpu.vector_load %arg9[%get3A_2173, %get3A_2174] {strides = array<i32>} : memref<3328x16xf32, #tpu.memory_space<vmem>>, vector<16xf32>,
      %add3A_2176 = arith.addf %add3A_2168, %get3A_2175 : vector<16xf32>
      %mul3A_2177 = arith.mulf %get3A_2175, %get3A_2175 : vector<16xf32>
      %add3A_2178 = arith.addf %add3A_2170, %mul3A_2177 : vector<16xf32>
      %add3A_2179 = arith.constant 8 : i32
      %add3A_2180 = arith.addi %mul3A_2118, %add3A_2179 : i32
      %get3A_2181 = arith.index_cast %add3A_2180 : i32 to index
      %get3A_2182 = arith.constant 0 : index
      %get3A_2183 = tpu.vector_load %arg9[%get3A_2181, %get3A_2182] {strides = array<i32>} : memref<3328x16xf32, #tpu.memory_space<vmem>>, vector<16xf32>,
      %add3A_2184 = arith.addf %add3A_2176, %get3A_2183 : vector<16xf32>
      %mul3A_2185 = arith.mulf %get3A_2183, %get3A_2183 : vector<16xf32>
      %add3A_2186 = arith.addf %add3A_2178, %mul3A_2185 : vector<16xf32>
      %add3A_2187 = arith.constant 9 : i32
      %add3A_2188 = arith.addi %mul3A_2118, %add3A_2187 : i32
      %get3A_2189 = arith.index_cast %add3A_2188 : i32 to index
      %get3A_2190 = arith.constant 0 : index
      %get3A_2191 = tpu.vector_load %arg9[%get3A_2189, %get3A_2190] {strides = array<i32>} : memref<3328x16xf32, #tpu.memory_space<vmem>>, vector<16xf32>,
      %add3A_2192 = arith.addf %add3A_2184, %get3A_2191 : vector<16xf32>
      %mul3A_2193 = arith.mulf %get3A_2191, %get3A_2191 : vector<16xf32>
      %add3A_2194 = arith.addf %add3A_2186, %mul3A_2193 : vector<16xf32>
      %add3A_2195 = arith.constant 10 : i32
      %add3A_2196 = arith.addi %mul3A_2118, %add3A_2195 : i32
      %get3A_2197 = arith.index_cast %add3A_2196 : i32 to index
      %get3A_2198 = arith.constant 0 : index
      %get3A_2199 = tpu.vector_load %arg9[%get3A_2197, %get3A_2198] {strides = array<i32>} : memref<3328x16xf32, #tpu.memory_space<vmem>>, vector<16xf32>,
      %add3A_2200 = arith.addf %add3A_2192, %get3A_2199 : vector<16xf32>
      %mul3A_2201 = arith.mulf %get3A_2199, %get3A_2199 : vector<16xf32>
      %add3A_2202 = arith.addf %add3A_2194, %mul3A_2201 : vector<16xf32>
      %add3A_2203 = arith.constant 11 : i32
      %add3A_2204 = arith.addi %mul3A_2118, %add3A_2203 : i32
      %get3A_2205 = arith.index_cast %add3A_2204 : i32 to index
      %get3A_2206 = arith.constant 0 : index
      %get3A_2207 = tpu.vector_load %arg9[%get3A_2205, %get3A_2206] {strides = array<i32>} : memref<3328x16xf32, #tpu.memory_space<vmem>>, vector<16xf32>,
      %add3A_2208 = arith.addf %add3A_2200, %get3A_2207 : vector<16xf32>
      %mul3A_2209 = arith.mulf %get3A_2207, %get3A_2207 : vector<16xf32>
      %add3A_2210 = arith.addf %add3A_2202, %mul3A_2209 : vector<16xf32>
      %add3A_2211 = arith.constant 12 : i32
      %add3A_2212 = arith.addi %mul3A_2118, %add3A_2211 : i32
      %get3A_2213 = arith.index_cast %add3A_2212 : i32 to index
      %get3A_2214 = arith.constant 0 : index
      %get3A_2215 = tpu.vector_load %arg9[%get3A_2213, %get3A_2214] {strides = array<i32>} : memref<3328x16xf32, #tpu.memory_space<vmem>>, vector<16xf32>,
      %add3A_2216 = arith.addf %add3A_2208, %get3A_2215 : vector<16xf32>
      %mul3A_2217 = arith.mulf %get3A_2215, %get3A_2215 : vector<16xf32>
      %add3A_2218 = arith.addf %add3A_2210, %mul3A_2217 : vector<16xf32>
      %add3A_2219 = arith.constant 13 : i32
      %add3A_2220 = arith.addi %mul3A_2118, %add3A_2219 : i32
      %get3A_2221 = arith.index_cast %add3A_2220 : i32 to index
      %get3A_2222 = arith.constant 0 : index
      %get3A_2223 = tpu.vector_load %arg9[%get3A_2221, %get3A_2222] {strides = array<i32>} : memref<3328x16xf32, #tpu.memory_space<vmem>>, vector<16xf32>,
      %add3A_2224 = arith.addf %add3A_2216, %get3A_2223 : vector<16xf32>
      %mul3A_2225 = arith.mulf %get3A_2223, %get3A_2223 : vector<16xf32>
      %add3A_2226 = arith.addf %add3A_2218, %mul3A_2225 : vector<16xf32>
      %add3A_2227 = arith.constant 14 : i32
      %add3A_2228 = arith.addi %mul3A_2118, %add3A_2227 : i32
      %get3A_2229 = arith.index_cast %add3A_2228 : i32 to index
      %get3A_2230 = arith.constant 0 : index
      %get3A_2231 = tpu.vector_load %arg9[%get3A_2229, %get3A_2230] {strides = array<i32>} : memref<3328x16xf32, #tpu.memory_space<vmem>>, vector<16xf32>,
      %add3A_2232 = arith.addf %add3A_2224, %get3A_2231 : vector<16xf32>
      %mul3A_2233 = arith.mulf %get3A_2231, %get3A_2231 : vector<16xf32>
      %add3A_2234 = arith.addf %add3A_2226, %mul3A_2233 : vector<16xf32>
      %add3A_2235 = arith.constant 15 : i32
      %add3A_2236 = arith.addi %mul3A_2118, %add3A_2235 : i32
      %get3A_2237 = arith.index_cast %add3A_2236 : i32 to index
      %get3A_2238 = arith.constant 0 : index
      %get3A_2239 = tpu.vector_load %arg9[%get3A_2237, %get3A_2238] {strides = array<i32>} : memref<3328x16xf32, #tpu.memory_space<vmem>>, vector<16xf32>,
      %add3A_2240 = arith.addf %add3A_2232, %get3A_2239 : vector<16xf32>
      %mul3A_2241 = arith.mulf %get3A_2239, %get3A_2239 : vector<16xf32>
      %add3A_2242 = arith.addf %add3A_2234, %mul3A_2241 : vector<16xf32>
      %add3A_2243 = arith.constant 16 : i32
      %add3A_2244 = arith.addi %mul3A_2118, %add3A_2243 : i32
      %get3A_2245 = arith.index_cast %add3A_2244 : i32 to index
      %get3A_2246 = arith.constant 0 : index
      %get3A_2247 = tpu.vector_load %arg9[%get3A_2245, %get3A_2246] {strides = array<i32>} : memref<3328x16xf32, #tpu.memory_space<vmem>>, vector<16xf32>,
      %add3A_2248 = arith.addf %add3A_2240, %get3A_2247 : vector<16xf32>
      %mul3A_2249 = arith.mulf %get3A_2247, %get3A_2247 : vector<16xf32>
      %add3A_2250 = arith.addf %add3A_2242, %mul3A_2249 : vector<16xf32>
      %add3A_2251 = arith.constant 17 : i32
      %add3A_2252 = arith.addi %mul3A_2118, %add3A_2251 : i32
      %get3A_2253 = arith.index_cast %add3A_2252 : i32 to index
      %get3A_2254 = arith.constant 0 : index
      %get3A_2255 = tpu.vector_load %arg9[%get3A_2253, %get3A_2254] {strides = array<i32>} : memref<3328x16xf32, #tpu.memory_space<vmem>>, vector<16xf32>,
      %add3A_2256 = arith.addf %add3A_2248, %get3A_2255 : vector<16xf32>
      %mul3A_2257 = arith.mulf %get3A_2255, %get3A_2255 : vector<16xf32>
      %add3A_2258 = arith.addf %add3A_2250, %mul3A_2257 : vector<16xf32>
      %add3A_2259 = arith.constant 18 : i32
      %add3A_2260 = arith.addi %mul3A_2118, %add3A_2259 : i32
      %get3A_2261 = arith.index_cast %add3A_2260 : i32 to index
      %get3A_2262 = arith.constant 0 : index
      %get3A_2263 = tpu.vector_load %arg9[%get3A_2261, %get3A_2262] {strides = array<i32>} : memref<3328x16xf32, #tpu.memory_space<vmem>>, vector<16xf32>,
      %add3A_2264 = arith.addf %add3A_2256, %get3A_2263 : vector<16xf32>
      %mul3A_2265 = arith.mulf %get3A_2263, %get3A_2263 : vector<16xf32>
      %add3A_2266 = arith.addf %add3A_2258, %mul3A_2265 : vector<16xf32>
      %add3A_2267 = arith.constant 19 : i32
      %add3A_2268 = arith.addi %mul3A_2118, %add3A_2267 : i32
      %get3A_2269 = arith.index_cast %add3A_2268 : i32 to index
      %get3A_2270 = arith.constant 0 : index
      %get3A_2271 = tpu.vector_load %arg9[%get3A_2269, %get3A_2270] {strides = array<i32>} : memref<3328x16xf32, #tpu.memory_space<vmem>>, vector<16xf32>,
      %add3A_2272 = arith.addf %add3A_2264, %get3A_2271 : vector<16xf32>
      %mul3A_2273 = arith.mulf %get3A_2271, %get3A_2271 : vector<16xf32>
      %add3A_2274 = arith.addf %add3A_2266, %mul3A_2273 : vector<16xf32>
      %add3A_2275 = arith.constant 20 : i32
      %add3A_2276 = arith.addi %mul3A_2118, %add3A_2275 : i32
      %get3A_2277 = arith.index_cast %add3A_2276 : i32 to index
      %get3A_2278 = arith.constant 0 : index
      %get3A_2279 = tpu.vector_load %arg9[%get3A_2277, %get3A_2278] {strides = array<i32>} : memref<3328x16xf32, #tpu.memory_space<vmem>>, vector<16xf32>,
      %add3A_2280 = arith.addf %add3A_2272, %get3A_2279 : vector<16xf32>
      %mul3A_2281 = arith.mulf %get3A_2279, %get3A_2279 : vector<16xf32>
      %add3A_2282 = arith.addf %add3A_2274, %mul3A_2281 : vector<16xf32>
      %add3A_2283 = arith.constant 21 : i32
      %add3A_2284 = arith.addi %mul3A_2118, %add3A_2283 : i32
      %get3A_2285 = arith.index_cast %add3A_2284 : i32 to index
      %get3A_2286 = arith.constant 0 : index
      %get3A_2287 = tpu.vector_load %arg9[%get3A_2285, %get3A_2286] {strides = array<i32>} : memref<3328x16xf32, #tpu.memory_space<vmem>>, vector<16xf32>,
      %add3A_2288 = arith.addf %add3A_2280, %get3A_2287 : vector<16xf32>
      %mul3A_2289 = arith.mulf %get3A_2287, %get3A_2287 : vector<16xf32>
      %add3A_2290 = arith.addf %add3A_2282, %mul3A_2289 : vector<16xf32>
      %add3A_2291 = arith.constant 22 : i32
      %add3A_2292 = arith.addi %mul3A_2118, %add3A_2291 : i32
      %get3A_2293 = arith.index_cast %add3A_2292 : i32 to index
      %get3A_2294 = arith.constant 0 : index
      %get3A_2295 = tpu.vector_load %arg9[%get3A_2293, %get3A_2294] {strides = array<i32>} : memref<3328x16xf32, #tpu.memory_space<vmem>>, vector<16xf32>,
      %add3A_2296 = arith.addf %add3A_2288, %get3A_2295 : vector<16xf32>
      %mul3A_2297 = arith.mulf %get3A_2295, %get3A_2295 : vector<16xf32>
      %add3A_2298 = arith.addf %add3A_2290, %mul3A_2297 : vector<16xf32>
      %add3A_2299 = arith.constant 23 : i32
      %add3A_2300 = arith.addi %mul3A_2118, %add3A_2299 : i32
      %get3A_2301 = arith.index_cast %add3A_2300 : i32 to index
      %get3A_2302 = arith.constant 0 : index
      %get3A_2303 = tpu.vector_load %arg9[%get3A_2301, %get3A_2302] {strides = array<i32>} : memref<3328x16xf32, #tpu.memory_space<vmem>>, vector<16xf32>,
      %add3A_2304 = arith.addf %add3A_2296, %get3A_2303 : vector<16xf32>
      %mul3A_2305 = arith.mulf %get3A_2303, %get3A_2303 : vector<16xf32>
      %add3A_2306 = arith.addf %add3A_2298, %mul3A_2305 : vector<16xf32>
      %add3A_2307 = arith.constant 24 : i32
      %add3A_2308 = arith.addi %mul3A_2118, %add3A_2307 : i32
      %get3A_2309 = arith.index_cast %add3A_2308 : i32 to index
      %get3A_2310 = arith.constant 0 : index
      %get3A_2311 = tpu.vector_load %arg9[%get3A_2309, %get3A_2310] {strides = array<i32>} : memref<3328x16xf32, #tpu.memory_space<vmem>>, vector<16xf32>,
      %add3A_2312 = arith.addf %add3A_2304, %get3A_2311 : vector<16xf32>
      %mul3A_2313 = arith.mulf %get3A_2311, %get3A_2311 : vector<16xf32>
      %add3A_2314 = arith.addf %add3A_2306, %mul3A_2313 : vector<16xf32>
      %add3A_2315 = arith.constant 25 : i32
      %add3A_2316 = arith.addi %mul3A_2118, %add3A_2315 : i32
      %get3A_2317 = arith.index_cast %add3A_2316 : i32 to index
      %get3A_2318 = arith.constant 0 : index
      %get3A_2319 = tpu.vector_load %arg9[%get3A_2317, %get3A_2318] {strides = array<i32>} : memref<3328x16xf32, #tpu.memory_space<vmem>>, vector<16xf32>,
      %add3A_2320 = arith.addf %add3A_2312, %get3A_2319 : vector<16xf32>
      %mul3A_2321 = arith.mulf %get3A_2319, %get3A_2319 : vector<16xf32>
      %add3A_2322 = arith.addf %add3A_2314, %mul3A_2321 : vector<16xf32>
      %mul3A_2323 = arith.mulf %add3A_2320, %add3A_2320 : vector<16xf32>
      %sub3A_2324 = arith.subf %mul3A_2323, %add3A_2322 : vector<16xf32>
      %get3A_2325 = arith.index_cast %mul3A_2118 : i32 to index
      %get3A_2326 = tpu.vector_load %arg10[%get3A_2325] {strides = array<i32>} : memref<3344xf32, #tpu.memory_space<vmem>>, vector<16xf32>,
      %add3A_2327 = arith.constant 16 : i32
      %add3A_2328 = arith.addi %mul3A_2118, %add3A_2327 : i32
      %get3A_2329 = arith.index_cast %add3A_2328 : i32 to index
      %get3A_2330 = tpu.vector_load %arg10[%get3A_2329] {strides = array<i32>} : memref<3344xf32, #tpu.memory_space<vmem>>, vector<16xf32>,
      %mul3A_2331 = arith.constant 5.000000e-01 : f32
      %mul3A_2332 = vector.broadcast %mul3A_2331 : f32 to vector<16xf32>
      %mul3A_2333 = arith.mulf %mul3A_2332, %sub3A_2324 : vector<16xf32>
      %add3A_2334 = arith.addf %mul3A_2333, %get3A_2326 : vector<16xf32>
      %mul3A_2335 = arith.mulf %get3A_2330, %select_n3A : vector<16xf32>
      %add3A_2336 = arith.addf %add3A_2334, %mul3A_2335 : vector<16xf32>
      %eq3A_2337 = arith.constant 9 : i32
      %eq3A_2338 = vector.broadcast %eq3A_2337 : i32 to vector<16xi32>
      %eq3A_2339 = arith.cmpi eq, %iota3A, %eq3A_2338 : vector<16xi32>
      %reduce_sum3A_2340 = arith.constant true
      %reduce_sum3A_2341 = vector.broadcast %reduce_sum3A_2340 : i1 to vector<16xi1>
      %reduce_sum3A_2342 = tpu.scan <sum>, %add3A_2336 masked %reduce_sum3A_2341 : vector<16xf32>, vector<16xi1> -> vector<16xf32>
      %reduce_sum3A_2343 = vector.extract %reduce_sum3A_2342[15] : f32 from vector<16xf32>
      %broadcast_in_dim3A_2344 = vector.broadcast %reduce_sum3A_2343 : f32 to vector<16xf32>
      %select_n3A_2345 = arith.select %eq3A_2339, %broadcast_in_dim3A_2344, %select_n3A_2114 : vector<16xi1>, vector<16xf32>
      %add3A_2346 = arith.constant 10 : i32
      %add3A_2347 = arith.addi %mul3A_38, %add3A_2346 : i32
      %mul3A_2348 = arith.constant 26 : i32
      %mul3A_2349 = arith.muli %add3A_2347, %mul3A_2348 : i32
      %get3A_2350 = arith.index_cast %mul3A_2349 : i32 to index
      %get3A_2351 = arith.constant 0 : index
      %get3A_2352 = tpu.vector_load %arg9[%get3A_2350, %get3A_2351] {strides = array<i32>} : memref<3328x16xf32, #tpu.memory_space<vmem>>, vector<16xf32>,
      %mul3A_2353 = arith.mulf %get3A_2352, %get3A_2352 : vector<16xf32>
      %add3A_2354 = arith.constant 1 : i32
      %add3A_2355 = arith.addi %mul3A_2349, %add3A_2354 : i32
      %get3A_2356 = arith.index_cast %add3A_2355 : i32 to index
      %get3A_2357 = arith.constant 0 : index
      %get3A_2358 = tpu.vector_load %arg9[%get3A_2356, %get3A_2357] {strides = array<i32>} : memref<3328x16xf32, #tpu.memory_space<vmem>>, vector<16xf32>,
      %add3A_2359 = arith.addf %get3A_2352, %get3A_2358 : vector<16xf32>
      %mul3A_2360 = arith.mulf %get3A_2358, %get3A_2358 : vector<16xf32>
      %add3A_2361 = arith.addf %mul3A_2353, %mul3A_2360 : vector<16xf32>
      %add3A_2362 = arith.constant 2 : i32
      %add3A_2363 = arith.addi %mul3A_2349, %add3A_2362 : i32
      %get3A_2364 = arith.index_cast %add3A_2363 : i32 to index
      %get3A_2365 = arith.constant 0 : index
      %get3A_2366 = tpu.vector_load %arg9[%get3A_2364, %get3A_2365] {strides = array<i32>} : memref<3328x16xf32, #tpu.memory_space<vmem>>, vector<16xf32>,
      %add3A_2367 = arith.addf %add3A_2359, %get3A_2366 : vector<16xf32>
      %mul3A_2368 = arith.mulf %get3A_2366, %get3A_2366 : vector<16xf32>
      %add3A_2369 = arith.addf %add3A_2361, %mul3A_2368 : vector<16xf32>
      %add3A_2370 = arith.constant 3 : i32
      %add3A_2371 = arith.addi %mul3A_2349, %add3A_2370 : i32
      %get3A_2372 = arith.index_cast %add3A_2371 : i32 to index
      %get3A_2373 = arith.constant 0 : index
      %get3A_2374 = tpu.vector_load %arg9[%get3A_2372, %get3A_2373] {strides = array<i32>} : memref<3328x16xf32, #tpu.memory_space<vmem>>, vector<16xf32>,
      %add3A_2375 = arith.addf %add3A_2367, %get3A_2374 : vector<16xf32>
      %mul3A_2376 = arith.mulf %get3A_2374, %get3A_2374 : vector<16xf32>
      %add3A_2377 = arith.addf %add3A_2369, %mul3A_2376 : vector<16xf32>
      %add3A_2378 = arith.constant 4 : i32
      %add3A_2379 = arith.addi %mul3A_2349, %add3A_2378 : i32
      %get3A_2380 = arith.index_cast %add3A_2379 : i32 to index
      %get3A_2381 = arith.constant 0 : index
      %get3A_2382 = tpu.vector_load %arg9[%get3A_2380, %get3A_2381] {strides = array<i32>} : memref<3328x16xf32, #tpu.memory_space<vmem>>, vector<16xf32>,
      %add3A_2383 = arith.addf %add3A_2375, %get3A_2382 : vector<16xf32>
      %mul3A_2384 = arith.mulf %get3A_2382, %get3A_2382 : vector<16xf32>
      %add3A_2385 = arith.addf %add3A_2377, %mul3A_2384 : vector<16xf32>
      %add3A_2386 = arith.constant 5 : i32
      %add3A_2387 = arith.addi %mul3A_2349, %add3A_2386 : i32
      %get3A_2388 = arith.index_cast %add3A_2387 : i32 to index
      %get3A_2389 = arith.constant 0 : index
      %get3A_2390 = tpu.vector_load %arg9[%get3A_2388, %get3A_2389] {strides = array<i32>} : memref<3328x16xf32, #tpu.memory_space<vmem>>, vector<16xf32>,
      %add3A_2391 = arith.addf %add3A_2383, %get3A_2390 : vector<16xf32>
      %mul3A_2392 = arith.mulf %get3A_2390, %get3A_2390 : vector<16xf32>
      %add3A_2393 = arith.addf %add3A_2385, %mul3A_2392 : vector<16xf32>
      %add3A_2394 = arith.constant 6 : i32
      %add3A_2395 = arith.addi %mul3A_2349, %add3A_2394 : i32
      %get3A_2396 = arith.index_cast %add3A_2395 : i32 to index
      %get3A_2397 = arith.constant 0 : index
      %get3A_2398 = tpu.vector_load %arg9[%get3A_2396, %get3A_2397] {strides = array<i32>} : memref<3328x16xf32, #tpu.memory_space<vmem>>, vector<16xf32>,
      %add3A_2399 = arith.addf %add3A_2391, %get3A_2398 : vector<16xf32>
      %mul3A_2400 = arith.mulf %get3A_2398, %get3A_2398 : vector<16xf32>
      %add3A_2401 = arith.addf %add3A_2393, %mul3A_2400 : vector<16xf32>
      %add3A_2402 = arith.constant 7 : i32
      %add3A_2403 = arith.addi %mul3A_2349, %add3A_2402 : i32
      %get3A_2404 = arith.index_cast %add3A_2403 : i32 to index
      %get3A_2405 = arith.constant 0 : index
      %get3A_2406 = tpu.vector_load %arg9[%get3A_2404, %get3A_2405] {strides = array<i32>} : memref<3328x16xf32, #tpu.memory_space<vmem>>, vector<16xf32>,
      %add3A_2407 = arith.addf %add3A_2399, %get3A_2406 : vector<16xf32>
      %mul3A_2408 = arith.mulf %get3A_2406, %get3A_2406 : vector<16xf32>
      %add3A_2409 = arith.addf %add3A_2401, %mul3A_2408 : vector<16xf32>
      %add3A_2410 = arith.constant 8 : i32
      %add3A_2411 = arith.addi %mul3A_2349, %add3A_2410 : i32
      %get3A_2412 = arith.index_cast %add3A_2411 : i32 to index
      %get3A_2413 = arith.constant 0 : index
      %get3A_2414 = tpu.vector_load %arg9[%get3A_2412, %get3A_2413] {strides = array<i32>} : memref<3328x16xf32, #tpu.memory_space<vmem>>, vector<16xf32>,
      %add3A_2415 = arith.addf %add3A_2407, %get3A_2414 : vector<16xf32>
      %mul3A_2416 = arith.mulf %get3A_2414, %get3A_2414 : vector<16xf32>
      %add3A_2417 = arith.addf %add3A_2409, %mul3A_2416 : vector<16xf32>
      %add3A_2418 = arith.constant 9 : i32
      %add3A_2419 = arith.addi %mul3A_2349, %add3A_2418 : i32
      %get3A_2420 = arith.index_cast %add3A_2419 : i32 to index
      %get3A_2421 = arith.constant 0 : index
      %get3A_2422 = tpu.vector_load %arg9[%get3A_2420, %get3A_2421] {strides = array<i32>} : memref<3328x16xf32, #tpu.memory_space<vmem>>, vector<16xf32>,
      %add3A_2423 = arith.addf %add3A_2415, %get3A_2422 : vector<16xf32>
      %mul3A_2424 = arith.mulf %get3A_2422, %get3A_2422 : vector<16xf32>
      %add3A_2425 = arith.addf %add3A_2417, %mul3A_2424 : vector<16xf32>
      %add3A_2426 = arith.constant 10 : i32
      %add3A_2427 = arith.addi %mul3A_2349, %add3A_2426 : i32
      %get3A_2428 = arith.index_cast %add3A_2427 : i32 to index
      %get3A_2429 = arith.constant 0 : index
      %get3A_2430 = tpu.vector_load %arg9[%get3A_2428, %get3A_2429] {strides = array<i32>} : memref<3328x16xf32, #tpu.memory_space<vmem>>, vector<16xf32>,
      %add3A_2431 = arith.addf %add3A_2423, %get3A_2430 : vector<16xf32>
      %mul3A_2432 = arith.mulf %get3A_2430, %get3A_2430 : vector<16xf32>
      %add3A_2433 = arith.addf %add3A_2425, %mul3A_2432 : vector<16xf32>
      %add3A_2434 = arith.constant 11 : i32
      %add3A_2435 = arith.addi %mul3A_2349, %add3A_2434 : i32
      %get3A_2436 = arith.index_cast %add3A_2435 : i32 to index
      %get3A_2437 = arith.constant 0 : index
      %get3A_2438 = tpu.vector_load %arg9[%get3A_2436, %get3A_2437] {strides = array<i32>} : memref<3328x16xf32, #tpu.memory_space<vmem>>, vector<16xf32>,
      %add3A_2439 = arith.addf %add3A_2431, %get3A_2438 : vector<16xf32>
      %mul3A_2440 = arith.mulf %get3A_2438, %get3A_2438 : vector<16xf32>
      %add3A_2441 = arith.addf %add3A_2433, %mul3A_2440 : vector<16xf32>
      %add3A_2442 = arith.constant 12 : i32
      %add3A_2443 = arith.addi %mul3A_2349, %add3A_2442 : i32
      %get3A_2444 = arith.index_cast %add3A_2443 : i32 to index
      %get3A_2445 = arith.constant 0 : index
      %get3A_2446 = tpu.vector_load %arg9[%get3A_2444, %get3A_2445] {strides = array<i32>} : memref<3328x16xf32, #tpu.memory_space<vmem>>, vector<16xf32>,
      %add3A_2447 = arith.addf %add3A_2439, %get3A_2446 : vector<16xf32>
      %mul3A_2448 = arith.mulf %get3A_2446, %get3A_2446 : vector<16xf32>
      %add3A_2449 = arith.addf %add3A_2441, %mul3A_2448 : vector<16xf32>
      %add3A_2450 = arith.constant 13 : i32
      %add3A_2451 = arith.addi %mul3A_2349, %add3A_2450 : i32
      %get3A_2452 = arith.index_cast %add3A_2451 : i32 to index
      %get3A_2453 = arith.constant 0 : index
      %get3A_2454 = tpu.vector_load %arg9[%get3A_2452, %get3A_2453] {strides = array<i32>} : memref<3328x16xf32, #tpu.memory_space<vmem>>, vector<16xf32>,
      %add3A_2455 = arith.addf %add3A_2447, %get3A_2454 : vector<16xf32>
      %mul3A_2456 = arith.mulf %get3A_2454, %get3A_2454 : vector<16xf32>
      %add3A_2457 = arith.addf %add3A_2449, %mul3A_2456 : vector<16xf32>
      %add3A_2458 = arith.constant 14 : i32
      %add3A_2459 = arith.addi %mul3A_2349, %add3A_2458 : i32
      %get3A_2460 = arith.index_cast %add3A_2459 : i32 to index
      %get3A_2461 = arith.constant 0 : index
      %get3A_2462 = tpu.vector_load %arg9[%get3A_2460, %get3A_2461] {strides = array<i32>} : memref<3328x16xf32, #tpu.memory_space<vmem>>, vector<16xf32>,
      %add3A_2463 = arith.addf %add3A_2455, %get3A_2462 : vector<16xf32>
      %mul3A_2464 = arith.mulf %get3A_2462, %get3A_2462 : vector<16xf32>
      %add3A_2465 = arith.addf %add3A_2457, %mul3A_2464 : vector<16xf32>
      %add3A_2466 = arith.constant 15 : i32
      %add3A_2467 = arith.addi %mul3A_2349, %add3A_2466 : i32
      %get3A_2468 = arith.index_cast %add3A_2467 : i32 to index
      %get3A_2469 = arith.constant 0 : index
      %get3A_2470 = tpu.vector_load %arg9[%get3A_2468, %get3A_2469] {strides = array<i32>} : memref<3328x16xf32, #tpu.memory_space<vmem>>, vector<16xf32>,
      %add3A_2471 = arith.addf %add3A_2463, %get3A_2470 : vector<16xf32>
      %mul3A_2472 = arith.mulf %get3A_2470, %get3A_2470 : vector<16xf32>
      %add3A_2473 = arith.addf %add3A_2465, %mul3A_2472 : vector<16xf32>
      %add3A_2474 = arith.constant 16 : i32
      %add3A_2475 = arith.addi %mul3A_2349, %add3A_2474 : i32
      %get3A_2476 = arith.index_cast %add3A_2475 : i32 to index
      %get3A_2477 = arith.constant 0 : index
      %get3A_2478 = tpu.vector_load %arg9[%get3A_2476, %get3A_2477] {strides = array<i32>} : memref<3328x16xf32, #tpu.memory_space<vmem>>, vector<16xf32>,
      %add3A_2479 = arith.addf %add3A_2471, %get3A_2478 : vector<16xf32>
      %mul3A_2480 = arith.mulf %get3A_2478, %get3A_2478 : vector<16xf32>
      %add3A_2481 = arith.addf %add3A_2473, %mul3A_2480 : vector<16xf32>
      %add3A_2482 = arith.constant 17 : i32
      %add3A_2483 = arith.addi %mul3A_2349, %add3A_2482 : i32
      %get3A_2484 = arith.index_cast %add3A_2483 : i32 to index
      %get3A_2485 = arith.constant 0 : index
      %get3A_2486 = tpu.vector_load %arg9[%get3A_2484, %get3A_2485] {strides = array<i32>} : memref<3328x16xf32, #tpu.memory_space<vmem>>, vector<16xf32>,
      %add3A_2487 = arith.addf %add3A_2479, %get3A_2486 : vector<16xf32>
      %mul3A_2488 = arith.mulf %get3A_2486, %get3A_2486 : vector<16xf32>
      %add3A_2489 = arith.addf %add3A_2481, %mul3A_2488 : vector<16xf32>
      %add3A_2490 = arith.constant 18 : i32
      %add3A_2491 = arith.addi %mul3A_2349, %add3A_2490 : i32
      %get3A_2492 = arith.index_cast %add3A_2491 : i32 to index
      %get3A_2493 = arith.constant 0 : index
      %get3A_2494 = tpu.vector_load %arg9[%get3A_2492, %get3A_2493] {strides = array<i32>} : memref<3328x16xf32, #tpu.memory_space<vmem>>, vector<16xf32>,
      %add3A_2495 = arith.addf %add3A_2487, %get3A_2494 : vector<16xf32>
      %mul3A_2496 = arith.mulf %get3A_2494, %get3A_2494 : vector<16xf32>
      %add3A_2497 = arith.addf %add3A_2489, %mul3A_2496 : vector<16xf32>
      %add3A_2498 = arith.constant 19 : i32
      %add3A_2499 = arith.addi %mul3A_2349, %add3A_2498 : i32
      %get3A_2500 = arith.index_cast %add3A_2499 : i32 to index
      %get3A_2501 = arith.constant 0 : index
      %get3A_2502 = tpu.vector_load %arg9[%get3A_2500, %get3A_2501] {strides = array<i32>} : memref<3328x16xf32, #tpu.memory_space<vmem>>, vector<16xf32>,
      %add3A_2503 = arith.addf %add3A_2495, %get3A_2502 : vector<16xf32>
      %mul3A_2504 = arith.mulf %get3A_2502, %get3A_2502 : vector<16xf32>
      %add3A_2505 = arith.addf %add3A_2497, %mul3A_2504 : vector<16xf32>
      %add3A_2506 = arith.constant 20 : i32
      %add3A_2507 = arith.addi %mul3A_2349, %add3A_2506 : i32
      %get3A_2508 = arith.index_cast %add3A_2507 : i32 to index
      %get3A_2509 = arith.constant 0 : index
      %get3A_2510 = tpu.vector_load %arg9[%get3A_2508, %get3A_2509] {strides = array<i32>} : memref<3328x16xf32, #tpu.memory_space<vmem>>, vector<16xf32>,
      %add3A_2511 = arith.addf %add3A_2503, %get3A_2510 : vector<16xf32>
      %mul3A_2512 = arith.mulf %get3A_2510, %get3A_2510 : vector<16xf32>
      %add3A_2513 = arith.addf %add3A_2505, %mul3A_2512 : vector<16xf32>
      %add3A_2514 = arith.constant 21 : i32
      %add3A_2515 = arith.addi %mul3A_2349, %add3A_2514 : i32
      %get3A_2516 = arith.index_cast %add3A_2515 : i32 to index
      %get3A_2517 = arith.constant 0 : index
      %get3A_2518 = tpu.vector_load %arg9[%get3A_2516, %get3A_2517] {strides = array<i32>} : memref<3328x16xf32, #tpu.memory_space<vmem>>, vector<16xf32>,
      %add3A_2519 = arith.addf %add3A_2511, %get3A_2518 : vector<16xf32>
      %mul3A_2520 = arith.mulf %get3A_2518, %get3A_2518 : vector<16xf32>
      %add3A_2521 = arith.addf %add3A_2513, %mul3A_2520 : vector<16xf32>
      %add3A_2522 = arith.constant 22 : i32
      %add3A_2523 = arith.addi %mul3A_2349, %add3A_2522 : i32
      %get3A_2524 = arith.index_cast %add3A_2523 : i32 to index
      %get3A_2525 = arith.constant 0 : index
      %get3A_2526 = tpu.vector_load %arg9[%get3A_2524, %get3A_2525] {strides = array<i32>} : memref<3328x16xf32, #tpu.memory_space<vmem>>, vector<16xf32>,
      %add3A_2527 = arith.addf %add3A_2519, %get3A_2526 : vector<16xf32>
      %mul3A_2528 = arith.mulf %get3A_2526, %get3A_2526 : vector<16xf32>
      %add3A_2529 = arith.addf %add3A_2521, %mul3A_2528 : vector<16xf32>
      %add3A_2530 = arith.constant 23 : i32
      %add3A_2531 = arith.addi %mul3A_2349, %add3A_2530 : i32
      %get3A_2532 = arith.index_cast %add3A_2531 : i32 to index
      %get3A_2533 = arith.constant 0 : index
      %get3A_2534 = tpu.vector_load %arg9[%get3A_2532, %get3A_2533] {strides = array<i32>} : memref<3328x16xf32, #tpu.memory_space<vmem>>, vector<16xf32>,
      %add3A_2535 = arith.addf %add3A_2527, %get3A_2534 : vector<16xf32>
      %mul3A_2536 = arith.mulf %get3A_2534, %get3A_2534 : vector<16xf32>
      %add3A_2537 = arith.addf %add3A_2529, %mul3A_2536 : vector<16xf32>
      %add3A_2538 = arith.constant 24 : i32
      %add3A_2539 = arith.addi %mul3A_2349, %add3A_2538 : i32
      %get3A_2540 = arith.index_cast %add3A_2539 : i32 to index
      %get3A_2541 = arith.constant 0 : index
      %get3A_2542 = tpu.vector_load %arg9[%get3A_2540, %get3A_2541] {strides = array<i32>} : memref<3328x16xf32, #tpu.memory_space<vmem>>, vector<16xf32>,
      %add3A_2543 = arith.addf %add3A_2535, %get3A_2542 : vector<16xf32>
      %mul3A_2544 = arith.mulf %get3A_2542, %get3A_2542 : vector<16xf32>
      %add3A_2545 = arith.addf %add3A_2537, %mul3A_2544 : vector<16xf32>
      %add3A_2546 = arith.constant 25 : i32
      %add3A_2547 = arith.addi %mul3A_2349, %add3A_2546 : i32
      %get3A_2548 = arith.index_cast %add3A_2547 : i32 to index
      %get3A_2549 = arith.constant 0 : index
      %get3A_2550 = tpu.vector_load %arg9[%get3A_2548, %get3A_2549] {strides = array<i32>} : memref<3328x16xf32, #tpu.memory_space<vmem>>, vector<16xf32>,
      %add3A_2551 = arith.addf %add3A_2543, %get3A_2550 : vector<16xf32>
      %mul3A_2552 = arith.mulf %get3A_2550, %get3A_2550 : vector<16xf32>
      %add3A_2553 = arith.addf %add3A_2545, %mul3A_2552 : vector<16xf32>
      %mul3A_2554 = arith.mulf %add3A_2551, %add3A_2551 : vector<16xf32>
      %sub3A_2555 = arith.subf %mul3A_2554, %add3A_2553 : vector<16xf32>
      %get3A_2556 = arith.index_cast %mul3A_2349 : i32 to index
      %get3A_2557 = tpu.vector_load %arg10[%get3A_2556] {strides = array<i32>} : memref<3344xf32, #tpu.memory_space<vmem>>, vector<16xf32>,
      %add3A_2558 = arith.constant 16 : i32
      %add3A_2559 = arith.addi %mul3A_2349, %add3A_2558 : i32
      %get3A_2560 = arith.index_cast %add3A_2559 : i32 to index
      %get3A_2561 = tpu.vector_load %arg10[%get3A_2560] {strides = array<i32>} : memref<3344xf32, #tpu.memory_space<vmem>>, vector<16xf32>,
      %mul3A_2562 = arith.constant 5.000000e-01 : f32
      %mul3A_2563 = vector.broadcast %mul3A_2562 : f32 to vector<16xf32>
      %mul3A_2564 = arith.mulf %mul3A_2563, %sub3A_2555 : vector<16xf32>
      %add3A_2565 = arith.addf %mul3A_2564, %get3A_2557 : vector<16xf32>
      %mul3A_2566 = arith.mulf %get3A_2561, %select_n3A : vector<16xf32>
      %add3A_2567 = arith.addf %add3A_2565, %mul3A_2566 : vector<16xf32>
      %eq3A_2568 = arith.constant 10 : i32
      %eq3A_2569 = vector.broadcast %eq3A_2568 : i32 to vector<16xi32>
      %eq3A_2570 = arith.cmpi eq, %iota3A, %eq3A_2569 : vector<16xi32>
      %reduce_sum3A_2571 = arith.constant true
      %reduce_sum3A_2572 = vector.broadcast %reduce_sum3A_2571 : i1 to vector<16xi1>
      %reduce_sum3A_2573 = tpu.scan <sum>, %add3A_2567 masked %reduce_sum3A_2572 : vector<16xf32>, vector<16xi1> -> vector<16xf32>
      %reduce_sum3A_2574 = vector.extract %reduce_sum3A_2573[15] : f32 from vector<16xf32>
      %broadcast_in_dim3A_2575 = vector.broadcast %reduce_sum3A_2574 : f32 to vector<16xf32>
      %select_n3A_2576 = arith.select %eq3A_2570, %broadcast_in_dim3A_2575, %select_n3A_2345 : vector<16xi1>, vector<16xf32>
      %add3A_2577 = arith.constant 11 : i32
      %add3A_2578 = arith.addi %mul3A_38, %add3A_2577 : i32
      %mul3A_2579 = arith.constant 26 : i32
      %mul3A_2580 = arith.muli %add3A_2578, %mul3A_2579 : i32
      %get3A_2581 = arith.index_cast %mul3A_2580 : i32 to index
      %get3A_2582 = arith.constant 0 : index
      %get3A_2583 = tpu.vector_load %arg9[%get3A_2581, %get3A_2582] {strides = array<i32>} : memref<3328x16xf32, #tpu.memory_space<vmem>>, vector<16xf32>,
      %mul3A_2584 = arith.mulf %get3A_2583, %get3A_2583 : vector<16xf32>
      %add3A_2585 = arith.constant 1 : i32
      %add3A_2586 = arith.addi %mul3A_2580, %add3A_2585 : i32
      %get3A_2587 = arith.index_cast %add3A_2586 : i32 to index
      %get3A_2588 = arith.constant 0 : index
      %get3A_2589 = tpu.vector_load %arg9[%get3A_2587, %get3A_2588] {strides = array<i32>} : memref<3328x16xf32, #tpu.memory_space<vmem>>, vector<16xf32>,
      %add3A_2590 = arith.addf %get3A_2583, %get3A_2589 : vector<16xf32>
      %mul3A_2591 = arith.mulf %get3A_2589, %get3A_2589 : vector<16xf32>
      %add3A_2592 = arith.addf %mul3A_2584, %mul3A_2591 : vector<16xf32>
      %add3A_2593 = arith.constant 2 : i32
      %add3A_2594 = arith.addi %mul3A_2580, %add3A_2593 : i32
      %get3A_2595 = arith.index_cast %add3A_2594 : i32 to index
      %get3A_2596 = arith.constant 0 : index
      %get3A_2597 = tpu.vector_load %arg9[%get3A_2595, %get3A_2596] {strides = array<i32>} : memref<3328x16xf32, #tpu.memory_space<vmem>>, vector<16xf32>,
      %add3A_2598 = arith.addf %add3A_2590, %get3A_2597 : vector<16xf32>
      %mul3A_2599 = arith.mulf %get3A_2597, %get3A_2597 : vector<16xf32>
      %add3A_2600 = arith.addf %add3A_2592, %mul3A_2599 : vector<16xf32>
      %add3A_2601 = arith.constant 3 : i32
      %add3A_2602 = arith.addi %mul3A_2580, %add3A_2601 : i32
      %get3A_2603 = arith.index_cast %add3A_2602 : i32 to index
      %get3A_2604 = arith.constant 0 : index
      %get3A_2605 = tpu.vector_load %arg9[%get3A_2603, %get3A_2604] {strides = array<i32>} : memref<3328x16xf32, #tpu.memory_space<vmem>>, vector<16xf32>,
      %add3A_2606 = arith.addf %add3A_2598, %get3A_2605 : vector<16xf32>
      %mul3A_2607 = arith.mulf %get3A_2605, %get3A_2605 : vector<16xf32>
      %add3A_2608 = arith.addf %add3A_2600, %mul3A_2607 : vector<16xf32>
      %add3A_2609 = arith.constant 4 : i32
      %add3A_2610 = arith.addi %mul3A_2580, %add3A_2609 : i32
      %get3A_2611 = arith.index_cast %add3A_2610 : i32 to index
      %get3A_2612 = arith.constant 0 : index
      %get3A_2613 = tpu.vector_load %arg9[%get3A_2611, %get3A_2612] {strides = array<i32>} : memref<3328x16xf32, #tpu.memory_space<vmem>>, vector<16xf32>,
      %add3A_2614 = arith.addf %add3A_2606, %get3A_2613 : vector<16xf32>
      %mul3A_2615 = arith.mulf %get3A_2613, %get3A_2613 : vector<16xf32>
      %add3A_2616 = arith.addf %add3A_2608, %mul3A_2615 : vector<16xf32>
      %add3A_2617 = arith.constant 5 : i32
      %add3A_2618 = arith.addi %mul3A_2580, %add3A_2617 : i32
      %get3A_2619 = arith.index_cast %add3A_2618 : i32 to index
      %get3A_2620 = arith.constant 0 : index
      %get3A_2621 = tpu.vector_load %arg9[%get3A_2619, %get3A_2620] {strides = array<i32>} : memref<3328x16xf32, #tpu.memory_space<vmem>>, vector<16xf32>,
      %add3A_2622 = arith.addf %add3A_2614, %get3A_2621 : vector<16xf32>
      %mul3A_2623 = arith.mulf %get3A_2621, %get3A_2621 : vector<16xf32>
      %add3A_2624 = arith.addf %add3A_2616, %mul3A_2623 : vector<16xf32>
      %add3A_2625 = arith.constant 6 : i32
      %add3A_2626 = arith.addi %mul3A_2580, %add3A_2625 : i32
      %get3A_2627 = arith.index_cast %add3A_2626 : i32 to index
      %get3A_2628 = arith.constant 0 : index
      %get3A_2629 = tpu.vector_load %arg9[%get3A_2627, %get3A_2628] {strides = array<i32>} : memref<3328x16xf32, #tpu.memory_space<vmem>>, vector<16xf32>,
      %add3A_2630 = arith.addf %add3A_2622, %get3A_2629 : vector<16xf32>
      %mul3A_2631 = arith.mulf %get3A_2629, %get3A_2629 : vector<16xf32>
      %add3A_2632 = arith.addf %add3A_2624, %mul3A_2631 : vector<16xf32>
      %add3A_2633 = arith.constant 7 : i32
      %add3A_2634 = arith.addi %mul3A_2580, %add3A_2633 : i32
      %get3A_2635 = arith.index_cast %add3A_2634 : i32 to index
      %get3A_2636 = arith.constant 0 : index
      %get3A_2637 = tpu.vector_load %arg9[%get3A_2635, %get3A_2636] {strides = array<i32>} : memref<3328x16xf32, #tpu.memory_space<vmem>>, vector<16xf32>,
      %add3A_2638 = arith.addf %add3A_2630, %get3A_2637 : vector<16xf32>
      %mul3A_2639 = arith.mulf %get3A_2637, %get3A_2637 : vector<16xf32>
      %add3A_2640 = arith.addf %add3A_2632, %mul3A_2639 : vector<16xf32>
      %add3A_2641 = arith.constant 8 : i32
      %add3A_2642 = arith.addi %mul3A_2580, %add3A_2641 : i32
      %get3A_2643 = arith.index_cast %add3A_2642 : i32 to index
      %get3A_2644 = arith.constant 0 : index
      %get3A_2645 = tpu.vector_load %arg9[%get3A_2643, %get3A_2644] {strides = array<i32>} : memref<3328x16xf32, #tpu.memory_space<vmem>>, vector<16xf32>,
      %add3A_2646 = arith.addf %add3A_2638, %get3A_2645 : vector<16xf32>
      %mul3A_2647 = arith.mulf %get3A_2645, %get3A_2645 : vector<16xf32>
      %add3A_2648 = arith.addf %add3A_2640, %mul3A_2647 : vector<16xf32>
      %add3A_2649 = arith.constant 9 : i32
      %add3A_2650 = arith.addi %mul3A_2580, %add3A_2649 : i32
      %get3A_2651 = arith.index_cast %add3A_2650 : i32 to index
      %get3A_2652 = arith.constant 0 : index
      %get3A_2653 = tpu.vector_load %arg9[%get3A_2651, %get3A_2652] {strides = array<i32>} : memref<3328x16xf32, #tpu.memory_space<vmem>>, vector<16xf32>,
      %add3A_2654 = arith.addf %add3A_2646, %get3A_2653 : vector<16xf32>
      %mul3A_2655 = arith.mulf %get3A_2653, %get3A_2653 : vector<16xf32>
      %add3A_2656 = arith.addf %add3A_2648, %mul3A_2655 : vector<16xf32>
      %add3A_2657 = arith.constant 10 : i32
      %add3A_2658 = arith.addi %mul3A_2580, %add3A_2657 : i32
      %get3A_2659 = arith.index_cast %add3A_2658 : i32 to index
      %get3A_2660 = arith.constant 0 : index
      %get3A_2661 = tpu.vector_load %arg9[%get3A_2659, %get3A_2660] {strides = array<i32>} : memref<3328x16xf32, #tpu.memory_space<vmem>>, vector<16xf32>,
      %add3A_2662 = arith.addf %add3A_2654, %get3A_2661 : vector<16xf32>
      %mul3A_2663 = arith.mulf %get3A_2661, %get3A_2661 : vector<16xf32>
      %add3A_2664 = arith.addf %add3A_2656, %mul3A_2663 : vector<16xf32>
      %add3A_2665 = arith.constant 11 : i32
      %add3A_2666 = arith.addi %mul3A_2580, %add3A_2665 : i32
      %get3A_2667 = arith.index_cast %add3A_2666 : i32 to index
      %get3A_2668 = arith.constant 0 : index
      %get3A_2669 = tpu.vector_load %arg9[%get3A_2667, %get3A_2668] {strides = array<i32>} : memref<3328x16xf32, #tpu.memory_space<vmem>>, vector<16xf32>,
      %add3A_2670 = arith.addf %add3A_2662, %get3A_2669 : vector<16xf32>
      %mul3A_2671 = arith.mulf %get3A_2669, %get3A_2669 : vector<16xf32>
      %add3A_2672 = arith.addf %add3A_2664, %mul3A_2671 : vector<16xf32>
      %add3A_2673 = arith.constant 12 : i32
      %add3A_2674 = arith.addi %mul3A_2580, %add3A_2673 : i32
      %get3A_2675 = arith.index_cast %add3A_2674 : i32 to index
      %get3A_2676 = arith.constant 0 : index
      %get3A_2677 = tpu.vector_load %arg9[%get3A_2675, %get3A_2676] {strides = array<i32>} : memref<3328x16xf32, #tpu.memory_space<vmem>>, vector<16xf32>,
      %add3A_2678 = arith.addf %add3A_2670, %get3A_2677 : vector<16xf32>
      %mul3A_2679 = arith.mulf %get3A_2677, %get3A_2677 : vector<16xf32>
      %add3A_2680 = arith.addf %add3A_2672, %mul3A_2679 : vector<16xf32>
      %add3A_2681 = arith.constant 13 : i32
      %add3A_2682 = arith.addi %mul3A_2580, %add3A_2681 : i32
      %get3A_2683 = arith.index_cast %add3A_2682 : i32 to index
      %get3A_2684 = arith.constant 0 : index
      %get3A_2685 = tpu.vector_load %arg9[%get3A_2683, %get3A_2684] {strides = array<i32>} : memref<3328x16xf32, #tpu.memory_space<vmem>>, vector<16xf32>,
      %add3A_2686 = arith.addf %add3A_2678, %get3A_2685 : vector<16xf32>
      %mul3A_2687 = arith.mulf %get3A_2685, %get3A_2685 : vector<16xf32>
      %add3A_2688 = arith.addf %add3A_2680, %mul3A_2687 : vector<16xf32>
      %add3A_2689 = arith.constant 14 : i32
      %add3A_2690 = arith.addi %mul3A_2580, %add3A_2689 : i32
      %get3A_2691 = arith.index_cast %add3A_2690 : i32 to index
      %get3A_2692 = arith.constant 0 : index
      %get3A_2693 = tpu.vector_load %arg9[%get3A_2691, %get3A_2692] {strides = array<i32>} : memref<3328x16xf32, #tpu.memory_space<vmem>>, vector<16xf32>,
      %add3A_2694 = arith.addf %add3A_2686, %get3A_2693 : vector<16xf32>
      %mul3A_2695 = arith.mulf %get3A_2693, %get3A_2693 : vector<16xf32>
      %add3A_2696 = arith.addf %add3A_2688, %mul3A_2695 : vector<16xf32>
      %add3A_2697 = arith.constant 15 : i32
      %add3A_2698 = arith.addi %mul3A_2580, %add3A_2697 : i32
      %get3A_2699 = arith.index_cast %add3A_2698 : i32 to index
      %get3A_2700 = arith.constant 0 : index
      %get3A_2701 = tpu.vector_load %arg9[%get3A_2699, %get3A_2700] {strides = array<i32>} : memref<3328x16xf32, #tpu.memory_space<vmem>>, vector<16xf32>,
      %add3A_2702 = arith.addf %add3A_2694, %get3A_2701 : vector<16xf32>
      %mul3A_2703 = arith.mulf %get3A_2701, %get3A_2701 : vector<16xf32>
      %add3A_2704 = arith.addf %add3A_2696, %mul3A_2703 : vector<16xf32>
      %add3A_2705 = arith.constant 16 : i32
      %add3A_2706 = arith.addi %mul3A_2580, %add3A_2705 : i32
      %get3A_2707 = arith.index_cast %add3A_2706 : i32 to index
      %get3A_2708 = arith.constant 0 : index
      %get3A_2709 = tpu.vector_load %arg9[%get3A_2707, %get3A_2708] {strides = array<i32>} : memref<3328x16xf32, #tpu.memory_space<vmem>>, vector<16xf32>,
      %add3A_2710 = arith.addf %add3A_2702, %get3A_2709 : vector<16xf32>
      %mul3A_2711 = arith.mulf %get3A_2709, %get3A_2709 : vector<16xf32>
      %add3A_2712 = arith.addf %add3A_2704, %mul3A_2711 : vector<16xf32>
      %add3A_2713 = arith.constant 17 : i32
      %add3A_2714 = arith.addi %mul3A_2580, %add3A_2713 : i32
      %get3A_2715 = arith.index_cast %add3A_2714 : i32 to index
      %get3A_2716 = arith.constant 0 : index
      %get3A_2717 = tpu.vector_load %arg9[%get3A_2715, %get3A_2716] {strides = array<i32>} : memref<3328x16xf32, #tpu.memory_space<vmem>>, vector<16xf32>,
      %add3A_2718 = arith.addf %add3A_2710, %get3A_2717 : vector<16xf32>
      %mul3A_2719 = arith.mulf %get3A_2717, %get3A_2717 : vector<16xf32>
      %add3A_2720 = arith.addf %add3A_2712, %mul3A_2719 : vector<16xf32>
      %add3A_2721 = arith.constant 18 : i32
      %add3A_2722 = arith.addi %mul3A_2580, %add3A_2721 : i32
      %get3A_2723 = arith.index_cast %add3A_2722 : i32 to index
      %get3A_2724 = arith.constant 0 : index
      %get3A_2725 = tpu.vector_load %arg9[%get3A_2723, %get3A_2724] {strides = array<i32>} : memref<3328x16xf32, #tpu.memory_space<vmem>>, vector<16xf32>,
      %add3A_2726 = arith.addf %add3A_2718, %get3A_2725 : vector<16xf32>
      %mul3A_2727 = arith.mulf %get3A_2725, %get3A_2725 : vector<16xf32>
      %add3A_2728 = arith.addf %add3A_2720, %mul3A_2727 : vector<16xf32>
      %add3A_2729 = arith.constant 19 : i32
      %add3A_2730 = arith.addi %mul3A_2580, %add3A_2729 : i32
      %get3A_2731 = arith.index_cast %add3A_2730 : i32 to index
      %get3A_2732 = arith.constant 0 : index
      %get3A_2733 = tpu.vector_load %arg9[%get3A_2731, %get3A_2732] {strides = array<i32>} : memref<3328x16xf32, #tpu.memory_space<vmem>>, vector<16xf32>,
      %add3A_2734 = arith.addf %add3A_2726, %get3A_2733 : vector<16xf32>
      %mul3A_2735 = arith.mulf %get3A_2733, %get3A_2733 : vector<16xf32>
      %add3A_2736 = arith.addf %add3A_2728, %mul3A_2735 : vector<16xf32>
      %add3A_2737 = arith.constant 20 : i32
      %add3A_2738 = arith.addi %mul3A_2580, %add3A_2737 : i32
      %get3A_2739 = arith.index_cast %add3A_2738 : i32 to index
      %get3A_2740 = arith.constant 0 : index
      %get3A_2741 = tpu.vector_load %arg9[%get3A_2739, %get3A_2740] {strides = array<i32>} : memref<3328x16xf32, #tpu.memory_space<vmem>>, vector<16xf32>,
      %add3A_2742 = arith.addf %add3A_2734, %get3A_2741 : vector<16xf32>
      %mul3A_2743 = arith.mulf %get3A_2741, %get3A_2741 : vector<16xf32>
      %add3A_2744 = arith.addf %add3A_2736, %mul3A_2743 : vector<16xf32>
      %add3A_2745 = arith.constant 21 : i32
      %add3A_2746 = arith.addi %mul3A_2580, %add3A_2745 : i32
      %get3A_2747 = arith.index_cast %add3A_2746 : i32 to index
      %get3A_2748 = arith.constant 0 : index
      %get3A_2749 = tpu.vector_load %arg9[%get3A_2747, %get3A_2748] {strides = array<i32>} : memref<3328x16xf32, #tpu.memory_space<vmem>>, vector<16xf32>,
      %add3A_2750 = arith.addf %add3A_2742, %get3A_2749 : vector<16xf32>
      %mul3A_2751 = arith.mulf %get3A_2749, %get3A_2749 : vector<16xf32>
      %add3A_2752 = arith.addf %add3A_2744, %mul3A_2751 : vector<16xf32>
      %add3A_2753 = arith.constant 22 : i32
      %add3A_2754 = arith.addi %mul3A_2580, %add3A_2753 : i32
      %get3A_2755 = arith.index_cast %add3A_2754 : i32 to index
      %get3A_2756 = arith.constant 0 : index
      %get3A_2757 = tpu.vector_load %arg9[%get3A_2755, %get3A_2756] {strides = array<i32>} : memref<3328x16xf32, #tpu.memory_space<vmem>>, vector<16xf32>,
      %add3A_2758 = arith.addf %add3A_2750, %get3A_2757 : vector<16xf32>
      %mul3A_2759 = arith.mulf %get3A_2757, %get3A_2757 : vector<16xf32>
      %add3A_2760 = arith.addf %add3A_2752, %mul3A_2759 : vector<16xf32>
      %add3A_2761 = arith.constant 23 : i32
      %add3A_2762 = arith.addi %mul3A_2580, %add3A_2761 : i32
      %get3A_2763 = arith.index_cast %add3A_2762 : i32 to index
      %get3A_2764 = arith.constant 0 : index
      %get3A_2765 = tpu.vector_load %arg9[%get3A_2763, %get3A_2764] {strides = array<i32>} : memref<3328x16xf32, #tpu.memory_space<vmem>>, vector<16xf32>,
      %add3A_2766 = arith.addf %add3A_2758, %get3A_2765 : vector<16xf32>
      %mul3A_2767 = arith.mulf %get3A_2765, %get3A_2765 : vector<16xf32>
      %add3A_2768 = arith.addf %add3A_2760, %mul3A_2767 : vector<16xf32>
      %add3A_2769 = arith.constant 24 : i32
      %add3A_2770 = arith.addi %mul3A_2580, %add3A_2769 : i32
      %get3A_2771 = arith.index_cast %add3A_2770 : i32 to index
      %get3A_2772 = arith.constant 0 : index
      %get3A_2773 = tpu.vector_load %arg9[%get3A_2771, %get3A_2772] {strides = array<i32>} : memref<3328x16xf32, #tpu.memory_space<vmem>>, vector<16xf32>,
      %add3A_2774 = arith.addf %add3A_2766, %get3A_2773 : vector<16xf32>
      %mul3A_2775 = arith.mulf %get3A_2773, %get3A_2773 : vector<16xf32>
      %add3A_2776 = arith.addf %add3A_2768, %mul3A_2775 : vector<16xf32>
      %add3A_2777 = arith.constant 25 : i32
      %add3A_2778 = arith.addi %mul3A_2580, %add3A_2777 : i32
      %get3A_2779 = arith.index_cast %add3A_2778 : i32 to index
      %get3A_2780 = arith.constant 0 : index
      %get3A_2781 = tpu.vector_load %arg9[%get3A_2779, %get3A_2780] {strides = array<i32>} : memref<3328x16xf32, #tpu.memory_space<vmem>>, vector<16xf32>,
      %add3A_2782 = arith.addf %add3A_2774, %get3A_2781 : vector<16xf32>
      %mul3A_2783 = arith.mulf %get3A_2781, %get3A_2781 : vector<16xf32>
      %add3A_2784 = arith.addf %add3A_2776, %mul3A_2783 : vector<16xf32>
      %mul3A_2785 = arith.mulf %add3A_2782, %add3A_2782 : vector<16xf32>
      %sub3A_2786 = arith.subf %mul3A_2785, %add3A_2784 : vector<16xf32>
      %get3A_2787 = arith.index_cast %mul3A_2580 : i32 to index
      %get3A_2788 = tpu.vector_load %arg10[%get3A_2787] {strides = array<i32>} : memref<3344xf32, #tpu.memory_space<vmem>>, vector<16xf32>,
      %add3A_2789 = arith.constant 16 : i32
      %add3A_2790 = arith.addi %mul3A_2580, %add3A_2789 : i32
      %get3A_2791 = arith.index_cast %add3A_2790 : i32 to index
      %get3A_2792 = tpu.vector_load %arg10[%get3A_2791] {strides = array<i32>} : memref<3344xf32, #tpu.memory_space<vmem>>, vector<16xf32>,
      %mul3A_2793 = arith.constant 5.000000e-01 : f32
      %mul3A_2794 = vector.broadcast %mul3A_2793 : f32 to vector<16xf32>
      %mul3A_2795 = arith.mulf %mul3A_2794, %sub3A_2786 : vector<16xf32>
      %add3A_2796 = arith.addf %mul3A_2795, %get3A_2788 : vector<16xf32>
      %mul3A_2797 = arith.mulf %get3A_2792, %select_n3A : vector<16xf32>
      %add3A_2798 = arith.addf %add3A_2796, %mul3A_2797 : vector<16xf32>
      %eq3A_2799 = arith.constant 11 : i32
      %eq3A_2800 = vector.broadcast %eq3A_2799 : i32 to vector<16xi32>
      %eq3A_2801 = arith.cmpi eq, %iota3A, %eq3A_2800 : vector<16xi32>
      %reduce_sum3A_2802 = arith.constant true
      %reduce_sum3A_2803 = vector.broadcast %reduce_sum3A_2802 : i1 to vector<16xi1>
      %reduce_sum3A_2804 = tpu.scan <sum>, %add3A_2798 masked %reduce_sum3A_2803 : vector<16xf32>, vector<16xi1> -> vector<16xf32>
      %reduce_sum3A_2805 = vector.extract %reduce_sum3A_2804[15] : f32 from vector<16xf32>
      %broadcast_in_dim3A_2806 = vector.broadcast %reduce_sum3A_2805 : f32 to vector<16xf32>
      %select_n3A_2807 = arith.select %eq3A_2801, %broadcast_in_dim3A_2806, %select_n3A_2576 : vector<16xi1>, vector<16xf32>
      %add3A_2808 = arith.constant 12 : i32
      %add3A_2809 = arith.addi %mul3A_38, %add3A_2808 : i32
      %mul3A_2810 = arith.constant 26 : i32
      %mul3A_2811 = arith.muli %add3A_2809, %mul3A_2810 : i32
      %get3A_2812 = arith.index_cast %mul3A_2811 : i32 to index
      %get3A_2813 = arith.constant 0 : index
      %get3A_2814 = tpu.vector_load %arg9[%get3A_2812, %get3A_2813] {strides = array<i32>} : memref<3328x16xf32, #tpu.memory_space<vmem>>, vector<16xf32>,
      %mul3A_2815 = arith.mulf %get3A_2814, %get3A_2814 : vector<16xf32>
      %add3A_2816 = arith.constant 1 : i32
      %add3A_2817 = arith.addi %mul3A_2811, %add3A_2816 : i32
      %get3A_2818 = arith.index_cast %add3A_2817 : i32 to index
      %get3A_2819 = arith.constant 0 : index
      %get3A_2820 = tpu.vector_load %arg9[%get3A_2818, %get3A_2819] {strides = array<i32>} : memref<3328x16xf32, #tpu.memory_space<vmem>>, vector<16xf32>,
      %add3A_2821 = arith.addf %get3A_2814, %get3A_2820 : vector<16xf32>
      %mul3A_2822 = arith.mulf %get3A_2820, %get3A_2820 : vector<16xf32>
      %add3A_2823 = arith.addf %mul3A_2815, %mul3A_2822 : vector<16xf32>
      %add3A_2824 = arith.constant 2 : i32
      %add3A_2825 = arith.addi %mul3A_2811, %add3A_2824 : i32
      %get3A_2826 = arith.index_cast %add3A_2825 : i32 to index
      %get3A_2827 = arith.constant 0 : index
      %get3A_2828 = tpu.vector_load %arg9[%get3A_2826, %get3A_2827] {strides = array<i32>} : memref<3328x16xf32, #tpu.memory_space<vmem>>, vector<16xf32>,
      %add3A_2829 = arith.addf %add3A_2821, %get3A_2828 : vector<16xf32>
      %mul3A_2830 = arith.mulf %get3A_2828, %get3A_2828 : vector<16xf32>
      %add3A_2831 = arith.addf %add3A_2823, %mul3A_2830 : vector<16xf32>
      %add3A_2832 = arith.constant 3 : i32
      %add3A_2833 = arith.addi %mul3A_2811, %add3A_2832 : i32
      %get3A_2834 = arith.index_cast %add3A_2833 : i32 to index
      %get3A_2835 = arith.constant 0 : index
      %get3A_2836 = tpu.vector_load %arg9[%get3A_2834, %get3A_2835] {strides = array<i32>} : memref<3328x16xf32, #tpu.memory_space<vmem>>, vector<16xf32>,
      %add3A_2837 = arith.addf %add3A_2829, %get3A_2836 : vector<16xf32>
      %mul3A_2838 = arith.mulf %get3A_2836, %get3A_2836 : vector<16xf32>
      %add3A_2839 = arith.addf %add3A_2831, %mul3A_2838 : vector<16xf32>
      %add3A_2840 = arith.constant 4 : i32
      %add3A_2841 = arith.addi %mul3A_2811, %add3A_2840 : i32
      %get3A_2842 = arith.index_cast %add3A_2841 : i32 to index
      %get3A_2843 = arith.constant 0 : index
      %get3A_2844 = tpu.vector_load %arg9[%get3A_2842, %get3A_2843] {strides = array<i32>} : memref<3328x16xf32, #tpu.memory_space<vmem>>, vector<16xf32>,
      %add3A_2845 = arith.addf %add3A_2837, %get3A_2844 : vector<16xf32>
      %mul3A_2846 = arith.mulf %get3A_2844, %get3A_2844 : vector<16xf32>
      %add3A_2847 = arith.addf %add3A_2839, %mul3A_2846 : vector<16xf32>
      %add3A_2848 = arith.constant 5 : i32
      %add3A_2849 = arith.addi %mul3A_2811, %add3A_2848 : i32
      %get3A_2850 = arith.index_cast %add3A_2849 : i32 to index
      %get3A_2851 = arith.constant 0 : index
      %get3A_2852 = tpu.vector_load %arg9[%get3A_2850, %get3A_2851] {strides = array<i32>} : memref<3328x16xf32, #tpu.memory_space<vmem>>, vector<16xf32>,
      %add3A_2853 = arith.addf %add3A_2845, %get3A_2852 : vector<16xf32>
      %mul3A_2854 = arith.mulf %get3A_2852, %get3A_2852 : vector<16xf32>
      %add3A_2855 = arith.addf %add3A_2847, %mul3A_2854 : vector<16xf32>
      %add3A_2856 = arith.constant 6 : i32
      %add3A_2857 = arith.addi %mul3A_2811, %add3A_2856 : i32
      %get3A_2858 = arith.index_cast %add3A_2857 : i32 to index
      %get3A_2859 = arith.constant 0 : index
      %get3A_2860 = tpu.vector_load %arg9[%get3A_2858, %get3A_2859] {strides = array<i32>} : memref<3328x16xf32, #tpu.memory_space<vmem>>, vector<16xf32>,
      %add3A_2861 = arith.addf %add3A_2853, %get3A_2860 : vector<16xf32>
      %mul3A_2862 = arith.mulf %get3A_2860, %get3A_2860 : vector<16xf32>
      %add3A_2863 = arith.addf %add3A_2855, %mul3A_2862 : vector<16xf32>
      %add3A_2864 = arith.constant 7 : i32
      %add3A_2865 = arith.addi %mul3A_2811, %add3A_2864 : i32
      %get3A_2866 = arith.index_cast %add3A_2865 : i32 to index
      %get3A_2867 = arith.constant 0 : index
      %get3A_2868 = tpu.vector_load %arg9[%get3A_2866, %get3A_2867] {strides = array<i32>} : memref<3328x16xf32, #tpu.memory_space<vmem>>, vector<16xf32>,
      %add3A_2869 = arith.addf %add3A_2861, %get3A_2868 : vector<16xf32>
      %mul3A_2870 = arith.mulf %get3A_2868, %get3A_2868 : vector<16xf32>
      %add3A_2871 = arith.addf %add3A_2863, %mul3A_2870 : vector<16xf32>
      %add3A_2872 = arith.constant 8 : i32
      %add3A_2873 = arith.addi %mul3A_2811, %add3A_2872 : i32
      %get3A_2874 = arith.index_cast %add3A_2873 : i32 to index
      %get3A_2875 = arith.constant 0 : index
      %get3A_2876 = tpu.vector_load %arg9[%get3A_2874, %get3A_2875] {strides = array<i32>} : memref<3328x16xf32, #tpu.memory_space<vmem>>, vector<16xf32>,
      %add3A_2877 = arith.addf %add3A_2869, %get3A_2876 : vector<16xf32>
      %mul3A_2878 = arith.mulf %get3A_2876, %get3A_2876 : vector<16xf32>
      %add3A_2879 = arith.addf %add3A_2871, %mul3A_2878 : vector<16xf32>
      %add3A_2880 = arith.constant 9 : i32
      %add3A_2881 = arith.addi %mul3A_2811, %add3A_2880 : i32
      %get3A_2882 = arith.index_cast %add3A_2881 : i32 to index
      %get3A_2883 = arith.constant 0 : index
      %get3A_2884 = tpu.vector_load %arg9[%get3A_2882, %get3A_2883] {strides = array<i32>} : memref<3328x16xf32, #tpu.memory_space<vmem>>, vector<16xf32>,
      %add3A_2885 = arith.addf %add3A_2877, %get3A_2884 : vector<16xf32>
      %mul3A_2886 = arith.mulf %get3A_2884, %get3A_2884 : vector<16xf32>
      %add3A_2887 = arith.addf %add3A_2879, %mul3A_2886 : vector<16xf32>
      %add3A_2888 = arith.constant 10 : i32
      %add3A_2889 = arith.addi %mul3A_2811, %add3A_2888 : i32
      %get3A_2890 = arith.index_cast %add3A_2889 : i32 to index
      %get3A_2891 = arith.constant 0 : index
      %get3A_2892 = tpu.vector_load %arg9[%get3A_2890, %get3A_2891] {strides = array<i32>} : memref<3328x16xf32, #tpu.memory_space<vmem>>, vector<16xf32>,
      %add3A_2893 = arith.addf %add3A_2885, %get3A_2892 : vector<16xf32>
      %mul3A_2894 = arith.mulf %get3A_2892, %get3A_2892 : vector<16xf32>
      %add3A_2895 = arith.addf %add3A_2887, %mul3A_2894 : vector<16xf32>
      %add3A_2896 = arith.constant 11 : i32
      %add3A_2897 = arith.addi %mul3A_2811, %add3A_2896 : i32
      %get3A_2898 = arith.index_cast %add3A_2897 : i32 to index
      %get3A_2899 = arith.constant 0 : index
      %get3A_2900 = tpu.vector_load %arg9[%get3A_2898, %get3A_2899] {strides = array<i32>} : memref<3328x16xf32, #tpu.memory_space<vmem>>, vector<16xf32>,
      %add3A_2901 = arith.addf %add3A_2893, %get3A_2900 : vector<16xf32>
      %mul3A_2902 = arith.mulf %get3A_2900, %get3A_2900 : vector<16xf32>
      %add3A_2903 = arith.addf %add3A_2895, %mul3A_2902 : vector<16xf32>
      %add3A_2904 = arith.constant 12 : i32
      %add3A_2905 = arith.addi %mul3A_2811, %add3A_2904 : i32
      %get3A_2906 = arith.index_cast %add3A_2905 : i32 to index
      %get3A_2907 = arith.constant 0 : index
      %get3A_2908 = tpu.vector_load %arg9[%get3A_2906, %get3A_2907] {strides = array<i32>} : memref<3328x16xf32, #tpu.memory_space<vmem>>, vector<16xf32>,
      %add3A_2909 = arith.addf %add3A_2901, %get3A_2908 : vector<16xf32>
      %mul3A_2910 = arith.mulf %get3A_2908, %get3A_2908 : vector<16xf32>
      %add3A_2911 = arith.addf %add3A_2903, %mul3A_2910 : vector<16xf32>
      %add3A_2912 = arith.constant 13 : i32
      %add3A_2913 = arith.addi %mul3A_2811, %add3A_2912 : i32
      %get3A_2914 = arith.index_cast %add3A_2913 : i32 to index
      %get3A_2915 = arith.constant 0 : index
      %get3A_2916 = tpu.vector_load %arg9[%get3A_2914, %get3A_2915] {strides = array<i32>} : memref<3328x16xf32, #tpu.memory_space<vmem>>, vector<16xf32>,
      %add3A_2917 = arith.addf %add3A_2909, %get3A_2916 : vector<16xf32>
      %mul3A_2918 = arith.mulf %get3A_2916, %get3A_2916 : vector<16xf32>
      %add3A_2919 = arith.addf %add3A_2911, %mul3A_2918 : vector<16xf32>
      %add3A_2920 = arith.constant 14 : i32
      %add3A_2921 = arith.addi %mul3A_2811, %add3A_2920 : i32
      %get3A_2922 = arith.index_cast %add3A_2921 : i32 to index
      %get3A_2923 = arith.constant 0 : index
      %get3A_2924 = tpu.vector_load %arg9[%get3A_2922, %get3A_2923] {strides = array<i32>} : memref<3328x16xf32, #tpu.memory_space<vmem>>, vector<16xf32>,
      %add3A_2925 = arith.addf %add3A_2917, %get3A_2924 : vector<16xf32>
      %mul3A_2926 = arith.mulf %get3A_2924, %get3A_2924 : vector<16xf32>
      %add3A_2927 = arith.addf %add3A_2919, %mul3A_2926 : vector<16xf32>
      %add3A_2928 = arith.constant 15 : i32
      %add3A_2929 = arith.addi %mul3A_2811, %add3A_2928 : i32
      %get3A_2930 = arith.index_cast %add3A_2929 : i32 to index
      %get3A_2931 = arith.constant 0 : index
      %get3A_2932 = tpu.vector_load %arg9[%get3A_2930, %get3A_2931] {strides = array<i32>} : memref<3328x16xf32, #tpu.memory_space<vmem>>, vector<16xf32>,
      %add3A_2933 = arith.addf %add3A_2925, %get3A_2932 : vector<16xf32>
      %mul3A_2934 = arith.mulf %get3A_2932, %get3A_2932 : vector<16xf32>
      %add3A_2935 = arith.addf %add3A_2927, %mul3A_2934 : vector<16xf32>
      %add3A_2936 = arith.constant 16 : i32
      %add3A_2937 = arith.addi %mul3A_2811, %add3A_2936 : i32
      %get3A_2938 = arith.index_cast %add3A_2937 : i32 to index
      %get3A_2939 = arith.constant 0 : index
      %get3A_2940 = tpu.vector_load %arg9[%get3A_2938, %get3A_2939] {strides = array<i32>} : memref<3328x16xf32, #tpu.memory_space<vmem>>, vector<16xf32>,
      %add3A_2941 = arith.addf %add3A_2933, %get3A_2940 : vector<16xf32>
      %mul3A_2942 = arith.mulf %get3A_2940, %get3A_2940 : vector<16xf32>
      %add3A_2943 = arith.addf %add3A_2935, %mul3A_2942 : vector<16xf32>
      %add3A_2944 = arith.constant 17 : i32
      %add3A_2945 = arith.addi %mul3A_2811, %add3A_2944 : i32
      %get3A_2946 = arith.index_cast %add3A_2945 : i32 to index
      %get3A_2947 = arith.constant 0 : index
      %get3A_2948 = tpu.vector_load %arg9[%get3A_2946, %get3A_2947] {strides = array<i32>} : memref<3328x16xf32, #tpu.memory_space<vmem>>, vector<16xf32>,
      %add3A_2949 = arith.addf %add3A_2941, %get3A_2948 : vector<16xf32>
      %mul3A_2950 = arith.mulf %get3A_2948, %get3A_2948 : vector<16xf32>
      %add3A_2951 = arith.addf %add3A_2943, %mul3A_2950 : vector<16xf32>
      %add3A_2952 = arith.constant 18 : i32
      %add3A_2953 = arith.addi %mul3A_2811, %add3A_2952 : i32
      %get3A_2954 = arith.index_cast %add3A_2953 : i32 to index
      %get3A_2955 = arith.constant 0 : index
      %get3A_2956 = tpu.vector_load %arg9[%get3A_2954, %get3A_2955] {strides = array<i32>} : memref<3328x16xf32, #tpu.memory_space<vmem>>, vector<16xf32>,
      %add3A_2957 = arith.addf %add3A_2949, %get3A_2956 : vector<16xf32>
      %mul3A_2958 = arith.mulf %get3A_2956, %get3A_2956 : vector<16xf32>
      %add3A_2959 = arith.addf %add3A_2951, %mul3A_2958 : vector<16xf32>
      %add3A_2960 = arith.constant 19 : i32
      %add3A_2961 = arith.addi %mul3A_2811, %add3A_2960 : i32
      %get3A_2962 = arith.index_cast %add3A_2961 : i32 to index
      %get3A_2963 = arith.constant 0 : index
      %get3A_2964 = tpu.vector_load %arg9[%get3A_2962, %get3A_2963] {strides = array<i32>} : memref<3328x16xf32, #tpu.memory_space<vmem>>, vector<16xf32>,
      %add3A_2965 = arith.addf %add3A_2957, %get3A_2964 : vector<16xf32>
      %mul3A_2966 = arith.mulf %get3A_2964, %get3A_2964 : vector<16xf32>
      %add3A_2967 = arith.addf %add3A_2959, %mul3A_2966 : vector<16xf32>
      %add3A_2968 = arith.constant 20 : i32
      %add3A_2969 = arith.addi %mul3A_2811, %add3A_2968 : i32
      %get3A_2970 = arith.index_cast %add3A_2969 : i32 to index
      %get3A_2971 = arith.constant 0 : index
      %get3A_2972 = tpu.vector_load %arg9[%get3A_2970, %get3A_2971] {strides = array<i32>} : memref<3328x16xf32, #tpu.memory_space<vmem>>, vector<16xf32>,
      %add3A_2973 = arith.addf %add3A_2965, %get3A_2972 : vector<16xf32>
      %mul3A_2974 = arith.mulf %get3A_2972, %get3A_2972 : vector<16xf32>
      %add3A_2975 = arith.addf %add3A_2967, %mul3A_2974 : vector<16xf32>
      %add3A_2976 = arith.constant 21 : i32
      %add3A_2977 = arith.addi %mul3A_2811, %add3A_2976 : i32
      %get3A_2978 = arith.index_cast %add3A_2977 : i32 to index
      %get3A_2979 = arith.constant 0 : index
      %get3A_2980 = tpu.vector_load %arg9[%get3A_2978, %get3A_2979] {strides = array<i32>} : memref<3328x16xf32, #tpu.memory_space<vmem>>, vector<16xf32>,
      %add3A_2981 = arith.addf %add3A_2973, %get3A_2980 : vector<16xf32>
      %mul3A_2982 = arith.mulf %get3A_2980, %get3A_2980 : vector<16xf32>
      %add3A_2983 = arith.addf %add3A_2975, %mul3A_2982 : vector<16xf32>
      %add3A_2984 = arith.constant 22 : i32
      %add3A_2985 = arith.addi %mul3A_2811, %add3A_2984 : i32
      %get3A_2986 = arith.index_cast %add3A_2985 : i32 to index
      %get3A_2987 = arith.constant 0 : index
      %get3A_2988 = tpu.vector_load %arg9[%get3A_2986, %get3A_2987] {strides = array<i32>} : memref<3328x16xf32, #tpu.memory_space<vmem>>, vector<16xf32>,
      %add3A_2989 = arith.addf %add3A_2981, %get3A_2988 : vector<16xf32>
      %mul3A_2990 = arith.mulf %get3A_2988, %get3A_2988 : vector<16xf32>
      %add3A_2991 = arith.addf %add3A_2983, %mul3A_2990 : vector<16xf32>
      %add3A_2992 = arith.constant 23 : i32
      %add3A_2993 = arith.addi %mul3A_2811, %add3A_2992 : i32
      %get3A_2994 = arith.index_cast %add3A_2993 : i32 to index
      %get3A_2995 = arith.constant 0 : index
      %get3A_2996 = tpu.vector_load %arg9[%get3A_2994, %get3A_2995] {strides = array<i32>} : memref<3328x16xf32, #tpu.memory_space<vmem>>, vector<16xf32>,
      %add3A_2997 = arith.addf %add3A_2989, %get3A_2996 : vector<16xf32>
      %mul3A_2998 = arith.mulf %get3A_2996, %get3A_2996 : vector<16xf32>
      %add3A_2999 = arith.addf %add3A_2991, %mul3A_2998 : vector<16xf32>
      %add3A_3000 = arith.constant 24 : i32
      %add3A_3001 = arith.addi %mul3A_2811, %add3A_3000 : i32
      %get3A_3002 = arith.index_cast %add3A_3001 : i32 to index
      %get3A_3003 = arith.constant 0 : index
      %get3A_3004 = tpu.vector_load %arg9[%get3A_3002, %get3A_3003] {strides = array<i32>} : memref<3328x16xf32, #tpu.memory_space<vmem>>, vector<16xf32>,
      %add3A_3005 = arith.addf %add3A_2997, %get3A_3004 : vector<16xf32>
      %mul3A_3006 = arith.mulf %get3A_3004, %get3A_3004 : vector<16xf32>
      %add3A_3007 = arith.addf %add3A_2999, %mul3A_3006 : vector<16xf32>
      %add3A_3008 = arith.constant 25 : i32
      %add3A_3009 = arith.addi %mul3A_2811, %add3A_3008 : i32
      %get3A_3010 = arith.index_cast %add3A_3009 : i32 to index
      %get3A_3011 = arith.constant 0 : index
      %get3A_3012 = tpu.vector_load %arg9[%get3A_3010, %get3A_3011] {strides = array<i32>} : memref<3328x16xf32, #tpu.memory_space<vmem>>, vector<16xf32>,
      %add3A_3013 = arith.addf %add3A_3005, %get3A_3012 : vector<16xf32>
      %mul3A_3014 = arith.mulf %get3A_3012, %get3A_3012 : vector<16xf32>
      %add3A_3015 = arith.addf %add3A_3007, %mul3A_3014 : vector<16xf32>
      %mul3A_3016 = arith.mulf %add3A_3013, %add3A_3013 : vector<16xf32>
      %sub3A_3017 = arith.subf %mul3A_3016, %add3A_3015 : vector<16xf32>
      %get3A_3018 = arith.index_cast %mul3A_2811 : i32 to index
      %get3A_3019 = tpu.vector_load %arg10[%get3A_3018] {strides = array<i32>} : memref<3344xf32, #tpu.memory_space<vmem>>, vector<16xf32>,
      %add3A_3020 = arith.constant 16 : i32
      %add3A_3021 = arith.addi %mul3A_2811, %add3A_3020 : i32
      %get3A_3022 = arith.index_cast %add3A_3021 : i32 to index
      %get3A_3023 = tpu.vector_load %arg10[%get3A_3022] {strides = array<i32>} : memref<3344xf32, #tpu.memory_space<vmem>>, vector<16xf32>,
      %mul3A_3024 = arith.constant 5.000000e-01 : f32
      %mul3A_3025 = vector.broadcast %mul3A_3024 : f32 to vector<16xf32>
      %mul3A_3026 = arith.mulf %mul3A_3025, %sub3A_3017 : vector<16xf32>
      %add3A_3027 = arith.addf %mul3A_3026, %get3A_3019 : vector<16xf32>
      %mul3A_3028 = arith.mulf %get3A_3023, %select_n3A : vector<16xf32>
      %add3A_3029 = arith.addf %add3A_3027, %mul3A_3028 : vector<16xf32>
      %eq3A_3030 = arith.constant 12 : i32
      %eq3A_3031 = vector.broadcast %eq3A_3030 : i32 to vector<16xi32>
      %eq3A_3032 = arith.cmpi eq, %iota3A, %eq3A_3031 : vector<16xi32>
      %reduce_sum3A_3033 = arith.constant true
      %reduce_sum3A_3034 = vector.broadcast %reduce_sum3A_3033 : i1 to vector<16xi1>
      %reduce_sum3A_3035 = tpu.scan <sum>, %add3A_3029 masked %reduce_sum3A_3034 : vector<16xf32>, vector<16xi1> -> vector<16xf32>
      %reduce_sum3A_3036 = vector.extract %reduce_sum3A_3035[15] : f32 from vector<16xf32>
      %broadcast_in_dim3A_3037 = vector.broadcast %reduce_sum3A_3036 : f32 to vector<16xf32>
      %select_n3A_3038 = arith.select %eq3A_3032, %broadcast_in_dim3A_3037, %select_n3A_2807 : vector<16xi1>, vector<16xf32>
      %add3A_3039 = arith.constant 13 : i32
      %add3A_3040 = arith.addi %mul3A_38, %add3A_3039 : i32
      %mul3A_3041 = arith.constant 26 : i32
      %mul3A_3042 = arith.muli %add3A_3040, %mul3A_3041 : i32
      %get3A_3043 = arith.index_cast %mul3A_3042 : i32 to index
      %get3A_3044 = arith.constant 0 : index
      %get3A_3045 = tpu.vector_load %arg9[%get3A_3043, %get3A_3044] {strides = array<i32>} : memref<3328x16xf32, #tpu.memory_space<vmem>>, vector<16xf32>,
      %mul3A_3046 = arith.mulf %get3A_3045, %get3A_3045 : vector<16xf32>
      %add3A_3047 = arith.constant 1 : i32
      %add3A_3048 = arith.addi %mul3A_3042, %add3A_3047 : i32
      %get3A_3049 = arith.index_cast %add3A_3048 : i32 to index
      %get3A_3050 = arith.constant 0 : index
      %get3A_3051 = tpu.vector_load %arg9[%get3A_3049, %get3A_3050] {strides = array<i32>} : memref<3328x16xf32, #tpu.memory_space<vmem>>, vector<16xf32>,
      %add3A_3052 = arith.addf %get3A_3045, %get3A_3051 : vector<16xf32>
      %mul3A_3053 = arith.mulf %get3A_3051, %get3A_3051 : vector<16xf32>
      %add3A_3054 = arith.addf %mul3A_3046, %mul3A_3053 : vector<16xf32>
      %add3A_3055 = arith.constant 2 : i32
      %add3A_3056 = arith.addi %mul3A_3042, %add3A_3055 : i32
      %get3A_3057 = arith.index_cast %add3A_3056 : i32 to index
      %get3A_3058 = arith.constant 0 : index
      %get3A_3059 = tpu.vector_load %arg9[%get3A_3057, %get3A_3058] {strides = array<i32>} : memref<3328x16xf32, #tpu.memory_space<vmem>>, vector<16xf32>,
      %add3A_3060 = arith.addf %add3A_3052, %get3A_3059 : vector<16xf32>
      %mul3A_3061 = arith.mulf %get3A_3059, %get3A_3059 : vector<16xf32>
      %add3A_3062 = arith.addf %add3A_3054, %mul3A_3061 : vector<16xf32>
      %add3A_3063 = arith.constant 3 : i32
      %add3A_3064 = arith.addi %mul3A_3042, %add3A_3063 : i32
      %get3A_3065 = arith.index_cast %add3A_3064 : i32 to index
      %get3A_3066 = arith.constant 0 : index
      %get3A_3067 = tpu.vector_load %arg9[%get3A_3065, %get3A_3066] {strides = array<i32>} : memref<3328x16xf32, #tpu.memory_space<vmem>>, vector<16xf32>,
      %add3A_3068 = arith.addf %add3A_3060, %get3A_3067 : vector<16xf32>
      %mul3A_3069 = arith.mulf %get3A_3067, %get3A_3067 : vector<16xf32>
      %add3A_3070 = arith.addf %add3A_3062, %mul3A_3069 : vector<16xf32>
      %add3A_3071 = arith.constant 4 : i32
      %add3A_3072 = arith.addi %mul3A_3042, %add3A_3071 : i32
      %get3A_3073 = arith.index_cast %add3A_3072 : i32 to index
      %get3A_3074 = arith.constant 0 : index
      %get3A_3075 = tpu.vector_load %arg9[%get3A_3073, %get3A_3074] {strides = array<i32>} : memref<3328x16xf32, #tpu.memory_space<vmem>>, vector<16xf32>,
      %add3A_3076 = arith.addf %add3A_3068, %get3A_3075 : vector<16xf32>
      %mul3A_3077 = arith.mulf %get3A_3075, %get3A_3075 : vector<16xf32>
      %add3A_3078 = arith.addf %add3A_3070, %mul3A_3077 : vector<16xf32>
      %add3A_3079 = arith.constant 5 : i32
      %add3A_3080 = arith.addi %mul3A_3042, %add3A_3079 : i32
      %get3A_3081 = arith.index_cast %add3A_3080 : i32 to index
      %get3A_3082 = arith.constant 0 : index
      %get3A_3083 = tpu.vector_load %arg9[%get3A_3081, %get3A_3082] {strides = array<i32>} : memref<3328x16xf32, #tpu.memory_space<vmem>>, vector<16xf32>,
      %add3A_3084 = arith.addf %add3A_3076, %get3A_3083 : vector<16xf32>
      %mul3A_3085 = arith.mulf %get3A_3083, %get3A_3083 : vector<16xf32>
      %add3A_3086 = arith.addf %add3A_3078, %mul3A_3085 : vector<16xf32>
      %add3A_3087 = arith.constant 6 : i32
      %add3A_3088 = arith.addi %mul3A_3042, %add3A_3087 : i32
      %get3A_3089 = arith.index_cast %add3A_3088 : i32 to index
      %get3A_3090 = arith.constant 0 : index
      %get3A_3091 = tpu.vector_load %arg9[%get3A_3089, %get3A_3090] {strides = array<i32>} : memref<3328x16xf32, #tpu.memory_space<vmem>>, vector<16xf32>,
      %add3A_3092 = arith.addf %add3A_3084, %get3A_3091 : vector<16xf32>
      %mul3A_3093 = arith.mulf %get3A_3091, %get3A_3091 : vector<16xf32>
      %add3A_3094 = arith.addf %add3A_3086, %mul3A_3093 : vector<16xf32>
      %add3A_3095 = arith.constant 7 : i32
      %add3A_3096 = arith.addi %mul3A_3042, %add3A_3095 : i32
      %get3A_3097 = arith.index_cast %add3A_3096 : i32 to index
      %get3A_3098 = arith.constant 0 : index
      %get3A_3099 = tpu.vector_load %arg9[%get3A_3097, %get3A_3098] {strides = array<i32>} : memref<3328x16xf32, #tpu.memory_space<vmem>>, vector<16xf32>,
      %add3A_3100 = arith.addf %add3A_3092, %get3A_3099 : vector<16xf32>
      %mul3A_3101 = arith.mulf %get3A_3099, %get3A_3099 : vector<16xf32>
      %add3A_3102 = arith.addf %add3A_3094, %mul3A_3101 : vector<16xf32>
      %add3A_3103 = arith.constant 8 : i32
      %add3A_3104 = arith.addi %mul3A_3042, %add3A_3103 : i32
      %get3A_3105 = arith.index_cast %add3A_3104 : i32 to index
      %get3A_3106 = arith.constant 0 : index
      %get3A_3107 = tpu.vector_load %arg9[%get3A_3105, %get3A_3106] {strides = array<i32>} : memref<3328x16xf32, #tpu.memory_space<vmem>>, vector<16xf32>,
      %add3A_3108 = arith.addf %add3A_3100, %get3A_3107 : vector<16xf32>
      %mul3A_3109 = arith.mulf %get3A_3107, %get3A_3107 : vector<16xf32>
      %add3A_3110 = arith.addf %add3A_3102, %mul3A_3109 : vector<16xf32>
      %add3A_3111 = arith.constant 9 : i32
      %add3A_3112 = arith.addi %mul3A_3042, %add3A_3111 : i32
      %get3A_3113 = arith.index_cast %add3A_3112 : i32 to index
      %get3A_3114 = arith.constant 0 : index
      %get3A_3115 = tpu.vector_load %arg9[%get3A_3113, %get3A_3114] {strides = array<i32>} : memref<3328x16xf32, #tpu.memory_space<vmem>>, vector<16xf32>,
      %add3A_3116 = arith.addf %add3A_3108, %get3A_3115 : vector<16xf32>
      %mul3A_3117 = arith.mulf %get3A_3115, %get3A_3115 : vector<16xf32>
      %add3A_3118 = arith.addf %add3A_3110, %mul3A_3117 : vector<16xf32>
      %add3A_3119 = arith.constant 10 : i32
      %add3A_3120 = arith.addi %mul3A_3042, %add3A_3119 : i32
      %get3A_3121 = arith.index_cast %add3A_3120 : i32 to index
      %get3A_3122 = arith.constant 0 : index
      %get3A_3123 = tpu.vector_load %arg9[%get3A_3121, %get3A_3122] {strides = array<i32>} : memref<3328x16xf32, #tpu.memory_space<vmem>>, vector<16xf32>,
      %add3A_3124 = arith.addf %add3A_3116, %get3A_3123 : vector<16xf32>
      %mul3A_3125 = arith.mulf %get3A_3123, %get3A_3123 : vector<16xf32>
      %add3A_3126 = arith.addf %add3A_3118, %mul3A_3125 : vector<16xf32>
      %add3A_3127 = arith.constant 11 : i32
      %add3A_3128 = arith.addi %mul3A_3042, %add3A_3127 : i32
      %get3A_3129 = arith.index_cast %add3A_3128 : i32 to index
      %get3A_3130 = arith.constant 0 : index
      %get3A_3131 = tpu.vector_load %arg9[%get3A_3129, %get3A_3130] {strides = array<i32>} : memref<3328x16xf32, #tpu.memory_space<vmem>>, vector<16xf32>,
      %add3A_3132 = arith.addf %add3A_3124, %get3A_3131 : vector<16xf32>
      %mul3A_3133 = arith.mulf %get3A_3131, %get3A_3131 : vector<16xf32>
      %add3A_3134 = arith.addf %add3A_3126, %mul3A_3133 : vector<16xf32>
      %add3A_3135 = arith.constant 12 : i32
      %add3A_3136 = arith.addi %mul3A_3042, %add3A_3135 : i32
      %get3A_3137 = arith.index_cast %add3A_3136 : i32 to index
      %get3A_3138 = arith.constant 0 : index
      %get3A_3139 = tpu.vector_load %arg9[%get3A_3137, %get3A_3138] {strides = array<i32>} : memref<3328x16xf32, #tpu.memory_space<vmem>>, vector<16xf32>,
      %add3A_3140 = arith.addf %add3A_3132, %get3A_3139 : vector<16xf32>
      %mul3A_3141 = arith.mulf %get3A_3139, %get3A_3139 : vector<16xf32>
      %add3A_3142 = arith.addf %add3A_3134, %mul3A_3141 : vector<16xf32>
      %add3A_3143 = arith.constant 13 : i32
      %add3A_3144 = arith.addi %mul3A_3042, %add3A_3143 : i32
      %get3A_3145 = arith.index_cast %add3A_3144 : i32 to index
      %get3A_3146 = arith.constant 0 : index
      %get3A_3147 = tpu.vector_load %arg9[%get3A_3145, %get3A_3146] {strides = array<i32>} : memref<3328x16xf32, #tpu.memory_space<vmem>>, vector<16xf32>,
      %add3A_3148 = arith.addf %add3A_3140, %get3A_3147 : vector<16xf32>
      %mul3A_3149 = arith.mulf %get3A_3147, %get3A_3147 : vector<16xf32>
      %add3A_3150 = arith.addf %add3A_3142, %mul3A_3149 : vector<16xf32>
      %add3A_3151 = arith.constant 14 : i32
      %add3A_3152 = arith.addi %mul3A_3042, %add3A_3151 : i32
      %get3A_3153 = arith.index_cast %add3A_3152 : i32 to index
      %get3A_3154 = arith.constant 0 : index
      %get3A_3155 = tpu.vector_load %arg9[%get3A_3153, %get3A_3154] {strides = array<i32>} : memref<3328x16xf32, #tpu.memory_space<vmem>>, vector<16xf32>,
      %add3A_3156 = arith.addf %add3A_3148, %get3A_3155 : vector<16xf32>
      %mul3A_3157 = arith.mulf %get3A_3155, %get3A_3155 : vector<16xf32>
      %add3A_3158 = arith.addf %add3A_3150, %mul3A_3157 : vector<16xf32>
      %add3A_3159 = arith.constant 15 : i32
      %add3A_3160 = arith.addi %mul3A_3042, %add3A_3159 : i32
      %get3A_3161 = arith.index_cast %add3A_3160 : i32 to index
      %get3A_3162 = arith.constant 0 : index
      %get3A_3163 = tpu.vector_load %arg9[%get3A_3161, %get3A_3162] {strides = array<i32>} : memref<3328x16xf32, #tpu.memory_space<vmem>>, vector<16xf32>,
      %add3A_3164 = arith.addf %add3A_3156, %get3A_3163 : vector<16xf32>
      %mul3A_3165 = arith.mulf %get3A_3163, %get3A_3163 : vector<16xf32>
      %add3A_3166 = arith.addf %add3A_3158, %mul3A_3165 : vector<16xf32>
      %add3A_3167 = arith.constant 16 : i32
      %add3A_3168 = arith.addi %mul3A_3042, %add3A_3167 : i32
      %get3A_3169 = arith.index_cast %add3A_3168 : i32 to index
      %get3A_3170 = arith.constant 0 : index
      %get3A_3171 = tpu.vector_load %arg9[%get3A_3169, %get3A_3170] {strides = array<i32>} : memref<3328x16xf32, #tpu.memory_space<vmem>>, vector<16xf32>,
      %add3A_3172 = arith.addf %add3A_3164, %get3A_3171 : vector<16xf32>
      %mul3A_3173 = arith.mulf %get3A_3171, %get3A_3171 : vector<16xf32>
      %add3A_3174 = arith.addf %add3A_3166, %mul3A_3173 : vector<16xf32>
      %add3A_3175 = arith.constant 17 : i32
      %add3A_3176 = arith.addi %mul3A_3042, %add3A_3175 : i32
      %get3A_3177 = arith.index_cast %add3A_3176 : i32 to index
      %get3A_3178 = arith.constant 0 : index
      %get3A_3179 = tpu.vector_load %arg9[%get3A_3177, %get3A_3178] {strides = array<i32>} : memref<3328x16xf32, #tpu.memory_space<vmem>>, vector<16xf32>,
      %add3A_3180 = arith.addf %add3A_3172, %get3A_3179 : vector<16xf32>
      %mul3A_3181 = arith.mulf %get3A_3179, %get3A_3179 : vector<16xf32>
      %add3A_3182 = arith.addf %add3A_3174, %mul3A_3181 : vector<16xf32>
      %add3A_3183 = arith.constant 18 : i32
      %add3A_3184 = arith.addi %mul3A_3042, %add3A_3183 : i32
      %get3A_3185 = arith.index_cast %add3A_3184 : i32 to index
      %get3A_3186 = arith.constant 0 : index
      %get3A_3187 = tpu.vector_load %arg9[%get3A_3185, %get3A_3186] {strides = array<i32>} : memref<3328x16xf32, #tpu.memory_space<vmem>>, vector<16xf32>,
      %add3A_3188 = arith.addf %add3A_3180, %get3A_3187 : vector<16xf32>
      %mul3A_3189 = arith.mulf %get3A_3187, %get3A_3187 : vector<16xf32>
      %add3A_3190 = arith.addf %add3A_3182, %mul3A_3189 : vector<16xf32>
      %add3A_3191 = arith.constant 19 : i32
      %add3A_3192 = arith.addi %mul3A_3042, %add3A_3191 : i32
      %get3A_3193 = arith.index_cast %add3A_3192 : i32 to index
      %get3A_3194 = arith.constant 0 : index
      %get3A_3195 = tpu.vector_load %arg9[%get3A_3193, %get3A_3194] {strides = array<i32>} : memref<3328x16xf32, #tpu.memory_space<vmem>>, vector<16xf32>,
      %add3A_3196 = arith.addf %add3A_3188, %get3A_3195 : vector<16xf32>
      %mul3A_3197 = arith.mulf %get3A_3195, %get3A_3195 : vector<16xf32>
      %add3A_3198 = arith.addf %add3A_3190, %mul3A_3197 : vector<16xf32>
      %add3A_3199 = arith.constant 20 : i32
      %add3A_3200 = arith.addi %mul3A_3042, %add3A_3199 : i32
      %get3A_3201 = arith.index_cast %add3A_3200 : i32 to index
      %get3A_3202 = arith.constant 0 : index
      %get3A_3203 = tpu.vector_load %arg9[%get3A_3201, %get3A_3202] {strides = array<i32>} : memref<3328x16xf32, #tpu.memory_space<vmem>>, vector<16xf32>,
      %add3A_3204 = arith.addf %add3A_3196, %get3A_3203 : vector<16xf32>
      %mul3A_3205 = arith.mulf %get3A_3203, %get3A_3203 : vector<16xf32>
      %add3A_3206 = arith.addf %add3A_3198, %mul3A_3205 : vector<16xf32>
      %add3A_3207 = arith.constant 21 : i32
      %add3A_3208 = arith.addi %mul3A_3042, %add3A_3207 : i32
      %get3A_3209 = arith.index_cast %add3A_3208 : i32 to index
      %get3A_3210 = arith.constant 0 : index
      %get3A_3211 = tpu.vector_load %arg9[%get3A_3209, %get3A_3210] {strides = array<i32>} : memref<3328x16xf32, #tpu.memory_space<vmem>>, vector<16xf32>,
      %add3A_3212 = arith.addf %add3A_3204, %get3A_3211 : vector<16xf32>
      %mul3A_3213 = arith.mulf %get3A_3211, %get3A_3211 : vector<16xf32>
      %add3A_3214 = arith.addf %add3A_3206, %mul3A_3213 : vector<16xf32>
      %add3A_3215 = arith.constant 22 : i32
      %add3A_3216 = arith.addi %mul3A_3042, %add3A_3215 : i32
      %get3A_3217 = arith.index_cast %add3A_3216 : i32 to index
      %get3A_3218 = arith.constant 0 : index
      %get3A_3219 = tpu.vector_load %arg9[%get3A_3217, %get3A_3218] {strides = array<i32>} : memref<3328x16xf32, #tpu.memory_space<vmem>>, vector<16xf32>,
      %add3A_3220 = arith.addf %add3A_3212, %get3A_3219 : vector<16xf32>
      %mul3A_3221 = arith.mulf %get3A_3219, %get3A_3219 : vector<16xf32>
      %add3A_3222 = arith.addf %add3A_3214, %mul3A_3221 : vector<16xf32>
      %add3A_3223 = arith.constant 23 : i32
      %add3A_3224 = arith.addi %mul3A_3042, %add3A_3223 : i32
      %get3A_3225 = arith.index_cast %add3A_3224 : i32 to index
      %get3A_3226 = arith.constant 0 : index
      %get3A_3227 = tpu.vector_load %arg9[%get3A_3225, %get3A_3226] {strides = array<i32>} : memref<3328x16xf32, #tpu.memory_space<vmem>>, vector<16xf32>,
      %add3A_3228 = arith.addf %add3A_3220, %get3A_3227 : vector<16xf32>
      %mul3A_3229 = arith.mulf %get3A_3227, %get3A_3227 : vector<16xf32>
      %add3A_3230 = arith.addf %add3A_3222, %mul3A_3229 : vector<16xf32>
      %add3A_3231 = arith.constant 24 : i32
      %add3A_3232 = arith.addi %mul3A_3042, %add3A_3231 : i32
      %get3A_3233 = arith.index_cast %add3A_3232 : i32 to index
      %get3A_3234 = arith.constant 0 : index
      %get3A_3235 = tpu.vector_load %arg9[%get3A_3233, %get3A_3234] {strides = array<i32>} : memref<3328x16xf32, #tpu.memory_space<vmem>>, vector<16xf32>,
      %add3A_3236 = arith.addf %add3A_3228, %get3A_3235 : vector<16xf32>
      %mul3A_3237 = arith.mulf %get3A_3235, %get3A_3235 : vector<16xf32>
      %add3A_3238 = arith.addf %add3A_3230, %mul3A_3237 : vector<16xf32>
      %add3A_3239 = arith.constant 25 : i32
      %add3A_3240 = arith.addi %mul3A_3042, %add3A_3239 : i32
      %get3A_3241 = arith.index_cast %add3A_3240 : i32 to index
      %get3A_3242 = arith.constant 0 : index
      %get3A_3243 = tpu.vector_load %arg9[%get3A_3241, %get3A_3242] {strides = array<i32>} : memref<3328x16xf32, #tpu.memory_space<vmem>>, vector<16xf32>,
      %add3A_3244 = arith.addf %add3A_3236, %get3A_3243 : vector<16xf32>
      %mul3A_3245 = arith.mulf %get3A_3243, %get3A_3243 : vector<16xf32>
      %add3A_3246 = arith.addf %add3A_3238, %mul3A_3245 : vector<16xf32>
      %mul3A_3247 = arith.mulf %add3A_3244, %add3A_3244 : vector<16xf32>
      %sub3A_3248 = arith.subf %mul3A_3247, %add3A_3246 : vector<16xf32>
      %get3A_3249 = arith.index_cast %mul3A_3042 : i32 to index
      %get3A_3250 = tpu.vector_load %arg10[%get3A_3249] {strides = array<i32>} : memref<3344xf32, #tpu.memory_space<vmem>>, vector<16xf32>,
      %add3A_3251 = arith.constant 16 : i32
      %add3A_3252 = arith.addi %mul3A_3042, %add3A_3251 : i32
      %get3A_3253 = arith.index_cast %add3A_3252 : i32 to index
      %get3A_3254 = tpu.vector_load %arg10[%get3A_3253] {strides = array<i32>} : memref<3344xf32, #tpu.memory_space<vmem>>, vector<16xf32>,
      %mul3A_3255 = arith.constant 5.000000e-01 : f32
      %mul3A_3256 = vector.broadcast %mul3A_3255 : f32 to vector<16xf32>
      %mul3A_3257 = arith.mulf %mul3A_3256, %sub3A_3248 : vector<16xf32>
      %add3A_3258 = arith.addf %mul3A_3257, %get3A_3250 : vector<16xf32>
      %mul3A_3259 = arith.mulf %get3A_3254, %select_n3A : vector<16xf32>
      %add3A_3260 = arith.addf %add3A_3258, %mul3A_3259 : vector<16xf32>
      %eq3A_3261 = arith.constant 13 : i32
      %eq3A_3262 = vector.broadcast %eq3A_3261 : i32 to vector<16xi32>
      %eq3A_3263 = arith.cmpi eq, %iota3A, %eq3A_3262 : vector<16xi32>
      %reduce_sum3A_3264 = arith.constant true
      %reduce_sum3A_3265 = vector.broadcast %reduce_sum3A_3264 : i1 to vector<16xi1>
      %reduce_sum3A_3266 = tpu.scan <sum>, %add3A_3260 masked %reduce_sum3A_3265 : vector<16xf32>, vector<16xi1> -> vector<16xf32>
      %reduce_sum3A_3267 = vector.extract %reduce_sum3A_3266[15] : f32 from vector<16xf32>
      %broadcast_in_dim3A_3268 = vector.broadcast %reduce_sum3A_3267 : f32 to vector<16xf32>
      %select_n3A_3269 = arith.select %eq3A_3263, %broadcast_in_dim3A_3268, %select_n3A_3038 : vector<16xi1>, vector<16xf32>
      %add3A_3270 = arith.constant 14 : i32
      %add3A_3271 = arith.addi %mul3A_38, %add3A_3270 : i32
      %mul3A_3272 = arith.constant 26 : i32
      %mul3A_3273 = arith.muli %add3A_3271, %mul3A_3272 : i32
      %get3A_3274 = arith.index_cast %mul3A_3273 : i32 to index
      %get3A_3275 = arith.constant 0 : index
      %get3A_3276 = tpu.vector_load %arg9[%get3A_3274, %get3A_3275] {strides = array<i32>} : memref<3328x16xf32, #tpu.memory_space<vmem>>, vector<16xf32>,
      %mul3A_3277 = arith.mulf %get3A_3276, %get3A_3276 : vector<16xf32>
      %add3A_3278 = arith.constant 1 : i32
      %add3A_3279 = arith.addi %mul3A_3273, %add3A_3278 : i32
      %get3A_3280 = arith.index_cast %add3A_3279 : i32 to index
      %get3A_3281 = arith.constant 0 : index
      %get3A_3282 = tpu.vector_load %arg9[%get3A_3280, %get3A_3281] {strides = array<i32>} : memref<3328x16xf32, #tpu.memory_space<vmem>>, vector<16xf32>,
      %add3A_3283 = arith.addf %get3A_3276, %get3A_3282 : vector<16xf32>
      %mul3A_3284 = arith.mulf %get3A_3282, %get3A_3282 : vector<16xf32>
      %add3A_3285 = arith.addf %mul3A_3277, %mul3A_3284 : vector<16xf32>
      %add3A_3286 = arith.constant 2 : i32
      %add3A_3287 = arith.addi %mul3A_3273, %add3A_3286 : i32
      %get3A_3288 = arith.index_cast %add3A_3287 : i32 to index
      %get3A_3289 = arith.constant 0 : index
      %get3A_3290 = tpu.vector_load %arg9[%get3A_3288, %get3A_3289] {strides = array<i32>} : memref<3328x16xf32, #tpu.memory_space<vmem>>, vector<16xf32>,
      %add3A_3291 = arith.addf %add3A_3283, %get3A_3290 : vector<16xf32>
      %mul3A_3292 = arith.mulf %get3A_3290, %get3A_3290 : vector<16xf32>
      %add3A_3293 = arith.addf %add3A_3285, %mul3A_3292 : vector<16xf32>
      %add3A_3294 = arith.constant 3 : i32
      %add3A_3295 = arith.addi %mul3A_3273, %add3A_3294 : i32
      %get3A_3296 = arith.index_cast %add3A_3295 : i32 to index
      %get3A_3297 = arith.constant 0 : index
      %get3A_3298 = tpu.vector_load %arg9[%get3A_3296, %get3A_3297] {strides = array<i32>} : memref<3328x16xf32, #tpu.memory_space<vmem>>, vector<16xf32>,
      %add3A_3299 = arith.addf %add3A_3291, %get3A_3298 : vector<16xf32>
      %mul3A_3300 = arith.mulf %get3A_3298, %get3A_3298 : vector<16xf32>
      %add3A_3301 = arith.addf %add3A_3293, %mul3A_3300 : vector<16xf32>
      %add3A_3302 = arith.constant 4 : i32
      %add3A_3303 = arith.addi %mul3A_3273, %add3A_3302 : i32
      %get3A_3304 = arith.index_cast %add3A_3303 : i32 to index
      %get3A_3305 = arith.constant 0 : index
      %get3A_3306 = tpu.vector_load %arg9[%get3A_3304, %get3A_3305] {strides = array<i32>} : memref<3328x16xf32, #tpu.memory_space<vmem>>, vector<16xf32>,
      %add3A_3307 = arith.addf %add3A_3299, %get3A_3306 : vector<16xf32>
      %mul3A_3308 = arith.mulf %get3A_3306, %get3A_3306 : vector<16xf32>
      %add3A_3309 = arith.addf %add3A_3301, %mul3A_3308 : vector<16xf32>
      %add3A_3310 = arith.constant 5 : i32
      %add3A_3311 = arith.addi %mul3A_3273, %add3A_3310 : i32
      %get3A_3312 = arith.index_cast %add3A_3311 : i32 to index
      %get3A_3313 = arith.constant 0 : index
      %get3A_3314 = tpu.vector_load %arg9[%get3A_3312, %get3A_3313] {strides = array<i32>} : memref<3328x16xf32, #tpu.memory_space<vmem>>, vector<16xf32>,
      %add3A_3315 = arith.addf %add3A_3307, %get3A_3314 : vector<16xf32>
      %mul3A_3316 = arith.mulf %get3A_3314, %get3A_3314 : vector<16xf32>
      %add3A_3317 = arith.addf %add3A_3309, %mul3A_3316 : vector<16xf32>
      %add3A_3318 = arith.constant 6 : i32
      %add3A_3319 = arith.addi %mul3A_3273, %add3A_3318 : i32
      %get3A_3320 = arith.index_cast %add3A_3319 : i32 to index
      %get3A_3321 = arith.constant 0 : index
      %get3A_3322 = tpu.vector_load %arg9[%get3A_3320, %get3A_3321] {strides = array<i32>} : memref<3328x16xf32, #tpu.memory_space<vmem>>, vector<16xf32>,
      %add3A_3323 = arith.addf %add3A_3315, %get3A_3322 : vector<16xf32>
      %mul3A_3324 = arith.mulf %get3A_3322, %get3A_3322 : vector<16xf32>
      %add3A_3325 = arith.addf %add3A_3317, %mul3A_3324 : vector<16xf32>
      %add3A_3326 = arith.constant 7 : i32
      %add3A_3327 = arith.addi %mul3A_3273, %add3A_3326 : i32
      %get3A_3328 = arith.index_cast %add3A_3327 : i32 to index
      %get3A_3329 = arith.constant 0 : index
      %get3A_3330 = tpu.vector_load %arg9[%get3A_3328, %get3A_3329] {strides = array<i32>} : memref<3328x16xf32, #tpu.memory_space<vmem>>, vector<16xf32>,
      %add3A_3331 = arith.addf %add3A_3323, %get3A_3330 : vector<16xf32>
      %mul3A_3332 = arith.mulf %get3A_3330, %get3A_3330 : vector<16xf32>
      %add3A_3333 = arith.addf %add3A_3325, %mul3A_3332 : vector<16xf32>
      %add3A_3334 = arith.constant 8 : i32
      %add3A_3335 = arith.addi %mul3A_3273, %add3A_3334 : i32
      %get3A_3336 = arith.index_cast %add3A_3335 : i32 to index
      %get3A_3337 = arith.constant 0 : index
      %get3A_3338 = tpu.vector_load %arg9[%get3A_3336, %get3A_3337] {strides = array<i32>} : memref<3328x16xf32, #tpu.memory_space<vmem>>, vector<16xf32>,
      %add3A_3339 = arith.addf %add3A_3331, %get3A_3338 : vector<16xf32>
      %mul3A_3340 = arith.mulf %get3A_3338, %get3A_3338 : vector<16xf32>
      %add3A_3341 = arith.addf %add3A_3333, %mul3A_3340 : vector<16xf32>
      %add3A_3342 = arith.constant 9 : i32
      %add3A_3343 = arith.addi %mul3A_3273, %add3A_3342 : i32
      %get3A_3344 = arith.index_cast %add3A_3343 : i32 to index
      %get3A_3345 = arith.constant 0 : index
      %get3A_3346 = tpu.vector_load %arg9[%get3A_3344, %get3A_3345] {strides = array<i32>} : memref<3328x16xf32, #tpu.memory_space<vmem>>, vector<16xf32>,
      %add3A_3347 = arith.addf %add3A_3339, %get3A_3346 : vector<16xf32>
      %mul3A_3348 = arith.mulf %get3A_3346, %get3A_3346 : vector<16xf32>
      %add3A_3349 = arith.addf %add3A_3341, %mul3A_3348 : vector<16xf32>
      %add3A_3350 = arith.constant 10 : i32
      %add3A_3351 = arith.addi %mul3A_3273, %add3A_3350 : i32
      %get3A_3352 = arith.index_cast %add3A_3351 : i32 to index
      %get3A_3353 = arith.constant 0 : index
      %get3A_3354 = tpu.vector_load %arg9[%get3A_3352, %get3A_3353] {strides = array<i32>} : memref<3328x16xf32, #tpu.memory_space<vmem>>, vector<16xf32>,
      %add3A_3355 = arith.addf %add3A_3347, %get3A_3354 : vector<16xf32>
      %mul3A_3356 = arith.mulf %get3A_3354, %get3A_3354 : vector<16xf32>
      %add3A_3357 = arith.addf %add3A_3349, %mul3A_3356 : vector<16xf32>
      %add3A_3358 = arith.constant 11 : i32
      %add3A_3359 = arith.addi %mul3A_3273, %add3A_3358 : i32
      %get3A_3360 = arith.index_cast %add3A_3359 : i32 to index
      %get3A_3361 = arith.constant 0 : index
      %get3A_3362 = tpu.vector_load %arg9[%get3A_3360, %get3A_3361] {strides = array<i32>} : memref<3328x16xf32, #tpu.memory_space<vmem>>, vector<16xf32>,
      %add3A_3363 = arith.addf %add3A_3355, %get3A_3362 : vector<16xf32>
      %mul3A_3364 = arith.mulf %get3A_3362, %get3A_3362 : vector<16xf32>
      %add3A_3365 = arith.addf %add3A_3357, %mul3A_3364 : vector<16xf32>
      %add3A_3366 = arith.constant 12 : i32
      %add3A_3367 = arith.addi %mul3A_3273, %add3A_3366 : i32
      %get3A_3368 = arith.index_cast %add3A_3367 : i32 to index
      %get3A_3369 = arith.constant 0 : index
      %get3A_3370 = tpu.vector_load %arg9[%get3A_3368, %get3A_3369] {strides = array<i32>} : memref<3328x16xf32, #tpu.memory_space<vmem>>, vector<16xf32>,
      %add3A_3371 = arith.addf %add3A_3363, %get3A_3370 : vector<16xf32>
      %mul3A_3372 = arith.mulf %get3A_3370, %get3A_3370 : vector<16xf32>
      %add3A_3373 = arith.addf %add3A_3365, %mul3A_3372 : vector<16xf32>
      %add3A_3374 = arith.constant 13 : i32
      %add3A_3375 = arith.addi %mul3A_3273, %add3A_3374 : i32
      %get3A_3376 = arith.index_cast %add3A_3375 : i32 to index
      %get3A_3377 = arith.constant 0 : index
      %get3A_3378 = tpu.vector_load %arg9[%get3A_3376, %get3A_3377] {strides = array<i32>} : memref<3328x16xf32, #tpu.memory_space<vmem>>, vector<16xf32>,
      %add3A_3379 = arith.addf %add3A_3371, %get3A_3378 : vector<16xf32>
      %mul3A_3380 = arith.mulf %get3A_3378, %get3A_3378 : vector<16xf32>
      %add3A_3381 = arith.addf %add3A_3373, %mul3A_3380 : vector<16xf32>
      %add3A_3382 = arith.constant 14 : i32
      %add3A_3383 = arith.addi %mul3A_3273, %add3A_3382 : i32
      %get3A_3384 = arith.index_cast %add3A_3383 : i32 to index
      %get3A_3385 = arith.constant 0 : index
      %get3A_3386 = tpu.vector_load %arg9[%get3A_3384, %get3A_3385] {strides = array<i32>} : memref<3328x16xf32, #tpu.memory_space<vmem>>, vector<16xf32>,
      %add3A_3387 = arith.addf %add3A_3379, %get3A_3386 : vector<16xf32>
      %mul3A_3388 = arith.mulf %get3A_3386, %get3A_3386 : vector<16xf32>
      %add3A_3389 = arith.addf %add3A_3381, %mul3A_3388 : vector<16xf32>
      %add3A_3390 = arith.constant 15 : i32
      %add3A_3391 = arith.addi %mul3A_3273, %add3A_3390 : i32
      %get3A_3392 = arith.index_cast %add3A_3391 : i32 to index
      %get3A_3393 = arith.constant 0 : index
      %get3A_3394 = tpu.vector_load %arg9[%get3A_3392, %get3A_3393] {strides = array<i32>} : memref<3328x16xf32, #tpu.memory_space<vmem>>, vector<16xf32>,
      %add3A_3395 = arith.addf %add3A_3387, %get3A_3394 : vector<16xf32>
      %mul3A_3396 = arith.mulf %get3A_3394, %get3A_3394 : vector<16xf32>
      %add3A_3397 = arith.addf %add3A_3389, %mul3A_3396 : vector<16xf32>
      %add3A_3398 = arith.constant 16 : i32
      %add3A_3399 = arith.addi %mul3A_3273, %add3A_3398 : i32
      %get3A_3400 = arith.index_cast %add3A_3399 : i32 to index
      %get3A_3401 = arith.constant 0 : index
      %get3A_3402 = tpu.vector_load %arg9[%get3A_3400, %get3A_3401] {strides = array<i32>} : memref<3328x16xf32, #tpu.memory_space<vmem>>, vector<16xf32>,
      %add3A_3403 = arith.addf %add3A_3395, %get3A_3402 : vector<16xf32>
      %mul3A_3404 = arith.mulf %get3A_3402, %get3A_3402 : vector<16xf32>
      %add3A_3405 = arith.addf %add3A_3397, %mul3A_3404 : vector<16xf32>
      %add3A_3406 = arith.constant 17 : i32
      %add3A_3407 = arith.addi %mul3A_3273, %add3A_3406 : i32
      %get3A_3408 = arith.index_cast %add3A_3407 : i32 to index
      %get3A_3409 = arith.constant 0 : index
      %get3A_3410 = tpu.vector_load %arg9[%get3A_3408, %get3A_3409] {strides = array<i32>} : memref<3328x16xf32, #tpu.memory_space<vmem>>, vector<16xf32>,
      %add3A_3411 = arith.addf %add3A_3403, %get3A_3410 : vector<16xf32>
      %mul3A_3412 = arith.mulf %get3A_3410, %get3A_3410 : vector<16xf32>
      %add3A_3413 = arith.addf %add3A_3405, %mul3A_3412 : vector<16xf32>
      %add3A_3414 = arith.constant 18 : i32
      %add3A_3415 = arith.addi %mul3A_3273, %add3A_3414 : i32
      %get3A_3416 = arith.index_cast %add3A_3415 : i32 to index
      %get3A_3417 = arith.constant 0 : index
      %get3A_3418 = tpu.vector_load %arg9[%get3A_3416, %get3A_3417] {strides = array<i32>} : memref<3328x16xf32, #tpu.memory_space<vmem>>, vector<16xf32>,
      %add3A_3419 = arith.addf %add3A_3411, %get3A_3418 : vector<16xf32>
      %mul3A_3420 = arith.mulf %get3A_3418, %get3A_3418 : vector<16xf32>
      %add3A_3421 = arith.addf %add3A_3413, %mul3A_3420 : vector<16xf32>
      %add3A_3422 = arith.constant 19 : i32
      %add3A_3423 = arith.addi %mul3A_3273, %add3A_3422 : i32
      %get3A_3424 = arith.index_cast %add3A_3423 : i32 to index
      %get3A_3425 = arith.constant 0 : index
      %get3A_3426 = tpu.vector_load %arg9[%get3A_3424, %get3A_3425] {strides = array<i32>} : memref<3328x16xf32, #tpu.memory_space<vmem>>, vector<16xf32>,
      %add3A_3427 = arith.addf %add3A_3419, %get3A_3426 : vector<16xf32>
      %mul3A_3428 = arith.mulf %get3A_3426, %get3A_3426 : vector<16xf32>
      %add3A_3429 = arith.addf %add3A_3421, %mul3A_3428 : vector<16xf32>
      %add3A_3430 = arith.constant 20 : i32
      %add3A_3431 = arith.addi %mul3A_3273, %add3A_3430 : i32
      %get3A_3432 = arith.index_cast %add3A_3431 : i32 to index
      %get3A_3433 = arith.constant 0 : index
      %get3A_3434 = tpu.vector_load %arg9[%get3A_3432, %get3A_3433] {strides = array<i32>} : memref<3328x16xf32, #tpu.memory_space<vmem>>, vector<16xf32>,
      %add3A_3435 = arith.addf %add3A_3427, %get3A_3434 : vector<16xf32>
      %mul3A_3436 = arith.mulf %get3A_3434, %get3A_3434 : vector<16xf32>
      %add3A_3437 = arith.addf %add3A_3429, %mul3A_3436 : vector<16xf32>
      %add3A_3438 = arith.constant 21 : i32
      %add3A_3439 = arith.addi %mul3A_3273, %add3A_3438 : i32
      %get3A_3440 = arith.index_cast %add3A_3439 : i32 to index
      %get3A_3441 = arith.constant 0 : index
      %get3A_3442 = tpu.vector_load %arg9[%get3A_3440, %get3A_3441] {strides = array<i32>} : memref<3328x16xf32, #tpu.memory_space<vmem>>, vector<16xf32>,
      %add3A_3443 = arith.addf %add3A_3435, %get3A_3442 : vector<16xf32>
      %mul3A_3444 = arith.mulf %get3A_3442, %get3A_3442 : vector<16xf32>
      %add3A_3445 = arith.addf %add3A_3437, %mul3A_3444 : vector<16xf32>
      %add3A_3446 = arith.constant 22 : i32
      %add3A_3447 = arith.addi %mul3A_3273, %add3A_3446 : i32
      %get3A_3448 = arith.index_cast %add3A_3447 : i32 to index
      %get3A_3449 = arith.constant 0 : index
      %get3A_3450 = tpu.vector_load %arg9[%get3A_3448, %get3A_3449] {strides = array<i32>} : memref<3328x16xf32, #tpu.memory_space<vmem>>, vector<16xf32>,
      %add3A_3451 = arith.addf %add3A_3443, %get3A_3450 : vector<16xf32>
      %mul3A_3452 = arith.mulf %get3A_3450, %get3A_3450 : vector<16xf32>
      %add3A_3453 = arith.addf %add3A_3445, %mul3A_3452 : vector<16xf32>
      %add3A_3454 = arith.constant 23 : i32
      %add3A_3455 = arith.addi %mul3A_3273, %add3A_3454 : i32
      %get3A_3456 = arith.index_cast %add3A_3455 : i32 to index
      %get3A_3457 = arith.constant 0 : index
      %get3A_3458 = tpu.vector_load %arg9[%get3A_3456, %get3A_3457] {strides = array<i32>} : memref<3328x16xf32, #tpu.memory_space<vmem>>, vector<16xf32>,
      %add3A_3459 = arith.addf %add3A_3451, %get3A_3458 : vector<16xf32>
      %mul3A_3460 = arith.mulf %get3A_3458, %get3A_3458 : vector<16xf32>
      %add3A_3461 = arith.addf %add3A_3453, %mul3A_3460 : vector<16xf32>
      %add3A_3462 = arith.constant 24 : i32
      %add3A_3463 = arith.addi %mul3A_3273, %add3A_3462 : i32
      %get3A_3464 = arith.index_cast %add3A_3463 : i32 to index
      %get3A_3465 = arith.constant 0 : index
      %get3A_3466 = tpu.vector_load %arg9[%get3A_3464, %get3A_3465] {strides = array<i32>} : memref<3328x16xf32, #tpu.memory_space<vmem>>, vector<16xf32>,
      %add3A_3467 = arith.addf %add3A_3459, %get3A_3466 : vector<16xf32>
      %mul3A_3468 = arith.mulf %get3A_3466, %get3A_3466 : vector<16xf32>
      %add3A_3469 = arith.addf %add3A_3461, %mul3A_3468 : vector<16xf32>
      %add3A_3470 = arith.constant 25 : i32
      %add3A_3471 = arith.addi %mul3A_3273, %add3A_3470 : i32
      %get3A_3472 = arith.index_cast %add3A_3471 : i32 to index
      %get3A_3473 = arith.constant 0 : index
      %get3A_3474 = tpu.vector_load %arg9[%get3A_3472, %get3A_3473] {strides = array<i32>} : memref<3328x16xf32, #tpu.memory_space<vmem>>, vector<16xf32>,
      %add3A_3475 = arith.addf %add3A_3467, %get3A_3474 : vector<16xf32>
      %mul3A_3476 = arith.mulf %get3A_3474, %get3A_3474 : vector<16xf32>
      %add3A_3477 = arith.addf %add3A_3469, %mul3A_3476 : vector<16xf32>
      %mul3A_3478 = arith.mulf %add3A_3475, %add3A_3475 : vector<16xf32>
      %sub3A_3479 = arith.subf %mul3A_3478, %add3A_3477 : vector<16xf32>
      %get3A_3480 = arith.index_cast %mul3A_3273 : i32 to index
      %get3A_3481 = tpu.vector_load %arg10[%get3A_3480] {strides = array<i32>} : memref<3344xf32, #tpu.memory_space<vmem>>, vector<16xf32>,
      %add3A_3482 = arith.constant 16 : i32
      %add3A_3483 = arith.addi %mul3A_3273, %add3A_3482 : i32
      %get3A_3484 = arith.index_cast %add3A_3483 : i32 to index
      %get3A_3485 = tpu.vector_load %arg10[%get3A_3484] {strides = array<i32>} : memref<3344xf32, #tpu.memory_space<vmem>>, vector<16xf32>,
      %mul3A_3486 = arith.constant 5.000000e-01 : f32
      %mul3A_3487 = vector.broadcast %mul3A_3486 : f32 to vector<16xf32>
      %mul3A_3488 = arith.mulf %mul3A_3487, %sub3A_3479 : vector<16xf32>
      %add3A_3489 = arith.addf %mul3A_3488, %get3A_3481 : vector<16xf32>
      %mul3A_3490 = arith.mulf %get3A_3485, %select_n3A : vector<16xf32>
      %add3A_3491 = arith.addf %add3A_3489, %mul3A_3490 : vector<16xf32>
      %eq3A_3492 = arith.constant 14 : i32
      %eq3A_3493 = vector.broadcast %eq3A_3492 : i32 to vector<16xi32>
      %eq3A_3494 = arith.cmpi eq, %iota3A, %eq3A_3493 : vector<16xi32>
      %reduce_sum3A_3495 = arith.constant true
      %reduce_sum3A_3496 = vector.broadcast %reduce_sum3A_3495 : i1 to vector<16xi1>
      %reduce_sum3A_3497 = tpu.scan <sum>, %add3A_3491 masked %reduce_sum3A_3496 : vector<16xf32>, vector<16xi1> -> vector<16xf32>
      %reduce_sum3A_3498 = vector.extract %reduce_sum3A_3497[15] : f32 from vector<16xf32>
      %broadcast_in_dim3A_3499 = vector.broadcast %reduce_sum3A_3498 : f32 to vector<16xf32>
      %select_n3A_3500 = arith.select %eq3A_3494, %broadcast_in_dim3A_3499, %select_n3A_3269 : vector<16xi1>, vector<16xf32>
      %add3A_3501 = arith.constant 15 : i32
      %add3A_3502 = arith.addi %mul3A_38, %add3A_3501 : i32
      %mul3A_3503 = arith.constant 26 : i32
      %mul3A_3504 = arith.muli %add3A_3502, %mul3A_3503 : i32
      %get3A_3505 = arith.index_cast %mul3A_3504 : i32 to index
      %get3A_3506 = arith.constant 0 : index
      %get3A_3507 = tpu.vector_load %arg9[%get3A_3505, %get3A_3506] {strides = array<i32>} : memref<3328x16xf32, #tpu.memory_space<vmem>>, vector<16xf32>,
      %mul3A_3508 = arith.mulf %get3A_3507, %get3A_3507 : vector<16xf32>
      %add3A_3509 = arith.constant 1 : i32
      %add3A_3510 = arith.addi %mul3A_3504, %add3A_3509 : i32
      %get3A_3511 = arith.index_cast %add3A_3510 : i32 to index
      %get3A_3512 = arith.constant 0 : index
      %get3A_3513 = tpu.vector_load %arg9[%get3A_3511, %get3A_3512] {strides = array<i32>} : memref<3328x16xf32, #tpu.memory_space<vmem>>, vector<16xf32>,
      %add3A_3514 = arith.addf %get3A_3507, %get3A_3513 : vector<16xf32>
      %mul3A_3515 = arith.mulf %get3A_3513, %get3A_3513 : vector<16xf32>
      %add3A_3516 = arith.addf %mul3A_3508, %mul3A_3515 : vector<16xf32>
      %add3A_3517 = arith.constant 2 : i32
      %add3A_3518 = arith.addi %mul3A_3504, %add3A_3517 : i32
      %get3A_3519 = arith.index_cast %add3A_3518 : i32 to index
      %get3A_3520 = arith.constant 0 : index
      %get3A_3521 = tpu.vector_load %arg9[%get3A_3519, %get3A_3520] {strides = array<i32>} : memref<3328x16xf32, #tpu.memory_space<vmem>>, vector<16xf32>,
      %add3A_3522 = arith.addf %add3A_3514, %get3A_3521 : vector<16xf32>
      %mul3A_3523 = arith.mulf %get3A_3521, %get3A_3521 : vector<16xf32>
      %add3A_3524 = arith.addf %add3A_3516, %mul3A_3523 : vector<16xf32>
      %add3A_3525 = arith.constant 3 : i32
      %add3A_3526 = arith.addi %mul3A_3504, %add3A_3525 : i32
      %get3A_3527 = arith.index_cast %add3A_3526 : i32 to index
      %get3A_3528 = arith.constant 0 : index
      %get3A_3529 = tpu.vector_load %arg9[%get3A_3527, %get3A_3528] {strides = array<i32>} : memref<3328x16xf32, #tpu.memory_space<vmem>>, vector<16xf32>,
      %add3A_3530 = arith.addf %add3A_3522, %get3A_3529 : vector<16xf32>
      %mul3A_3531 = arith.mulf %get3A_3529, %get3A_3529 : vector<16xf32>
      %add3A_3532 = arith.addf %add3A_3524, %mul3A_3531 : vector<16xf32>
      %add3A_3533 = arith.constant 4 : i32
      %add3A_3534 = arith.addi %mul3A_3504, %add3A_3533 : i32
      %get3A_3535 = arith.index_cast %add3A_3534 : i32 to index
      %get3A_3536 = arith.constant 0 : index
      %get3A_3537 = tpu.vector_load %arg9[%get3A_3535, %get3A_3536] {strides = array<i32>} : memref<3328x16xf32, #tpu.memory_space<vmem>>, vector<16xf32>,
      %add3A_3538 = arith.addf %add3A_3530, %get3A_3537 : vector<16xf32>
      %mul3A_3539 = arith.mulf %get3A_3537, %get3A_3537 : vector<16xf32>
      %add3A_3540 = arith.addf %add3A_3532, %mul3A_3539 : vector<16xf32>
      %add3A_3541 = arith.constant 5 : i32
      %add3A_3542 = arith.addi %mul3A_3504, %add3A_3541 : i32
      %get3A_3543 = arith.index_cast %add3A_3542 : i32 to index
      %get3A_3544 = arith.constant 0 : index
      %get3A_3545 = tpu.vector_load %arg9[%get3A_3543, %get3A_3544] {strides = array<i32>} : memref<3328x16xf32, #tpu.memory_space<vmem>>, vector<16xf32>,
      %add3A_3546 = arith.addf %add3A_3538, %get3A_3545 : vector<16xf32>
      %mul3A_3547 = arith.mulf %get3A_3545, %get3A_3545 : vector<16xf32>
      %add3A_3548 = arith.addf %add3A_3540, %mul3A_3547 : vector<16xf32>
      %add3A_3549 = arith.constant 6 : i32
      %add3A_3550 = arith.addi %mul3A_3504, %add3A_3549 : i32
      %get3A_3551 = arith.index_cast %add3A_3550 : i32 to index
      %get3A_3552 = arith.constant 0 : index
      %get3A_3553 = tpu.vector_load %arg9[%get3A_3551, %get3A_3552] {strides = array<i32>} : memref<3328x16xf32, #tpu.memory_space<vmem>>, vector<16xf32>,
      %add3A_3554 = arith.addf %add3A_3546, %get3A_3553 : vector<16xf32>
      %mul3A_3555 = arith.mulf %get3A_3553, %get3A_3553 : vector<16xf32>
      %add3A_3556 = arith.addf %add3A_3548, %mul3A_3555 : vector<16xf32>
      %add3A_3557 = arith.constant 7 : i32
      %add3A_3558 = arith.addi %mul3A_3504, %add3A_3557 : i32
      %get3A_3559 = arith.index_cast %add3A_3558 : i32 to index
      %get3A_3560 = arith.constant 0 : index
      %get3A_3561 = tpu.vector_load %arg9[%get3A_3559, %get3A_3560] {strides = array<i32>} : memref<3328x16xf32, #tpu.memory_space<vmem>>, vector<16xf32>,
      %add3A_3562 = arith.addf %add3A_3554, %get3A_3561 : vector<16xf32>
      %mul3A_3563 = arith.mulf %get3A_3561, %get3A_3561 : vector<16xf32>
      %add3A_3564 = arith.addf %add3A_3556, %mul3A_3563 : vector<16xf32>
      %add3A_3565 = arith.constant 8 : i32
      %add3A_3566 = arith.addi %mul3A_3504, %add3A_3565 : i32
      %get3A_3567 = arith.index_cast %add3A_3566 : i32 to index
      %get3A_3568 = arith.constant 0 : index
      %get3A_3569 = tpu.vector_load %arg9[%get3A_3567, %get3A_3568] {strides = array<i32>} : memref<3328x16xf32, #tpu.memory_space<vmem>>, vector<16xf32>,
      %add3A_3570 = arith.addf %add3A_3562, %get3A_3569 : vector<16xf32>
      %mul3A_3571 = arith.mulf %get3A_3569, %get3A_3569 : vector<16xf32>
      %add3A_3572 = arith.addf %add3A_3564, %mul3A_3571 : vector<16xf32>
      %add3A_3573 = arith.constant 9 : i32
      %add3A_3574 = arith.addi %mul3A_3504, %add3A_3573 : i32
      %get3A_3575 = arith.index_cast %add3A_3574 : i32 to index
      %get3A_3576 = arith.constant 0 : index
      %get3A_3577 = tpu.vector_load %arg9[%get3A_3575, %get3A_3576] {strides = array<i32>} : memref<3328x16xf32, #tpu.memory_space<vmem>>, vector<16xf32>,
      %add3A_3578 = arith.addf %add3A_3570, %get3A_3577 : vector<16xf32>
      %mul3A_3579 = arith.mulf %get3A_3577, %get3A_3577 : vector<16xf32>
      %add3A_3580 = arith.addf %add3A_3572, %mul3A_3579 : vector<16xf32>
      %add3A_3581 = arith.constant 10 : i32
      %add3A_3582 = arith.addi %mul3A_3504, %add3A_3581 : i32
      %get3A_3583 = arith.index_cast %add3A_3582 : i32 to index
      %get3A_3584 = arith.constant 0 : index
      %get3A_3585 = tpu.vector_load %arg9[%get3A_3583, %get3A_3584] {strides = array<i32>} : memref<3328x16xf32, #tpu.memory_space<vmem>>, vector<16xf32>,
      %add3A_3586 = arith.addf %add3A_3578, %get3A_3585 : vector<16xf32>
      %mul3A_3587 = arith.mulf %get3A_3585, %get3A_3585 : vector<16xf32>
      %add3A_3588 = arith.addf %add3A_3580, %mul3A_3587 : vector<16xf32>
      %add3A_3589 = arith.constant 11 : i32
      %add3A_3590 = arith.addi %mul3A_3504, %add3A_3589 : i32
      %get3A_3591 = arith.index_cast %add3A_3590 : i32 to index
      %get3A_3592 = arith.constant 0 : index
      %get3A_3593 = tpu.vector_load %arg9[%get3A_3591, %get3A_3592] {strides = array<i32>} : memref<3328x16xf32, #tpu.memory_space<vmem>>, vector<16xf32>,
      %add3A_3594 = arith.addf %add3A_3586, %get3A_3593 : vector<16xf32>
      %mul3A_3595 = arith.mulf %get3A_3593, %get3A_3593 : vector<16xf32>
      %add3A_3596 = arith.addf %add3A_3588, %mul3A_3595 : vector<16xf32>
      %add3A_3597 = arith.constant 12 : i32
      %add3A_3598 = arith.addi %mul3A_3504, %add3A_3597 : i32
      %get3A_3599 = arith.index_cast %add3A_3598 : i32 to index
      %get3A_3600 = arith.constant 0 : index
      %get3A_3601 = tpu.vector_load %arg9[%get3A_3599, %get3A_3600] {strides = array<i32>} : memref<3328x16xf32, #tpu.memory_space<vmem>>, vector<16xf32>,
      %add3A_3602 = arith.addf %add3A_3594, %get3A_3601 : vector<16xf32>
      %mul3A_3603 = arith.mulf %get3A_3601, %get3A_3601 : vector<16xf32>
      %add3A_3604 = arith.addf %add3A_3596, %mul3A_3603 : vector<16xf32>
      %add3A_3605 = arith.constant 13 : i32
      %add3A_3606 = arith.addi %mul3A_3504, %add3A_3605 : i32
      %get3A_3607 = arith.index_cast %add3A_3606 : i32 to index
      %get3A_3608 = arith.constant 0 : index
      %get3A_3609 = tpu.vector_load %arg9[%get3A_3607, %get3A_3608] {strides = array<i32>} : memref<3328x16xf32, #tpu.memory_space<vmem>>, vector<16xf32>,
      %add3A_3610 = arith.addf %add3A_3602, %get3A_3609 : vector<16xf32>
      %mul3A_3611 = arith.mulf %get3A_3609, %get3A_3609 : vector<16xf32>
      %add3A_3612 = arith.addf %add3A_3604, %mul3A_3611 : vector<16xf32>
      %add3A_3613 = arith.constant 14 : i32
      %add3A_3614 = arith.addi %mul3A_3504, %add3A_3613 : i32
      %get3A_3615 = arith.index_cast %add3A_3614 : i32 to index
      %get3A_3616 = arith.constant 0 : index
      %get3A_3617 = tpu.vector_load %arg9[%get3A_3615, %get3A_3616] {strides = array<i32>} : memref<3328x16xf32, #tpu.memory_space<vmem>>, vector<16xf32>,
      %add3A_3618 = arith.addf %add3A_3610, %get3A_3617 : vector<16xf32>
      %mul3A_3619 = arith.mulf %get3A_3617, %get3A_3617 : vector<16xf32>
      %add3A_3620 = arith.addf %add3A_3612, %mul3A_3619 : vector<16xf32>
      %add3A_3621 = arith.constant 15 : i32
      %add3A_3622 = arith.addi %mul3A_3504, %add3A_3621 : i32
      %get3A_3623 = arith.index_cast %add3A_3622 : i32 to index
      %get3A_3624 = arith.constant 0 : index
      %get3A_3625 = tpu.vector_load %arg9[%get3A_3623, %get3A_3624] {strides = array<i32>} : memref<3328x16xf32, #tpu.memory_space<vmem>>, vector<16xf32>,
      %add3A_3626 = arith.addf %add3A_3618, %get3A_3625 : vector<16xf32>
      %mul3A_3627 = arith.mulf %get3A_3625, %get3A_3625 : vector<16xf32>
      %add3A_3628 = arith.addf %add3A_3620, %mul3A_3627 : vector<16xf32>
      %add3A_3629 = arith.constant 16 : i32
      %add3A_3630 = arith.addi %mul3A_3504, %add3A_3629 : i32
      %get3A_3631 = arith.index_cast %add3A_3630 : i32 to index
      %get3A_3632 = arith.constant 0 : index
      %get3A_3633 = tpu.vector_load %arg9[%get3A_3631, %get3A_3632] {strides = array<i32>} : memref<3328x16xf32, #tpu.memory_space<vmem>>, vector<16xf32>,
      %add3A_3634 = arith.addf %add3A_3626, %get3A_3633 : vector<16xf32>
      %mul3A_3635 = arith.mulf %get3A_3633, %get3A_3633 : vector<16xf32>
      %add3A_3636 = arith.addf %add3A_3628, %mul3A_3635 : vector<16xf32>
      %add3A_3637 = arith.constant 17 : i32
      %add3A_3638 = arith.addi %mul3A_3504, %add3A_3637 : i32
      %get3A_3639 = arith.index_cast %add3A_3638 : i32 to index
      %get3A_3640 = arith.constant 0 : index
      %get3A_3641 = tpu.vector_load %arg9[%get3A_3639, %get3A_3640] {strides = array<i32>} : memref<3328x16xf32, #tpu.memory_space<vmem>>, vector<16xf32>,
      %add3A_3642 = arith.addf %add3A_3634, %get3A_3641 : vector<16xf32>
      %mul3A_3643 = arith.mulf %get3A_3641, %get3A_3641 : vector<16xf32>
      %add3A_3644 = arith.addf %add3A_3636, %mul3A_3643 : vector<16xf32>
      %add3A_3645 = arith.constant 18 : i32
      %add3A_3646 = arith.addi %mul3A_3504, %add3A_3645 : i32
      %get3A_3647 = arith.index_cast %add3A_3646 : i32 to index
      %get3A_3648 = arith.constant 0 : index
      %get3A_3649 = tpu.vector_load %arg9[%get3A_3647, %get3A_3648] {strides = array<i32>} : memref<3328x16xf32, #tpu.memory_space<vmem>>, vector<16xf32>,
      %add3A_3650 = arith.addf %add3A_3642, %get3A_3649 : vector<16xf32>
      %mul3A_3651 = arith.mulf %get3A_3649, %get3A_3649 : vector<16xf32>
      %add3A_3652 = arith.addf %add3A_3644, %mul3A_3651 : vector<16xf32>
      %add3A_3653 = arith.constant 19 : i32
      %add3A_3654 = arith.addi %mul3A_3504, %add3A_3653 : i32
      %get3A_3655 = arith.index_cast %add3A_3654 : i32 to index
      %get3A_3656 = arith.constant 0 : index
      %get3A_3657 = tpu.vector_load %arg9[%get3A_3655, %get3A_3656] {strides = array<i32>} : memref<3328x16xf32, #tpu.memory_space<vmem>>, vector<16xf32>,
      %add3A_3658 = arith.addf %add3A_3650, %get3A_3657 : vector<16xf32>
      %mul3A_3659 = arith.mulf %get3A_3657, %get3A_3657 : vector<16xf32>
      %add3A_3660 = arith.addf %add3A_3652, %mul3A_3659 : vector<16xf32>
      %add3A_3661 = arith.constant 20 : i32
      %add3A_3662 = arith.addi %mul3A_3504, %add3A_3661 : i32
      %get3A_3663 = arith.index_cast %add3A_3662 : i32 to index
      %get3A_3664 = arith.constant 0 : index
      %get3A_3665 = tpu.vector_load %arg9[%get3A_3663, %get3A_3664] {strides = array<i32>} : memref<3328x16xf32, #tpu.memory_space<vmem>>, vector<16xf32>,
      %add3A_3666 = arith.addf %add3A_3658, %get3A_3665 : vector<16xf32>
      %mul3A_3667 = arith.mulf %get3A_3665, %get3A_3665 : vector<16xf32>
      %add3A_3668 = arith.addf %add3A_3660, %mul3A_3667 : vector<16xf32>
      %add3A_3669 = arith.constant 21 : i32
      %add3A_3670 = arith.addi %mul3A_3504, %add3A_3669 : i32
      %get3A_3671 = arith.index_cast %add3A_3670 : i32 to index
      %get3A_3672 = arith.constant 0 : index
      %get3A_3673 = tpu.vector_load %arg9[%get3A_3671, %get3A_3672] {strides = array<i32>} : memref<3328x16xf32, #tpu.memory_space<vmem>>, vector<16xf32>,
      %add3A_3674 = arith.addf %add3A_3666, %get3A_3673 : vector<16xf32>
      %mul3A_3675 = arith.mulf %get3A_3673, %get3A_3673 : vector<16xf32>
      %add3A_3676 = arith.addf %add3A_3668, %mul3A_3675 : vector<16xf32>
      %add3A_3677 = arith.constant 22 : i32
      %add3A_3678 = arith.addi %mul3A_3504, %add3A_3677 : i32
      %get3A_3679 = arith.index_cast %add3A_3678 : i32 to index
      %get3A_3680 = arith.constant 0 : index
      %get3A_3681 = tpu.vector_load %arg9[%get3A_3679, %get3A_3680] {strides = array<i32>} : memref<3328x16xf32, #tpu.memory_space<vmem>>, vector<16xf32>,
      %add3A_3682 = arith.addf %add3A_3674, %get3A_3681 : vector<16xf32>
      %mul3A_3683 = arith.mulf %get3A_3681, %get3A_3681 : vector<16xf32>
      %add3A_3684 = arith.addf %add3A_3676, %mul3A_3683 : vector<16xf32>
      %add3A_3685 = arith.constant 23 : i32
      %add3A_3686 = arith.addi %mul3A_3504, %add3A_3685 : i32
      %get3A_3687 = arith.index_cast %add3A_3686 : i32 to index
      %get3A_3688 = arith.constant 0 : index
      %get3A_3689 = tpu.vector_load %arg9[%get3A_3687, %get3A_3688] {strides = array<i32>} : memref<3328x16xf32, #tpu.memory_space<vmem>>, vector<16xf32>,
      %add3A_3690 = arith.addf %add3A_3682, %get3A_3689 : vector<16xf32>
      %mul3A_3691 = arith.mulf %get3A_3689, %get3A_3689 : vector<16xf32>
      %add3A_3692 = arith.addf %add3A_3684, %mul3A_3691 : vector<16xf32>
      %add3A_3693 = arith.constant 24 : i32
      %add3A_3694 = arith.addi %mul3A_3504, %add3A_3693 : i32
      %get3A_3695 = arith.index_cast %add3A_3694 : i32 to index
      %get3A_3696 = arith.constant 0 : index
      %get3A_3697 = tpu.vector_load %arg9[%get3A_3695, %get3A_3696] {strides = array<i32>} : memref<3328x16xf32, #tpu.memory_space<vmem>>, vector<16xf32>,
      %add3A_3698 = arith.addf %add3A_3690, %get3A_3697 : vector<16xf32>
      %mul3A_3699 = arith.mulf %get3A_3697, %get3A_3697 : vector<16xf32>
      %add3A_3700 = arith.addf %add3A_3692, %mul3A_3699 : vector<16xf32>
      %add3A_3701 = arith.constant 25 : i32
      %add3A_3702 = arith.addi %mul3A_3504, %add3A_3701 : i32
      %get3A_3703 = arith.index_cast %add3A_3702 : i32 to index
      %get3A_3704 = arith.constant 0 : index
      %get3A_3705 = tpu.vector_load %arg9[%get3A_3703, %get3A_3704] {strides = array<i32>} : memref<3328x16xf32, #tpu.memory_space<vmem>>, vector<16xf32>,
      %add3A_3706 = arith.addf %add3A_3698, %get3A_3705 : vector<16xf32>
      %mul3A_3707 = arith.mulf %get3A_3705, %get3A_3705 : vector<16xf32>
      %add3A_3708 = arith.addf %add3A_3700, %mul3A_3707 : vector<16xf32>
      %mul3A_3709 = arith.mulf %add3A_3706, %add3A_3706 : vector<16xf32>
      %sub3A_3710 = arith.subf %mul3A_3709, %add3A_3708 : vector<16xf32>
      %get3A_3711 = arith.index_cast %mul3A_3504 : i32 to index
      %get3A_3712 = tpu.vector_load %arg10[%get3A_3711] {strides = array<i32>} : memref<3344xf32, #tpu.memory_space<vmem>>, vector<16xf32>,
      %add3A_3713 = arith.constant 16 : i32
      %add3A_3714 = arith.addi %mul3A_3504, %add3A_3713 : i32
      %get3A_3715 = arith.index_cast %add3A_3714 : i32 to index
      %get3A_3716 = tpu.vector_load %arg10[%get3A_3715] {strides = array<i32>} : memref<3344xf32, #tpu.memory_space<vmem>>, vector<16xf32>,
      %mul3A_3717 = arith.constant 5.000000e-01 : f32
      %mul3A_3718 = vector.broadcast %mul3A_3717 : f32 to vector<16xf32>
      %mul3A_3719 = arith.mulf %mul3A_3718, %sub3A_3710 : vector<16xf32>
      %add3A_3720 = arith.addf %mul3A_3719, %get3A_3712 : vector<16xf32>
      %mul3A_3721 = arith.mulf %get3A_3716, %select_n3A : vector<16xf32>
      %add3A_3722 = arith.addf %add3A_3720, %mul3A_3721 : vector<16xf32>
      %eq3A_3723 = arith.constant 15 : i32
      %eq3A_3724 = vector.broadcast %eq3A_3723 : i32 to vector<16xi32>
      %eq3A_3725 = arith.cmpi eq, %iota3A, %eq3A_3724 : vector<16xi32>
      %reduce_sum3A_3726 = arith.constant true
      %reduce_sum3A_3727 = vector.broadcast %reduce_sum3A_3726 : i1 to vector<16xi1>
      %reduce_sum3A_3728 = tpu.scan <sum>, %add3A_3722 masked %reduce_sum3A_3727 : vector<16xf32>, vector<16xi1> -> vector<16xf32>
      %reduce_sum3A_3729 = vector.extract %reduce_sum3A_3728[15] : f32 from vector<16xf32>
      %broadcast_in_dim3A_3730 = vector.broadcast %reduce_sum3A_3729 : f32 to vector<16xf32>
      %select_n3A_3731 = arith.select %eq3A_3725, %broadcast_in_dim3A_3730, %select_n3A_3500 : vector<16xi1>, vector<16xf32>
      %add3A_3732 = arith.addf %select_n3A_3731, %get3A_27 : vector<16xf32>
      %neg3A = arith.constant 0.000000e+00 : f32
      %neg3A_3733 = vector.broadcast %neg3A : f32 to vector<16xf32>
      %neg3A_3734 = arith.subf %neg3A_3733, %add3A_3732 : vector<16xf32>
      %exp3A = math.exp %neg3A_3734 : vector<16xf32>
      %add3A_3735 = arith.constant 1.000000e+00 : f32
      %add3A_3736 = vector.broadcast %add3A_3735 : f32 to vector<16xf32>
      %add3A_3737 = arith.addf %add3A_3736, %exp3A : vector<16xf32>
      %div3A = arith.constant 1.000000e+00 : f32
      %div3A_3738 = vector.broadcast %div3A : f32 to vector<16xf32>
      %div3A_3739 = arith.divf %div3A_3738, %add3A_3737 : vector<16xf32>
      %swap3A = arith.index_cast %mul3A_38 : i32 to index
      %swap3A_3740 = tpu.vector_load %arg11[%swap3A] {strides = array<i32>} : memref<128xf32, #tpu.memory_space<vmem>>, vector<16xf32>,
      tpu.vector_store %arg11[%swap3A], %div3A_3739 {strides = array<i32>} : memref<128xf32, #tpu.memory_space<vmem>>, vector<16xf32>,
    }
    %scan3A_35 = arith.constant 8 : i32
    "tpu.region"() ({
      %run_scoped3A = tpu.sem_alloc : memref<!tpu.dma_semaphore, #tpu.memory_space<semaphore_mem>>
      %dma_start3A = tpu.memref_slice %arg6[%mul3A_2] : memref<4096xf32, #tpu.memory_space<hbm>> -> memref<128xf32, #tpu.memory_space<hbm>>
      %dma_start3A_36 = tpu.memref_slice %arg6[%mul3A_2] : memref<4096xf32, #tpu.memory_space<hbm>> -> memref<128xf32, #tpu.memory_space<hbm>>
      tpu.enqueue_dma source(%arg11 : memref<128xf32, #tpu.memory_space<vmem>>) target(%dma_start3A_36 : memref<128xf32, #tpu.memory_space<hbm>>) target_semaphore(%run_scoped3A : memref<!tpu.dma_semaphore, #tpu.memory_space<semaphore_mem>>)
      %dma_wait3A_37 = tpu.memref_slice %arg6[%mul3A_2] : memref<4096xf32, #tpu.memory_space<hbm>> -> memref<128xf32, #tpu.memory_space<hbm>>
      %dma_wait3A_38 = tpu.memref_slice %arg6[%mul3A_2] : memref<4096xf32, #tpu.memory_space<hbm>> -> memref<128xf32, #tpu.memory_space<hbm>>
      tpu.wait_dma2 semaphore(%run_scoped3A : memref<!tpu.dma_semaphore, #tpu.memory_space<semaphore_mem>>) src(%arg11 : memref<128xf32, #tpu.memory_space<vmem>>) dst(%dma_wait3A_38 : memref<128xf32, #tpu.memory_space<hbm>>)
      tpu.yield
    }) : () -> ()
    return
  }
}

</mosaic_0001>

<sc_bundles>
// kernel: kernel.3.cloned.1.call-start
scs
__scs_entry_jumppad:
0x0: {  	(pc) =	sbr.rel $0x88, $3  }
0x1: {  	(tag) =	ssettag $0x0;
	lr =	simm.s32 $0x1  }
0x2: {  	[smem:$0x3F9D] =	sst lr;
	_ =	strace $0xD0000000  }
0x3: {  	_ = 	snop  }
0x4: {  	_ = 	snop  }
0x5: {  	_ = 	snop  }
0x6: {  	_ = 	snop  }
0x7: {  	_ = 	snop  }
__scs_overlays_trampoline_lowered:
0x8: {  	[smem:$0x3FAC] =	sst s0  }
0x9: {  	[smem:$0x3FAD] =	sst s1  }
0xa: {  	[smem:$0x3FAE] =	sst s2  }
0xb: {  	[smem:$0x3FAF] =	sst s3  }
0xc: {  	[smem:$0x3FB0] =	sst s4  }
0xd: {  	[smem:$0x3FB1] =	sst s5  }
0xe: {  	[smem:$0x3FB2] =	sst s6  }
0xf: {  	[smem:$0x3FB3] =	sst s7  }
0x10: {  	[smem:$0x3FB4] =	sst s8  }
0x11: {  	[smem:$0x3FB5] =	sst s9;
	s0 =	simm.s32 @!p0 $0x0  }
0x12: {  	s1 =	sld [smem:$0x3F9B];
	s0 =	simm.s32 @p0 $0x1  }
0x13: {  	[smem:$0x3FB6] =	sst s0;
	s0 =	simm.s32 @!p1 $0x0  }
0x14: {  	s2 =	sld [smem:$0x3F9A];
	s0 =	simm.s32 @p1 $0x1  }
0x15: {  	[smem:$0x3FB7] =	sst s0;
	s0 =	simm.s32 @!p2 $0x0  }
0x16: {  	s3 =	sld [smem:$0x3FDB];
	s0 =	simm.s32 @p2 $0x1  }
0x17: {  	s4 =	simm.s32 $0x1BF5;
	[smem:$0x3FB9] =	sst s0  }
0x18: {  	s0 =	sld [smem:$0x3F9C];
	_ =	swait.ge [sflag:s4], $0x0  }
0x19: {  	s7 =	sld [smem:$0x3F9D]  }
0x1a: {  	s8 =	sadd.s32 $0xFFFFE003, lr  }
0x1b: {  	s9 =	sadd.s32 $0xFFFFFEF7, lr;
	s5 =	simm.s32 $0xFFFFFFFF;
	p2 =	slt.u32 s8, $0xFFFFF086  }
0x1c: {  	p1 =	slt.u32 s9, $0xF7A;
	s5 =	simm.s32 @!p2 $0x0  }
0x1d: {  	s5 =	simm.s32 @p1 $0x1;
	p0 =	seq.s32 s7, s2  }
0x1e: {  	s7 =	smul.u32 @!p0 $0xF7A, s2;
	p2 =	seq.s32 @!p0 s5, $0x0  }
0x1f: {  	s9 =	smul.u32 $0xF7A, s1;
	s8 =	simm.s32 @!p0 $0x1BF5;
	p2 =	por !p2, p0  }
0x20: {  	[sflag:s8] =	ssyncset.s32 @!p0 $0xFFFFF086;
	s6 =	sadd.s32 @!p0 s3, s7;
	s7 =	simm.s32 @!p0 $0x108  }
0x21: {  	s3 =	sadd.s32 s3, s9;
	s6 =	sadd.s32 @!p0 $0x88, s6;
	s7 =	simm.s32 @p2 $0x1082  }
0x22: {  	[simem:s7], [sflag:s8] =	dma.local @!p0 [hbm:s6], $0xF7A  }
0x23: {  	s9 =	sor.u32 $0xD0000000, s2;
	s6 =	simm.s32 $0x108;
	_ =	swait.ge @!p0 [sflag:s8], $0x0  }
0x24: {  	s3 =	sadd.s32 $0x88, s3;
	s6 =	simm.s32 @!p1 $0x1082;
	[sflag:s4] =	ssyncset.s32 $0xFFFFF086  }
0x25: {  	[simem:s6], [sflag:s4] =	dma.local [hbm:s3], $0xF7A  }
0x26: {  	[smem:$0x3F9D] =	sst s1;
	(tag) =	ssettag s2;
	_ =	strace s9  }
0x27: {  	s1 =	sld [smem:$0x3FAD]  }
0x28: {  	s2 =	sld [smem:$0x3FAE]  }
0x29: {  	s4 =	sld [smem:$0x3FB0]  }
0x2a: {  	p0 =	seq.s32 s5, $0x0;
	s5 =	sld [smem:$0x3FB1]  }
0x2b: {  	s6 =	sld [smem:$0x3FB2]  }
0x2c: {  	s7 =	sld [smem:$0x3FB3]  }
0x2d: {  	s3 =	simm.s32 $0x108;
	s8 =	sld [smem:$0x3FB4]  }
0x2e: {  	s3 =	simm.s32 @!p0 $0x1082;
	s9 =	sld [smem:$0x3FB5]  }
0x2f: {  	lr =	sadd.s32 s0, s3;
	s0 =	sld [smem:$0x3FAC]  }
0x30: {  	s3 =	sld [smem:$0x3FAF]  }
0x31: {  	[smem:$0x3FB8] =	sst s10  }
0x32: {  	s10 =	sld [smem:$0x3FB6];
	_ =	sdelay $0x3  }
0x33: {  	p0 =	seq.s32 s10, $0x1;
	s10 =	sld [smem:$0x3FB8];
	_ =	sdelay $0x3  }
0x34: {  	[smem:$0x3FB8] =	sst s10  }
0x35: {  	s10 =	sld [smem:$0x3FB7];
	_ =	sdelay $0x3  }
0x36: {  	p1 =	seq.s32 s10, $0x1;
	s10 =	sld [smem:$0x3FB8];
	_ =	sdelay $0x3  }
0x37: {  	[smem:$0x3FB8] =	sst s10  }
0x38: {  	s10 =	sld [smem:$0x3FB9]  }
0x39: {  	_ = 	snop;
	(pc) =	sbr.ind lr, $3  }
0x3a: {  	_ = 	snop  }
0x3b: {  	_ = 	snop  }
0x3c: {  	p2 =	seq.s32 s10, $0x1;
	s10 =	sld [smem:$0x3FB8]  }
0x3d: {  	_ =	shalt  }
0x3e: {  	_ =	shalt  }
0x3f: {  	_ =	shalt  }
0x40: {  	_ =	shalt  }
0x41: {  	_ =	shalt  }
0x42: {  	_ =	shalt  }
0x43: {  	_ =	shalt  }
0x44: {  	_ =	shalt  }
0x45: {  	_ =	shalt  }
0x46: {  	_ =	shalt  }
0x47: {  	_ =	shalt  }
0x48: {  	_ =	shalt  }
0x49: {  	_ =	shalt  }
0x4a: {  	_ =	shalt  }
0x4b: {  	_ =	shalt  }
0x4c: {  	_ =	shalt  }
0x4d: {  	_ =	shalt  }
0x4e: {  	_ =	shalt  }
0x4f: {  	_ =	shalt  }
0x50: {  	_ =	shalt  }
0x51: {  	_ =	shalt  }
0x52: {  	_ =	shalt  }
0x53: {  	_ =	shalt  }
0x54: {  	_ =	shalt  }
0x55: {  	_ =	shalt  }
0x56: {  	_ =	shalt  }
0x57: {  	_ =	shalt  }
0x58: {  	_ =	shalt  }
0x59: {  	_ =	shalt  }
0x5a: {  	_ =	shalt  }
0x5b: {  	_ =	shalt  }
0x5c: {  	_ =	shalt  }
0x5d: {  	_ =	shalt  }
0x5e: {  	_ =	shalt  }
0x5f: {  	_ =	shalt  }
0x60: {  	_ =	shalt  }
0x61: {  	_ =	shalt  }
0x62: {  	_ =	shalt  }
0x63: {  	_ =	shalt  }
0x64: {  	_ =	shalt  }
0x65: {  	_ =	shalt  }
0x66: {  	_ =	shalt  }
0x67: {  	_ =	shalt  }
0x68: {  	_ =	shalt  }
0x69: {  	_ =	shalt  }
0x6a: {  	_ =	shalt  }
0x6b: {  	_ =	shalt  }
0x6c: {  	_ =	shalt  }
0x6d: {  	_ =	shalt  }
0x6e: {  	_ =	shalt  }
0x6f: {  	_ =	shalt  }
0x70: {  	_ =	shalt  }
0x71: {  	_ =	shalt  }
0x72: {  	_ =	shalt  }
0x73: {  	_ =	shalt  }
0x74: {  	_ =	shalt  }
0x75: {  	_ =	shalt  }
0x76: {  	_ =	shalt  }
0x77: {  	_ =	shalt  }
0x78: {  	_ =	shalt  }
0x79: {  	_ =	shalt  }
0x7a: {  	_ =	shalt  }
0x7b: {  	_ =	shalt  }
0x7c: {  	_ =	shalt  }
0x7d: {  	_ =	shalt  }
0x7e: {  	_ =	shalt  }
0x7f: {  	_ =	shalt  }
0x80: {  	_ =	shalt  }
0x81: {  	_ =	shalt  }
0x82: {  	_ =	shalt  }
0x83: {  	_ =	shalt  }
0x84: {  	_ =	shalt  }
0x85: {  	_ =	shalt  }
0x86: {  	_ =	shalt  }
0x87: {  	_ =	shalt  }
.Lfunc_end0:
.L_simem_size_0:
called_computation_lowered:
.L_overlay_start_0:
0x88: {  	s2 =	sld [smem:$0x3FD9]  }
0x89: {  	s3 =	sld [smem:$0x3FFE];
	_ =	sdelay $0x1  }
0x8a: {  	s1 =	srdreg.scid  }
0x8b: {  	s0 =	sand.u32 $0x1, s1  }
0x8c: {  	s17 =	sshll.u32 s0, $0xA;
	s2 =	sadd.s32 s3, s2  }
0x8d: {  	s2 =	sadd.s32 s2, s17  }
0x8e: {  	[smem:$0x3FC4] =	sst s2  }
0x8f: {  	_ = 	snop  }
0x90: {  	s2 =	sld [smem:$0x3FC8]  }
0x91: {  	s18 =	sld [smem:$0x3FD0];
	(tm) =	ssettm $0x1  }
0x92: {  	s4 =	sld [smem:$0x3FFB];
	_ =	sdelay $0x3  }
0x93: {  	_ =	strace s4  }
0x94: {  	s4 =	sld [smem:$0x3FFC];
	_ =	sdelay $0x3  }
0x95: {  	_ =	strace s4  }
0x96: {  	s4 =	sld [smem:$0x3FFD];
	_ =	sdelay $0x3  }
0x97: {  	_ =	strace s4  }
0x98: {  	_ =	strace $0x8FFFFFFF  }
0x99: {  	s19 =	sld [smem:$0x3FDB];
	_ =	sdelay $0x1  }
0x9a: {  	s5 =	simm.s32 $_scs_section_size  }
0x9b: {  	s6 =	simm.s32 $_size__tile_overlayer_lowered;
	s7 =	simm.s32 $_tile_overlayer_lowered  }
0x9c: {  	s22 =	simm.s32 $0x1BFF;
	s21 =	sshll.u32 s7, $0x1;
	s4 =	sadd.s32 s5, s19  }
0x9d: {  	s8 =	simm.s32 $0x0;
	s20 =	sshll.u32 s6, $0x1;
	s6 =	sadd.s32 s21, s4  }
0x9e: {  	[timem:s8], [sflag:s22] =	dma.local [hbm:s6], s20  }
0x9f: {  	_ =	swait.ge [sflag:s22], s20  }
0xa0: {  	s5 =	ssub.s32 $0x0, s20;
	[sflag:s22] =	ssyncset.done $0x0  }
0xa1: {  	[sflag:s22] =	ssyncadd.s32 s5;
	_ =	sdelay $0x1  }
0xa2: {  	s23 =	simm.s32 $0x1B8B  }
0xa3: {  	_ =	swait.ge [sflag:s23], $0x1  }
0xa4: {  	[sflag:s23] =	ssyncset.done $0x0  }
0xa5: {  	s25 =	simm.s32 $0x1B8E;
	s24 =	sld [smem:$0x3FFE];
	[sflag:s23] =	ssyncadd.s32 $0xFFFFFFFF  }
0xa6: {  	s26 =	simm.s32 $execute0_lowered;
	[smem:$0x3FD2] =	sst s25  }
0xa7: {  	s6 =	sshll.u32 s26, $0x1;
	_ =	strace $0x80000046;
	[dreg:$0x1] =	wrdreg $0xFFFFFFFF  }
0xa8: {  	s28 =	simm.s32 $_size_execute0_lowered;
	s4 =	sadd.s32 s4, s6;
	[dreg:$0x0] =	wrdreg $0x0  }
0xa9: {  	s6 =	sshll.u32 s28, $0x1;
	[dreg:$0x2] =	wrdreg s4  }
0xaa: {  	[dreg:$0x3] =	wrdreg s6  }
0xab: {  	[dreg:$0x4] =	wrdreg $0xC0  }
0xac: {  	_ =	task [dreg:s8], $0x5FFFF  }
0xad: {  	[dreg:$0x1] =	wrdreg $0xFFFFFFFF  }
0xae: {  	[dreg:$0x0] =	wrdreg $0x60  }
0xaf: {  	[dreg:$0x2] =	wrdreg s24  }
0xb0: {  	[dreg:$0x3] =	wrdreg s2  }
0xb1: {  	[dreg:$0x4] =	wrdreg s18  }
0xb2: {  	[dreg:$0x5] =	wrdreg $0x9  }
0xb3: {  	_ =	task.clear_ibuf [dreg:s8], $0x6FFFF;
	_ =	strace $0x90000046  }
0xb4: {  	s29 =	simm.s32 $0x9;
	_ =	strace $0x80000048  }
0xb5: {  	_ =	swait.ge [sflag:s29], $0x1  }
0xb6: {  	[sflag:s29] =	ssyncadd.s32 $0xFFFFFFFF  }
0xb7: {  	_ =	strace $0x90000048  }
0xb8: {  	_ =	sfence  }
0xb9: {  	s30 =	sld [smem:$0x0];
	_ =	sdelay $0x2  }
0xba: {  	s31 =	sshll.u32 s1, $0xD;
	s1 =	sshrl.u32 s1, $0x2  }
0xbb: {  	s3 =	sand.u32 $0x4000, s31;
	s1 =	sadd.s32 s1, s30  }
0xbc: {  	s0 =	sor.u32 s3, s0;
	s1 =	sshll.u32 s1, $0x11  }
0xbd: {  	s0 =	sor.u32 s1, s0  }
0xbe: {  	s0 =	sadd.s32 $0x8F2B, s0  }
0xbf: {  	[sflag:s0] =	ssyncadd.remote.s32 $0x1  }
0xc0: {  	_ =	sfence.sel $0xFFFF  }
0xc1: {  	[dreg:$0x0] =	wrdreg $0xFFFFFFFF;
	(pc) =	sbr.abs _section_cstart, $3  }
0xc2: {  	[dreg:$0x1] =	wrdreg $0xFFFFFFFF  }
0xc3: {  	_ =	task.clear_ibuf [dreg:s8], $0x2FFFF;
	_ =	strace $0x9FFFFFFF  }
0xc4: {  	(tm) =	ssettm $0x7FFFFFFF  }
0xc5: {  	_ =	shalt  }
tec
execute0_lowered:
.L_overlay_start_1:
0x0: {  	(tag) =	ssettag $0x1  }
0x1: {  	s5 =	rddreg [dreg:$0x0]  }
0x2: {  	s1 =	srdreg.scid;
	s2 =	rddreg [dreg:$0x1]  }
0x3: {  	s0 =	stileid.u32;
	s7 =	rddreg [dreg:$0x2];
	s3 =	simm.s32 $0x0  }
0x4: {  	s11 =	simm.s32 $0x80;
	s12 =	simm.s32 $0x1;
	s13 =	simm.s32 $0x2  }
0x5: {  	vm0 =	vcmask $0x2700;
	s14 =	simm.s32 $0xF710;
	s4 =	sand.u32 $0x1, s1;
	s1 =	rddreg [dreg:$0x3]  }
0x6: {  	v1 =	vimm.f32 $0.0e+00;
	v0 =	vlaneseq.u32;
	vm1 =	vmmov $0x3;
	s15 =	simm.s32 $0x0;
	s31 =	sshll.u32 s0, $0x1;
	[smem:$0x7FF] =	sst s3  }
0x7: {  	vm2 =	vmmov $0x7;
	vm3 =	vmmov $0xf;
	vm4 =	vmmov $0x1f;
	s8 =	sor.u32 s4, s31;
	_ =	strace $0x80000047;
	s9 =	ssub.s32 $0x2, s4  }
0x8: {  	vm5 =	vmmov $0x3f;
	vm6 =	vmmov $0x7f;
	vm7 =	vmmov $0xff;
	s6 =	smul.u32 $0x1A0, s8;
	s10 =	sshrl.u32 s9, $0x1;
	s8 =	sshll.u32 s8, $0x4  }
0x9: {  	vm8 =	vmmov $0x1ff;
	vm9 =	vmmov $0x3ff;
	vm10 =	vmmov $0x7ff;
	s4 =	sadd.s32 $0x27ACA00, s5;
	s9 =	ssub.s32 s9, s10;
	s7 =	sadd.s32 s7, s8  }
0xa: {  	vm11 =	vmmov $0xfff;
	vm12 =	vmmov $0x1fff;
	vm13 =	vmmov $0x3fff;
	s10 =	simm.s32 $0xF790;
	s6 =	sadd.s32 s6, s5;
	s5 =	sadd.s32 $0x3A00, s5  }
0xb: {  	vm14 =	vmmov $0x7fff;
	v1 =	vsel vm0, $0x3F800000, v1;
	vm0 =	vmmov $0x1;
	s8 =	smax.u32 s9, $0x1;
	s9 =	simm.s32 $0x3;
	s6 =	sadd.s32 $0x600, s6  }
.LBB2_1:
0xc: {  	[tilespmem:s3], [sflag:$0x3] =	stream.linear.gather [hbm4b:s6+s3], $0xD00, $0x38;
	[tilespmem:$0xF7A0] =	vst v63  }
0xd: {  	_ =	swait.ge [sflag:s9], $0xD00  }
0xe: {  	[sflag:s9] =	ssyncset.done $0x0  }
0xf: {  	s16 =	simm.s32 $0x0;
	[sflag:s9] =	ssyncadd.s32 $0xFFFFF300  }
0x10: {  	v2 =	vor.u32 s16, v0;
	[tilespmem:s10], [sflag:$0x3] =	stream.linear.gather [hbm4b:s5+s3], $0x10, $0x38;
	[tilespmem:$0xF7A0] =	vst v63  }
0x11: {  	v3 =	vmulhi.u32 $0x4EC4EC4F, v2;
	_ =	swait.ge [sflag:s9], $0x10  }
0x12: {  	[sflag:s9] =	ssyncset.done $0x0  }
0x13: {  	s22 =	simm.s32 $0x40;
	v3 =	vshrl.u32 v3, $0x3;
	[sflag:s9] =	ssyncadd.s32 $0xFFFFFFF0  }
0x14: {  	v3 =	vmul.u32 $0x1A, v3;
	v4 =	vld [tilespmem:s22+$0xFFFFFFC0];
	_ =	sdelay $0x1  }
0x15: {  	s17 =	simm.s32 $0x10;
	v2 =	vsub.s32 v2, v3  }
0x16: {  	v3 =	vor.u32 s17, v0;
	v2 =	vmul.u32 $0x186A0, v2  }
0x17: {  	v5 =	vmulhi.u32 $0x4EC4EC4F, v3  }
0x18: {  	s20 =	simm.s32 $0xD00;
	v2 =	vadd.s32 v2, v4  }
0x19: {  	[tilespmem:s20+$0x0] =	vst v2;
	v2 =	vshrl.u32 v5, $0x3  }
0x1a: {  	v2 =	vmul.u32 $0x1A, v2;
	v4 =	vld [tilespmem:s22+$0xFFFFFFD0];
	_ =	sdelay $0x1  }
0x1b: {  	s23 =	simm.s32 $0x20;
	v2 =	vsub.s32 v3, v2  }
0x1c: {  	v3 =	vor.u32 s23, v0;
	v2 =	vmul.u32 $0x186A0, v2  }
0x1d: {  	v5 =	vmulhi.u32 $0x4EC4EC4F, v3  }
0x1e: {  	v2 =	vadd.s32 v2, v4  }
0x1f: {  	[tilespmem:s20+$0x10] =	vst v2;
	v2 =	vshrl.u32 v5, $0x3  }
0x20: {  	v2 =	vmul.u32 $0x1A, v2;
	v4 =	vld [tilespmem:s22+$0xFFFFFFE0];
	_ =	sdelay $0x1  }
0x21: {  	s24 =	simm.s32 $0x30;
	v2 =	vsub.s32 v3, v2  }
0x22: {  	v3 =	vor.u32 s24, v0;
	v2 =	vmul.u32 $0x186A0, v2  }
0x23: {  	v5 =	vmulhi.u32 $0x4EC4EC4F, v3  }
0x24: {  	v2 =	vadd.s32 v2, v4  }
0x25: {  	[tilespmem:s20+$0x20] =	vst v2;
	v2 =	vshrl.u32 v5, $0x3  }
0x26: {  	v2 =	vmul.u32 $0x1A, v2;
	v4 =	vld [tilespmem:s22+$0xFFFFFFF0];
	_ =	sdelay $0x1  }
0x27: {  	s25 =	simm.s32 $0x40;
	v2 =	vsub.s32 v3, v2  }
0x28: {  	v3 =	vor.u32 s25, v0;
	v2 =	vmul.u32 $0x186A0, v2  }
0x29: {  	v5 =	vmulhi.u32 $0x4EC4EC4F, v3  }
0x2a: {  	v2 =	vadd.s32 v2, v4  }
0x2b: {  	[tilespmem:s20+$0x30] =	vst v2;
	v2 =	vshrl.u32 v5, $0x3  }
0x2c: {  	v2 =	vmul.u32 $0x1A, v2;
	v4 =	vld [tilespmem:s22+$0x0];
	_ =	sdelay $0x1  }
0x2d: {  	s26 =	simm.s32 $0x50;
	v2 =	vsub.s32 v3, v2  }
0x2e: {  	v3 =	vor.u32 s26, v0;
	v2 =	vmul.u32 $0x186A0, v2  }
0x2f: {  	v5 =	vmulhi.u32 $0x4EC4EC4F, v3  }
0x30: {  	v2 =	vadd.s32 v2, v4  }
0x31: {  	[tilespmem:s20+$0x40] =	vst v2;
	v2 =	vshrl.u32 v5, $0x3  }
0x32: {  	v2 =	vmul.u32 $0x1A, v2;
	v4 =	vld [tilespmem:s22+$0x10];
	_ =	sdelay $0x1  }
0x33: {  	s28 =	simm.s32 $0x60;
	v2 =	vsub.s32 v3, v2  }
0x34: {  	v3 =	vor.u32 s28, v0;
	v2 =	vmul.u32 $0x186A0, v2  }
0x35: {  	v5 =	vmulhi.u32 $0x4EC4EC4F, v3  }
0x36: {  	v2 =	vadd.s32 v2, v4  }
0x37: {  	[tilespmem:s20+$0x50] =	vst v2;
	v2 =	vshrl.u32 v5, $0x3  }
0x38: {  	v2 =	vmul.u32 $0x1A, v2;
	v4 =	vld [tilespmem:s22+$0x20];
	_ =	sdelay $0x1  }
0x39: {  	s29 =	simm.s32 $0x70;
	v2 =	vsub.s32 v3, v2  }
0x3a: {  	v3 =	vor.u32 s29, v0;
	v2 =	vmul.u32 $0x186A0, v2  }
0x3b: {  	v5 =	vmulhi.u32 $0x4EC4EC4F, v3  }
0x3c: {  	v2 =	vadd.s32 v2, v4  }
0x3d: {  	[tilespmem:s20+$0x60] =	vst v2;
	v2 =	vshrl.u32 v5, $0x3  }
0x3e: {  	v2 =	vmul.u32 $0x1A, v2;
	v4 =	vld [tilespmem:s22+$0x30];
	_ =	sdelay $0x1  }
0x3f: {  	v2 =	vsub.s32 v3, v2  }
0x40: {  	v2 =	vmul.u32 $0x186A0, v2;
	_ =	sdelay $0x1  }
0x41: {  	s30 =	simm.s32 $0x1A00;
	s31 =	simm.s32 $0x80;
	s21 =	simm.s32 $0xF0;
	v2 =	vadd.s32 v2, v4  }
0x42: {  	s19 =	simm.s32 $0xC0;
	s18 =	simm.s32 $0xEA80;
	s16 =	simm.s32 $0xD80;
	[tilespmem:s20+$0x70] =	vst v2;
	v2 =	vor.u32 s31, v0  }
0x43: {  	s17 =	simm.s32 $0x2200;
	s23 =	simm.s32 $0xEA00;
	s22 =	simm.s32 $0x170;
	v3 =	vmulhi.u32 $0x4EC4EC4F, v2  }
0x44: {  	[tilespmem:s30], [sflag:$0x1] =	stream.indirect.gather [hbm4b:s4+s11], $0x10, s20, s11, $0xb8;
	[tilespmem:$0xF7A0] =	vst v63  }
.LBB2_2:
0x45: {  	v3 =	vshrl.u32 v3, $0x3;
	[tilespmem:s23], [sflag:$0x2] =	stream.indirect.gather [hbm4b:s2+s11], $0x1, s20, s11, $0xb8;
	[tilespmem:$0xF7A0] =	vst v63  }
0x46: {  	p0 =	sne.s32 s22, $0xCF0;
	s24 =	smov.u32 s22;
	s22 =	sadd.s32 $0x80, s22;
	v3 =	vmul.u32 $0x1A, v3;
	v4 =	vld [tilespmem:s19+$0xFFFFFFC0]  }
0x47: {  	s20 =	smov.u32 s16;
	s23 =	smov.u32 s18  }
0x48: {  	s25 =	sadd.s32 $0xFFFFFFA0, s21;
	v2 =	vsub.s32 v2, v3  }
0x49: {  	v3 =	vor.u32 s25, v0;
	v2 =	vmul.u32 $0x186A0, v2  }
0x4a: {  	v5 =	vmulhi.u32 $0x4EC4EC4F, v3  }
0x4b: {  	v2 =	vadd.s32 v2, v4  }
0x4c: {  	[tilespmem:s16+$0x0] =	vst v2;
	v2 =	vshrl.u32 v5, $0x3  }
0x4d: {  	v2 =	vmul.u32 $0x1A, v2;
	v4 =	vld [tilespmem:s19+$0xFFFFFFD0];
	_ =	sdelay $0x1  }
0x4e: {  	s25 =	sadd.s32 $0xFFFFFFB0, s21;
	v2 =	vsub.s32 v3, v2  }
0x4f: {  	v3 =	vor.u32 s25, v0;
	v2 =	vmul.u32 $0x186A0, v2  }
0x50: {  	v5 =	vmulhi.u32 $0x4EC4EC4F, v3  }
0x51: {  	v2 =	vadd.s32 v2, v4  }
0x52: {  	[tilespmem:s16+$0x10] =	vst v2;
	v2 =	vshrl.u32 v5, $0x3  }
0x53: {  	v2 =	vmul.u32 $0x1A, v2;
	v4 =	vld [tilespmem:s19+$0xFFFFFFE0];
	_ =	sdelay $0x1  }
0x54: {  	s25 =	sadd.s32 $0xFFFFFFC0, s21;
	v2 =	vsub.s32 v3, v2  }
0x55: {  	v3 =	vor.u32 s25, v0;
	v2 =	vmul.u32 $0x186A0, v2  }
0x56: {  	v5 =	vmulhi.u32 $0x4EC4EC4F, v3  }
0x57: {  	v2 =	vadd.s32 v2, v4  }
0x58: {  	[tilespmem:s16+$0x20] =	vst v2;
	v2 =	vshrl.u32 v5, $0x3  }
0x59: {  	v2 =	vmul.u32 $0x1A, v2;
	v4 =	vld [tilespmem:s19+$0xFFFFFFF0];
	_ =	sdelay $0x1  }
0x5a: {  	s25 =	sadd.s32 $0xFFFFFFD0, s21;
	v2 =	vsub.s32 v3, v2  }
0x5b: {  	v3 =	vor.u32 s25, v0;
	v2 =	vmul.u32 $0x186A0, v2  }
0x5c: {  	v5 =	vmulhi.u32 $0x4EC4EC4F, v3  }
0x5d: {  	v2 =	vadd.s32 v2, v4  }
0x5e: {  	[tilespmem:s16+$0x30] =	vst v2;
	v2 =	vshrl.u32 v5, $0x3  }
0x5f: {  	v2 =	vmul.u32 $0x1A, v2;
	v4 =	vld [tilespmem:s19+$0x0];
	_ =	sdelay $0x1  }
0x60: {  	s25 =	sadd.s32 $0xFFFFFFE0, s21;
	v2 =	vsub.s32 v3, v2  }
0x61: {  	v3 =	vor.u32 s25, v0;
	v2 =	vmul.u32 $0x186A0, v2  }
0x62: {  	v5 =	vmulhi.u32 $0x4EC4EC4F, v3  }
0x63: {  	v2 =	vadd.s32 v2, v4  }
0x64: {  	[tilespmem:s16+$0x40] =	vst v2;
	v2 =	vshrl.u32 v5, $0x3  }
0x65: {  	v2 =	vmul.u32 $0x1A, v2;
	v4 =	vld [tilespmem:s19+$0x10];
	_ =	sdelay $0x1  }
0x66: {  	s25 =	sadd.s32 $0xFFFFFFF0, s21;
	v2 =	vsub.s32 v3, v2  }
0x67: {  	v3 =	vor.u32 s25, v0;
	v2 =	vmul.u32 $0x186A0, v2  }
0x68: {  	v5 =	vmulhi.u32 $0x4EC4EC4F, v3  }
0x69: {  	v2 =	vadd.s32 v2, v4  }
0x6a: {  	[tilespmem:s16+$0x50] =	vst v2;
	v2 =	vshrl.u32 v5, $0x3  }
0x6b: {  	v2 =	vmul.u32 $0x1A, v2;
	v4 =	vld [tilespmem:s19+$0x20];
	_ =	sdelay $0x1  }
0x6c: {  	v2 =	vsub.s32 v3, v2  }
0x6d: {  	v3 =	vor.u32 s21, v0;
	s21 =	smov.u32 s24;
	v2 =	vmul.u32 $0x186A0, v2  }
0x6e: {  	v5 =	vmulhi.u32 $0x4EC4EC4F, v3  }
0x6f: {  	v2 =	vadd.s32 v2, v4  }
0x70: {  	[tilespmem:s16+$0x60] =	vst v2;
	v2 =	vshrl.u32 v5, $0x3  }
0x71: {  	v2 =	vmul.u32 $0x1A, v2;
	v4 =	vld [tilespmem:s19+$0x30];
	_ =	sdelay $0x1  }
0x72: {  	v2 =	vsub.s32 v3, v2  }
0x73: {  	v2 =	vmul.u32 $0x186A0, v2  }
.Ltmp0:
0x74: {  	(pc) =	sbr.rel @p0 .LBB2_2-.Ltmp0, $4  }
0x75: {  	s24 =	sadd.s32 $0xFFFFFF90, s21;
	v3 =	vadd.s32 v2, v4  }
0x76: {  	s19 =	sadd.s32 $0x80, s19;
	v2 =	vor.u32 s24, v0;
	[tilespmem:s16+$0x70] =	vst v3  }
0x77: {  	v3 =	vmulhi.u32 $0x4EC4EC4F, v2;
	[tilespmem:s17], [sflag:$0x1] =	stream.indirect.gather [hbm4b:s4+s11], $0x10, s16, s11, $0xb8;
	[tilespmem:$0xF7A0] =	vst v63  }
0x78: {  	s18 =	sadd.s32 $0x80, s18;
	s17 =	sadd.s32 $0x800, s17;
	s16 =	sadd.s32 $0x80, s16  }
0x79: {  	v3 =	vshrl.u32 v3, $0x3;
	[tilespmem:s23], [sflag:$0x2] =	stream.indirect.gather [hbm4b:s2+s11], $0x1, s20, s11, $0xb8;
	[tilespmem:$0xF7A0] =	vst v63  }
0x7a: {  	v3 =	vmul.u32 $0x1A, v3;
	v4 =	vld [tilespmem:s19+$0xFFFFFFC0];
	_ =	sdelay $0x1  }
0x7b: {  	s25 =	sadd.s32 $0xFFFFFFA0, s21;
	v2 =	vsub.s32 v2, v3  }
0x7c: {  	v3 =	vor.u32 s25, v0;
	v2 =	vmul.u32 $0x186A0, v2  }
0x7d: {  	v5 =	vmulhi.u32 $0x4EC4EC4F, v3  }
0x7e: {  	v2 =	vadd.s32 v2, v4  }
0x7f: {  	[tilespmem:s16+$0x0] =	vst v2;
	v2 =	vshrl.u32 v5, $0x3  }
0x80: {  	v2 =	vmul.u32 $0x1A, v2;
	v51 =	vld [tilespmem:s19+$0xFFFFFFD0];
	_ =	sdelay $0x1  }
0x81: {  	s26 =	sadd.s32 $0xFFFFFFB0, s21;
	v2 =	vsub.s32 v3, v2  }
0x82: {  	v3 =	vor.u32 s26, v0;
	v2 =	vmul.u32 $0x186A0, v2  }
0x83: {  	v52 =	vmulhi.u32 $0x4EC4EC4F, v3  }
0x84: {  	v2 =	vadd.s32 v2, v51  }
0x85: {  	[tilespmem:s16+$0x10] =	vst v2;
	v2 =	vshrl.u32 v52, $0x3  }
0x86: {  	v2 =	vmul.u32 $0x1A, v2;
	v53 =	vld [tilespmem:s19+$0xFFFFFFE0];
	_ =	sdelay $0x1  }
0x87: {  	s28 =	sadd.s32 $0xFFFFFFC0, s21;
	v2 =	vsub.s32 v3, v2  }
0x88: {  	v3 =	vor.u32 s28, v0;
	v2 =	vmul.u32 $0x186A0, v2  }
0x89: {  	v54 =	vmulhi.u32 $0x4EC4EC4F, v3  }
0x8a: {  	v2 =	vadd.s32 v2, v53  }
0x8b: {  	[tilespmem:s16+$0x20] =	vst v2;
	v2 =	vshrl.u32 v54, $0x3  }
0x8c: {  	v2 =	vmul.u32 $0x1A, v2;
	v55 =	vld [tilespmem:s19+$0xFFFFFFF0];
	_ =	sdelay $0x1  }
0x8d: {  	s29 =	sadd.s32 $0xFFFFFFD0, s21;
	v2 =	vsub.s32 v3, v2  }
0x8e: {  	v3 =	vor.u32 s29, v0;
	v2 =	vmul.u32 $0x186A0, v2  }
0x8f: {  	v56 =	vmulhi.u32 $0x4EC4EC4F, v3  }
0x90: {  	v2 =	vadd.s32 v2, v55  }
0x91: {  	[tilespmem:s16+$0x30] =	vst v2;
	v2 =	vshrl.u32 v56, $0x3  }
0x92: {  	v2 =	vmul.u32 $0x1A, v2;
	v57 =	vld [tilespmem:s19+$0x0];
	_ =	sdelay $0x1  }
0x93: {  	s30 =	sadd.s32 $0xFFFFFFE0, s21;
	v2 =	vsub.s32 v3, v2  }
0x94: {  	v3 =	vor.u32 s30, v0;
	v2 =	vmul.u32 $0x186A0, v2  }
0x95: {  	v58 =	vmulhi.u32 $0x4EC4EC4F, v3  }
0x96: {  	v2 =	vadd.s32 v2, v57  }
0x97: {  	[tilespmem:s16+$0x40] =	vst v2;
	v2 =	vshrl.u32 v58, $0x3  }
0x98: {  	v2 =	vmul.u32 $0x1A, v2;
	v59 =	vld [tilespmem:s19+$0x10];
	_ =	sdelay $0x1  }
0x99: {  	s31 =	sadd.s32 $0xFFFFFFF0, s21;
	v2 =	vsub.s32 v3, v2  }
0x9a: {  	v3 =	vor.u32 s31, v0;
	v2 =	vmul.u32 $0x186A0, v2  }
0x9b: {  	v60 =	vmulhi.u32 $0x4EC4EC4F, v3  }
0x9c: {  	v2 =	vadd.s32 v2, v59  }
0x9d: {  	[tilespmem:s16+$0x50] =	vst v2;
	v2 =	vshrl.u32 v60, $0x3  }
0x9e: {  	v2 =	vmul.u32 $0x1A, v2;
	v61 =	vld [tilespmem:s19+$0x20];
	_ =	sdelay $0x1  }
0x9f: {  	v2 =	vsub.s32 v3, v2  }
0xa0: {  	v3 =	vor.u32 s21, v0;
	v2 =	vmul.u32 $0x186A0, v2  }
0xa1: {  	v62 =	vmulhi.u32 $0x4EC4EC4F, v3  }
0xa2: {  	v2 =	vadd.s32 v2, v61  }
0xa3: {  	[tilespmem:s16+$0x60] =	vst v2;
	v2 =	vshrl.u32 v62, $0x3  }
0xa4: {  	v2 =	vmul.u32 $0x1A, v2;
	v63 =	vld [tilespmem:s19+$0x30];
	_ =	sdelay $0x1  }
0xa5: {  	v2 =	vsub.s32 v3, v2  }
0xa6: {  	v2 =	vmul.u32 $0x186A0, v2;
	_ =	sdelay $0x1  }
0xa7: {  	v2 =	vadd.s32 v2, v63  }
0xa8: {  	[tilespmem:s16+$0x70] =	vst v2  }
0xa9: {  	[tilespmem:s17], [sflag:$0x1] =	stream.indirect.gather [hbm4b:s4+s11], $0x10, s16, s11, $0xb8;
	[tilespmem:$0xF7A0] =	vst v63  }
0xaa: {  	_ = 	snop  }
0xab: {  	[tilespmem:s18], [sflag:$0x2] =	stream.indirect.gather [hbm4b:s2+s11], $0x1, s16, s11, $0xb8;
	[tilespmem:$0xF7A0] =	vst v63  }
0xac: {  	_ =	swait.ge [sflag:s12], $0xD000  }
0xad: {  	[sflag:s12] =	ssyncset.done $0x0  }
0xae: {  	[sflag:s12] =	ssyncadd.s32 $0xFFFF3000  }
0xaf: {  	_ =	swait.ge [sflag:s13], $0xD00  }
0xb0: {  	[sflag:s13] =	ssyncset.done $0x0  }
0xb1: {  	[sflag:s13] =	ssyncadd.s32 $0xFFFFF300  }
0xb2: {  	s16 =	simm.s32 $0x0;
	v2 =	vld [tilespmem:$0xF790]  }
.LBB2_4:
0xb3: {  	s17 =	smul.u32 $0x6800, s16;
	_ =	sdelay $0x1  }
0xb4: {  	s18 =	sshra.s32 s17, $0x2  }
0xb5: {  	v3 =	vld [tilespmem:s18+$0x1A00]  }
0xb6: {  	v4 =	vld [tilespmem:s18+$0x1A10]  }
0xb7: {  	v5 =	vld [tilespmem:s18+$0x1A20]  }
0xb8: {  	v6 =	vld [tilespmem:s18+$0x1A30]  }
0xb9: {  	v8 =	vld [tilespmem:s18+$0x1A40]  }
0xba: {  	v33 =	vld [tilespmem:s18+$0x1A50]  }
0xbb: {  	v35 =	vld [tilespmem:s18+$0x1A60]  }
0xbc: {  	v37 =	vld [tilespmem:s18+$0x1A70]  }
0xbd: {  	v39 =	vld [tilespmem:s18+$0x1A80]  }
0xbe: {  	v41 =	vld [tilespmem:s18+$0x1A90]  }
0xbf: {  	v43 =	vld [tilespmem:s18+$0x1AA0];
	v7 =	vmul.f32 v3, v3;
	v3 =	vadd.f32 v4, v3;
	v4 =	vmul.f32 v4, v4  }
0xc0: {  	v45 =	vld [tilespmem:s18+$0x1AB0]  }
0xc1: {  	v47 =	vld [tilespmem:s18+$0x1AC0];
	v4 =	vadd.f32 v4, v7;
	v3 =	vadd.f32 v5, v3;
	v5 =	vmul.f32 v5, v5  }
0xc2: {  	v9 =	vld [tilespmem:s18+$0x1AD0]  }
0xc3: {  	v49 =	vld [tilespmem:s18+$0x1AE0];
	v34 =	vmul.f32 v6, v6;
	v4 =	vadd.f32 v5, v4  }
0xc4: {  	v10 =	vld [tilespmem:s18+$0x1AF0];
	v3 =	vadd.f32 v6, v3  }
0xc5: {  	v11 =	vld [tilespmem:s18+$0x1B10];
	v36 =	vmul.f32 v8, v8;
	v4 =	vadd.f32 v34, v4  }
0xc6: {  	v53 =	vld [tilespmem:s18+$0x1B20];
	v3 =	vadd.f32 v8, v3  }
0xc7: {  	v12 =	vld [tilespmem:s18+$0x1B30];
	v38 =	vmul.f32 v33, v33;
	v4 =	vadd.f32 v36, v4  }
0xc8: {  	v55 =	vld [tilespmem:s18+$0x1B40];
	v3 =	vadd.f32 v33, v3  }
0xc9: {  	v57 =	vld [tilespmem:s18+$0x1BB0];
	v40 =	vmul.f32 v35, v35;
	v4 =	vadd.f32 v38, v4  }
0xca: {  	v14 =	vld [tilespmem:s18+$0x1B50];
	v3 =	vadd.f32 v35, v3  }
0xcb: {  	v59 =	vld [tilespmem:s18+$0x1BC0];
	v42 =	vmul.f32 v37, v37;
	v4 =	vadd.f32 v40, v4  }
0xcc: {  	v15 =	vld [tilespmem:s18+$0x1B60];
	v3 =	vadd.f32 v37, v3  }
0xcd: {  	v61 =	vld [tilespmem:s18+$0x1BD0];
	v44 =	vmul.f32 v39, v39;
	v4 =	vadd.f32 v42, v4  }
0xce: {  	s17 =	smul.u32 $0x1A0, s16;
	v16 =	vld [tilespmem:s18+$0x1B70];
	v3 =	vadd.f32 v39, v3  }
0xcf: {  	v63 =	vld [tilespmem:s18+$0x1BE0];
	v46 =	vmul.f32 v41, v41;
	v4 =	vadd.f32 v44, v4  }
0xd0: {  	v18 =	vld [tilespmem:s18+$0x1B80];
	s19 =	sshll.u32 s17, $0x4;
	v3 =	vadd.f32 v41, v3  }
0xd1: {  	v22 =	vld [tilespmem:s18+$0x1BF0];
	s20 =	sor.u32 $0x100, s19;
	v48 =	vmul.f32 v43, v43;
	v4 =	vadd.f32 v46, v4  }
0xd2: {  	v19 =	vld [tilespmem:s18+$0x1B90];
	s21 =	sor.u32 $0x1A0, s19;
	s20 =	sand.u32 $0x3FFFFF00, s20;
	v3 =	vadd.f32 v43, v3  }
0xd3: {  	v51 =	vld [tilespmem:s20+$0x1A00];
	s20 =	sand.u32 $0x3FFFFFA0, s21;
	v50 =	vmul.f32 v45, v45;
	v4 =	vadd.f32 v48, v4  }
0xd4: {  	v52 =	vmul.f32 v47, v47;
	v13 =	vld [tilespmem:s20+$0x1A00];
	v3 =	vadd.f32 v45, v3  }
0xd5: {  	v26 =	vld [tilespmem:s18+$0x1C00];
	v54 =	vmul.f32 v9, v9;
	v56 =	vmul.f32 v49, v49;
	v4 =	vadd.f32 v50, v4  }
0xd6: {  	v29 =	vld [tilespmem:s18+$0x1C10];
	v58 =	vmul.f32 v10, v10;
	v62 =	vmul.f32 v11, v11;
	v3 =	vadd.f32 v47, v3  }
0xd7: {  	v32 =	vld [tilespmem:s18+$0x1C20];
	v21 =	vmul.f32 v53, v53;
	v25 =	vmul.f32 v12, v12;
	v4 =	vadd.f32 v52, v4  }
0xd8: {  	v27 =	vld [tilespmem:s17+$0xEA00];
	v28 =	vmul.f32 v55, v55;
	v30 =	vmul.f32 v22, v22;
	v3 =	vadd.f32 v9, v3  }
0xd9: {  	v6 =	vld [tilespmem:s17+$0xEA10];
	v17 =	vmul.f32 v13, v13;
	v13 =	vadd.f32 v57, v13;
	v4 =	vadd.f32 v54, v4  }
0xda: {  	v31 =	vmul.f32 v14, v14;
	v8 =	vmul.f32 v57, v57;
	v57 =	vld [tilespmem:s18+$0x1D60];
	v3 =	vadd.f32 v49, v3  }
0xdb: {  	v7 =	vmul.f32 v61, v61;
	v13 =	vadd.f32 v59, v13;
	v33 =	vld [tilespmem:s18+$0x1C30];
	v4 =	vadd.f32 v56, v4  }
0xdc: {  	v8 =	vadd.f32 v8, v17;
	v36 =	vld [tilespmem:s18+$0x1C50];
	v3 =	vadd.f32 v10, v3;
	v10 =	vmul.f32 v59, v59  }
0xdd: {  	v60 =	vmul.f32 v51, v51;
	v24 =	vadd.f32 v61, v13;
	v61 =	vld [tilespmem:s18+$0x1D00];
	v4 =	vadd.f32 v58, v4  }
0xde: {  	v34 =	vmul.f32 v15, v15;
	v35 =	vld [tilespmem:s18+$0x1C40];
	v3 =	vadd.f32 v51, v3;
	v23 =	vadd.f32 v10, v8  }
0xdf: {  	v6 =	vmul.f32 v1, v6;
	v38 =	vld [tilespmem:s18+$0x1C60];
	v8 =	vadd.f32 v63, v24;
	v4 =	vadd.f32 v60, v4  }
0xe0: {  	v40 =	vld [tilespmem:s18+$0x1C70];
	v3 =	vadd.f32 v11, v3;
	v7 =	vadd.f32 v7, v23;
	v11 =	vmul.f32 v63, v63  }
0xe1: {  	s22 =	sadd.s32 $0x2A0, s19;
	v13 =	vmul.f32 v57, v57;
	v42 =	vld [tilespmem:s18+$0x1C80];
	v8 =	vadd.f32 v22, v8;
	v4 =	vadd.f32 v62, v4  }
0xe2: {  	s20 =	sand.u32 $0x3FFFFEA0, s22;
	v37 =	vmul.f32 v16, v16;
	v44 =	vld [tilespmem:s18+$0x1C90];
	v3 =	vadd.f32 v53, v3;
	v7 =	vadd.f32 v11, v7  }
0xe3: {  	s23 =	sadd.s32 $0x340, s19;
	v39 =	vmul.f32 v32, v32;
	v46 =	vld [tilespmem:s20+$0x1A00];
	v8 =	vadd.f32 v26, v8;
	v4 =	vadd.f32 v21, v4  }
0xe4: {  	s20 =	sand.u32 $0x3FFFFF40, s23;
	v48 =	vld [tilespmem:s18+$0x1CB0];
	v10 =	vmul.f32 v26, v26;
	v3 =	vadd.f32 v12, v3;
	v7 =	vadd.f32 v30, v7  }
0xe5: {  	v41 =	vmul.f32 v18, v18;
	v52 =	vld [tilespmem:s20+$0x1A00];
	v8 =	vadd.f32 v29, v8;
	v4 =	vadd.f32 v25, v4  }
0xe6: {  	v9 =	vmul.f32 v29, v29;
	v49 =	vld [tilespmem:s18+$0x1CC0];
	v3 =	vadd.f32 v55, v3;
	v7 =	vadd.f32 v10, v7  }
0xe7: {  	v43 =	vmul.f32 v33, v33;
	v54 =	vld [tilespmem:s18+$0x1D50];
	v8 =	vadd.f32 v32, v8;
	v4 =	vadd.f32 v28, v4  }
0xe8: {  	v45 =	vmul.f32 v19, v19;
	v51 =	vld [tilespmem:s18+$0x1CD0];
	v3 =	vadd.f32 v14, v3;
	v7 =	vadd.f32 v9, v7  }
0xe9: {  	v47 =	vmul.f32 v35, v35;
	v58 =	vld [tilespmem:s18+$0x1CF0];
	v8 =	vadd.f32 v33, v8;
	v4 =	vadd.f32 v31, v4  }
0xea: {  	v50 =	vmul.f32 v36, v36;
	v60 =	vld [tilespmem:s18+$0x1D70];
	v3 =	vadd.f32 v15, v3;
	v7 =	vadd.f32 v39, v7  }
0xeb: {  	v56 =	vmul.f32 v40, v40;
	v63 =	vld [tilespmem:s18+$0x1D80];
	v8 =	vadd.f32 v35, v8;
	v4 =	vadd.f32 v34, v4  }
0xec: {  	v59 =	vmul.f32 v42, v42;
	v23 =	vld [tilespmem:s18+$0x1E80];
	v3 =	vadd.f32 v16, v3;
	v7 =	vadd.f32 v43, v7  }
0xed: {  	v20 =	vmul.f32 v52, v52;
	v26 =	vld [tilespmem:s18+$0x1D20];
	v8 =	vadd.f32 v36, v8;
	v4 =	vadd.f32 v37, v4  }
0xee: {  	v24 =	vmul.f32 v46, v46;
	v21 =	vld [tilespmem:s18+$0x1D10];
	v3 =	vadd.f32 v18, v3;
	v7 =	vadd.f32 v47, v7  }
0xef: {  	v5 =	vmul.f32 v49, v49;
	v29 =	vld [tilespmem:s18+$0x1DA0];
	v8 =	vadd.f32 v38, v8;
	v4 =	vadd.f32 v41, v4  }
0xf0: {  	v53 =	vmul.f32 v38, v38;
	v30 =	vld [tilespmem:s18+$0x1D30];
	v3 =	vadd.f32 v19, v3;
	v7 =	vadd.f32 v50, v7  }
0xf1: {  	v62 =	vmul.f32 v44, v44;
	v55 =	vld [tilespmem:s18+$0x1CE0];
	v15 =	vmul.f32 v54, v54;
	v8 =	vadd.f32 v40, v8  }
0xf2: {  	v25 =	vld [tilespmem:s18+$0x1D90];
	v4 =	vadd.f32 v45, v4;
	v3 =	vmul.f32 v3, v3;
	v7 =	vadd.f32 v53, v7  }
0xf3: {  	v11 =	vmul.f32 v63, v63;
	v32 =	vld [tilespmem:s18+$0x1DB0];
	v15 =	vadd.f32 v15, v20;
	v8 =	vadd.f32 v42, v8  }
0xf4: {  	v10 =	vmul.f32 v51, v51;
	v35 =	vld [tilespmem:s18+$0x1DC0];
	v3 =	vsub.f32 v3, v4;
	v7 =	vadd.f32 v56, v7  }
0xf5: {  	v28 =	vmul.f32 v48, v48;
	v43 =	vld [tilespmem:s18+$0x1E00];
	v4 =	vadd.f32 v54, v52;
	v8 =	vadd.f32 v44, v8  }
0xf6: {  	v13 =	vadd.f32 v13, v15;
	v37 =	vld [tilespmem:s18+$0x1DD0];
	v3 =	vmul.f32 $5.000000000e-01, v3;
	v7 =	vadd.f32 v59, v7  }
0xf7: {  	v14 =	vmul.f32 v29, v29;
	v38 =	vld [tilespmem:s18+$0x1DE0];
	v4 =	vadd.f32 v57, v4;
	v8 =	vadd.f32 v46, v8  }
0xf8: {  	v47 =	vld [tilespmem:s18+$0x1E20];
	v3 =	vadd.f32 v3, v27;
	v7 =	vadd.f32 v62, v7;
	v27 =	vmul.f32 v60, v60  }
0xf9: {  	v39 =	vmul.f32 v58, v58;
	v40 =	vld [tilespmem:s18+$0x1DF0];
	v4 =	vadd.f32 v60, v4;
	v8 =	vadd.f32 v48, v8  }
0xfa: {  	s24 =	sadd.s32 $0x440, s19;
	v9 =	vmul.f32 v32, v32;
	v45 =	vld [tilespmem:s18+$0x1E10];
	v7 =	vadd.f32 v24, v7;
	v13 =	vadd.f32 v27, v13  }
0xfb: {  	s25 =	sadd.s32 $0x4E0, s19;
	s20 =	sand.u32 $0x3FFFFE40, s24;
	v34 =	vmul.f32 v25, v25;
	v54 =	vld [tilespmem:s18+$0x1EF0];
	v31 =	vadd.f32 v63, v4;
	v8 =	vadd.f32 v49, v8  }
0xfc: {  	v36 =	vmul.f32 v55, v55;
	v49 =	vld [tilespmem:s20+$0x1A00];
	s20 =	sand.u32 $0x3FFFFEE0, s25;
	v3 =	vadd.f32 v3, v6;
	v7 =	vadd.f32 v28, v7  }
0xfd: {  	v42 =	vmul.f32 v35, v35;
	v53 =	vld [tilespmem:s20+$0x1A00];
	v11 =	vadd.f32 v11, v13;
	v33 =	vadd.f32 v25, v31  }
0xfe: {  	v50 =	vmul.f32 v38, v38;
	v56 =	vld [tilespmem:s18+$0x1E50];
	v8 =	vadd.f32 v51, v8;
	v7 =	vadd.f32 v5, v7  }
0xff: {  	v44 =	vmul.f32 v61, v61;
	v59 =	vld [tilespmem:s18+$0x1E60];
	v11 =	vadd.f32 v34, v11;
	v13 =	vadd.f32 v29, v33  }
0x100: {  	v52 =	vmul.f32 v26, v26;
	v62 =	vld [tilespmem:s18+$0x1E70];
	v8 =	vadd.f32 v55, v8;
	v7 =	vadd.f32 v10, v7  }
0x101: {  	v12 =	vmul.f32 v40, v40;
	v4 =	vld [tilespmem:s17+$0xEA1A];
	v11 =	vadd.f32 v14, v11;
	v13 =	vadd.f32 v32, v13  }
0x102: {  	v46 =	vmul.f32 v37, v37;
	v8 =	vadd.f32 v58, v8;
	v58 =	vld [tilespmem:s18+$0x1F00];
	v20 =	vadd.f32 v54, v53  }
0x103: {  	v57 =	vmul.f32 v43, v43;
	v24 =	vld [tilespmem:s18+$0x1F20];
	v7 =	vadd.f32 v36, v7;
	v9 =	vadd.f32 v9, v11  }
0x104: {  	v27 =	vld [tilespmem:s18+$0x1E90];
	v22 =	vmul.f32 v53, v53;
	v41 =	vadd.f32 v35, v13;
	v8 =	vadd.f32 v61, v8  }
0x105: {  	v61 =	vld [tilespmem:s18+$0x1F10];
	v13 =	vmul.f32 v54, v54;
	v7 =	vadd.f32 v39, v7;
	v9 =	vadd.f32 v42, v9  }
0x106: {  	v48 =	vmul.f32 v21, v21;
	v51 =	vld [tilespmem:s18+$0x1E30];
	v11 =	vadd.f32 v37, v41;
	v8 =	vadd.f32 v21, v8  }
0x107: {  	v60 =	vmul.f32 v45, v45;
	v31 =	vld [tilespmem:s18+$0x1EA0];
	v13 =	vadd.f32 v13, v22;
	v20 =	vadd.f32 v58, v20  }
0x108: {  	v5 =	vld [tilespmem:s17+$0xEA2A];
	v17 =	vmul.f32 v58, v58;
	v7 =	vadd.f32 v44, v7;
	v9 =	vadd.f32 v46, v9  }
0x109: {  	v63 =	vmul.f32 v47, v47;
	v33 =	vld [tilespmem:s18+$0x1F50];
	v11 =	vadd.f32 v38, v11;
	v8 =	vadd.f32 v26, v8  }
0x10a: {  	v55 =	vmul.f32 v30, v30;
	v34 =	vld [tilespmem:s18+$0x1EB0];
	v13 =	vadd.f32 v17, v13;
	v28 =	vadd.f32 v61, v20  }
0x10b: {  	v26 =	vld [tilespmem:s18+$0x1F30];
	v18 =	vmul.f32 v61, v61;
	v7 =	vadd.f32 v48, v7;
	v9 =	vadd.f32 v50, v9  }
0x10c: {  	v29 =	vmul.f32 v49, v49;
	v53 =	vld [tilespmem:s18+$0x1FA0];
	v11 =	vadd.f32 v40, v11;
	v8 =	vadd.f32 v30, v8  }
0x10d: {  	v15 =	vmul.f32 v24, v24;
	v30 =	vld [tilespmem:s18+$0x1F40];
	v13 =	vadd.f32 v18, v13;
	v17 =	vadd.f32 v24, v28  }
0x10e: {  	v32 =	vmul.f32 v56, v56;
	v36 =	vld [tilespmem:s18+$0x1F60];
	v7 =	vadd.f32 v52, v7;
	v9 =	vadd.f32 v12, v9  }
0x10f: {  	v25 =	vmul.f32 v51, v51;
	v37 =	vld [tilespmem:s18+$0x1EC0];
	v11 =	vadd.f32 v43, v11;
	v13 =	vadd.f32 v15, v13  }
0x110: {  	s26 =	sadd.s32 $0x5E0, s19;
	v42 =	vld [tilespmem:s18+$0x1F70];
	v35 =	vadd.f32 v26, v17;
	v14 =	vmul.f32 v26, v26;
	v7 =	vadd.f32 v55, v7  }
0x111: {  	s20 =	sand.u32 $0x3FFFFFE0, s26;
	v46 =	vld [tilespmem:s18+$0x1F80];
	v10 =	vmul.f32 v8, v8;
	v9 =	vadd.f32 v57, v9;
	v11 =	vadd.f32 v45, v11  }
0x112: {  	v61 =	vld [tilespmem:s20+$0x1A00];
	v13 =	vadd.f32 v14, v13;
	v38 =	vadd.f32 v30, v35;
	v39 =	vmul.f32 v30, v30  }
0x113: {  	v5 =	vmul.f32 v1, v5;
	v43 =	vld [tilespmem:s18+$0x1ED0];
	v9 =	vadd.f32 v60, v9;
	v11 =	vadd.f32 v47, v11  }
0x114: {  	v44 =	vmul.f32 v33, v33;
	v55 =	vld [tilespmem:s18+$0x1FB0];
	v7 =	vsub.f32 v10, v7;
	v13 =	vadd.f32 v39, v13  }
0x115: {  	v41 =	vmul.f32 v62, v62;
	v57 =	vld [tilespmem:s18+$0x1FC0];
	v9 =	vadd.f32 v63, v9;
	v11 =	vadd.f32 v51, v11  }
0x116: {  	v12 =	vmul.f32 v36, v36;
	v47 =	vld [tilespmem:s17+$0xEA34];
	v14 =	vadd.f32 v33, v38;
	v13 =	vadd.f32 v44, v13  }
0x117: {  	v48 =	vmul.f32 v27, v27;
	v38 =	vld [tilespmem:s18+$0x2090];
	v9 =	vadd.f32 v25, v9;
	v11 =	vadd.f32 v49, v11  }
0x118: {  	v51 =	vmul.f32 v42, v42;
	v63 =	vld [tilespmem:s18+$0x1FF0];
	v14 =	vadd.f32 v36, v14;
	v12 =	vadd.f32 v12, v13  }
0x119: {  	v8 =	vmul.f32 v59, v59;
	v49 =	vld [tilespmem:s18+$0x1F90];
	v9 =	vadd.f32 v29, v9;
	v11 =	vadd.f32 v56, v11  }
0x11a: {  	v54 =	vmul.f32 v46, v46;
	v44 =	vld [tilespmem:s18+$0x20A0];
	v50 =	vadd.f32 v42, v14;
	v12 =	vadd.f32 v51, v12  }
0x11b: {  	v52 =	vmul.f32 v31, v31;
	v25 =	vld [tilespmem:s18+$0x2000];
	v9 =	vadd.f32 v32, v9;
	v11 =	vadd.f32 v59, v11  }
0x11c: {  	v29 =	vld [tilespmem:s18+$0x2020];
	v13 =	vadd.f32 v46, v50;
	v32 =	vmul.f32 $5.000000000e-01, v7;
	v12 =	vadd.f32 v54, v12  }
0x11d: {  	v45 =	vmul.f32 v23, v23;
	v50 =	vld [tilespmem:s18+$0x2060];
	v8 =	vadd.f32 v8, v9;
	v40 =	vadd.f32 v62, v11  }
0x11e: {  	v59 =	vld [tilespmem:s18+$0x1FD0];
	v13 =	vadd.f32 v49, v13;
	v58 =	vmul.f32 v49, v49;
	v4 =	vadd.f32 v32, v4  }
0x11f: {  	v60 =	vmul.f32 v37, v37;
	v49 =	vld [tilespmem:s18+$0x20B0];
	v8 =	vadd.f32 v41, v8;
	v9 =	vadd.f32 v23, v40  }
0x120: {  	v54 =	vld [tilespmem:s18+$0x2070];
	v62 =	vmul.f32 v53, v53;
	v12 =	vadd.f32 v58, v12;
	v13 =	vadd.f32 v53, v13  }
0x121: {  	v24 =	vmul.f32 v43, v43;
	v53 =	vld [tilespmem:s18+$0x20C0];
	v11 =	vadd.f32 v45, v8;
	v9 =	vadd.f32 v27, v9  }
0x122: {  	v26 =	vmul.f32 v55, v55;
	v40 =	vld [tilespmem:s18+$0x2040];
	v12 =	vadd.f32 v62, v12;
	v13 =	vadd.f32 v55, v13  }
0x123: {  	v30 =	vmul.f32 v57, v57;
	v55 =	vld [tilespmem:s18+$0x20D0];
	v11 =	vadd.f32 v48, v11;
	v9 =	vadd.f32 v31, v9  }
0x124: {  	s28 =	sadd.s32 $0x680, s19;
	v56 =	vmul.f32 v34, v34;
	v4 =	vadd.f32 v4, v5;
	v8 =	vld [tilespmem:s17+$0xEA44];
	v12 =	vadd.f32 v26, v12  }
0x125: {  	s20 =	sand.u32 $0x3FFFFE80, s28;
	v14 =	vmul.f32 v38, v38;
	v27 =	vld [tilespmem:s18+$0x2010];
	v11 =	vadd.f32 v52, v11;
	v9 =	vadd.f32 v34, v9  }
0x126: {  	v13 =	vadd.f32 v57, v13;
	v48 =	vmul.f32 v63, v63;
	v35 =	vadd.f32 v30, v12;
	v34 =	vld [tilespmem:s20+$0x1A00]  }
0x127: {  	v45 =	vld [tilespmem:s18+$0x2050];
	v58 =	vmul.f32 v53, v53;
	v11 =	vadd.f32 v56, v11;
	v9 =	vadd.f32 v37, v9  }
0x128: {  	v57 =	vld [tilespmem:s18+$0x20E0];
	v36 =	vadd.f32 v59, v13;
	v13 =	vmul.f32 v44, v44;
	v37 =	vmul.f32 v59, v59  }
0x129: {  	v26 =	vld [tilespmem:s18+$0x2120];
	v12 =	vmul.f32 v49, v49;
	v11 =	vadd.f32 v60, v11;
	v9 =	vadd.f32 v43, v9  }
0x12a: {  	s29 =	sadd.s32 $0x820, s19;
	v31 =	vld [tilespmem:s18+$0x2030];
	v23 =	vmul.f32 v40, v40;
	v41 =	vadd.f32 v37, v35;
	v43 =	vmul.f32 v61, v61  }
0x12b: {  	v30 =	vld [tilespmem:s18+$0x2140];
	s20 =	sand.u32 $0x3FFFFE20, s29;
	v51 =	vmul.f32 v34, v34;
	v28 =	vadd.f32 v24, v11;
	v9 =	vmul.f32 v9, v9  }
0x12c: {  	v52 =	vmul.f32 v25, v25;
	v42 =	vadd.f32 v61, v36;
	v32 =	vld [tilespmem:s20+$0x1A00];
	v46 =	vadd.f32 v43, v41  }
0x12d: {  	v62 =	vmul.f32 v55, v55;
	v36 =	vld [tilespmem:s18+$0x2150];
	v14 =	vadd.f32 v14, v51;
	v33 =	vsub.f32 v9, v28  }
0x12e: {  	v16 =	vmul.f32 v27, v27;
	v61 =	vld [tilespmem:s18+$0x20F0];
	v9 =	vadd.f32 v38, v34;
	v6 =	vadd.f32 v48, v46  }
0x12f: {  	v8 =	vmul.f32 v1, v8;
	v34 =	vld [tilespmem:s18+$0x2230];
	v13 =	vadd.f32 v13, v14;
	v39 =	vmul.f32 $5.000000000e-01, v33  }
0x130: {  	v60 =	vmul.f32 v31, v31;
	v24 =	vld [tilespmem:s18+$0x2110];
	v9 =	vadd.f32 v44, v9;
	v10 =	vadd.f32 v52, v6  }
0x131: {  	v35 =	vmul.f32 v54, v54;
	v41 =	vld [tilespmem:s18+$0x2250];
	v12 =	vadd.f32 v12, v13;
	v5 =	vadd.f32 v39, v47  }
0x132: {  	v11 =	vmul.f32 v29, v29;
	v38 =	vld [tilespmem:s18+$0x2240];
	v47 =	vadd.f32 v63, v42;
	v9 =	vadd.f32 v49, v9  }
0x133: {  	v43 =	vmul.f32 v32, v32;
	v51 =	vld [tilespmem:s18+$0x21A0];
	v10 =	vadd.f32 v16, v10;
	v12 =	vadd.f32 v58, v12  }
0x134: {  	v28 =	vld [tilespmem:s18+$0x2130];
	v46 =	vmul.f32 v30, v30;
	v19 =	vadd.f32 v34, v32;
	v7 =	vadd.f32 v25, v47  }
0x135: {  	v48 =	vld [tilespmem:s18+$0x2190];
	v20 =	vmul.f32 v34, v34;
	v9 =	vadd.f32 v53, v9;
	v10 =	vadd.f32 v11, v10  }
0x136: {  	v6 =	vld [tilespmem:s17+$0xEA4E];
	v18 =	vmul.f32 v24, v24;
	v5 =	vadd.f32 v5, v8;
	v12 =	vadd.f32 v62, v12  }
0x137: {  	v52 =	vld [tilespmem:s18+$0x2290];
	v25 =	vmul.f32 v57, v57;
	v20 =	vadd.f32 v20, v43;
	v19 =	vadd.f32 v38, v19  }
0x138: {  	v63 =	vld [tilespmem:s18+$0x2100];
	v16 =	vmul.f32 v41, v41;
	v7 =	vadd.f32 v27, v7;
	v9 =	vadd.f32 v55, v9  }
0x139: {  	v39 =	vld [tilespmem:s18+$0x2160];
	v22 =	vmul.f32 v38, v38;
	v10 =	vadd.f32 v60, v10;
	v12 =	vadd.f32 v25, v12  }
0x13a: {  	v42 =	vld [tilespmem:s18+$0x2170];
	v49 =	vmul.f32 v36, v36;
	v56 =	vadd.f32 v29, v7;
	v9 =	vadd.f32 v57, v9  }
0x13b: {  	v58 =	vld [tilespmem:s18+$0x21C0];
	v20 =	vadd.f32 v22, v20;
	v19 =	vadd.f32 v41, v19;
	v29 =	vmul.f32 v61, v61  }
0x13c: {  	v34 =	vld [tilespmem:s18+$0x22D0];
	v27 =	vmul.f32 v45, v45;
	v59 =	vadd.f32 v31, v56;
	v9 =	vadd.f32 v61, v9  }
0x13d: {  	v47 =	vld [tilespmem:s18+$0x2270];
	v33 =	vmul.f32 v63, v63;
	v10 =	vadd.f32 v23, v10;
	v12 =	vadd.f32 v29, v12  }
0x13e: {  	v44 =	vmul.f32 v28, v28;
	v53 =	vld [tilespmem:s18+$0x21B0];
	v11 =	vadd.f32 v40, v59;
	v9 =	vadd.f32 v63, v9  }
0x13f: {  	v8 =	vld [tilespmem:s17+$0xEA82];
	v14 =	vmul.f32 v52, v52;
	v10 =	vadd.f32 v27, v10;
	v12 =	vadd.f32 v33, v12  }
0x140: {  	v31 =	vmul.f32 v50, v50;
	v11 =	vadd.f32 v45, v11;
	v37 =	vadd.f32 v24, v9;
	v45 =	vld [tilespmem:s18+$0x2260]  }
0x141: {  	v62 =	vld [tilespmem:s18+$0x22B0];
	v16 =	vadd.f32 v16, v20;
	v40 =	vmul.f32 v26, v26;
	v12 =	vadd.f32 v18, v12  }
0x142: {  	v38 =	vld [tilespmem:s18+$0x22E0];
	v41 =	vmul.f32 v58, v58;
	v10 =	vadd.f32 v31, v10;
	v13 =	vadd.f32 v26, v37  }
0x143: {  	v57 =	vld [tilespmem:s18+$0x22A0];
	v15 =	vmul.f32 v47, v47;
	v11 =	vadd.f32 v50, v11;
	v12 =	vadd.f32 v40, v12  }
0x144: {  	v43 =	vld [tilespmem:s18+$0x2210];
	v56 =	vmul.f32 v42, v42;
	v9 =	vadd.f32 v35, v10;
	v13 =	vadd.f32 v28, v13  }
0x145: {  	v50 =	vld [tilespmem:s18+$0x2280];
	v11 =	vadd.f32 v54, v11;
	v12 =	vadd.f32 v44, v12;
	v17 =	vmul.f32 v45, v45  }
0x146: {  	s30 =	sadd.s32 $0x780, s19;
	v7 =	vld [tilespmem:s17+$0xEA5E];
	v33 =	vmul.f32 v51, v51;
	v19 =	vadd.f32 v45, v19;
	v13 =	vadd.f32 v30, v13  }
0x147: {  	s20 =	sand.u32 $0x3FFFFF80, s30;
	v23 =	vld [tilespmem:s17+$0xEA78];
	v10 =	vmul.f32 v11, v11;
	v12 =	vadd.f32 v46, v12;
	v16 =	vadd.f32 v17, v16  }
0x148: {  	v32 =	vmul.f32 v57, v57;
	v24 =	vld [tilespmem:s20+$0x1A00];
	v54 =	vadd.f32 v47, v19;
	v13 =	vadd.f32 v36, v13  }
0x149: {  	v29 =	vld [tilespmem:s18+$0x22C0];
	v11 =	vmul.f32 v39, v39;
	v12 =	vadd.f32 v49, v12;
	v9 =	vsub.f32 v10, v9  }
0x14a: {  	v27 =	vld [tilespmem:s18+$0x2380];
	v60 =	vmul.f32 v50, v50;
	v15 =	vadd.f32 v15, v16;
	v59 =	vadd.f32 v50, v54  }
0x14b: {  	v63 =	vld [tilespmem:s18+$0x21D0];
	v7 =	vmul.f32 v1, v7;
	v13 =	vadd.f32 v39, v13;
	v11 =	vadd.f32 v11, v12  }
0x14c: {  	v35 =	vld [tilespmem:s18+$0x21F0];
	v37 =	vmul.f32 v53, v53;
	v15 =	vadd.f32 v60, v15;
	v16 =	vadd.f32 v52, v59  }
0x14d: {  	v61 =	vmul.f32 v24, v24;
	v30 =	vld [tilespmem:s18+$0x21E0];
	v55 =	vadd.f32 v42, v13;
	v11 =	vadd.f32 v56, v11  }
0x14e: {  	v40 =	vmul.f32 v29, v29;
	v46 =	vld [tilespmem:s18+$0x2300];
	v14 =	vadd.f32 v14, v15;
	v31 =	vadd.f32 v57, v16  }
0x14f: {  	v28 =	vmul.f32 v48, v48;
	v47 =	vld [tilespmem:s17+$0xEA68];
	v12 =	vadd.f32 v24, v55;
	v11 =	vadd.f32 v61, v11  }
0x150: {  	v36 =	vmul.f32 v62, v62;
	v50 =	vld [tilespmem:s18+$0x2310];
	v14 =	vadd.f32 v32, v14;
	v15 =	vadd.f32 v62, v31  }
0x151: {  	v39 =	vld [tilespmem:s18+$0x2200];
	v32 =	vmul.f32 $5.000000000e-01, v9;
	v12 =	vadd.f32 v48, v12;
	v11 =	vadd.f32 v28, v11  }
0x152: {  	v44 =	vmul.f32 v34, v34;
	v59 =	vld [tilespmem:s18+$0x2350];
	v14 =	vadd.f32 v36, v14;
	v15 =	vadd.f32 v29, v15  }
0x153: {  	v45 =	vmul.f32 v63, v63;
	v42 =	vld [tilespmem:s18+$0x22F0];
	v6 =	vadd.f32 v32, v6;
	v12 =	vadd.f32 v51, v12  }
0x154: {  	s31 =	sadd.s32 $0x920, s19;
	v49 =	vmul.f32 v30, v30;
	v57 =	vld [tilespmem:s18+$0x2340];
	v11 =	vadd.f32 v33, v11;
	v14 =	vadd.f32 v40, v14  }
0x155: {  	s21 =	sadd.s32 $0x9C0, s19;
	s20 =	sand.u32 $0x3FFFFF20, s31;
	v52 =	vmul.f32 v35, v35;
	v55 =	vld [tilespmem:s18+$0x2330];
	v15 =	vadd.f32 v34, v15;
	v6 =	vadd.f32 v6, v7  }
0x156: {  	v54 =	vmul.f32 v46, v46;
	v12 =	vadd.f32 v53, v12;
	v11 =	vadd.f32 v37, v11;
	v53 =	vld [tilespmem:s20+$0x1A00];
	s20 =	sand.u32 $0x3FFFFFC0, s21  }
0x157: {  	v48 =	vmul.f32 v38, v38;
	v14 =	vadd.f32 v44, v14;
	v15 =	vadd.f32 v38, v15;
	v34 =	vld [tilespmem:s20+$0x1A00]  }
0x158: {  	v60 =	vmul.f32 v43, v43;
	v38 =	vld [tilespmem:s18+$0x23D0];
	v12 =	vadd.f32 v58, v12;
	v11 =	vadd.f32 v41, v11  }
0x159: {  	v61 =	vld [tilespmem:s18+$0x2360];
	v51 =	vmul.f32 v42, v42;
	v14 =	vadd.f32 v48, v14;
	v15 =	vadd.f32 v42, v15  }
0x15a: {  	v56 =	vmul.f32 v39, v39;
	v44 =	vld [tilespmem:s18+$0x23E0];
	v12 =	vadd.f32 v63, v12;
	v11 =	vadd.f32 v45, v11  }
0x15b: {  	v31 =	vld [tilespmem:s18+$0x2390];
	v37 =	vmul.f32 v57, v57;
	v14 =	vadd.f32 v51, v14;
	v15 =	vadd.f32 v46, v15  }
0x15c: {  	v58 =	vmul.f32 v50, v50;
	v63 =	vld [tilespmem:s18+$0x2370];
	v12 =	vadd.f32 v30, v12;
	v11 =	vadd.f32 v49, v11  }
0x15d: {  	v40 =	vld [tilespmem:s18+$0x23A0];
	v62 =	vmul.f32 v53, v53;
	v10 =	vadd.f32 v38, v34;
	v14 =	vadd.f32 v54, v14  }
0x15e: {  	v45 =	vld [tilespmem:s18+$0x23B0];
	v46 =	vmul.f32 v61, v61;
	v15 =	vadd.f32 v50, v15;
	v12 =	vadd.f32 v35, v12  }
0x15f: {  	v30 =	vmul.f32 v55, v55;
	v49 =	vld [tilespmem:s18+$0x2400];
	v11 =	vadd.f32 v52, v11;
	v10 =	vadd.f32 v44, v10  }
0x160: {  	v48 =	vmul.f32 v34, v34;
	v34 =	vld [tilespmem:s18+$0x25A0];
	v14 =	vadd.f32 v58, v14;
	v15 =	vadd.f32 v53, v15  }
0x161: {  	v50 =	vld [tilespmem:s18+$0x2410];
	v17 =	vmul.f32 v63, v63;
	v12 =	vadd.f32 v39, v12;
	v11 =	vadd.f32 v56, v11  }
0x162: {  	s22 =	sadd.s32 $0xB60, s19;
	v54 =	vld [tilespmem:s18+$0x2430];
	v53 =	vmul.f32 v31, v31;
	v28 =	vadd.f32 v62, v14;
	v29 =	vadd.f32 v55, v15  }
0x163: {  	s20 =	sand.u32 $0x3FFFFF60, s22;
	v52 =	vld [tilespmem:s18+$0x2420];
	v15 =	vmul.f32 v38, v38;
	v14 =	vmul.f32 v44, v44;
	v12 =	vadd.f32 v43, v12  }
0x164: {  	v58 =	vld [tilespmem:s20+$0x1A00];
	v55 =	vmul.f32 v49, v49;
	v62 =	vmul.f32 v45, v45;
	v35 =	vadd.f32 v30, v28  }
0x165: {  	v25 =	vadd.f32 v60, v11;
	v60 =	vld [tilespmem:s18+$0x2570];
	v36 =	vadd.f32 v57, v29;
	v26 =	vmul.f32 v12, v12  }
0x166: {  	v56 =	vld [tilespmem:s18+$0x2440];
	v43 =	vmul.f32 v59, v59;
	v15 =	vadd.f32 v15, v48;
	v41 =	vadd.f32 v37, v35  }
0x167: {  	v16 =	vmul.f32 v54, v54;
	v28 =	vld [tilespmem:s18+$0x2580];
	v42 =	vadd.f32 v59, v36;
	v33 =	vsub.f32 v26, v25  }
0x168: {  	v44 =	vld [tilespmem:s18+$0x24B0];
	v57 =	vmul.f32 v40, v40;
	v19 =	vmul.f32 v52, v52;
	v9 =	vadd.f32 v43, v41  }
0x169: {  	v30 =	vld [tilespmem:s18+$0x2590];
	v14 =	vadd.f32 v14, v15;
	v11 =	vadd.f32 v61, v42;
	v39 =	vmul.f32 $5.000000000e-01, v33  }
0x16a: {  	v29 =	vld [tilespmem:s18+$0x2460];
	v12 =	vmul.f32 v27, v27;
	v18 =	vadd.f32 v60, v58;
	v13 =	vadd.f32 v46, v9  }
0x16b: {  	v32 =	vmul.f32 v58, v58;
	v11 =	vadd.f32 v63, v11;
	v7 =	vadd.f32 v39, v47;
	v47 =	vld [tilespmem:s18+$0x23F0]  }
0x16c: {  	v59 =	vmul.f32 v50, v50;
	v25 =	vld [tilespmem:s18+$0x2480];
	v18 =	vadd.f32 v28, v18;
	v13 =	vadd.f32 v17, v13  }
0x16d: {  	v36 =	vld [tilespmem:s18+$0x25B0];
	v58 =	vmul.f32 v44, v44;
	v11 =	vadd.f32 v27, v11;
	v17 =	vmul.f32 v60, v60  }
0x16e: {  	v33 =	vmul.f32 v56, v56;
	v63 =	vld [tilespmem:s18+$0x2450];
	v18 =	vadd.f32 v30, v18;
	v12 =	vadd.f32 v12, v13  }
0x16f: {  	v22 =	vmul.f32 v28, v28;
	v9 =	vld [tilespmem:s17+$0xEA92];
	v11 =	vadd.f32 v31, v11;
	v17 =	vadd.f32 v17, v32  }
0x170: {  	s23 =	sadd.s32 $0xAC0, s19;
	v38 =	vld [tilespmem:s18+$0x25C0];
	v18 =	vadd.f32 v34, v18;
	v10 =	vadd.f32 v47, v10;
	v51 =	vmul.f32 v47, v47  }
0x171: {  	s20 =	sand.u32 $0x3FFFFEC0, s23;
	v43 =	vld [tilespmem:s18+$0x25D0];
	v46 =	vmul.f32 v25, v25;
	v12 =	vadd.f32 v53, v12;
	v11 =	vadd.f32 v40, v11  }
0x172: {  	v48 =	vld [tilespmem:s20+$0x1A00];
	v13 =	vmul.f32 v29, v29;
	v14 =	vadd.f32 v51, v14;
	v10 =	vadd.f32 v49, v10  }
0x173: {  	v37 =	vld [tilespmem:s18+$0x2490];
	v35 =	vmul.f32 v63, v63;
	v17 =	vadd.f32 v22, v17;
	v18 =	vadd.f32 v36, v18  }
0x174: {  	v28 =	vld [tilespmem:s18+$0x2500];
	v9 =	vmul.f32 v1, v9;
	v14 =	vadd.f32 v55, v14;
	v10 =	vadd.f32 v50, v10  }
0x175: {  	v31 =	vld [tilespmem:s18+$0x2470];
	v40 =	vmul.f32 v34, v34;
	v12 =	vadd.f32 v57, v12;
	v61 =	vadd.f32 v45, v11  }
0x176: {  	v39 =	vld [tilespmem:s18+$0x24A0];
	v53 =	vmul.f32 v43, v43;
	v14 =	vadd.f32 v59, v14;
	v27 =	vadd.f32 v52, v10  }
0x177: {  	v60 =	vld [tilespmem:s18+$0x24F0];
	v45 =	vmul.f32 v36, v36;
	v18 =	vadd.f32 v38, v18;
	v11 =	vadd.f32 v62, v12  }
0x178: {  	v47 =	vld [tilespmem:s18+$0x25E0];
	v49 =	vmul.f32 v37, v37;
	v14 =	vadd.f32 v19, v14;
	v15 =	vadd.f32 v54, v27  }
0x179: {  	v32 =	vld [tilespmem:s18+$0x2510];
	v12 =	vmul.f32 v61, v61;
	v52 =	vadd.f32 v43, v18;
	v19 =	vmul.f32 v30, v30  }
0x17a: {  	v51 =	vld [tilespmem:s18+$0x24D0];
	v42 =	vmul.f32 v31, v31;
	v14 =	vadd.f32 v16, v14;
	v15 =	vadd.f32 v56, v15  }
0x17b: {  	v50 =	vld [tilespmem:s18+$0x25F0];
	v10 =	vmul.f32 v1, v23;
	v11 =	vsub.f32 v12, v11;
	v17 =	vadd.f32 v19, v17  }
0x17c: {  	v36 =	vld [tilespmem:s18+$0x2520];
	v62 =	vmul.f32 v48, v48;
	v14 =	vadd.f32 v33, v14;
	v15 =	vadd.f32 v63, v15  }
0x17d: {  	v57 =	vmul.f32 v47, v47;
	v59 =	vld [tilespmem:s18+$0x2610];
	v7 =	vadd.f32 v7, v10;
	v17 =	vadd.f32 v40, v17  }
0x17e: {  	v54 =	vmul.f32 v39, v39;
	v10 =	vld [tilespmem:s17+$0xEAC6];
	v14 =	vadd.f32 v35, v14;
	v15 =	vadd.f32 v29, v15  }
0x17f: {  	s24 =	sadd.s32 $0xC60, s19;
	v55 =	vld [tilespmem:s18+$0x2600];
	v30 =	vmul.f32 v51, v51;
	v16 =	vmul.f32 v38, v38;
	v17 =	vadd.f32 v45, v17  }
0x180: {  	s20 =	sand.u32 $0x3FFFFE60, s24;
	v61 =	vmul.f32 v50, v50;
	v56 =	vld [tilespmem:s18+$0x24E0];
	v13 =	vadd.f32 v13, v14;
	v41 =	vadd.f32 v31, v15  }
0x181: {  	v43 =	vld [tilespmem:s20+$0x1A00];
	v38 =	vmul.f32 v60, v60;
	v16 =	vadd.f32 v16, v17;
	v17 =	vadd.f32 v47, v52  }
0x182: {  	v12 =	vld [tilespmem:s17+$0xEAB6];
	v33 =	vmul.f32 v59, v59;
	v13 =	vadd.f32 v42, v13;
	v14 =	vadd.f32 v25, v41  }
0x183: {  	v63 =	vld [tilespmem:s18+$0x2620];
	v10 =	vmul.f32 v1, v10;
	v16 =	vadd.f32 v53, v16;
	v17 =	vadd.f32 v50, v17  }
0x184: {  	v29 =	vmul.f32 v55, v55;
	v35 =	vld [tilespmem:s18+$0x2640];
	v13 =	vadd.f32 v46, v13;
	v14 =	vadd.f32 v37, v14  }
0x185: {  	v27 =	vld [tilespmem:s18+$0x26D0];
	v34 =	vmul.f32 v56, v56;
	v16 =	vadd.f32 v57, v16;
	v17 =	vadd.f32 v55, v17  }
0x186: {  	v31 =	vld [tilespmem:s18+$0x2630];
	v42 =	vmul.f32 v28, v28;
	v13 =	vadd.f32 v49, v13;
	v14 =	vadd.f32 v39, v14  }
0x187: {  	v40 =	vld [tilespmem:s18+$0x2530];
	v50 =	vmul.f32 v36, v36;
	v16 =	vadd.f32 v61, v16;
	v17 =	vadd.f32 v59, v17  }
0x188: {  	v47 =	vld [tilespmem:s18+$0x2670];
	v53 =	vmul.f32 v43, v43;
	v13 =	vadd.f32 v54, v13;
	v14 =	vadd.f32 v44, v14  }
0x189: {  	v52 =	vld [tilespmem:s17+$0xEA9C];
	v45 =	vmul.f32 v35, v35;
	v16 =	vadd.f32 v29, v16;
	v17 =	vadd.f32 v63, v17  }
0x18a: {  	v37 =	vmul.f32 v63, v63;
	v39 =	vld [tilespmem:s18+$0x2650];
	v13 =	vadd.f32 v58, v13;
	v14 =	vadd.f32 v48, v14  }
0x18b: {  	v46 =	vmul.f32 v32, v32;
	v55 =	vld [tilespmem:s18+$0x2690];
	v16 =	vadd.f32 v33, v16;
	v17 =	vadd.f32 v31, v17  }
0x18c: {  	v41 =	vmul.f32 v31, v31;
	v59 =	vld [tilespmem:s18+$0x26A0];
	v13 =	vadd.f32 v62, v13;
	v14 =	vadd.f32 v51, v14  }
0x18d: {  	v57 =	vmul.f32 v47, v47;
	v61 =	vld [tilespmem:s18+$0x26B0];
	v16 =	vadd.f32 v37, v16;
	v17 =	vadd.f32 v35, v17  }
0x18e: {  	v44 =	vld [tilespmem:s18+$0x2540];
	v35 =	vmul.f32 $5.000000000e-01, v11;
	v13 =	vadd.f32 v30, v13;
	v14 =	vadd.f32 v56, v14  }
0x18f: {  	v54 =	vmul.f32 v40, v40;
	v48 =	vld [tilespmem:s18+$0x2550];
	v16 =	vadd.f32 v41, v16;
	v17 =	vadd.f32 v39, v17  }
0x190: {  	s25 =	sadd.s32 $0xD00, s19;
	v63 =	vld [tilespmem:s18+$0x26C0];
	v26 =	vmul.f32 v55, v55;
	v8 =	vadd.f32 v35, v8;
	v13 =	vadd.f32 v34, v13  }
0x191: {  	s20 =	sand.u32 $0x3FFFFF00, s25;
	v49 =	vmul.f32 v39, v39;
	v51 =	vld [tilespmem:s18+$0x2680];
	v14 =	vadd.f32 v60, v14;
	v16 =	vadd.f32 v45, v16  }
0x192: {  	v33 =	vmul.f32 v59, v59;
	v37 =	vld [tilespmem:s20+$0x1A00];
	v17 =	vadd.f32 v43, v17;
	v8 =	vadd.f32 v8, v9  }
0x193: {  	v58 =	vmul.f32 v44, v44;
	v56 =	vld [tilespmem:s17+$0xEAAC];
	v13 =	vadd.f32 v38, v13;
	v14 =	vadd.f32 v28, v14  }
0x194: {  	v30 =	vld [tilespmem:s18+$0x26E0];
	v62 =	vmul.f32 v48, v48;
	v16 =	vadd.f32 v49, v16;
	v17 =	vadd.f32 v47, v17  }
0x195: {  	s26 =	sadd.s32 $0xEA0, s19;
	v39 =	vld [tilespmem:s18+$0x2710];
	v43 =	vmul.f32 v63, v63;
	v13 =	vadd.f32 v42, v13;
	v14 =	vadd.f32 v32, v14  }
0x196: {  	s20 =	sand.u32 $0x3FFFFEA0, s26;
	v34 =	vld [tilespmem:s18+$0x26F0];
	v60 =	vmul.f32 v51, v51;
	v16 =	vadd.f32 v53, v16;
	v17 =	vadd.f32 v51, v17  }
0x197: {  	v38 =	vmul.f32 v61, v61;
	v51 =	vld [tilespmem:s20+$0x1A00];
	v13 =	vadd.f32 v46, v13;
	v14 =	vadd.f32 v36, v14  }
0x198: {  	v47 =	vmul.f32 v27, v27;
	v16 =	vadd.f32 v57, v16;
	v17 =	vadd.f32 v55, v17;
	v55 =	vld [tilespmem:s18+$0x2750]  }
0x199: {  	v49 =	vmul.f32 v37, v37;
	v57 =	vld [tilespmem:s18+$0x28C0];
	v13 =	vadd.f32 v50, v13;
	v14 =	vadd.f32 v40, v14  }
0x19a: {  	v19 =	vmul.f32 v39, v39;
	v16 =	vadd.f32 v60, v16;
	v32 =	vadd.f32 v59, v17;
	v50 =	vld [tilespmem:s18+$0x2740]  }
0x19b: {  	v46 =	vmul.f32 v1, v56;
	v13 =	vadd.f32 v54, v13;
	v14 =	vadd.f32 v44, v14;
	v44 =	vld [tilespmem:s18+$0x2720]  }
0x19c: {  	v31 =	vadd.f32 v26, v16;
	v16 =	vadd.f32 v61, v32;
	v54 =	vmul.f32 v34, v34;
	v61 =	vld [tilespmem:s18+$0x28D0]  }
0x19d: {  	v18 =	vmul.f32 v55, v55;
	v13 =	vadd.f32 v58, v13;
	v14 =	vadd.f32 v48, v14;
	v48 =	vld [tilespmem:s18+$0x2730]  }
0x19e: {  	v15 =	vadd.f32 v33, v31;
	v42 =	vadd.f32 v63, v16;
	v58 =	vld [tilespmem:s18+$0x2760];
	v63 =	vmul.f32 v51, v51  }
0x19f: {  	v19 =	vadd.f32 v19, v49;
	v31 =	vmul.f32 v57, v57;
	v33 =	vld [tilespmem:s18+$0x28F0];
	v60 =	vmul.f32 v50, v50  }
0x1a0: {  	v28 =	vadd.f32 v62, v13;
	v29 =	vmul.f32 v14, v14;
	v41 =	vadd.f32 v38, v15;
	v62 =	vld [tilespmem:s18+$0x2770]  }
0x1a1: {  	v15 =	vadd.f32 v27, v42;
	v13 =	vadd.f32 v39, v37;
	v14 =	vmul.f32 v30, v30;
	v37 =	vld [tilespmem:s18+$0x2900]  }
0x1a2: {  	v38 =	vld [tilespmem:s18+$0x27A0];
	v17 =	vmul.f32 v44, v44;
	v36 =	vsub.f32 v29, v28;
	v11 =	vadd.f32 v43, v41  }
0x1a3: {  	v35 =	vmul.f32 v61, v61;
	v15 =	vadd.f32 v30, v15;
	v13 =	vadd.f32 v44, v13;
	v29 =	vld [tilespmem:s18+$0x28E0]  }
0x1a4: {  	v30 =	vld [tilespmem:s18+$0x2780];
	v17 =	vadd.f32 v17, v19;
	v56 =	vmul.f32 v48, v48;
	v44 =	vmul.f32 v33, v33  }
0x1a5: {  	v43 =	vld [tilespmem:s18+$0x27B0];
	v40 =	vmul.f32 $5.000000000e-01, v36;
	v11 =	vadd.f32 v47, v11;
	v53 =	vadd.f32 v34, v15  }
0x1a6: {  	v13 =	vadd.f32 v48, v13;
	v15 =	vmul.f32 v58, v58;
	v34 =	vld [tilespmem:s18+$0x2790];
	v17 =	vadd.f32 v56, v17  }
0x1a7: {  	v48 =	vmul.f32 v37, v37;
	v49 =	vmul.f32 v38, v38;
	v45 =	vadd.f32 v40, v52;
	v52 =	vld [tilespmem:s18+$0x28B0]  }
0x1a8: {  	v42 =	vld [tilespmem:s18+$0x2910];
	v11 =	vadd.f32 v14, v11;
	v14 =	vmul.f32 v53, v53;
	v59 =	vadd.f32 v50, v13  }
0x1a9: {  	v47 =	vld [tilespmem:s18+$0x27C0];
	v17 =	vadd.f32 v60, v17;
	v39 =	vmul.f32 v29, v29;
	v41 =	vmul.f32 v30, v30  }
0x1aa: {  	v50 =	vld [tilespmem:s18+$0x2930];
	v53 =	vmul.f32 v43, v43;
	v11 =	vadd.f32 v54, v11;
	v19 =	vadd.f32 v55, v59  }
0x1ab: {  	v9 =	vadd.f32 v45, v46;
	v46 =	vld [tilespmem:s18+$0x2920];
	v17 =	vadd.f32 v18, v17;
	v45 =	vmul.f32 v34, v34  }
0x1ac: {  	v54 =	vld [tilespmem:s18+$0x2940];
	v13 =	vsub.f32 v14, v11;
	v32 =	vadd.f32 v58, v19;
	v28 =	vmul.f32 v52, v52  }
0x1ad: {  	v55 =	vld [tilespmem:s18+$0x27E0];
	v11 =	vmul.f32 v62, v62;
	v16 =	vadd.f32 v52, v51;
	v15 =	vadd.f32 v15, v17  }
0x1ae: {  	v59 =	vld [tilespmem:s18+$0x27F0];
	v36 =	vadd.f32 v62, v32;
	v13 =	vmul.f32 $5.000000000e-01, v13;
	v14 =	vadd.f32 v28, v63  }
0x1af: {  	v58 =	vld [tilespmem:s18+$0x2950];
	v52 =	vmul.f32 v42, v42;
	v16 =	vadd.f32 v57, v16;
	v11 =	vadd.f32 v11, v15  }
0x1b0: {  	s28 =	sadd.s32 $0xE00, s19;
	v51 =	vld [tilespmem:s18+$0x27D0];
	v60 =	vmul.f32 v50, v50;
	v40 =	vadd.f32 v30, v36;
	v12 =	vadd.f32 v13, v12  }
0x1b1: {  	s20 =	sand.u32 $0x3FFFFE00, s28;
	v62 =	vld [tilespmem:s18+$0x2960];
	v56 =	vmul.f32 v46, v46;
	v14 =	vadd.f32 v31, v14;
	v16 =	vadd.f32 v61, v16  }
0x1b2: {  	v57 =	vmul.f32 v47, v47;
	v63 =	vld [tilespmem:s20+$0x1A00];
	v11 =	vadd.f32 v41, v11;
	v15 =	vadd.f32 v34, v40  }
0x1b3: {  	v28 =	vmul.f32 v54, v54;
	v30 =	vld [tilespmem:s18+$0x2970];
	v14 =	vadd.f32 v35, v14;
	v16 =	vadd.f32 v29, v16  }
0x1b4: {  	v31 =	vld [tilespmem:s18+$0x2810];
	v32 =	vmul.f32 v58, v58;
	v11 =	vadd.f32 v45, v11;
	v15 =	vadd.f32 v38, v15  }
0x1b5: {  	v61 =	vmul.f32 v51, v51;
	v34 =	vld [tilespmem:s18+$0x2980];
	v14 =	vadd.f32 v39, v14;
	v16 =	vadd.f32 v33, v16  }
0x1b6: {  	v29 =	vmul.f32 v55, v55;
	v35 =	vld [tilespmem:s18+$0x2820];
	v11 =	vadd.f32 v49, v11;
	v15 =	vadd.f32 v43, v15  }
0x1b7: {  	v36 =	vmul.f32 v62, v62;
	v38 =	vld [tilespmem:s18+$0x2990];
	v14 =	vadd.f32 v44, v14;
	v16 =	vadd.f32 v37, v16  }
0x1b8: {  	v33 =	vmul.f32 v59, v59;
	v39 =	vld [tilespmem:s18+$0x2830];
	v11 =	vadd.f32 v53, v11;
	v15 =	vadd.f32 v47, v15  }
0x1b9: {  	s29 =	sadd.s32 $0xFA0, s19;
	v40 =	vmul.f32 v30, v30;
	v43 =	vld [tilespmem:s18+$0x2840];
	v14 =	vadd.f32 v48, v14;
	v16 =	vadd.f32 v42, v16  }
0x1ba: {  	s20 =	sand.u32 $0x3FFFFFA0, s29;
	v41 =	vmul.f32 v31, v31;
	v47 =	vld [tilespmem:s18+$0x2850];
	v11 =	vadd.f32 v57, v11;
	v15 =	vadd.f32 v51, v15  }
0x1bb: {  	v37 =	vmul.f32 v63, v63;
	v42 =	vld [tilespmem:s20+$0x1A00];
	v14 =	vadd.f32 v52, v14;
	v16 =	vadd.f32 v46, v16  }
0x1bc: {  	v44 =	vmul.f32 v34, v34;
	v51 =	vld [tilespmem:s18+$0x2860];
	v11 =	vadd.f32 v61, v11;
	v15 =	vadd.f32 v55, v15  }
0x1bd: {  	v45 =	vmul.f32 v35, v35;
	v46 =	vld [tilespmem:s18+$0x29B0];
	v14 =	vadd.f32 v56, v14;
	v16 =	vadd.f32 v50, v16  }
0x1be: {  	v48 =	vmul.f32 v38, v38;
	v55 =	vld [tilespmem:s18+$0x2870];
	v11 =	vadd.f32 v29, v11;
	v15 =	vadd.f32 v59, v15  }
0x1bf: {  	v49 =	vmul.f32 v39, v39;
	v50 =	vld [tilespmem:s18+$0x29C0];
	v14 =	vadd.f32 v60, v14;
	v16 =	vadd.f32 v54, v16  }
0x1c0: {  	v53 =	vmul.f32 v43, v43;
	v59 =	vld [tilespmem:s18+$0x2880];
	v11 =	vadd.f32 v33, v11;
	v15 =	vadd.f32 v63, v15  }
0x1c1: {  	v57 =	vmul.f32 v47, v47;
	v54 =	vld [tilespmem:s18+$0x29D0];
	v14 =	vadd.f32 v28, v14;
	v16 =	vadd.f32 v58, v16  }
0x1c2: {  	v52 =	vmul.f32 v42, v42;
	v33 =	vld [tilespmem:s18+$0x2A10];
	v11 =	vadd.f32 v37, v11;
	v15 =	vadd.f32 v31, v15  }
0x1c3: {  	s30 =	sadd.s32 $0x1040, s19;
	v61 =	vmul.f32 v51, v51;
	v63 =	vld [tilespmem:s18+$0x2890];
	v14 =	vadd.f32 v32, v14;
	v16 =	vadd.f32 v62, v16  }
0x1c4: {  	s20 =	sand.u32 $0x3FFFFE40, s30;
	v56 =	vmul.f32 v46, v46;
	v58 =	vld [tilespmem:s18+$0x29E0];
	v11 =	vadd.f32 v41, v11;
	v15 =	vadd.f32 v35, v15  }
0x1c5: {  	v29 =	vmul.f32 v55, v55;
	v37 =	vld [tilespmem:s20+$0x1A00];
	v14 =	vadd.f32 v36, v14;
	v16 =	vadd.f32 v30, v16  }
0x1c6: {  	v60 =	vmul.f32 v50, v50;
	v62 =	vld [tilespmem:s18+$0x29F0];
	v11 =	vadd.f32 v45, v11;
	v15 =	vadd.f32 v39, v15  }
0x1c7: {  	v32 =	vmul.f32 v59, v59;
	v39 =	vld [tilespmem:s18+$0x2A50];
	v14 =	vadd.f32 v40, v14;
	v16 =	vadd.f32 v34, v16  }
0x1c8: {  	v28 =	vmul.f32 v54, v54;
	v35 =	vld [tilespmem:s18+$0x2A20];
	v11 =	vadd.f32 v49, v11;
	v15 =	vadd.f32 v43, v15  }
0x1c9: {  	v41 =	vmul.f32 v33, v33;
	v30 =	vld [tilespmem:s18+$0x2A00];
	v14 =	vadd.f32 v44, v14;
	v16 =	vadd.f32 v38, v16  }
0x1ca: {  	v36 =	vmul.f32 v63, v63;
	v40 =	vld [tilespmem:s18+$0x2A30];
	v11 =	vadd.f32 v53, v11;
	v15 =	vadd.f32 v47, v15  }
0x1cb: {  	v31 =	vmul.f32 v58, v58;
	v43 =	vld [tilespmem:s18+$0x2A70];
	v14 =	vadd.f32 v48, v14;
	v16 =	vadd.f32 v42, v16  }
0x1cc: {  	v53 =	vld [tilespmem:s18+$0x2C00];
	v47 =	vmul.f32 v37, v37;
	v11 =	vadd.f32 v57, v11;
	v23 =	vadd.f32 v39, v37  }
0x1cd: {  	v42 =	vld [tilespmem:s18+$0x2A60];
	v20 =	vmul.f32 v39, v39;
	v15 =	vadd.f32 v51, v15;
	v14 =	vadd.f32 v52, v14  }
0x1ce: {  	s31 =	sadd.s32 $0x11E0, s19;
	v34 =	vmul.f32 v62, v62;
	v48 =	vld [tilespmem:s18+$0x2BF0];
	v16 =	vadd.f32 v46, v16;
	v17 =	vadd.f32 v61, v11  }
0x1cf: {  	s20 =	sand.u32 $0x3FFFFFE0, s31;
	v45 =	vmul.f32 v35, v35;
	v57 =	vld [tilespmem:s18+$0x2C10];
	v20 =	vadd.f32 v20, v47;
	v15 =	vadd.f32 v55, v15  }
0x1d0: {  	v38 =	vmul.f32 v30, v30;
	v46 =	vld [tilespmem:s20+$0x1A00];
	v14 =	vadd.f32 v56, v14;
	v16 =	vadd.f32 v50, v16  }
0x1d1: {  	v49 =	vmul.f32 v40, v40;
	v61 =	vld [tilespmem:s18+$0x2C20];
	v17 =	vadd.f32 v29, v17;
	v15 =	vadd.f32 v59, v15  }
0x1d2: {  	v50 =	vld [tilespmem:s18+$0x2A80];
	v51 =	vadd.f32 v42, v23;
	v52 =	vmul.f32 v42, v42;
	v14 =	vadd.f32 v60, v14  }
0x1d3: {  	v27 =	vld [tilespmem:s18+$0x2AB0];
	v24 =	vmul.f32 v53, v53;
	v16 =	vadd.f32 v54, v16;
	v17 =	vadd.f32 v32, v17  }
0x1d4: {  	v25 =	vmul.f32 v48, v48;
	v42 =	vld [tilespmem:s18+$0x2C70];
	v15 =	vadd.f32 v63, v15;
	v55 =	vadd.f32 v52, v20  }
0x1d5: {  	v22 =	vmul.f32 v57, v57;
	v54 =	vld [tilespmem:s18+$0x2A90];
	v56 =	vadd.f32 v43, v51;
	v18 =	vadd.f32 v48, v46  }
0x1d6: {  	v47 =	vld [tilespmem:s18+$0x2B10];
	v26 =	vmul.f32 v46, v46;
	v14 =	vadd.f32 v28, v14;
	v16 =	vadd.f32 v58, v16  }
0x1d7: {  	v63 =	vld [tilespmem:s18+$0x2AC0];
	v21 =	vmul.f32 v61, v61;
	v17 =	vadd.f32 v36, v17;
	v59 =	vadd.f32 v50, v56  }
0x1d8: {  	v46 =	vld [tilespmem:s18+$0x2C80];
	v15 =	vmul.f32 v15, v15;
	v25 =	vadd.f32 v25, v26;
	v18 =	vadd.f32 v53, v18  }
0x1d9: {  	v58 =	vld [tilespmem:s18+$0x2AA0];
	v60 =	vmul.f32 v50, v50;
	v14 =	vadd.f32 v31, v14;
	v16 =	vadd.f32 v62, v16  }
0x1da: {  	v52 =	vmul.f32 v42, v42;
	v13 =	vsub.f32 v15, v17;
	v19 =	vadd.f32 v54, v59  }
0x1db: {  	v51 =	vld [tilespmem:s18+$0x2B20];
	v17 =	vmul.f32 v43, v43;
	v24 =	vadd.f32 v24, v25;
	v18 =	vadd.f32 v57, v18  }
0x1dc: {  	v62 =	vld [tilespmem:s18+$0x2C30];
	v57 =	vmul.f32 v47, v47;
	v14 =	vadd.f32 v34, v14;
	v16 =	vadd.f32 v30, v16  }
0x1dd: {  	v11 =	vld [tilespmem:s17+$0xEAD0];
	v34 =	vmul.f32 v27, v27;
	v37 =	vmul.f32 v63, v63;
	v17 =	vadd.f32 v17, v55  }
0x1de: {  	v32 =	vld [tilespmem:s18+$0x2C40];
	v56 =	vmul.f32 v46, v46;
	v30 =	vadd.f32 v58, v19;
	v22 =	vadd.f32 v22, v24  }
0x1df: {  	v50 =	vld [tilespmem:s18+$0x2C90];
	v31 =	vmul.f32 v58, v58;
	v18 =	vadd.f32 v61, v18;
	v14 =	vadd.f32 v38, v14  }
0x1e0: {  	v43 =	vld [tilespmem:s18+$0x2B00];
	v13 =	vmul.f32 $5.000000000e-01, v13;
	v44 =	vadd.f32 v33, v16;
	v17 =	vadd.f32 v60, v17  }
0x1e1: {  	v39 =	vld [tilespmem:s18+$0x2AF0];
	v61 =	vmul.f32 v51, v51;
	v21 =	vadd.f32 v21, v22;
	v18 =	vadd.f32 v62, v18  }
0x1e2: {  	v36 =	vld [tilespmem:s18+$0x2AE0];
	v16 =	vmul.f32 v54, v54;
	v11 =	vadd.f32 v13, v11;
	v13 =	vadd.f32 v12, v10  }
0x1e3: {  	v55 =	vld [tilespmem:s18+$0x2B30];
	v20 =	vmul.f32 v62, v62;
	v14 =	vadd.f32 v41, v14;
	v15 =	vadd.f32 v35, v44  }
0x1e4: {  	s21 =	sadd.s32 $0x1140, s19;
	v33 =	vld [tilespmem:s18+$0x2AD0];
	v60 =	vmul.f32 v50, v50;
	v16 =	vadd.f32 v16, v17;
	v17 =	vadd.f32 v27, v30  }
0x1e5: {  	s20 =	sand.u32 $0x3FFFFF40, s21;
	v35 =	vld [tilespmem:s18+$0x2C50];
	v53 =	vmul.f32 v43, v43;
	v20 =	vadd.f32 v20, v21;
	v18 =	vadd.f32 v32, v18  }
0x1e6: {  	v59 =	vld [tilespmem:s20+$0x1A00];
	v14 =	vadd.f32 v45, v14;
	v15 =	vadd.f32 v40, v15;
	v40 =	vmul.f32 v32, v32  }
0x1e7: {  	v38 =	vld [tilespmem:s18+$0x2C60];
	v45 =	vmul.f32 v36, v36;
	v16 =	vadd.f32 v31, v16;
	v17 =	vadd.f32 v63, v17  }
0x1e8: {  	v58 =	vld [tilespmem:s18+$0x2CB0];
	v14 =	vadd.f32 v49, v14;
	v20 =	vadd.f32 v40, v20;
	v15 =	vmul.f32 v15, v15  }
0x1e9: {  	v54 =	vld [tilespmem:s18+$0x2CA0];
	v29 =	vmul.f32 v55, v55;
	v16 =	vadd.f32 v34, v16;
	v17 =	vadd.f32 v33, v17  }
0x1ea: {  	v24 =	vld [tilespmem:s17+$0xEB1E];
	v18 =	vadd.f32 v35, v18;
	v44 =	vmul.f32 v35, v35;
	v14 =	vsub.f32 v15, v14  }
0x1eb: {  	v62 =	vld [tilespmem:s18+$0x2CC0];
	v41 =	vmul.f32 v33, v33;
	v16 =	vadd.f32 v37, v16;
	v17 =	vadd.f32 v36, v17  }
0x1ec: {  	v30 =	vld [tilespmem:s18+$0x2CD0];
	v48 =	vmul.f32 v38, v38;
	v20 =	vadd.f32 v44, v20;
	v18 =	vadd.f32 v38, v18  }
0x1ed: {  	s22 =	sadd.s32 $0x12E0, s19;
	v32 =	vmul.f32 v58, v58;
	v63 =	vld [tilespmem:s18+$0x2B50];
	v16 =	vadd.f32 v41, v16;
	v17 =	vadd.f32 v39, v17  }
0x1ee: {  	s20 =	sand.u32 $0x3FFFFEE0, s22;
	v28 =	vmul.f32 v54, v54;
	v31 =	vld [tilespmem:s18+$0x2B60];
	v20 =	vadd.f32 v48, v20;
	v18 =	vadd.f32 v42, v18  }
0x1ef: {  	v49 =	vmul.f32 v39, v39;
	v34 =	vld [tilespmem:s20+$0x1A00];
	v16 =	vadd.f32 v45, v16;
	v17 =	vadd.f32 v43, v17  }
0x1f0: {  	v33 =	vmul.f32 v59, v59;
	v35 =	vld [tilespmem:s18+$0x2B70];
	v20 =	vadd.f32 v52, v20;
	v18 =	vadd.f32 v46, v18  }
0x1f1: {  	v40 =	vmul.f32 v30, v30;
	v38 =	vld [tilespmem:s18+$0x2CF0];
	v16 =	vadd.f32 v49, v16;
	v17 =	vadd.f32 v47, v17  }
0x1f2: {  	v36 =	vmul.f32 v62, v62;
	v39 =	vld [tilespmem:s18+$0x2B80];
	v20 =	vadd.f32 v56, v20;
	v18 =	vadd.f32 v50, v18  }
0x1f3: {  	v37 =	vmul.f32 v63, v63;
	v42 =	vld [tilespmem:s18+$0x2D00];
	v16 =	vadd.f32 v53, v16;
	v17 =	vadd.f32 v51, v17  }
0x1f4: {  	v41 =	vmul.f32 v31, v31;
	v43 =	vld [tilespmem:s18+$0x2B90];
	v20 =	vadd.f32 v60, v20;
	v18 =	vadd.f32 v54, v18  }
0x1f5: {  	v44 =	vmul.f32 v34, v34;
	v46 =	vld [tilespmem:s18+$0x2D10];
	v16 =	vadd.f32 v57, v16;
	v17 =	vadd.f32 v55, v17  }
0x1f6: {  	v45 =	vmul.f32 v35, v35;
	v47 =	vld [tilespmem:s18+$0x2BA0];
	v20 =	vadd.f32 v28, v20;
	v18 =	vadd.f32 v58, v18  }
0x1f7: {  	v48 =	vmul.f32 v38, v38;
	v50 =	vld [tilespmem:s18+$0x2D20];
	v16 =	vadd.f32 v61, v16;
	v17 =	vadd.f32 v59, v17  }
0x1f8: {  	v49 =	vmul.f32 v39, v39;
	v51 =	vld [tilespmem:s18+$0x2BB0];
	v20 =	vadd.f32 v32, v20;
	v18 =	vadd.f32 v62, v18  }
0x1f9: {  	v52 =	vmul.f32 v42, v42;
	v54 =	vld [tilespmem:s18+$0x2D30];
	v16 =	vadd.f32 v29, v16;
	v17 =	vadd.f32 v63, v17  }
0x1fa: {  	v53 =	vmul.f32 v43, v43;
	v55 =	vld [tilespmem:s18+$0x2BC0];
	v20 =	vadd.f32 v36, v20;
	v18 =	vadd.f32 v30, v18  }
0x1fb: {  	v56 =	vmul.f32 v46, v46;
	v58 =	vld [tilespmem:s18+$0x2D40];
	v16 =	vadd.f32 v33, v16;
	v17 =	vadd.f32 v31, v17  }
0x1fc: {  	v57 =	vmul.f32 v47, v47;
	v59 =	vld [tilespmem:s18+$0x2BD0];
	v20 =	vadd.f32 v40, v20;
	v18 =	vadd.f32 v34, v18  }
0x1fd: {  	v60 =	vmul.f32 v50, v50;
	v62 =	vld [tilespmem:s18+$0x2D50];
	v16 =	vadd.f32 v37, v16;
	v17 =	vadd.f32 v35, v17  }
0x1fe: {  	v32 =	vld [tilespmem:s18+$0x2D60];
	v61 =	vmul.f32 v51, v51;
	v20 =	vadd.f32 v44, v20;
	v18 =	vadd.f32 v38, v18  }
0x1ff: {  	v63 =	vld [tilespmem:s17+$0xEAE0];
	v30 =	vmul.f32 v54, v54;
	v16 =	vadd.f32 v41, v16;
	v17 =	vadd.f32 v39, v17  }
0x200: {  	v36 =	vld [tilespmem:s18+$0x2D70];
	v31 =	vmul.f32 v55, v55;
	v20 =	vadd.f32 v48, v20;
	v18 =	vadd.f32 v42, v18  }
0x201: {  	v33 =	vld [tilespmem:s17+$0xEAEA];
	v34 =	vmul.f32 v58, v58;
	v16 =	vadd.f32 v45, v16;
	v17 =	vadd.f32 v43, v17  }
0x202: {  	v40 =	vld [tilespmem:s17+$0xEB14];
	v35 =	vmul.f32 v59, v59;
	v20 =	vadd.f32 v52, v20;
	v18 =	vadd.f32 v46, v18  }
0x203: {  	s23 =	sadd.s32 $0x1380, s19;
	v37 =	vld [tilespmem:s17+$0xEAFA];
	v38 =	vmul.f32 v62, v62;
	v16 =	vadd.f32 v49, v16;
	v17 =	vadd.f32 v47, v17  }
0x204: {  	s20 =	sand.u32 $0x3FFFFF80, s23;
	v46 =	vld [tilespmem:s18+$0x2D90];
	v20 =	vadd.f32 v56, v20;
	v18 =	vadd.f32 v50, v18;
	v47 =	vmul.f32 $5.000000000e-01, v14  }
0x205: {  	s24 =	sadd.s32 $0x1520, s19;
	v43 =	vld [tilespmem:s20+$0x1A00];
	v50 =	vmul.f32 v1, v63;
	v16 =	vadd.f32 v53, v16;
	v17 =	vadd.f32 v51, v17  }
0x206: {  	v41 =	vmul.f32 v32, v32;
	v48 =	vld [tilespmem:s18+$0x2DA0];
	s20 =	sand.u32 $0x3FFFFF20, s24;
	v20 =	vadd.f32 v60, v20;
	v18 =	vadd.f32 v54, v18  }
0x207: {  	v45 =	vmul.f32 v36, v36;
	v49 =	vld [tilespmem:s20+$0x1A00];
	v51 =	vadd.f32 v47, v33;
	v12 =	vadd.f32 v11, v50  }
0x208: {  	v52 =	vmul.f32 v1, v37;
	v53 =	vld [tilespmem:s18+$0x2F30];
	v16 =	vadd.f32 v57, v16;
	v17 =	vadd.f32 v55, v17  }
0x209: {  	v39 =	vld [tilespmem:s17+$0xEB04];
	v21 =	vmul.f32 v46, v46;
	v20 =	vadd.f32 v30, v20;
	v18 =	vadd.f32 v58, v18  }
0x20a: {  	v56 =	vld [tilespmem:s18+$0x2F40];
	v11 =	vadd.f32 v51, v52;
	v58 =	vmul.f32 v43, v43;
	v16 =	vadd.f32 v61, v16  }
0x20b: {  	v63 =	vld [tilespmem:s18+$0x2DE0];
	v14 =	vmul.f32 v48, v48;
	v17 =	vadd.f32 v59, v17;
	v20 =	vadd.f32 v34, v20  }
0x20c: {  	v18 =	vadd.f32 v62, v18;
	v59 =	vld [tilespmem:s18+$0x2F50];
	v61 =	vmul.f32 v49, v49;
	v19 =	vadd.f32 v21, v58  }
0x20d: {  	v60 =	vld [tilespmem:s18+$0x2DD0];
	v26 =	vmul.f32 v53, v53;
	v16 =	vadd.f32 v31, v16;
	v20 =	vadd.f32 v38, v20  }
0x20e: {  	v54 =	vmul.f32 v1, v40;
	v62 =	vld [tilespmem:s18+$0x2F60];
	v18 =	vadd.f32 v32, v18;
	v14 =	vadd.f32 v14, v19  }
0x20f: {  	v33 =	vld [tilespmem:s18+$0x2E00];
	v22 =	vmul.f32 v56, v56;
	v25 =	vadd.f32 v26, v61;
	v16 =	vadd.f32 v35, v16  }
0x210: {  	v55 =	vld [tilespmem:s18+$0x2DB0];
	v17 =	vmul.f32 v17, v17;
	v44 =	vadd.f32 v41, v20;
	v18 =	vadd.f32 v36, v18  }
0x211: {  	v47 =	vld [tilespmem:s18+$0x2E40];
	v20 =	vadd.f32 v53, v49;
	v22 =	vadd.f32 v22, v25;
	v23 =	vmul.f32 v59, v59  }
0x212: {  	v50 =	vld [tilespmem:s18+$0x2FD0];
	v42 =	vsub.f32 v17, v16;
	v17 =	vadd.f32 v45, v44;
	v18 =	vmul.f32 v18, v18  }
0x213: {  	v30 =	vld [tilespmem:s18+$0x2F70];
	v21 =	vmul.f32 v62, v62;
	v16 =	vadd.f32 v46, v43;
	v20 =	vadd.f32 v56, v20  }
0x214: {  	v57 =	vld [tilespmem:s18+$0x2DC0];
	v22 =	vadd.f32 v23, v22;
	v15 =	vmul.f32 $5.000000000e-01, v42;
	v17 =	vsub.f32 v18, v17  }
0x215: {  	v32 =	vld [tilespmem:s18+$0x2F80];
	v16 =	vadd.f32 v48, v16;
	v18 =	vmul.f32 v55, v55;
	v20 =	vadd.f32 v59, v20  }
0x216: {  	v51 =	vld [tilespmem:s18+$0x2E50];
	v37 =	vmul.f32 v63, v63;
	v21 =	vadd.f32 v21, v22;
	v15 =	vadd.f32 v15, v39  }
0x217: {  	v34 =	vmul.f32 v60, v60;
	v35 =	vld [tilespmem:s18+$0x2F90];
	v16 =	vadd.f32 v55, v16;
	v14 =	vadd.f32 v18, v14  }
0x218: {  	v58 =	vld [tilespmem:s18+$0x2FF0];
	v19 =	vmul.f32 v30, v30;
	v20 =	vadd.f32 v62, v20;
	v10 =	vadd.f32 v15, v54  }
0x219: {  	v38 =	vld [tilespmem:s18+$0x2FA0];
	v15 =	vmul.f32 $5.000000000e-01, v17;
	v16 =	vadd.f32 v57, v16;
	v17 =	vmul.f32 v57, v57  }
0x21a: {  	v31 =	vld [tilespmem:s18+$0x2DF0];
	v18 =	vmul.f32 v32, v32;
	v19 =	vadd.f32 v19, v21;
	v20 =	vadd.f32 v30, v20  }
0x21b: {  	v61 =	vmul.f32 v47, v47;
	v41 =	vld [tilespmem:s18+$0x2FB0];
	v14 =	vadd.f32 v17, v14;
	v16 =	vadd.f32 v60, v16  }
0x21c: {  	v36 =	vld [tilespmem:s18+$0x2E10];
	v44 =	vmul.f32 v35, v35;
	v18 =	vadd.f32 v18, v19;
	v20 =	vadd.f32 v32, v20  }
0x21d: {  	v45 =	vmul.f32 v33, v33;
	v46 =	vld [tilespmem:s18+$0x2FC0];
	v14 =	vadd.f32 v34, v14;
	v16 =	vadd.f32 v63, v16  }
0x21e: {  	v42 =	vld [tilespmem:s18+$0x2E30];
	v48 =	vmul.f32 v38, v38;
	v15 =	vadd.f32 v15, v24;
	v18 =	vadd.f32 v44, v18  }
0x21f: {  	v40 =	vmul.f32 v31, v31;
	v59 =	vld [tilespmem:s18+$0x2E70];
	v14 =	vadd.f32 v37, v14;
	v16 =	vadd.f32 v31, v16  }
0x220: {  	v52 =	vmul.f32 v41, v41;
	v39 =	vld [tilespmem:s18+$0x2E20];
	v43 =	vadd.f32 v35, v20;
	v18 =	vadd.f32 v48, v18  }
0x221: {  	v49 =	vmul.f32 v36, v36;
	v54 =	vld [tilespmem:s18+$0x2FE0];
	v14 =	vadd.f32 v40, v14;
	v16 =	vadd.f32 v33, v16  }
0x222: {  	s25 =	sadd.s32 $0x1480, s19;
	v55 =	vld [tilespmem:s18+$0x2E60];
	v56 =	vmul.f32 v46, v46;
	v19 =	vadd.f32 v38, v43;
	v18 =	vadd.f32 v52, v18  }
0x223: {  	s20 =	sand.u32 $0x3FFFFE80, s25;
	v62 =	vld [tilespmem:s18+$0x3000];
	v30 =	vmul.f32 v51, v51;
	v14 =	vadd.f32 v45, v14;
	v16 =	vadd.f32 v36, v16  }
0x224: {  	s26 =	sadd.s32 $0x1620, s19;
	v60 =	vmul.f32 v50, v50;
	v63 =	vld [tilespmem:s20+$0x1A00];
	v19 =	vadd.f32 v41, v19;
	v18 =	vadd.f32 v56, v18  }
0x225: {  	v53 =	vmul.f32 v39, v39;
	s20 =	sand.u32 $0x3FFFFE20, s26;
	v35 =	vld [tilespmem:s18+$0x2E90];
	v14 =	vadd.f32 v49, v14;
	v16 =	vadd.f32 v39, v16  }
0x226: {  	v29 =	vmul.f32 v54, v54;
	v34 =	vld [tilespmem:s20+$0x1A00];
	v19 =	vadd.f32 v46, v19;
	v18 =	vadd.f32 v60, v18  }
0x227: {  	v57 =	vmul.f32 v42, v42;
	v31 =	vld [tilespmem:s18+$0x3010];
	v14 =	vadd.f32 v53, v14;
	v16 =	vadd.f32 v42, v16  }
0x228: {  	v32 =	vmul.f32 v58, v58;
	v38 =	vld [tilespmem:s18+$0x3030];
	v19 =	vadd.f32 v50, v19;
	v18 =	vadd.f32 v29, v18  }
0x229: {  	v37 =	vmul.f32 v59, v59;
	v43 =	vld [tilespmem:s18+$0x2EB0];
	v14 =	vadd.f32 v57, v14;
	v16 =	vadd.f32 v47, v16  }
0x22a: {  	v36 =	vmul.f32 v62, v62;
	v46 =	vld [tilespmem:s18+$0x3050];
	v19 =	vadd.f32 v54, v19;
	v18 =	vadd.f32 v32, v18  }
0x22b: {  	v33 =	vmul.f32 v55, v55;
	v39 =	vld [tilespmem:s18+$0x2EA0];
	v14 =	vadd.f32 v61, v14;
	v16 =	vadd.f32 v51, v16  }
0x22c: {  	v40 =	vmul.f32 v31, v31;
	v50 =	vld [tilespmem:s18+$0x3060];
	v19 =	vadd.f32 v58, v19;
	v18 =	vadd.f32 v36, v18  }
0x22d: {  	v41 =	vmul.f32 v63, v63;
	v42 =	vld [tilespmem:s18+$0x3040];
	v14 =	vadd.f32 v30, v14;
	v16 =	vadd.f32 v55, v16  }
0x22e: {  	v44 =	vmul.f32 v34, v34;
	v54 =	vld [tilespmem:s18+$0x3070];
	v19 =	vadd.f32 v62, v19;
	v18 =	vadd.f32 v40, v18  }
0x22f: {  	v45 =	vmul.f32 v35, v35;
	v32 =	vld [tilespmem:s18+$0x2F10];
	v14 =	vadd.f32 v33, v14;
	v16 =	vadd.f32 v59, v16  }
0x230: {  	v48 =	vmul.f32 v38, v38;
	v47 =	vld [tilespmem:s18+$0x2EC0];
	v19 =	vadd.f32 v31, v19;
	v18 =	vadd.f32 v44, v18  }
0x231: {  	v53 =	vmul.f32 v43, v43;
	v58 =	vld [tilespmem:s18+$0x3080];
	v14 =	vadd.f32 v37, v14;
	v16 =	vadd.f32 v63, v16  }
0x232: {  	v51 =	vld [tilespmem:s18+$0x2ED0];
	v52 =	vmul.f32 v42, v42;
	v19 =	vadd.f32 v34, v19;
	v18 =	vadd.f32 v48, v18  }
0x233: {  	s28 =	sadd.s32 $0x16C0, s19;
	v56 =	vmul.f32 v46, v46;
	v62 =	vld [tilespmem:s18+$0x3090];
	v14 =	vadd.f32 v41, v14;
	v16 =	vadd.f32 v35, v16  }
0x234: {  	s20 =	sand.u32 $0x3FFFFEC0, s28;
	v49 =	vmul.f32 v39, v39;
	v40 =	vld [tilespmem:s18+$0x30D0];
	v19 =	vadd.f32 v38, v19;
	v18 =	vadd.f32 v52, v18  }
0x235: {  	v60 =	vmul.f32 v50, v50;
	v38 =	vld [tilespmem:s20+$0x1A00];
	v14 =	vadd.f32 v45, v14;
	v16 =	vadd.f32 v39, v16  }
0x236: {  	v29 =	vmul.f32 v54, v54;
	v55 =	vld [tilespmem:s18+$0x2EE0];
	v19 =	vadd.f32 v42, v19;
	v18 =	vadd.f32 v56, v18  }
0x237: {  	v31 =	vld [tilespmem:s18+$0x30A0];
	v57 =	vmul.f32 v47, v47;
	v14 =	vadd.f32 v49, v14;
	v16 =	vadd.f32 v43, v16  }
0x238: {  	s29 =	sadd.s32 $0x1860, s19;
	v59 =	vld [tilespmem:s18+$0x2EF0];
	v33 =	vmul.f32 v58, v58;
	v19 =	vadd.f32 v46, v19;
	v18 =	vadd.f32 v60, v18  }
0x239: {  	v61 =	vmul.f32 v51, v51;
	v63 =	vld [tilespmem:s18+$0x2F00];
	s20 =	sand.u32 $0x3FFFFE60, s29;
	v14 =	vadd.f32 v53, v14;
	v16 =	vadd.f32 v47, v16  }
0x23a: {  	v36 =	vmul.f32 v62, v62;
	v44 =	vld [tilespmem:s20+$0x1A00];
	v23 =	vadd.f32 v40, v38;
	v19 =	vadd.f32 v50, v19  }
0x23b: {  	v21 =	vmul.f32 v40, v40;
	v45 =	vld [tilespmem:s18+$0x3270];
	v14 =	vadd.f32 v57, v14;
	v16 =	vadd.f32 v51, v16  }
0x23c: {  	v30 =	vmul.f32 v55, v55;
	v18 =	vadd.f32 v29, v18;
	v19 =	vadd.f32 v54, v19  }
0x23d: {  	v35 =	vld [tilespmem:s18+$0x30B0];
	v41 =	vmul.f32 v32, v32;
	v14 =	vadd.f32 v61, v14;
	v16 =	vadd.f32 v55, v16  }
0x23e: {  	v42 =	vld [tilespmem:s18+$0x30E0];
	v34 =	vmul.f32 v59, v59;
	v18 =	vadd.f32 v33, v18;
	v19 =	vadd.f32 v58, v19  }
0x23f: {  	v39 =	vmul.f32 v31, v31;
	v17 =	vadd.f32 v30, v14;
	v16 =	vadd.f32 v59, v16  }
0x240: {  	v37 =	vmul.f32 v63, v63;
	v26 =	vadd.f32 v45, v44;
	v19 =	vadd.f32 v62, v19  }
0x241: {  	v28 =	vmul.f32 v44, v44;
	v17 =	vadd.f32 v34, v17;
	v16 =	vadd.f32 v63, v16  }
0x242: {  	v46 =	vld [tilespmem:s18+$0x30F0];
	v43 =	vmul.f32 v35, v35;
	v18 =	vadd.f32 v36, v18;
	v19 =	vadd.f32 v31, v19  }
0x243: {  	v48 =	vld [tilespmem:s18+$0x3280];
	v52 =	vmul.f32 v42, v42;
	v17 =	vadd.f32 v37, v17;
	v16 =	vadd.f32 v32, v16  }
0x244: {  	v56 =	vld [tilespmem:s18+$0x3120];
	v47 =	vmul.f32 v38, v38;
	v18 =	vadd.f32 v39, v18;
	v19 =	vadd.f32 v35, v19  }
0x245: {  	v49 =	vld [tilespmem:s18+$0x3100];
	v51 =	vadd.f32 v42, v23;
	v17 =	vadd.f32 v41, v17;
	v16 =	vmul.f32 v16, v16  }
0x246: {  	v53 =	vld [tilespmem:s18+$0x3290];
	v50 =	vadd.f32 v21, v47;
	v18 =	vadd.f32 v43, v18;
	v19 =	vmul.f32 v19, v19  }
0x247: {  	v54 =	vld [tilespmem:s18+$0x3110];
	v22 =	vmul.f32 v45, v45;
	v21 =	vadd.f32 v46, v51;
	v17 =	vsub.f32 v16, v17  }
0x248: {  	v20 =	vmul.f32 v46, v46;
	v55 =	vld [tilespmem:s18+$0x32A0];
	v16 =	vsub.f32 v19, v18;
	v19 =	vadd.f32 v52, v50  }
0x249: {  	v27 =	vmul.f32 v48, v48;
	v40 =	vld [tilespmem:s18+$0x3170];
	v22 =	vadd.f32 v22, v28;
	v26 =	vadd.f32 v48, v26  }
0x24a: {  	v58 =	vld [tilespmem:s18+$0x32B0];
	v57 =	vadd.f32 v49, v21;
	v18 =	vmul.f32 v49, v49;
	v19 =	vadd.f32 v20, v19  }
0x24b: {  	v22 =	vadd.f32 v27, v22;
	v26 =	vadd.f32 v53, v26;
	v24 =	vmul.f32 v53, v53;
	v59 =	vld [tilespmem:s18+$0x3130]  }
0x24c: {  	v62 =	vld [tilespmem:s18+$0x32C0];
	v61 =	vmul.f32 v54, v54;
	v60 =	vadd.f32 v54, v57;
	v18 =	vadd.f32 v18, v19  }
0x24d: {  	v22 =	vadd.f32 v24, v22;
	v63 =	vld [tilespmem:s18+$0x3140];
	v26 =	vadd.f32 v55, v26;
	v23 =	vmul.f32 v55, v55  }
0x24e: {  	v33 =	vld [tilespmem:s18+$0x32D0];
	v32 =	vmul.f32 v56, v56;
	v19 =	vadd.f32 v56, v60;
	v18 =	vadd.f32 v61, v18  }
0x24f: {  	v21 =	vmul.f32 v58, v58;
	v34 =	vld [tilespmem:s18+$0x3150];
	v22 =	vadd.f32 v23, v22;
	v26 =	vadd.f32 v58, v26  }
0x250: {  	v36 =	vld [tilespmem:s18+$0x32E0];
	v35 =	vmul.f32 v59, v59;
	v19 =	vadd.f32 v59, v19;
	v18 =	vadd.f32 v32, v18  }
0x251: {  	v25 =	vmul.f32 v62, v62;
	v37 =	vld [tilespmem:s18+$0x3160];
	v21 =	vadd.f32 v21, v22;
	v26 =	vadd.f32 v62, v26  }
0x252: {  	v39 =	vld [tilespmem:s18+$0x32F0];
	v38 =	vmul.f32 v63, v63;
	v19 =	vadd.f32 v63, v19;
	v18 =	vadd.f32 v35, v18  }
0x253: {  	v29 =	vld [tilespmem:s17+$0xEB7C];
	v28 =	vmul.f32 v33, v33;
	v21 =	vadd.f32 v25, v21;
	v26 =	vadd.f32 v33, v26  }
0x254: {  	v42 =	vld [tilespmem:s18+$0x3300];
	v41 =	vmul.f32 v34, v34;
	v19 =	vadd.f32 v34, v19;
	v18 =	vadd.f32 v38, v18  }
0x255: {  	v43 =	vld [tilespmem:s18+$0x3180];
	v27 =	vmul.f32 v36, v36;
	v21 =	vadd.f32 v28, v21;
	v26 =	vadd.f32 v36, v26  }
0x256: {  	v45 =	vld [tilespmem:s18+$0x3310];
	v44 =	vmul.f32 v37, v37;
	v19 =	vadd.f32 v37, v19;
	v18 =	vadd.f32 v41, v18  }
0x257: {  	v46 =	vld [tilespmem:s18+$0x3190];
	v24 =	vmul.f32 v39, v39;
	v21 =	vadd.f32 v27, v21;
	v26 =	vadd.f32 v39, v26  }
0x258: {  	v47 =	vmul.f32 v40, v40;
	v48 =	vld [tilespmem:s18+$0x3320];
	v19 =	vadd.f32 v40, v19;
	v18 =	vadd.f32 v44, v18  }
0x259: {  	v23 =	vmul.f32 v42, v42;
	v49 =	vld [tilespmem:s18+$0x31A0];
	v21 =	vadd.f32 v24, v21;
	v26 =	vadd.f32 v42, v26  }
0x25a: {  	v51 =	vld [tilespmem:s18+$0x3330];
	v50 =	vmul.f32 v43, v43;
	v19 =	vadd.f32 v43, v19;
	v18 =	vadd.f32 v47, v18  }
0x25b: {  	s30 =	sadd.s32 $0x17C0, s19;
	v22 =	vmul.f32 v45, v45;
	v52 =	vld [tilespmem:s18+$0x31B0];
	v21 =	vadd.f32 v23, v21;
	v26 =	vadd.f32 v45, v26  }
0x25c: {  	s20 =	sand.u32 $0x3FFFFFC0, s30;
	v54 =	vld [tilespmem:s18+$0x3340];
	v53 =	vmul.f32 v46, v46;
	v19 =	vadd.f32 v46, v19;
	v18 =	vadd.f32 v50, v18  }
0x25d: {  	v55 =	vld [tilespmem:s20+$0x1A00];
	v25 =	vmul.f32 v48, v48;
	v21 =	vadd.f32 v22, v21;
	v26 =	vadd.f32 v48, v26  }
0x25e: {  	s19 =	sadd.s32 $0x1960, s19;
	v57 =	vld [tilespmem:s18+$0x3350];
	v56 =	vmul.f32 v49, v49;
	v19 =	vadd.f32 v49, v19;
	v18 =	vadd.f32 v53, v18  }
0x25f: {  	s19 =	sand.u32 $0x3FFFFF60, s19;
	v58 =	vld [tilespmem:s18+$0x31D0];
	v28 =	vmul.f32 v51, v51;
	v21 =	vadd.f32 v25, v21;
	v26 =	vadd.f32 v51, v26  }
0x260: {  	v60 =	vld [tilespmem:s19+$0x1A00];
	v59 =	vmul.f32 v52, v52;
	v19 =	vadd.f32 v52, v19;
	v18 =	vadd.f32 v56, v18  }
0x261: {  	v27 =	vmul.f32 v54, v54;
	v61 =	vld [tilespmem:s18+$0x31E0];
	v21 =	vadd.f32 v28, v21;
	v26 =	vadd.f32 v54, v26  }
0x262: {  	v62 =	vmul.f32 v55, v55;
	v63 =	vld [tilespmem:s18+$0x3370];
	v19 =	vadd.f32 v55, v19;
	v18 =	vadd.f32 v59, v18  }
0x263: {  	v24 =	vmul.f32 v57, v57;
	v32 =	vld [tilespmem:s18+$0x31F0];
	v21 =	vadd.f32 v27, v21;
	v26 =	vadd.f32 v57, v26  }
0x264: {  	v33 =	vmul.f32 v58, v58;
	v34 =	vld [tilespmem:s18+$0x3380];
	v19 =	vadd.f32 v58, v19;
	v18 =	vadd.f32 v62, v18  }
0x265: {  	v23 =	vmul.f32 v60, v60;
	v35 =	vld [tilespmem:s18+$0x3200];
	v21 =	vadd.f32 v24, v21;
	v26 =	vadd.f32 v60, v26  }
0x266: {  	v36 =	vmul.f32 v61, v61;
	v37 =	vld [tilespmem:s18+$0x3390];
	v19 =	vadd.f32 v61, v19;
	v18 =	vadd.f32 v33, v18  }
0x267: {  	v38 =	vld [tilespmem:s18+$0x3210];
	v22 =	vmul.f32 v63, v63;
	v21 =	vadd.f32 v23, v21;
	v26 =	vadd.f32 v63, v26  }
0x268: {  	v39 =	vmul.f32 v32, v32;
	v40 =	vld [tilespmem:s18+$0x33A0];
	v19 =	vadd.f32 v32, v19;
	v18 =	vadd.f32 v36, v18  }
0x269: {  	v41 =	vld [tilespmem:s18+$0x3220];
	v25 =	vmul.f32 v34, v34;
	v21 =	vadd.f32 v22, v21;
	v26 =	vadd.f32 v34, v26  }
0x26a: {  	v42 =	vmul.f32 v35, v35;
	v43 =	vld [tilespmem:s18+$0x33B0];
	v19 =	vadd.f32 v35, v19;
	v18 =	vadd.f32 v39, v18  }
0x26b: {  	v44 =	vld [tilespmem:s18+$0x3230];
	v28 =	vmul.f32 v37, v37;
	v21 =	vadd.f32 v25, v21;
	v26 =	vadd.f32 v37, v26  }
0x26c: {  	v45 =	vmul.f32 v38, v38;
	v46 =	vld [tilespmem:s18+$0x33C0];
	v19 =	vadd.f32 v38, v19;
	v18 =	vadd.f32 v42, v18  }
0x26d: {  	v47 =	vld [tilespmem:s18+$0x3240];
	v27 =	vmul.f32 v40, v40;
	v21 =	vadd.f32 v28, v21;
	v26 =	vadd.f32 v40, v26  }
0x26e: {  	v48 =	vmul.f32 v41, v41;
	v49 =	vld [tilespmem:s18+$0x33D0];
	v19 =	vadd.f32 v41, v19;
	v18 =	vadd.f32 v45, v18  }
0x26f: {  	v50 =	vld [tilespmem:s18+$0x3250];
	v24 =	vmul.f32 v43, v43;
	v21 =	vadd.f32 v27, v21;
	v26 =	vadd.f32 v43, v26  }
0x270: {  	v51 =	vmul.f32 v44, v44;
	v52 =	vld [tilespmem:s18+$0x33E0];
	v19 =	vadd.f32 v44, v19;
	v18 =	vadd.f32 v48, v18  }
0x271: {  	v14 =	vld [tilespmem:s17+$0xEB2E];
	v23 =	vmul.f32 v46, v46;
	v21 =	vadd.f32 v24, v21;
	v26 =	vadd.f32 v46, v26  }
0x272: {  	(xrf2) =	vadd.scan.msk.f32 $0xffff, v3;
	v60 =	vld [tilespmem:s17+$0xEB52];
	v55 =	vmul.f32 v47, v47;
	v54 =	vadd.f32 v47, v19;
	v3 =	vadd.f32 v51, v18  }
0x273: {  	(xrf2) =	vadd.scan.msk.f32 $0xffff, v4;
	v56 =	vld [tilespmem:s18+$0x33F0];
	v22 =	vmul.f32 v49, v49;
	v57 =	vadd.f32 v23, v21;
	v59 =	vadd.f32 v49, v26  }
0x274: {  	(xrf2) =	vadd.scan.msk.f32 $0xffff, v5;
	v53 =	vld [tilespmem:s17+$0xEB38];
	v61 =	vmul.f32 v50, v50;
	v18 =	vadd.f32 v50, v54;
	v3 =	vadd.f32 v55, v3  }
0x275: {  	(xrf2) =	vadd.scan.msk.f32 $0xffff, v6;
	v58 =	vld [tilespmem:s17+$0xEB48];
	v25 =	vmul.f32 v52, v52;
	v4 =	vadd.f32 v22, v57  }
0x276: {  	(xrf2) =	vadd.scan.msk.f32 $0xffff, v7;
	v28 =	vld [tilespmem:s17+$0xEB6C];
	v63 =	vadd.f32 v52, v59;
	v27 =	vmul.f32 v18, v18;
	v3 =	vadd.f32 v61, v3  }
0x277: {  	(xrf2) =	vadd.scan.msk.f32 $0xffff, v8;
	v8 =	vmul.f32 v1, v29;
	v31 =	vmul.f32 $5.000000000e-01, v17;
	v62 =	vld [tilespmem:s17+$0xEB62];
	v4 =	vadd.f32 v25, v4  }
0x278: {  	v20 =	vmul.f32 v56, v56;
	v30 =	vadd.f32 v56, v63;
	v3 =	vsub.f32 v27, v3  }
0x279: {  	(xrf2) =	vadd.scan.msk.f32 $0xffff, v9;
	v9 =	vadd.f32 v31, v53;
	v32 =	vmul.f32 $5.000000000e-01, v16;
	v26 =	vmul.f32 v1, v14  }
0x27a: {  	(xrf2) =	vadd.scan.msk.f32 $0xffff, v13;
	v34 =	vld [tilespmem:s17+$0xEB86];
	v4 =	vadd.f32 v20, v4;
	v33 =	vmul.f32 v30, v30;
	v3 =	vmul.f32 $5.000000000e-01, v3  }
0x27b: {  	(xrf2) =	vadd.scan.msk.f32 $0xffff, v12;
	v35 =	vmul.f32 v1, v58;
	v36 =	vld [tilespmem:s17+$0xEB96];
	v5 =	vadd.f32 v32, v60;
	v7 =	vadd.f32 v15, v26  }
0x27c: {  	(xrf2) =	vadd.scan.msk.f32 $0xffff, v11;
	v6 =	vmul.f32 v1, v62;
	v4 =	vsub.f32 v33, v4;
	v3 =	vadd.f32 v3, v28  }
0x27d: {  	v37, _, _ =	vpop (xrf2);
	(xrf2) =	vadd.scan.msk.f32 $0xffff, v10;
	v9 =	vadd.f32 v9, v35  }
0x27e: {  	v38, _, _ =	vpop (xrf2);
	v5 =	vadd.f32 v5, v6;
	(xrf2) =	vadd.scan.msk.f32 $0xffff, v7;
	v4 =	vmul.f32 $5.000000000e-01, v4;
	v3 =	vadd.f32 v3, v8  }
0x27f: {  	v40 =	vbroadcast v37, $0xF;
	v39, _, _ =	vpop (xrf2);
	v41 =	vbroadcast v38, $0xF;
	(xrf2) =	vadd.scan.msk.f32 $0xffff, v9  }
0x280: {  	v42, _, _ =	vpop (xrf2);
	v43 =	vbroadcast v39, $0xF;
	v44 =	vmul.f32 v1, v36;
	(xrf2) =	vadd.scan.msk.f32 $0xffff, v5;
	v4 =	vadd.f32 v4, v34  }
0x281: {  	v7 =	vsel vm0, v40, v41;
	v45, _, _ =	vpop (xrf2);
	v8 =	vbroadcast v42, $0xF;
	(xrf2) =	vadd.scan.msk.f32 $0xffff, v3  }
0x282: {  	v5 =	vsel vm1, v7, v43;
	v46 =	vbroadcast v45, $0xF;
	v4 =	vadd.f32 v4, v44;
	v3, _, _ =	vpop (xrf2)  }
0x283: {  	v5 =	vsel vm2, v5, v8;
	v47, _, _ =	vpop (xrf2);
	v3 =	vbroadcast v3, $0xF  }
0x284: {  	v5 =	vsel vm3, v5, v46;
	(xrf2) =	vadd.scan.msk.f32 $0xffff, v4;
	v6 =	vbroadcast v47, $0xF;
	v48, _, _ =	vpop (xrf2)  }
0x285: {  	v49, _, _ =	vpop (xrf2);
	v3 =	vsel vm4, v5, v3;
	v50 =	vbroadcast v48, $0xF  }
0x286: {  	v51, _, _ =	vpop (xrf2);
	v3 =	vsel vm5, v3, v6;
	v4 =	vbroadcast v49, $0xF  }
0x287: {  	v52, _, _ =	vpop (xrf2);
	v3 =	vsel vm6, v3, v50;
	v53 =	vbroadcast v51, $0xF  }
0x288: {  	v54, _, _ =	vpop (xrf2);
	v3 =	vsel vm7, v3, v4;
	v55 =	vbroadcast v52, $0xF  }
0x289: {  	v56, _, _ =	vpop (xrf2);
	v3 =	vsel vm8, v3, v53;
	v57 =	vbroadcast v54, $0xF  }
0x28a: {  	v58, _, _ =	vpop (xrf2);
	v3 =	vsel vm9, v3, v55;
	v59 =	vbroadcast v56, $0xF  }
0x28b: {  	v60, _, _ =	vpop (xrf2);
	v3 =	vsel vm10, v3, v57;
	v61 =	vbroadcast v58, $0xF  }
0x28c: {  	v3 =	vsel vm11, v3, v59;
	v62 =	vbroadcast v60, $0xF  }
0x28d: {  	v3 =	vsel vm12, v3, v61  }
0x28e: {  	v63, _, _ =	vpop (xrf2);
	v3 =	vsel vm13, v3, v62  }
0x28f: {  	v3 =	vsel vm14, v3, v63  }
0x290: {  	v3 =	vadd.f32 v3, v2;
	_ =	sdelay $0x1  }
0x291: {  	v3 =	vsub.f32 $0.0e+00, v3;
	_ =	sdelay $0x1  }
0x292: {  	v3 =	vmul.f32 $1.442695020e+00, v3;
	_ =	sdelay $0x1  }
0x293: {  	(erf) = vpow2.f32 v3;
	_ =	sdelay $0x8  }
0x294: {  	v3 =	vpop (erf)  }
0x295: {  	v3 =	vadd.f32 $1.000000000e+00, v3;
	_ =	sdelay $0x1  }
0x296: {  	(erf) = vrcp.f32 v3;
	_ =	sdelay $0x4  }
0x297: {  	p0 =	sne.s32 s16, $0x7  }
.Ltmp1:
0x298: {  	_ = 	snop;
	(pc) =	sbr.rel @p0 .LBB2_4-.Ltmp1, $4  }
0x299: {  	_ = 	snop  }
0x29a: {  	s31 =	sshll.u32 s16, $0x4  }
0x29b: {  	s17 =	sand.u32 $0x3FFFFFF0, s31;
	v3 =	vpop (erf)  }
0x29c: {  	s16 =	sadd.s32 $0x1, s16;
	[tilespmem:s17+$0xF710] =	vst v3  }
0x29d: {  	s15 =	sadd.s32 $0x1, s15  }
0x29e: {  	p0 =	sne.s32 s15, s8  }
.Ltmp2:
0x29f: {  	_ = 	snop;
	(pc) =	sbr.rel @p0 .LBB2_1-.Ltmp2, $4  }
0x2a0: {  	[hbm4b:s7+s3] =	stream.linear.scatter [tilespmem:s14], [sflag:$0x3], $0x80, $0x38;
	[tilespmem:$0xF7A0] =	vst v63  }
0x2a1: {  	_ =	swait.ge [sflag:s9], $0x80  }
0x2a2: {  	[sflag:s9] =	ssyncset.done $0x0  }
0x2a3: {  	[sflag:s9] =	ssyncadd.s32 $0xFFFFFF80  }
0x2a4: {  	_ =	sfence.sel $0x180000  }
0x2a5: {  	[bflag:$0x0] =	sbarrier.arrive $0xFFFF  }
0x2a6: {  	p0 =	sne.s32 s0, $0x0;
	_ =	strace $0x90000047  }
0x2a7: {  	s0 =	sadd.s32 @!p0 $0x100000, s1;
	[bflag:$0x2] =	sbarrier.arrive $0xFFFF  }
0x2a8: {  	[sflag:s0] =	ssyncadd.tile.s32 @!p0 $0x1;
	_ =	shalt  }
.Lfunc_end2:
_tile_overlayer_lowered:
.L_overlay_start_2:
0x2a9: {  	(tag) =	ssettag $0x2  }
0x2aa: {  	s0 =	rddreg [dreg:$0x0];
	s2 =	stileid.u32  }
0x2ab: {  	s1 =	rddreg [dreg:$0x1];
	p0 =	sne.s32 s2, $0x0  }
0x2ac: {  	s3 =	rddreg [dreg:$0x2];
	[bflag:$0x3] =	sbarrier.arrive $0xFFFF;
	s2 =	simm.s32 @!p0 $0x1C03  }
0x2ad: {  	[timem:s3], [sflag:s2] =	dma.local @!p0 [hbm:s0], s1  }
0x2ae: {  	s0 =	simm.s32 @!p0 $0x3  }
0x2af: {  	_ =	swait.ge @!p0 [sflag:s0], s1  }
0x2b0: {  	s1 =	ssub.s32 @!p0 $0x0, s1;
	[sflag:s0] =	ssyncset.done @!p0 $0x0  }
0x2b1: {  	[sflag:s0] =	ssyncadd.s32 @!p0 s1  }
0x2b2: {  	[bflag:$0x3] =	sbarrier.arrive $0xFFFF  }
0x2b3: {  	_ =	shalt  }

</sc_bundles>
